<compile_context>
chip_gen: v7x
topology: tpu7x:2x2x1
jax: 0.10.2.dev20260603
libtpu: 0.0.44.dev20260713+nightly
codegen_flags: <defaults>
</compile_context>

<pallas_src>
import functools

import jax
import jax.numpy as jnp
from jax import lax
from jax.experimental import pallas as pl
from jax.experimental.pallas import tpu as pltpu
from jax.experimental.pallas import tpu_sc as plsc

NOP = 10000
NRES = 1000
E = 160000
EMB = 8

NC = 2
NS = 16
NW = NC * NS
CH = 128
EP = 163840
NCH = EP // (NW * CH)
PW = NCH * CH
R_OP = 10240
R_RES = 1024

_MESH = plsc.VectorSubcoreMesh(core_axis_name="c", subcore_axis_name="s")


def _pad_idx(idx, fill):
    pad = jnp.full((EP - E,), fill, jnp.int32)
    return jnp.concatenate([idx.astype(jnp.int32), pad]).reshape(NW, NCH, CH)



def _sc_aggregate(table16, gidx, sidx, zrows, nrows):
    rpt = nrows // NS

    def body(table_h, gidx_h, sidx_h, zeros_h, out_h, gidx_v, sidx_v, rows_v, acc_sh, sem):
        c = lax.axis_index("c")
        s = lax.axis_index("s")
        wid = s * NC + c
        pltpu.sync_copy(zeros_h.at[pl.ds(s * rpt, rpt)], acc_sh.at[pl.ds(s * rpt, rpt)])
        pltpu.sync_copy(gidx_h.at[wid], gidx_v)
        pltpu.sync_copy(sidx_h.at[wid], sidx_v)
        plsc.subcore_barrier()

        @pl.loop(0, NCH)
        def _fire(j):
            pltpu.async_copy(table_h.at[gidx_v.at[j]], rows_v.at[j], sem)

        @pl.loop(0, NCH)
        def _drain(j):
            pltpu.make_async_copy(table_h.at[gidx_v.at[j]], rows_v.at[j], sem).wait()
            pltpu.sync_copy(rows_v.at[j], acc_sh.at[sidx_v.at[j]], add=True)

        plsc.subcore_barrier()
        pltpu.sync_copy(acc_sh.at[pl.ds(s * rpt, rpt)], out_h.at[c, pl.ds(s * rpt, rpt)])

    f = pl.kernel(
        body,
        out_type=jax.ShapeDtypeStruct((NC, nrows, 16), jnp.float32),
        mesh=_MESH,
        compiler_params=pltpu.CompilerParams(use_tc_tiling_on_sc=False),
        scratch_types=[
            pltpu.VMEM((NCH, CH), jnp.int32),
            pltpu.VMEM((NCH, CH), jnp.int32),
            pltpu.VMEM((NCH, CH, 16), jnp.float32),
            pltpu.VMEM_SHARED((nrows, 16), jnp.float32),
            pltpu.SemaphoreType.DMA,
        ],
    )
    return f(table16, gidx, sidx, zrows)


def _sc_gather2(p8, q8, sidx, didx):

    def body(p_h, q_h, si_h, di_h, op_h, oq_h, si_v, di_v, rp_v, rq_v, semp, semq):
        c = lax.axis_index("c")
        s = lax.axis_index("s")
        wid = s * NC + c
        pltpu.sync_copy(si_h.at[wid], si_v)
        pltpu.sync_copy(di_h.at[wid], di_v)

        @pl.loop(0, NCH)
        def _fire(j):
            pltpu.async_copy(p_h.at[si_v.at[j]], rp_v.at[pl.ds(j * CH, CH)], semp)
            pltpu.async_copy(q_h.at[di_v.at[j]], rq_v.at[pl.ds(j * CH, CH)], semq)

        @pl.loop(0, NCH)
        def _drain(j):
            pltpu.make_async_copy(p_h.at[si_v.at[j]], rp_v.at[pl.ds(j * CH, CH)], semp).wait()
            pltpu.make_async_copy(q_h.at[di_v.at[j]], rq_v.at[pl.ds(j * CH, CH)], semq).wait()

        pltpu.sync_copy(rp_v, op_h.at[pl.ds(wid * PW, PW)])
        pltpu.sync_copy(rq_v, oq_h.at[pl.ds(wid * PW, PW)])

    f = pl.kernel(
        body,
        out_type=[
            jax.ShapeDtypeStruct((EP, EMB), jnp.float32),
            jax.ShapeDtypeStruct((EP, EMB), jnp.float32),
        ],
        mesh=_MESH,
        compiler_params=pltpu.CompilerParams(use_tc_tiling_on_sc=False),
        scratch_types=[
            pltpu.VMEM((NCH, CH), jnp.int32),
            pltpu.VMEM((NCH, CH), jnp.int32),
            pltpu.VMEM((PW, EMB), jnp.float32),
            pltpu.VMEM((PW, EMB), jnp.float32),
            pltpu.SemaphoreType.DMA,
            pltpu.SemaphoreType.DMA,
        ],
    )
    return f(p8, q8, sidx, didx)


def _sc_scatter(m16, sidx, zrows, nrows):
    rpt = nrows // NS

    def body(m_h, sidx_h, zeros_h, out_h, sidx_v, rows_v, acc_sh):
        c = lax.axis_index("c")
        s = lax.axis_index("s")
        wid = s * NC + c
        pltpu.sync_copy(zeros_h.at[pl.ds(s * rpt, rpt)], acc_sh.at[pl.ds(s * rpt, rpt)])
        pltpu.sync_copy(sidx_h.at[wid], sidx_v)
        pltpu.sync_copy(m_h.at[pl.ds(wid * PW, PW)], rows_v)
        plsc.subcore_barrier()

        @pl.loop(0, NCH)
        def _scat(j):
            pltpu.sync_copy(rows_v.at[pl.ds(j * CH, CH)], acc_sh.at[sidx_v.at[j]], add=True)

        plsc.subcore_barrier()
        pltpu.sync_copy(acc_sh.at[pl.ds(s * rpt, rpt)], out_h.at[c, pl.ds(s * rpt, rpt)])

    f = pl.kernel(
        body,
        out_type=jax.ShapeDtypeStruct((NC, nrows, 16), jnp.float32),
        mesh=_MESH,
        compiler_params=pltpu.CompilerParams(use_tc_tiling_on_sc=False),
        scratch_types=[
            pltpu.VMEM((NCH, CH), jnp.int32),
            pltpu.VMEM((PW, 16), jnp.float32),
            pltpu.VMEM_SHARED((nrows, 16), jnp.float32),
        ],
    )
    return f(m16, sidx, zrows)



def _dot(a, b):
    return jnp.dot(a.astype(jnp.bfloat16), b.astype(jnp.bfloat16),
                   preferred_element_type=jnp.float32)


def _elu(x):
    return jnp.where(x > 0, x, jnp.exp(jnp.minimum(x, 0.0)) - 1.0)


def _mlp3(x, w0, b0, w1, b1, w2, b2):
    h = _elu(_dot(x, w0[...]) + b0[...])
    h = _elu(_dot(h, w1[...]) + b1[...])
    return _dot(h, w2[...]) + b2[...]


def _with_count_col(t, count_val):
    n = t.shape[0]
    col = lax.broadcasted_iota(jnp.int32, (n, 16), 1)
    tt = jnp.concatenate([t, t], axis=1)
    return jnp.where(col < EMB, tt, jnp.where(col == EMB, count_val, 0.0))


def _mlp_flat(mlp):
    out = []
    for lin in mlp:
        out.append(lin["W"])
        out.append(lin["b"].reshape(1, -1))
    return out


def _full_spec(a):
    return pl.BlockSpec(a.shape, lambda *_: (0,) * a.ndim)


def _tc_res_pre(x, w, b):

    def body(x_ref, w_ref, b_ref, out_ref):
        t = _dot(x_ref[...], w_ref[...]) + b_ref[...]
        out_ref[...] = _with_count_col(t, 1.0)

    return pl.pallas_call(
        body,
        out_shape=jax.ShapeDtypeStruct((NRES, 16), jnp.float32),
    )(x, w, b.reshape(1, -1))


def _tc_res_next(parts, w, b):

    def body(p_ref, w_ref, b_ref, out_ref):
        p = p_ref[...]
        sums = (p[0] + p[1])[:NRES]
        r = sums[:, :EMB] / jnp.maximum(sums[:, EMB:EMB + 1], 1.0)
        t = _dot(r, w_ref[...]) + b_ref[...]
        out_ref[...] = _with_count_col(t, 1.0)

    return pl.pallas_call(
        body,
        out_shape=jax.ShapeDtypeStruct((NRES, 16), jnp.float32),
    )(parts, w, b.reshape(1, -1))


def _tc_res_fin(parts):

    def body(p_ref, r_ref, r16_ref):
        p = p_ref[...]
        sums = (p[0] + p[1])[:NRES]
        r = sums[:, :EMB] / jnp.maximum(sums[:, EMB:EMB + 1], 1.0)
        r_ref[...] = r
        r16_ref[...] = _with_count_col(r, 0.0)

    return pl.pallas_call(
        body,
        out_shape=[
            jax.ShapeDtypeStruct((NRES, EMB), jnp.float32),
            jax.ShapeDtypeStruct((NRES, 16), jnp.float32),
        ],
    )(parts)


_NBLK = 1000


def _tc_node(xsrc, aggparts, lp):
    from_parts = isinstance(xsrc, tuple)
    grid = NOP // _NBLK
    weights = (_mlp_flat(lp["predecessor"]) + _mlp_flat(lp["successor"])
               + _mlp_flat(lp["resources"]) + _mlp_flat(lp["same"]))

    def body(x_ref, s2p_ref, agg_ref, *refs):
        w = refs[:24]
        p_ref, q_ref, s2_ref = refs[24:]
        if from_parts:
            t = x_ref[...]
            tot = t[0] + t[1]
            x_v = tot[:, :EMB] + tot[:, EMB:EMB + 1] * s2p_ref[...]
        else:
            x_v = x_ref[...]
        a = agg_ref[...]
        aggv = (a[0] + a[1])[:, :EMB]
        p_ref[...] = _mlp3(x_v, *w[0:6])
        q_ref[...] = _mlp3(aggv, *w[12:18]) + _mlp3(x_v, *w[6:12])
        s2_ref[...] = _mlp3(x_v, *w[18:24])

    if from_parts:
        eparts, s2prev = xsrc
        xa = [eparts, s2prev]
        xs = [pl.BlockSpec((NC, _NBLK, 16), lambda i: (0, i, 0)),
              pl.BlockSpec((_NBLK, EMB), lambda i: (i, 0))]
    else:
        xa = [xsrc, jnp.zeros((8, EMB), jnp.float32)]
        xs = [pl.BlockSpec((_NBLK, xsrc.shape[1]), lambda i: (i, 0)),
              _full_spec(xa[1])]
    in_specs = xs + [
        pl.BlockSpec((NC, _NBLK, 16), lambda i: (0, i, 0)),
    ] + [_full_spec(a) for a in weights]
    out_spec = pl.BlockSpec((_NBLK, EMB), lambda i: (i, 0))
    return pl.pallas_call(
        body,
        grid=(grid,),
        in_specs=in_specs,
        out_specs=[out_spec] * 3,
        out_shape=[jax.ShapeDtypeStruct((NOP, EMB), jnp.float32)] * 3,
    )(*xa, aggparts, *weights)


_EBLK = 8192


def _tc_comb(pg128, qg128, mlp):
    grid = EP // _EBLK

    w1, b1 = mlp[0]["W"], mlp[0]["b"]
    w2, b2 = mlp[1]["W"], mlp[1]["b"]
    w3, b3 = mlp[2]["W"], mlp[2]["b"]
    w1bd = jnp.zeros((128, 16 * 128), jnp.float32)
    for g in range(16):
        w1bd = w1bd.at[g * EMB:(g + 1) * EMB, g * 128:(g + 1) * 128].set(w1)
    b1t = jnp.tile(b1, 16).reshape(1, 16 * 128)

    w3e = jnp.concatenate([w3, jnp.zeros((128, 8), jnp.float32)], axis=1)
    w3bd = jnp.zeros((8 * 128, 128), jnp.float32)
    for g in range(8):
        w3bd = w3bd.at[g * 128:(g + 1) * 128, g * 16:(g + 1) * 16].set(w3e)
    b3e = jnp.concatenate([b3, jnp.ones((1,), jnp.float32),
                           jnp.zeros((7,), jnp.float32)])
    b3t = jnp.tile(b3e, 8).reshape(1, 128)

    def body(pg_ref, qg_ref, w1_ref, b1_ref, w2_ref, b2_ref, w3_ref, b3_ref, out_ref):
        h1 = _elu(_dot(pg_ref[...] + qg_ref[...], w1_ref[...]) + b1_ref[...])
        h1 = h1.reshape(_EBLK, 128)
        h2 = _elu(_dot(h1, w2_ref[...]) + b2_ref[...])
        h2 = h2.reshape(_EBLK // 8, 8 * 128)
        out_ref[...] = _dot(h2, w3_ref[...]) + b3_ref[...]

    args = [w1bd, b1t, w2, b2.reshape(1, -1), w3bd, b3t]
    return pl.pallas_call(
        body,
        grid=(grid,),
        in_specs=[pl.BlockSpec((_EBLK // 16, 128), lambda i: (i, 0)),
                  pl.BlockSpec((_EBLK // 16, 128), lambda i: (i, 0))]
        + [_full_spec(a) for a in args],
        out_specs=pl.BlockSpec((_EBLK // 8, 128), lambda i: (i, 0)),
        out_shape=jax.ShapeDtypeStruct((EP // 8, 128), jnp.float32),
    )(pg128, qg128, *args)


def _tc_fin(parts, s2):
    grid = NOP // _NBLK

    def body(p_ref, s2_ref, o_ref):
        p = p_ref[...]
        tot = p[0] + p[1]
        o_ref[...] = tot[:, :EMB] + tot[:, EMB:EMB + 1] * s2_ref[...]

    return pl.pallas_call(
        body,
        grid=(grid,),
        in_specs=[
            pl.BlockSpec((NC, _NBLK, 16), lambda i: (0, i, 0)),
            pl.BlockSpec((_NBLK, EMB), lambda i: (i, 0)),
        ],
        out_specs=pl.BlockSpec((_NBLK, EMB), lambda i: (i, 0)),
        out_shape=jax.ShapeDtypeStruct((NOP, EMB), jnp.float32),
    )(parts, s2)



def kernel(x_op, x_res, params, precedence_edges, requirement_edges):
    rq_src = requirement_edges[0]
    rq_dst = requirement_edges[1]
    pe_src = precedence_edges[0]
    pe_dst = precedence_edges[1]

    g_rq_src = _pad_idx(rq_src, 0)
    s_rq_dst = _pad_idx(rq_dst, NRES)
    g_rq_dst = _pad_idx(rq_dst, 0)
    s_rq_src = _pad_idx(rq_src, NOP)
    g_pe_src = _pad_idx(pe_src, 0)
    g_pe_dst = _pad_idx(pe_dst, 0)
    s_pe_dst = _pad_idx(pe_dst, NOP)

    z_res = jnp.zeros((R_RES, 16), jnp.float32)
    z_op = jnp.zeros((R_OP, 16), jnp.float32)

    lp0, lp1 = params["res_layers"]
    t16 = _tc_res_pre(x_res, lp0["W"], lp0["b"])
    parts = _sc_aggregate(t16, g_rq_src, s_rq_dst, z_res, R_RES)
    t16 = _tc_res_next(parts, lp1["W"], lp1["b"])
    parts = _sc_aggregate(t16, g_rq_src, s_rq_dst, z_res, R_RES)
    r, r16 = _tc_res_fin(parts)

    aggparts = _sc_aggregate(r16, g_rq_dst, s_rq_src, z_op, R_OP)

    xsrc = x_op
    for lp in params["op_layers"]:
        p8, q8, s2 = _tc_node(xsrc, aggparts, lp)
        pg, qg = _sc_gather2(p8, q8, g_pe_src, g_pe_dst)
        m128 = _tc_comb(pg.reshape(EP // 16, 128), qg.reshape(EP // 16, 128),
                        lp["combined"])
        eparts = _sc_scatter(m128.reshape(EP, 16), s_pe_dst, z_op, R_OP)
        xsrc = (eparts, s2)

    o = _tc_fin(*xsrc)
    return o, r

# --- scband reference (transcript-rebuilt; emitter-appended) ---
"""Pipeline reference for scband-heterogeneous-gat-28527172780181 (READ-ONLY COPY).

The authoritative reference and input builder live on the scoring server;
editing this copy changes nothing except your own understanding.
"""

import jax, jax.numpy as jnp
import numpy as np

N_OP = 10000
N_RES = 1000
E_PREC = 160000
E_REQ = 160000
OP_FEAT = 6
RES_FEAT = 3
EMB = 8
HID = 128


def _lin(key, fi, fo):
    k1, k2 = jax.random.split(key)
    s = 1.0 / np.sqrt(fi)
    return {"W": jax.random.uniform(k1, (fi, fo), minval=-s, maxval=s, dtype=jnp.float32),
            "b": jax.random.uniform(k2, (fo,), minval=-s, maxval=s, dtype=jnp.float32)}


def _mlp(key, fi, fo):
    ks = jax.random.split(key, 3)
    return [_lin(ks[0], fi, HID), _lin(ks[1], HID, HID), _lin(ks[2], HID, fo)]


def _op_layer_params(key, fi, fo):
    ks = jax.random.split(key, 5)
    return {"combined": _mlp(ks[0], fo, fo),
            "predecessor": _mlp(ks[1], fi, fo),
            "successor": _mlp(ks[2], fi, fo),
            "resources": _mlp(ks[3], fo, fo),
            "same": _mlp(ks[4], fi, fo)}


def setup_inputs(seed: int = 0):
    key = jax.random.key(seed)
    ks = jax.random.split(key, 10)
    x_op = jax.random.normal(ks[0], (N_OP, OP_FEAT), dtype=jnp.float32)
    x_res = jax.random.normal(ks[1], (N_RES, RES_FEAT), dtype=jnp.float32)
    precedence_edges = jax.random.randint(ks[2], (2, E_PREC), 0, N_OP, dtype=jnp.int32)
    requirement_edges = jax.random.randint(ks[3], (2, E_REQ), 0, N_RES, dtype=jnp.int32)
    params = {"res_layers": [_lin(ks[4], RES_FEAT, EMB), _lin(ks[5], EMB, EMB)],
              "op_layers": [_op_layer_params(ks[6], OP_FEAT, EMB), _op_layer_params(ks[7], EMB, EMB)]}
    return {"x_op": x_op, "x_res": x_res, "params": params,
            "precedence_edges": precedence_edges, "requirement_edges": requirement_edges}


def _apply_mlp(mlp, x):
    h = jax.nn.elu(x @ mlp[0]["W"] + mlp[0]["b"])
    h = jax.nn.elu(h @ mlp[1]["W"] + mlp[1]["b"])
    return h @ mlp[2]["W"] + mlp[2]["b"]


def _res_layer(lp, x, edge_index, num_nodes):
    # ResourceEmbeddingLayer: lin then mean-aggregate messages x_j into dst nodes
    x = x @ lp["W"] + lp["b"]
    src, dst = edge_index[0], edge_index[1]
    sums = jnp.zeros((num_nodes, x.shape[1]), x.dtype).at[dst].add(x[src])
    cnt = jnp.zeros((num_nodes,), x.dtype).at[dst].add(1.0)
    return sums / jnp.clip(cnt, 1.0)[:, None]


def _op_layer(lp, x_op, res_emb, edge_prec, edge_req):
    # aggregate_machine_embeddings: sum resource embeddings onto connected op nodes
    agg = jnp.zeros((x_op.shape[0], res_emb.shape[1]), res_emb.dtype).at[edge_req[0]].add(res_emb[edge_req[1]])
    src, dst = edge_prec[0], edge_prec[1]
    msg = _apply_mlp(lp["combined"],
                     _apply_mlp(lp["resources"], agg[dst])
                     + _apply_mlp(lp["predecessor"], x_op[src])
                     + _apply_mlp(lp["successor"], x_op[dst])) + _apply_mlp(lp["same"], x_op[dst])
    return jnp.zeros((x_op.shape[0], msg.shape[1]), msg.dtype).at[dst].add(msg)


def reference(x_op, x_res, params, precedence_edges, requirement_edges):
    r = x_res
    for lp in params["res_layers"]:
        r = _res_layer(lp, r, requirement_edges, N_RES)
    o = x_op
    for lp in params["op_layers"]:
        o = _op_layer(lp, o, r, precedence_edges, requirement_edges)
    return o, r

if __name__ == "__main__":
    import jax
    _d = setup_inputs()
    print(jax.jit(kernel)(*tuple(_d.values())))

</pallas_src>

<mosaic_0001>
#map = affine_map<(d0, d1) -> (0, 0)>
#map1 = affine_map<(d0, d1) -> (0, 0, 0)>
module attributes {stable_mosaic.version = 14 : i64} {
  func.func @body(%arg0: i32, %arg1: i32, %arg2: memref<1000x16xf32, #tpu.memory_space<hbm>>, %arg3: memref<32x40x128xi32, #tpu.memory_space<hbm>>, %arg4: memref<32x40x128xi32, #tpu.memory_space<hbm>>, %arg5: memref<1024x16xf32, #tpu.memory_space<hbm>>, %arg6: memref<2x1024x16xf32, #tpu.memory_space<hbm>>, %arg7: memref<40x128xi32, #tpu.memory_space<vmem>>, %arg8: memref<40x128xi32, #tpu.memory_space<vmem>>, %arg9: memref<40x128x16xf32, #tpu.memory_space<vmem>>, %arg10: memref<1024x16xf32, #tpu.memory_space<vmem_shared>>, %arg11: memref<!tpu.dma_semaphore, #tpu.memory_space<semaphore_mem>>) attributes {dimension_semantics = [#tpu.dimension_semantics<core_parallel>, #tpu.dimension_semantics<subcore_parallel>], iteration_bounds = array<i64: 2, 16>, scalar_prefetch = 0 : i64, scratch_operands = 5 : i64, tpu.core_type = #tpu.core_type<sc_vector_subcore>, window_params = [{transform_indices = #map}, {transform_indices = #map1}, {transform_indices = #map1}, {transform_indices = #map}, {transform_indices = #map1}]} {
    %mul3A = arith.constant 2 : i32
    %mul3A_0 = arith.muli %arg1, %mul3A : i32
    %add3A = arith.addi %mul3A_0, %arg0 : i32
    %mul3A_1 = arith.constant 64 : i32
    %mul3A_2 = arith.muli %arg1, %mul3A_1 : i32
    %mul3A_3 = arith.constant 64 : i32
    %mul3A_4 = arith.muli %arg1, %mul3A_3 : i32
    "tpu.region"() ({
      %run_scoped3A = tpu.sem_alloc : memref<!tpu.dma_semaphore, #tpu.memory_space<semaphore_mem>>
      %dma_start3A = arith.constant 0 : i32
      %dma_start3A_19 = tpu.memref_slice %arg10[%mul3A_4, %dma_start3A] : memref<1024x16xf32, #tpu.memory_space<vmem_shared>> -> memref<64x16xf32, #tpu.memory_space<vmem_shared>>
      %dma_start3A_20 = arith.constant 0 : i32
      %dma_start3A_21 = tpu.memref_slice %arg5[%mul3A_2, %dma_start3A_20] : memref<1024x16xf32, #tpu.memory_space<hbm>> -> memref<64x16xf32, #tpu.memory_space<hbm>>
      tpu.enqueue_dma source(%dma_start3A_21 : memref<64x16xf32, #tpu.memory_space<hbm>>) target(%dma_start3A_19 : memref<64x16xf32, #tpu.memory_space<vmem_shared>>) target_semaphore(%run_scoped3A : memref<!tpu.dma_semaphore, #tpu.memory_space<semaphore_mem>>)
      %dma_wait3A = arith.constant 0 : i32
      %dma_wait3A_22 = tpu.memref_slice %arg10[%mul3A_4, %dma_wait3A] : memref<1024x16xf32, #tpu.memory_space<vmem_shared>> -> memref<64x16xf32, #tpu.memory_space<vmem_shared>>
      %dma_wait3A_23 = arith.constant 0 : i32
      %dma_wait3A_24 = tpu.memref_slice %arg5[%mul3A_2, %dma_wait3A_23] : memref<1024x16xf32, #tpu.memory_space<hbm>> -> memref<64x16xf32, #tpu.memory_space<hbm>>
      tpu.wait_dma2 semaphore(%run_scoped3A : memref<!tpu.dma_semaphore, #tpu.memory_space<semaphore_mem>>) src(%dma_wait3A_24 : memref<64x16xf32, #tpu.memory_space<hbm>>) dst(%dma_wait3A_22 : memref<64x16xf32, #tpu.memory_space<vmem_shared>>)
      tpu.yield
    }) : () -> ()
    "tpu.region"() ({
      %run_scoped3A = tpu.sem_alloc : memref<!tpu.dma_semaphore, #tpu.memory_space<semaphore_mem>>
      %dma_start3A = arith.constant 0 : i32
      %dma_start3A_19 = arith.constant 0 : i32
      %dma_start3A_20 = tpu.memref_slice %arg3[%add3A, %dma_start3A, %dma_start3A_19] : memref<32x40x128xi32, #tpu.memory_space<hbm>> -> memref<1x40x128xi32, #tpu.memory_space<hbm>>
      %dma_start3A_21 = tpu.memref_squeeze %dma_start3A_20 : memref<1x40x128xi32, #tpu.memory_space<hbm>> -> memref<40x128xi32, #tpu.memory_space<hbm>>
      %dma_start3A_22 = arith.constant 0 : i32
      %dma_start3A_23 = arith.constant 0 : i32
      %dma_start3A_24 = tpu.memref_slice %arg3[%add3A, %dma_start3A_22, %dma_start3A_23] : memref<32x40x128xi32, #tpu.memory_space<hbm>> -> memref<1x40x128xi32, #tpu.memory_space<hbm>>
      %dma_start3A_25 = tpu.memref_squeeze %dma_start3A_24 : memref<1x40x128xi32, #tpu.memory_space<hbm>> -> memref<40x128xi32, #tpu.memory_space<hbm>>
      tpu.enqueue_dma source(%dma_start3A_25 : memref<40x128xi32, #tpu.memory_space<hbm>>) target(%arg7 : memref<40x128xi32, #tpu.memory_space<vmem>>) target_semaphore(%run_scoped3A : memref<!tpu.dma_semaphore, #tpu.memory_space<semaphore_mem>>)
      %dma_wait3A = arith.constant 0 : i32
      %dma_wait3A_26 = arith.constant 0 : i32
      %dma_wait3A_27 = tpu.memref_slice %arg3[%add3A, %dma_wait3A, %dma_wait3A_26] : memref<32x40x128xi32, #tpu.memory_space<hbm>> -> memref<1x40x128xi32, #tpu.memory_space<hbm>>
      %dma_wait3A_28 = tpu.memref_squeeze %dma_wait3A_27 : memref<1x40x128xi32, #tpu.memory_space<hbm>> -> memref<40x128xi32, #tpu.memory_space<hbm>>
      %dma_wait3A_29 = arith.constant 0 : i32
      %dma_wait3A_30 = arith.constant 0 : i32
      %dma_wait3A_31 = tpu.memref_slice %arg3[%add3A, %dma_wait3A_29, %dma_wait3A_30] : memref<32x40x128xi32, #tpu.memory_space<hbm>> -> memref<1x40x128xi32, #tpu.memory_space<hbm>>
      %dma_wait3A_32 = tpu.memref_squeeze %dma_wait3A_31 : memref<1x40x128xi32, #tpu.memory_space<hbm>> -> memref<40x128xi32, #tpu.memory_space<hbm>>
      tpu.wait_dma2 semaphore(%run_scoped3A : memref<!tpu.dma_semaphore, #tpu.memory_space<semaphore_mem>>) src(%dma_wait3A_32 : memref<40x128xi32, #tpu.memory_space<hbm>>) dst(%arg7 : memref<40x128xi32, #tpu.memory_space<vmem>>)
      tpu.yield
    }) : () -> ()
    "tpu.region"() ({
      %run_scoped3A = tpu.sem_alloc : memref<!tpu.dma_semaphore, #tpu.memory_space<semaphore_mem>>
      %dma_start3A = arith.constant 0 : i32
      %dma_start3A_19 = arith.constant 0 : i32
      %dma_start3A_20 = tpu.memref_slice %arg4[%add3A, %dma_start3A, %dma_start3A_19] : memref<32x40x128xi32, #tpu.memory_space<hbm>> -> memref<1x40x128xi32, #tpu.memory_space<hbm>>
      %dma_start3A_21 = tpu.memref_squeeze %dma_start3A_20 : memref<1x40x128xi32, #tpu.memory_space<hbm>> -> memref<40x128xi32, #tpu.memory_space<hbm>>
      %dma_start3A_22 = arith.constant 0 : i32
      %dma_start3A_23 = arith.constant 0 : i32
      %dma_start3A_24 = tpu.memref_slice %arg4[%add3A, %dma_start3A_22, %dma_start3A_23] : memref<32x40x128xi32, #tpu.memory_space<hbm>> -> memref<1x40x128xi32, #tpu.memory_space<hbm>>
      %dma_start3A_25 = tpu.memref_squeeze %dma_start3A_24 : memref<1x40x128xi32, #tpu.memory_space<hbm>> -> memref<40x128xi32, #tpu.memory_space<hbm>>
      tpu.enqueue_dma source(%dma_start3A_25 : memref<40x128xi32, #tpu.memory_space<hbm>>) target(%arg8 : memref<40x128xi32, #tpu.memory_space<vmem>>) target_semaphore(%run_scoped3A : memref<!tpu.dma_semaphore, #tpu.memory_space<semaphore_mem>>)
      %dma_wait3A = arith.constant 0 : i32
      %dma_wait3A_26 = arith.constant 0 : i32
      %dma_wait3A_27 = tpu.memref_slice %arg4[%add3A, %dma_wait3A, %dma_wait3A_26] : memref<32x40x128xi32, #tpu.memory_space<hbm>> -> memref<1x40x128xi32, #tpu.memory_space<hbm>>
      %dma_wait3A_28 = tpu.memref_squeeze %dma_wait3A_27 : memref<1x40x128xi32, #tpu.memory_space<hbm>> -> memref<40x128xi32, #tpu.memory_space<hbm>>
      %dma_wait3A_29 = arith.constant 0 : i32
      %dma_wait3A_30 = arith.constant 0 : i32
      %dma_wait3A_31 = tpu.memref_slice %arg4[%add3A, %dma_wait3A_29, %dma_wait3A_30] : memref<32x40x128xi32, #tpu.memory_space<hbm>> -> memref<1x40x128xi32, #tpu.memory_space<hbm>>
      %dma_wait3A_32 = tpu.memref_squeeze %dma_wait3A_31 : memref<1x40x128xi32, #tpu.memory_space<hbm>> -> memref<40x128xi32, #tpu.memory_space<hbm>>
      tpu.wait_dma2 semaphore(%run_scoped3A : memref<!tpu.dma_semaphore, #tpu.memory_space<semaphore_mem>>) src(%dma_wait3A_32 : memref<40x128xi32, #tpu.memory_space<hbm>>) dst(%arg8 : memref<40x128xi32, #tpu.memory_space<vmem>>)
      tpu.yield
    }) : () -> ()
    %barrier3A = arith.constant 0 : index
    tpu.barrier barrier_id(%barrier3A)
    %scan3A = arith.constant 0 : i32
    %scan3A_5 = arith.constant 40 : i32
    %scan3A_6 = arith.addi %scan3A, %scan3A_5 : i32
    %scan3A_7 = arith.constant 1 : i32
    scf.for %scan3A_19 = %scan3A to %scan3A_6 step %scan3A_7  : i32 {
      %mul3A_20 = arith.constant 1 : i32
      %mul3A_21 = arith.muli %scan3A_19, %mul3A_20 : i32
      %add3A_22 = arith.constant 0 : i32
      %add3A_23 = arith.addi %add3A_22, %mul3A_21 : i32
      %dma_start3A = arith.constant 0 : i32
      %dma_start3A_24 = arith.constant 0 : i32
      %dma_start3A_25 = tpu.memref_slice %arg9[%add3A_23, %dma_start3A, %dma_start3A_24] : memref<40x128x16xf32, #tpu.memory_space<vmem>> -> memref<1x128x16xf32, #tpu.memory_space<vmem>>
      %dma_start3A_26 = tpu.memref_squeeze %dma_start3A_25 : memref<1x128x16xf32, #tpu.memory_space<vmem>> -> memref<128x16xf32, #tpu.memory_space<vmem>>
      %dma_start3A_27 = arith.constant 0 : i32
      %dma_start3A_28 = tpu.memref_slice %arg7[%add3A_23, %dma_start3A_27] : memref<40x128xi32, #tpu.memory_space<vmem>> -> memref<1x128xi32, #tpu.memory_space<vmem>>
      %dma_start3A_29 = tpu.memref_squeeze %dma_start3A_28 : memref<1x128xi32, #tpu.memory_space<vmem>> -> memref<128xi32, #tpu.memory_space<vmem>>
      %dma_start3A_30 = arith.constant 0 : i32
      %dma_start3A_31 = arith.constant 0 : i32
      %dma_start3A_32 = tpu.memref_slice %arg2[%dma_start3A_30, %dma_start3A_31] : memref<1000x16xf32, #tpu.memory_space<hbm>> -> memref<1000x16xf32, #tpu.memory_space<hbm>>
      tpu.enqueue_indirect_dma source(%dma_start3A_32 : memref<1000x16xf32, #tpu.memory_space<hbm>>) target(%dma_start3A_26 : memref<128x16xf32, #tpu.memory_space<vmem>>) offsets(%dma_start3A_29 : memref<128xi32, #tpu.memory_space<vmem>>) semaphore(%arg11 : memref<!tpu.dma_semaphore, #tpu.memory_space<semaphore_mem>>)
    }
    %scan3A_8 = arith.constant 40 : i32
    %scan3A_9 = arith.constant 0 : i32
    %scan3A_10 = arith.constant 40 : i32
    %scan3A_11 = arith.addi %scan3A_9, %scan3A_10 : i32
    %scan3A_12 = arith.constant 1 : i32
    scf.for %scan3A_19 = %scan3A_9 to %scan3A_11 step %scan3A_12  : i32 {
      %mul3A_20 = arith.constant 1 : i32
      %mul3A_21 = arith.muli %scan3A_19, %mul3A_20 : i32
      %add3A_22 = arith.constant 0 : i32
      %add3A_23 = arith.addi %add3A_22, %mul3A_21 : i32
      %dma_wait3A = arith.constant 0 : i32
      %dma_wait3A_24 = arith.constant 0 : i32
      %dma_wait3A_25 = tpu.memref_slice %arg9[%add3A_23, %dma_wait3A, %dma_wait3A_24] : memref<40x128x16xf32, #tpu.memory_space<vmem>> -> memref<1x128x16xf32, #tpu.memory_space<vmem>>
      %dma_wait3A_26 = tpu.memref_squeeze %dma_wait3A_25 : memref<1x128x16xf32, #tpu.memory_space<vmem>> -> memref<128x16xf32, #tpu.memory_space<vmem>>
      %dma_wait3A_27 = arith.constant 0 : i32
      %dma_wait3A_28 = tpu.memref_slice %arg7[%add3A_23, %dma_wait3A_27] : memref<40x128xi32, #tpu.memory_space<vmem>> -> memref<1x128xi32, #tpu.memory_space<vmem>>
      %dma_wait3A_29 = tpu.memref_squeeze %dma_wait3A_28 : memref<1x128xi32, #tpu.memory_space<vmem>> -> memref<128xi32, #tpu.memory_space<vmem>>
      %dma_wait3A_30 = arith.constant 0 : i32
      %dma_wait3A_31 = arith.constant 0 : i32
      %dma_wait3A_32 = tpu.memref_slice %arg2[%dma_wait3A_30, %dma_wait3A_31] : memref<1000x16xf32, #tpu.memory_space<hbm>> -> memref<1000x16xf32, #tpu.memory_space<hbm>>
      tpu.wait_indirect_dma semaphore(%arg11 : memref<!tpu.dma_semaphore, #tpu.memory_space<semaphore_mem>>) src(%dma_wait3A_32 : memref<1000x16xf32, #tpu.memory_space<hbm>>) dst(%dma_wait3A_26 : memref<128x16xf32, #tpu.memory_space<vmem>>)
      "tpu.region"() ({
        %run_scoped3A = tpu.sem_alloc : memref<!tpu.dma_semaphore, #tpu.memory_space<semaphore_mem>>
        %dma_start3A = arith.constant 0 : i32
        %dma_start3A_33 = arith.constant 0 : i32
        %dma_start3A_34 = tpu.memref_slice %arg9[%add3A_23, %dma_start3A, %dma_start3A_33] : memref<40x128x16xf32, #tpu.memory_space<vmem>> -> memref<1x128x16xf32, #tpu.memory_space<vmem>>
        %dma_start3A_35 = tpu.memref_squeeze %dma_start3A_34 : memref<1x128x16xf32, #tpu.memory_space<vmem>> -> memref<128x16xf32, #tpu.memory_space<vmem>>
        %dma_start3A_36 = arith.constant 0 : i32
        %dma_start3A_37 = tpu.memref_slice %arg8[%add3A_23, %dma_start3A_36] : memref<40x128xi32, #tpu.memory_space<vmem>> -> memref<1x128xi32, #tpu.memory_space<vmem>>
        %dma_start3A_38 = tpu.memref_squeeze %dma_start3A_37 : memref<1x128xi32, #tpu.memory_space<vmem>> -> memref<128xi32, #tpu.memory_space<vmem>>
        %dma_start3A_39 = arith.constant 0 : i32
        %dma_start3A_40 = arith.constant 0 : i32
        %dma_start3A_41 = tpu.memref_slice %arg10[%dma_start3A_39, %dma_start3A_40] : memref<1024x16xf32, #tpu.memory_space<vmem_shared>> -> memref<1024x16xf32, #tpu.memory_space<vmem_shared>>
        tpu.enqueue_indirect_dma source(%dma_start3A_35 : memref<128x16xf32, #tpu.memory_space<vmem>>) target(%dma_start3A_41 : memref<1024x16xf32, #tpu.memory_space<vmem_shared>>) offsets(%dma_start3A_38 : memref<128xi32, #tpu.memory_space<vmem>>) semaphore(%run_scoped3A : memref<!tpu.dma_semaphore, #tpu.memory_space<semaphore_mem>>) {add = true}
        %dma_wait3A_42 = arith.constant 0 : i32
        %dma_wait3A_43 = arith.constant 0 : i32
        %dma_wait3A_44 = tpu.memref_slice %arg9[%add3A_23, %dma_wait3A_42, %dma_wait3A_43] : memref<40x128x16xf32, #tpu.memory_space<vmem>> -> memref<1x128x16xf32, #tpu.memory_space<vmem>>
        %dma_wait3A_45 = tpu.memref_squeeze %dma_wait3A_44 : memref<1x128x16xf32, #tpu.memory_space<vmem>> -> memref<128x16xf32, #tpu.memory_space<vmem>>
        %dma_wait3A_46 = arith.constant 0 : i32
        %dma_wait3A_47 = tpu.memref_slice %arg8[%add3A_23, %dma_wait3A_46] : memref<40x128xi32, #tpu.memory_space<vmem>> -> memref<1x128xi32, #tpu.memory_space<vmem>>
        %dma_wait3A_48 = tpu.memref_squeeze %dma_wait3A_47 : memref<1x128xi32, #tpu.memory_space<vmem>> -> memref<128xi32, #tpu.memory_space<vmem>>
        %dma_wait3A_49 = arith.constant 0 : i32
        %dma_wait3A_50 = arith.constant 0 : i32
        %dma_wait3A_51 = tpu.memref_slice %arg10[%dma_wait3A_49, %dma_wait3A_50] : memref<1024x16xf32, #tpu.memory_space<vmem_shared>> -> memref<1024x16xf32, #tpu.memory_space<vmem_shared>>
        tpu.wait_indirect_dma semaphore(%run_scoped3A : memref<!tpu.dma_semaphore, #tpu.memory_space<semaphore_mem>>) src(%dma_wait3A_45 : memref<128x16xf32, #tpu.memory_space<vmem>>) dst(%dma_wait3A_51 : memref<1024x16xf32, #tpu.memory_space<vmem_shared>>)
        tpu.yield
      }) : () -> ()
    }
    %scan3A_13 = arith.constant 40 : i32
    %barrier3A_14 = arith.constant 0 : index
    tpu.barrier barrier_id(%barrier3A_14)
    %mul3A_15 = arith.constant 64 : i32
    %mul3A_16 = arith.muli %arg1, %mul3A_15 : i32
    %mul3A_17 = arith.constant 64 : i32
    %mul3A_18 = arith.muli %arg1, %mul3A_17 : i32
    "tpu.region"() ({
      %run_scoped3A = tpu.sem_alloc : memref<!tpu.dma_semaphore, #tpu.memory_space<semaphore_mem>>
      %dma_start3A = arith.constant 0 : i32
      %dma_start3A_19 = tpu.memref_slice %arg6[%arg0, %mul3A_18, %dma_start3A] : memref<2x1024x16xf32, #tpu.memory_space<hbm>> -> memref<1x64x16xf32, #tpu.memory_space<hbm>>
      %dma_start3A_20 = tpu.memref_squeeze %dma_start3A_19 : memref<1x64x16xf32, #tpu.memory_space<hbm>> -> memref<64x16xf32, #tpu.memory_space<hbm>>
      %dma_start3A_21 = arith.constant 0 : i32
      %dma_start3A_22 = tpu.memref_slice %arg10[%mul3A_16, %dma_start3A_21] : memref<1024x16xf32, #tpu.memory_space<vmem_shared>> -> memref<64x16xf32, #tpu.memory_space<vmem_shared>>
      tpu.enqueue_dma source(%dma_start3A_22 : memref<64x16xf32, #tpu.memory_space<vmem_shared>>) target(%dma_start3A_20 : memref<64x16xf32, #tpu.memory_space<hbm>>) target_semaphore(%run_scoped3A : memref<!tpu.dma_semaphore, #tpu.memory_space<semaphore_mem>>)
      %dma_wait3A = arith.constant 0 : i32
      %dma_wait3A_23 = tpu.memref_slice %arg6[%arg0, %mul3A_18, %dma_wait3A] : memref<2x1024x16xf32, #tpu.memory_space<hbm>> -> memref<1x64x16xf32, #tpu.memory_space<hbm>>
      %dma_wait3A_24 = tpu.memref_squeeze %dma_wait3A_23 : memref<1x64x16xf32, #tpu.memory_space<hbm>> -> memref<64x16xf32, #tpu.memory_space<hbm>>
      %dma_wait3A_25 = arith.constant 0 : i32
      %dma_wait3A_26 = tpu.memref_slice %arg10[%mul3A_16, %dma_wait3A_25] : memref<1024x16xf32, #tpu.memory_space<vmem_shared>> -> memref<64x16xf32, #tpu.memory_space<vmem_shared>>
      tpu.wait_dma2 semaphore(%run_scoped3A : memref<!tpu.dma_semaphore, #tpu.memory_space<semaphore_mem>>) src(%dma_wait3A_26 : memref<64x16xf32, #tpu.memory_space<vmem_shared>>) dst(%dma_wait3A_24 : memref<64x16xf32, #tpu.memory_space<hbm>>)
      tpu.yield
    }) : () -> ()
    return
  }
}

#map = affine_map<(d0, d1) -> (0, 0)>
#map1 = affine_map<(d0, d1) -> (0, 0, 0)>
module attributes {stable_mosaic.version = 14 : i64} {
  func.func @body(%arg0: i32, %arg1: i32, %arg2: memref<1000x16xf32, #tpu.memory_space<hbm>>, %arg3: memref<32x40x128xi32, #tpu.memory_space<hbm>>, %arg4: memref<32x40x128xi32, #tpu.memory_space<hbm>>, %arg5: memref<1024x16xf32, #tpu.memory_space<hbm>>, %arg6: memref<2x1024x16xf32, #tpu.memory_space<hbm>>, %arg7: memref<40x128xi32, #tpu.memory_space<vmem>>, %arg8: memref<40x128xi32, #tpu.memory_space<vmem>>, %arg9: memref<40x128x16xf32, #tpu.memory_space<vmem>>, %arg10: memref<1024x16xf32, #tpu.memory_space<vmem_shared>>, %arg11: memref<!tpu.dma_semaphore, #tpu.memory_space<semaphore_mem>>) attributes {dimension_semantics = [#tpu.dimension_semantics<core_parallel>, #tpu.dimension_semantics<subcore_parallel>], iteration_bounds = array<i64: 2, 16>, scalar_prefetch = 0 : i64, scratch_operands = 5 : i64, tpu.core_type = #tpu.core_type<sc_vector_subcore>, window_params = [{transform_indices = #map}, {transform_indices = #map1}, {transform_indices = #map1}, {transform_indices = #map}, {transform_indices = #map1}]} {
    %mul3A = arith.constant 2 : i32
    %mul3A_0 = arith.muli %arg1, %mul3A : i32
    %add3A = arith.addi %mul3A_0, %arg0 : i32
    %mul3A_1 = arith.constant 64 : i32
    %mul3A_2 = arith.muli %arg1, %mul3A_1 : i32
    %mul3A_3 = arith.constant 64 : i32
    %mul3A_4 = arith.muli %arg1, %mul3A_3 : i32
    "tpu.region"() ({
      %run_scoped3A = tpu.sem_alloc : memref<!tpu.dma_semaphore, #tpu.memory_space<semaphore_mem>>
      %dma_start3A = arith.constant 0 : i32
      %dma_start3A_19 = tpu.memref_slice %arg10[%mul3A_4, %dma_start3A] : memref<1024x16xf32, #tpu.memory_space<vmem_shared>> -> memref<64x16xf32, #tpu.memory_space<vmem_shared>>
      %dma_start3A_20 = arith.constant 0 : i32
      %dma_start3A_21 = tpu.memref_slice %arg5[%mul3A_2, %dma_start3A_20] : memref<1024x16xf32, #tpu.memory_space<hbm>> -> memref<64x16xf32, #tpu.memory_space<hbm>>
      tpu.enqueue_dma source(%dma_start3A_21 : memref<64x16xf32, #tpu.memory_space<hbm>>) target(%dma_start3A_19 : memref<64x16xf32, #tpu.memory_space<vmem_shared>>) target_semaphore(%run_scoped3A : memref<!tpu.dma_semaphore, #tpu.memory_space<semaphore_mem>>)
      %dma_wait3A = arith.constant 0 : i32
      %dma_wait3A_22 = tpu.memref_slice %arg10[%mul3A_4, %dma_wait3A] : memref<1024x16xf32, #tpu.memory_space<vmem_shared>> -> memref<64x16xf32, #tpu.memory_space<vmem_shared>>
      %dma_wait3A_23 = arith.constant 0 : i32
      %dma_wait3A_24 = tpu.memref_slice %arg5[%mul3A_2, %dma_wait3A_23] : memref<1024x16xf32, #tpu.memory_space<hbm>> -> memref<64x16xf32, #tpu.memory_space<hbm>>
      tpu.wait_dma2 semaphore(%run_scoped3A : memref<!tpu.dma_semaphore, #tpu.memory_space<semaphore_mem>>) src(%dma_wait3A_24 : memref<64x16xf32, #tpu.memory_space<hbm>>) dst(%dma_wait3A_22 : memref<64x16xf32, #tpu.memory_space<vmem_shared>>)
      tpu.yield
    }) : () -> ()
    "tpu.region"() ({
      %run_scoped3A = tpu.sem_alloc : memref<!tpu.dma_semaphore, #tpu.memory_space<semaphore_mem>>
      %dma_start3A = arith.constant 0 : i32
      %dma_start3A_19 = arith.constant 0 : i32
      %dma_start3A_20 = tpu.memref_slice %arg3[%add3A, %dma_start3A, %dma_start3A_19] : memref<32x40x128xi32, #tpu.memory_space<hbm>> -> memref<1x40x128xi32, #tpu.memory_space<hbm>>
      %dma_start3A_21 = tpu.memref_squeeze %dma_start3A_20 : memref<1x40x128xi32, #tpu.memory_space<hbm>> -> memref<40x128xi32, #tpu.memory_space<hbm>>
      %dma_start3A_22 = arith.constant 0 : i32
      %dma_start3A_23 = arith.constant 0 : i32
      %dma_start3A_24 = tpu.memref_slice %arg3[%add3A, %dma_start3A_22, %dma_start3A_23] : memref<32x40x128xi32, #tpu.memory_space<hbm>> -> memref<1x40x128xi32, #tpu.memory_space<hbm>>
      %dma_start3A_25 = tpu.memref_squeeze %dma_start3A_24 : memref<1x40x128xi32, #tpu.memory_space<hbm>> -> memref<40x128xi32, #tpu.memory_space<hbm>>
      tpu.enqueue_dma source(%dma_start3A_25 : memref<40x128xi32, #tpu.memory_space<hbm>>) target(%arg7 : memref<40x128xi32, #tpu.memory_space<vmem>>) target_semaphore(%run_scoped3A : memref<!tpu.dma_semaphore, #tpu.memory_space<semaphore_mem>>)
      %dma_wait3A = arith.constant 0 : i32
      %dma_wait3A_26 = arith.constant 0 : i32
      %dma_wait3A_27 = tpu.memref_slice %arg3[%add3A, %dma_wait3A, %dma_wait3A_26] : memref<32x40x128xi32, #tpu.memory_space<hbm>> -> memref<1x40x128xi32, #tpu.memory_space<hbm>>
      %dma_wait3A_28 = tpu.memref_squeeze %dma_wait3A_27 : memref<1x40x128xi32, #tpu.memory_space<hbm>> -> memref<40x128xi32, #tpu.memory_space<hbm>>
      %dma_wait3A_29 = arith.constant 0 : i32
      %dma_wait3A_30 = arith.constant 0 : i32
      %dma_wait3A_31 = tpu.memref_slice %arg3[%add3A, %dma_wait3A_29, %dma_wait3A_30] : memref<32x40x128xi32, #tpu.memory_space<hbm>> -> memref<1x40x128xi32, #tpu.memory_space<hbm>>
      %dma_wait3A_32 = tpu.memref_squeeze %dma_wait3A_31 : memref<1x40x128xi32, #tpu.memory_space<hbm>> -> memref<40x128xi32, #tpu.memory_space<hbm>>
      tpu.wait_dma2 semaphore(%run_scoped3A : memref<!tpu.dma_semaphore, #tpu.memory_space<semaphore_mem>>) src(%dma_wait3A_32 : memref<40x128xi32, #tpu.memory_space<hbm>>) dst(%arg7 : memref<40x128xi32, #tpu.memory_space<vmem>>)
      tpu.yield
    }) : () -> ()
    "tpu.region"() ({
      %run_scoped3A = tpu.sem_alloc : memref<!tpu.dma_semaphore, #tpu.memory_space<semaphore_mem>>
      %dma_start3A = arith.constant 0 : i32
      %dma_start3A_19 = arith.constant 0 : i32
      %dma_start3A_20 = tpu.memref_slice %arg4[%add3A, %dma_start3A, %dma_start3A_19] : memref<32x40x128xi32, #tpu.memory_space<hbm>> -> memref<1x40x128xi32, #tpu.memory_space<hbm>>
      %dma_start3A_21 = tpu.memref_squeeze %dma_start3A_20 : memref<1x40x128xi32, #tpu.memory_space<hbm>> -> memref<40x128xi32, #tpu.memory_space<hbm>>
      %dma_start3A_22 = arith.constant 0 : i32
      %dma_start3A_23 = arith.constant 0 : i32
      %dma_start3A_24 = tpu.memref_slice %arg4[%add3A, %dma_start3A_22, %dma_start3A_23] : memref<32x40x128xi32, #tpu.memory_space<hbm>> -> memref<1x40x128xi32, #tpu.memory_space<hbm>>
      %dma_start3A_25 = tpu.memref_squeeze %dma_start3A_24 : memref<1x40x128xi32, #tpu.memory_space<hbm>> -> memref<40x128xi32, #tpu.memory_space<hbm>>
      tpu.enqueue_dma source(%dma_start3A_25 : memref<40x128xi32, #tpu.memory_space<hbm>>) target(%arg8 : memref<40x128xi32, #tpu.memory_space<vmem>>) target_semaphore(%run_scoped3A : memref<!tpu.dma_semaphore, #tpu.memory_space<semaphore_mem>>)
      %dma_wait3A = arith.constant 0 : i32
      %dma_wait3A_26 = arith.constant 0 : i32
      %dma_wait3A_27 = tpu.memref_slice %arg4[%add3A, %dma_wait3A, %dma_wait3A_26] : memref<32x40x128xi32, #tpu.memory_space<hbm>> -> memref<1x40x128xi32, #tpu.memory_space<hbm>>
      %dma_wait3A_28 = tpu.memref_squeeze %dma_wait3A_27 : memref<1x40x128xi32, #tpu.memory_space<hbm>> -> memref<40x128xi32, #tpu.memory_space<hbm>>
      %dma_wait3A_29 = arith.constant 0 : i32
      %dma_wait3A_30 = arith.constant 0 : i32
      %dma_wait3A_31 = tpu.memref_slice %arg4[%add3A, %dma_wait3A_29, %dma_wait3A_30] : memref<32x40x128xi32, #tpu.memory_space<hbm>> -> memref<1x40x128xi32, #tpu.memory_space<hbm>>
      %dma_wait3A_32 = tpu.memref_squeeze %dma_wait3A_31 : memref<1x40x128xi32, #tpu.memory_space<hbm>> -> memref<40x128xi32, #tpu.memory_space<hbm>>
      tpu.wait_dma2 semaphore(%run_scoped3A : memref<!tpu.dma_semaphore, #tpu.memory_space<semaphore_mem>>) src(%dma_wait3A_32 : memref<40x128xi32, #tpu.memory_space<hbm>>) dst(%arg8 : memref<40x128xi32, #tpu.memory_space<vmem>>)
      tpu.yield
    }) : () -> ()
    %barrier3A = arith.constant 0 : index
    tpu.barrier barrier_id(%barrier3A)
    %scan3A = arith.constant 0 : i32
    %scan3A_5 = arith.constant 40 : i32
    %scan3A_6 = arith.addi %scan3A, %scan3A_5 : i32
    %scan3A_7 = arith.constant 1 : i32
    scf.for %scan3A_19 = %scan3A to %scan3A_6 step %scan3A_7  : i32 {
      %mul3A_20 = arith.constant 1 : i32
      %mul3A_21 = arith.muli %scan3A_19, %mul3A_20 : i32
      %add3A_22 = arith.constant 0 : i32
      %add3A_23 = arith.addi %add3A_22, %mul3A_21 : i32
      %dma_start3A = arith.constant 0 : i32
      %dma_start3A_24 = arith.constant 0 : i32
      %dma_start3A_25 = tpu.memref_slice %arg9[%add3A_23, %dma_start3A, %dma_start3A_24] : memref<40x128x16xf32, #tpu.memory_space<vmem>> -> memref<1x128x16xf32, #tpu.memory_space<vmem>>
      %dma_start3A_26 = tpu.memref_squeeze %dma_start3A_25 : memref<1x128x16xf32, #tpu.memory_space<vmem>> -> memref<128x16xf32, #tpu.memory_space<vmem>>
      %dma_start3A_27 = arith.constant 0 : i32
      %dma_start3A_28 = tpu.memref_slice %arg7[%add3A_23, %dma_start3A_27] : memref<40x128xi32, #tpu.memory_space<vmem>> -> memref<1x128xi32, #tpu.memory_space<vmem>>
      %dma_start3A_29 = tpu.memref_squeeze %dma_start3A_28 : memref<1x128xi32, #tpu.memory_space<vmem>> -> memref<128xi32, #tpu.memory_space<vmem>>
      %dma_start3A_30 = arith.constant 0 : i32
      %dma_start3A_31 = arith.constant 0 : i32
      %dma_start3A_32 = tpu.memref_slice %arg2[%dma_start3A_30, %dma_start3A_31] : memref<1000x16xf32, #tpu.memory_space<hbm>> -> memref<1000x16xf32, #tpu.memory_space<hbm>>
      tpu.enqueue_indirect_dma source(%dma_start3A_32 : memref<1000x16xf32, #tpu.memory_space<hbm>>) target(%dma_start3A_26 : memref<128x16xf32, #tpu.memory_space<vmem>>) offsets(%dma_start3A_29 : memref<128xi32, #tpu.memory_space<vmem>>) semaphore(%arg11 : memref<!tpu.dma_semaphore, #tpu.memory_space<semaphore_mem>>)
    }
    %scan3A_8 = arith.constant 40 : i32
    %scan3A_9 = arith.constant 0 : i32
    %scan3A_10 = arith.constant 40 : i32
    %scan3A_11 = arith.addi %scan3A_9, %scan3A_10 : i32
    %scan3A_12 = arith.constant 1 : i32
    scf.for %scan3A_19 = %scan3A_9 to %scan3A_11 step %scan3A_12  : i32 {
      %mul3A_20 = arith.constant 1 : i32
      %mul3A_21 = arith.muli %scan3A_19, %mul3A_20 : i32
      %add3A_22 = arith.constant 0 : i32
      %add3A_23 = arith.addi %add3A_22, %mul3A_21 : i32
      %dma_wait3A = arith.constant 0 : i32
      %dma_wait3A_24 = arith.constant 0 : i32
      %dma_wait3A_25 = tpu.memref_slice %arg9[%add3A_23, %dma_wait3A, %dma_wait3A_24] : memref<40x128x16xf32, #tpu.memory_space<vmem>> -> memref<1x128x16xf32, #tpu.memory_space<vmem>>
      %dma_wait3A_26 = tpu.memref_squeeze %dma_wait3A_25 : memref<1x128x16xf32, #tpu.memory_space<vmem>> -> memref<128x16xf32, #tpu.memory_space<vmem>>
      %dma_wait3A_27 = arith.constant 0 : i32
      %dma_wait3A_28 = tpu.memref_slice %arg7[%add3A_23, %dma_wait3A_27] : memref<40x128xi32, #tpu.memory_space<vmem>> -> memref<1x128xi32, #tpu.memory_space<vmem>>
      %dma_wait3A_29 = tpu.memref_squeeze %dma_wait3A_28 : memref<1x128xi32, #tpu.memory_space<vmem>> -> memref<128xi32, #tpu.memory_space<vmem>>
      %dma_wait3A_30 = arith.constant 0 : i32
      %dma_wait3A_31 = arith.constant 0 : i32
      %dma_wait3A_32 = tpu.memref_slice %arg2[%dma_wait3A_30, %dma_wait3A_31] : memref<1000x16xf32, #tpu.memory_space<hbm>> -> memref<1000x16xf32, #tpu.memory_space<hbm>>
      tpu.wait_indirect_dma semaphore(%arg11 : memref<!tpu.dma_semaphore, #tpu.memory_space<semaphore_mem>>) src(%dma_wait3A_32 : memref<1000x16xf32, #tpu.memory_space<hbm>>) dst(%dma_wait3A_26 : memref<128x16xf32, #tpu.memory_space<vmem>>)
      "tpu.region"() ({
        %run_scoped3A = tpu.sem_alloc : memref<!tpu.dma_semaphore, #tpu.memory_space<semaphore_mem>>
        %dma_start3A = arith.constant 0 : i32
        %dma_start3A_33 = arith.constant 0 : i32
        %dma_start3A_34 = tpu.memref_slice %arg9[%add3A_23, %dma_start3A, %dma_start3A_33] : memref<40x128x16xf32, #tpu.memory_space<vmem>> -> memref<1x128x16xf32, #tpu.memory_space<vmem>>
        %dma_start3A_35 = tpu.memref_squeeze %dma_start3A_34 : memref<1x128x16xf32, #tpu.memory_space<vmem>> -> memref<128x16xf32, #tpu.memory_space<vmem>>
        %dma_start3A_36 = arith.constant 0 : i32
        %dma_start3A_37 = tpu.memref_slice %arg8[%add3A_23, %dma_start3A_36] : memref<40x128xi32, #tpu.memory_space<vmem>> -> memref<1x128xi32, #tpu.memory_space<vmem>>
        %dma_start3A_38 = tpu.memref_squeeze %dma_start3A_37 : memref<1x128xi32, #tpu.memory_space<vmem>> -> memref<128xi32, #tpu.memory_space<vmem>>
        %dma_start3A_39 = arith.constant 0 : i32
        %dma_start3A_40 = arith.constant 0 : i32
        %dma_start3A_41 = tpu.memref_slice %arg10[%dma_start3A_39, %dma_start3A_40] : memref<1024x16xf32, #tpu.memory_space<vmem_shared>> -> memref<1024x16xf32, #tpu.memory_space<vmem_shared>>
        tpu.enqueue_indirect_dma source(%dma_start3A_35 : memref<128x16xf32, #tpu.memory_space<vmem>>) target(%dma_start3A_41 : memref<1024x16xf32, #tpu.memory_space<vmem_shared>>) offsets(%dma_start3A_38 : memref<128xi32, #tpu.memory_space<vmem>>) semaphore(%run_scoped3A : memref<!tpu.dma_semaphore, #tpu.memory_space<semaphore_mem>>) {add = true}
        %dma_wait3A_42 = arith.constant 0 : i32
        %dma_wait3A_43 = arith.constant 0 : i32
        %dma_wait3A_44 = tpu.memref_slice %arg9[%add3A_23, %dma_wait3A_42, %dma_wait3A_43] : memref<40x128x16xf32, #tpu.memory_space<vmem>> -> memref<1x128x16xf32, #tpu.memory_space<vmem>>
        %dma_wait3A_45 = tpu.memref_squeeze %dma_wait3A_44 : memref<1x128x16xf32, #tpu.memory_space<vmem>> -> memref<128x16xf32, #tpu.memory_space<vmem>>
        %dma_wait3A_46 = arith.constant 0 : i32
        %dma_wait3A_47 = tpu.memref_slice %arg8[%add3A_23, %dma_wait3A_46] : memref<40x128xi32, #tpu.memory_space<vmem>> -> memref<1x128xi32, #tpu.memory_space<vmem>>
        %dma_wait3A_48 = tpu.memref_squeeze %dma_wait3A_47 : memref<1x128xi32, #tpu.memory_space<vmem>> -> memref<128xi32, #tpu.memory_space<vmem>>
        %dma_wait3A_49 = arith.constant 0 : i32
        %dma_wait3A_50 = arith.constant 0 : i32
        %dma_wait3A_51 = tpu.memref_slice %arg10[%dma_wait3A_49, %dma_wait3A_50] : memref<1024x16xf32, #tpu.memory_space<vmem_shared>> -> memref<1024x16xf32, #tpu.memory_space<vmem_shared>>
        tpu.wait_indirect_dma semaphore(%run_scoped3A : memref<!tpu.dma_semaphore, #tpu.memory_space<semaphore_mem>>) src(%dma_wait3A_45 : memref<128x16xf32, #tpu.memory_space<vmem>>) dst(%dma_wait3A_51 : memref<1024x16xf32, #tpu.memory_space<vmem_shared>>)
        tpu.yield
      }) : () -> ()
    }
    %scan3A_13 = arith.constant 40 : i32
    %barrier3A_14 = arith.constant 0 : index
    tpu.barrier barrier_id(%barrier3A_14)
    %mul3A_15 = arith.constant 64 : i32
    %mul3A_16 = arith.muli %arg1, %mul3A_15 : i32
    %mul3A_17 = arith.constant 64 : i32
    %mul3A_18 = arith.muli %arg1, %mul3A_17 : i32
    "tpu.region"() ({
      %run_scoped3A = tpu.sem_alloc : memref<!tpu.dma_semaphore, #tpu.memory_space<semaphore_mem>>
      %dma_start3A = arith.constant 0 : i32
      %dma_start3A_19 = tpu.memref_slice %arg6[%arg0, %mul3A_18, %dma_start3A] : memref<2x1024x16xf32, #tpu.memory_space<hbm>> -> memref<1x64x16xf32, #tpu.memory_space<hbm>>
      %dma_start3A_20 = tpu.memref_squeeze %dma_start3A_19 : memref<1x64x16xf32, #tpu.memory_space<hbm>> -> memref<64x16xf32, #tpu.memory_space<hbm>>
      %dma_start3A_21 = arith.constant 0 : i32
      %dma_start3A_22 = tpu.memref_slice %arg10[%mul3A_16, %dma_start3A_21] : memref<1024x16xf32, #tpu.memory_space<vmem_shared>> -> memref<64x16xf32, #tpu.memory_space<vmem_shared>>
      tpu.enqueue_dma source(%dma_start3A_22 : memref<64x16xf32, #tpu.memory_space<vmem_shared>>) target(%dma_start3A_20 : memref<64x16xf32, #tpu.memory_space<hbm>>) target_semaphore(%run_scoped3A : memref<!tpu.dma_semaphore, #tpu.memory_space<semaphore_mem>>)
      %dma_wait3A = arith.constant 0 : i32
      %dma_wait3A_23 = tpu.memref_slice %arg6[%arg0, %mul3A_18, %dma_wait3A] : memref<2x1024x16xf32, #tpu.memory_space<hbm>> -> memref<1x64x16xf32, #tpu.memory_space<hbm>>
      %dma_wait3A_24 = tpu.memref_squeeze %dma_wait3A_23 : memref<1x64x16xf32, #tpu.memory_space<hbm>> -> memref<64x16xf32, #tpu.memory_space<hbm>>
      %dma_wait3A_25 = arith.constant 0 : i32
      %dma_wait3A_26 = tpu.memref_slice %arg10[%mul3A_16, %dma_wait3A_25] : memref<1024x16xf32, #tpu.memory_space<vmem_shared>> -> memref<64x16xf32, #tpu.memory_space<vmem_shared>>
      tpu.wait_dma2 semaphore(%run_scoped3A : memref<!tpu.dma_semaphore, #tpu.memory_space<semaphore_mem>>) src(%dma_wait3A_26 : memref<64x16xf32, #tpu.memory_space<vmem_shared>>) dst(%dma_wait3A_24 : memref<64x16xf32, #tpu.memory_space<hbm>>)
      tpu.yield
    }) : () -> ()
    return
  }
}

#map = affine_map<(d0, d1) -> (0, 0)>
#map1 = affine_map<(d0, d1) -> (0, 0, 0)>
module attributes {stable_mosaic.version = 14 : i64} {
  func.func @body(%arg0: i32, %arg1: i32, %arg2: memref<1000x16xf32, #tpu.memory_space<hbm>>, %arg3: memref<32x40x128xi32, #tpu.memory_space<hbm>>, %arg4: memref<32x40x128xi32, #tpu.memory_space<hbm>>, %arg5: memref<10240x16xf32, #tpu.memory_space<hbm>>, %arg6: memref<2x10240x16xf32, #tpu.memory_space<hbm>>, %arg7: memref<40x128xi32, #tpu.memory_space<vmem>>, %arg8: memref<40x128xi32, #tpu.memory_space<vmem>>, %arg9: memref<40x128x16xf32, #tpu.memory_space<vmem>>, %arg10: memref<10240x16xf32, #tpu.memory_space<vmem_shared>>, %arg11: memref<!tpu.dma_semaphore, #tpu.memory_space<semaphore_mem>>) attributes {dimension_semantics = [#tpu.dimension_semantics<core_parallel>, #tpu.dimension_semantics<subcore_parallel>], iteration_bounds = array<i64: 2, 16>, scalar_prefetch = 0 : i64, scratch_operands = 5 : i64, tpu.core_type = #tpu.core_type<sc_vector_subcore>, window_params = [{transform_indices = #map}, {transform_indices = #map1}, {transform_indices = #map1}, {transform_indices = #map}, {transform_indices = #map1}]} {
    %mul3A = arith.constant 2 : i32
    %mul3A_0 = arith.muli %arg1, %mul3A : i32
    %add3A = arith.addi %mul3A_0, %arg0 : i32
    %mul3A_1 = arith.constant 640 : i32
    %mul3A_2 = arith.muli %arg1, %mul3A_1 : i32
    %mul3A_3 = arith.constant 640 : i32
    %mul3A_4 = arith.muli %arg1, %mul3A_3 : i32
    "tpu.region"() ({
      %run_scoped3A = tpu.sem_alloc : memref<!tpu.dma_semaphore, #tpu.memory_space<semaphore_mem>>
      %dma_start3A = arith.constant 0 : i32
      %dma_start3A_19 = tpu.memref_slice %arg10[%mul3A_4, %dma_start3A] : memref<10240x16xf32, #tpu.memory_space<vmem_shared>> -> memref<640x16xf32, #tpu.memory_space<vmem_shared>>
      %dma_start3A_20 = arith.constant 0 : i32
      %dma_start3A_21 = tpu.memref_slice %arg5[%mul3A_2, %dma_start3A_20] : memref<10240x16xf32, #tpu.memory_space<hbm>> -> memref<640x16xf32, #tpu.memory_space<hbm>>
      tpu.enqueue_dma source(%dma_start3A_21 : memref<640x16xf32, #tpu.memory_space<hbm>>) target(%dma_start3A_19 : memref<640x16xf32, #tpu.memory_space<vmem_shared>>) target_semaphore(%run_scoped3A : memref<!tpu.dma_semaphore, #tpu.memory_space<semaphore_mem>>)
      %dma_wait3A = arith.constant 0 : i32
      %dma_wait3A_22 = tpu.memref_slice %arg10[%mul3A_4, %dma_wait3A] : memref<10240x16xf32, #tpu.memory_space<vmem_shared>> -> memref<640x16xf32, #tpu.memory_space<vmem_shared>>
      %dma_wait3A_23 = arith.constant 0 : i32
      %dma_wait3A_24 = tpu.memref_slice %arg5[%mul3A_2, %dma_wait3A_23] : memref<10240x16xf32, #tpu.memory_space<hbm>> -> memref<640x16xf32, #tpu.memory_space<hbm>>
      tpu.wait_dma2 semaphore(%run_scoped3A : memref<!tpu.dma_semaphore, #tpu.memory_space<semaphore_mem>>) src(%dma_wait3A_24 : memref<640x16xf32, #tpu.memory_space<hbm>>) dst(%dma_wait3A_22 : memref<640x16xf32, #tpu.memory_space<vmem_shared>>)
      tpu.yield
    }) : () -> ()
    "tpu.region"() ({
      %run_scoped3A = tpu.sem_alloc : memref<!tpu.dma_semaphore, #tpu.memory_space<semaphore_mem>>
      %dma_start3A = arith.constant 0 : i32
      %dma_start3A_19 = arith.constant 0 : i32
      %dma_start3A_20 = tpu.memref_slice %arg3[%add3A, %dma_start3A, %dma_start3A_19] : memref<32x40x128xi32, #tpu.memory_space<hbm>> -> memref<1x40x128xi32, #tpu.memory_space<hbm>>
      %dma_start3A_21 = tpu.memref_squeeze %dma_start3A_20 : memref<1x40x128xi32, #tpu.memory_space<hbm>> -> memref<40x128xi32, #tpu.memory_space<hbm>>
      %dma_start3A_22 = arith.constant 0 : i32
      %dma_start3A_23 = arith.constant 0 : i32
      %dma_start3A_24 = tpu.memref_slice %arg3[%add3A, %dma_start3A_22, %dma_start3A_23] : memref<32x40x128xi32, #tpu.memory_space<hbm>> -> memref<1x40x128xi32, #tpu.memory_space<hbm>>
      %dma_start3A_25 = tpu.memref_squeeze %dma_start3A_24 : memref<1x40x128xi32, #tpu.memory_space<hbm>> -> memref<40x128xi32, #tpu.memory_space<hbm>>
      tpu.enqueue_dma source(%dma_start3A_25 : memref<40x128xi32, #tpu.memory_space<hbm>>) target(%arg7 : memref<40x128xi32, #tpu.memory_space<vmem>>) target_semaphore(%run_scoped3A : memref<!tpu.dma_semaphore, #tpu.memory_space<semaphore_mem>>)
      %dma_wait3A = arith.constant 0 : i32
      %dma_wait3A_26 = arith.constant 0 : i32
      %dma_wait3A_27 = tpu.memref_slice %arg3[%add3A, %dma_wait3A, %dma_wait3A_26] : memref<32x40x128xi32, #tpu.memory_space<hbm>> -> memref<1x40x128xi32, #tpu.memory_space<hbm>>
      %dma_wait3A_28 = tpu.memref_squeeze %dma_wait3A_27 : memref<1x40x128xi32, #tpu.memory_space<hbm>> -> memref<40x128xi32, #tpu.memory_space<hbm>>
      %dma_wait3A_29 = arith.constant 0 : i32
      %dma_wait3A_30 = arith.constant 0 : i32
      %dma_wait3A_31 = tpu.memref_slice %arg3[%add3A, %dma_wait3A_29, %dma_wait3A_30] : memref<32x40x128xi32, #tpu.memory_space<hbm>> -> memref<1x40x128xi32, #tpu.memory_space<hbm>>
      %dma_wait3A_32 = tpu.memref_squeeze %dma_wait3A_31 : memref<1x40x128xi32, #tpu.memory_space<hbm>> -> memref<40x128xi32, #tpu.memory_space<hbm>>
      tpu.wait_dma2 semaphore(%run_scoped3A : memref<!tpu.dma_semaphore, #tpu.memory_space<semaphore_mem>>) src(%dma_wait3A_32 : memref<40x128xi32, #tpu.memory_space<hbm>>) dst(%arg7 : memref<40x128xi32, #tpu.memory_space<vmem>>)
      tpu.yield
    }) : () -> ()
    "tpu.region"() ({
      %run_scoped3A = tpu.sem_alloc : memref<!tpu.dma_semaphore, #tpu.memory_space<semaphore_mem>>
      %dma_start3A = arith.constant 0 : i32
      %dma_start3A_19 = arith.constant 0 : i32
      %dma_start3A_20 = tpu.memref_slice %arg4[%add3A, %dma_start3A, %dma_start3A_19] : memref<32x40x128xi32, #tpu.memory_space<hbm>> -> memref<1x40x128xi32, #tpu.memory_space<hbm>>
      %dma_start3A_21 = tpu.memref_squeeze %dma_start3A_20 : memref<1x40x128xi32, #tpu.memory_space<hbm>> -> memref<40x128xi32, #tpu.memory_space<hbm>>
      %dma_start3A_22 = arith.constant 0 : i32
      %dma_start3A_23 = arith.constant 0 : i32
      %dma_start3A_24 = tpu.memref_slice %arg4[%add3A, %dma_start3A_22, %dma_start3A_23] : memref<32x40x128xi32, #tpu.memory_space<hbm>> -> memref<1x40x128xi32, #tpu.memory_space<hbm>>
      %dma_start3A_25 = tpu.memref_squeeze %dma_start3A_24 : memref<1x40x128xi32, #tpu.memory_space<hbm>> -> memref<40x128xi32, #tpu.memory_space<hbm>>
      tpu.enqueue_dma source(%dma_start3A_25 : memref<40x128xi32, #tpu.memory_space<hbm>>) target(%arg8 : memref<40x128xi32, #tpu.memory_space<vmem>>) target_semaphore(%run_scoped3A : memref<!tpu.dma_semaphore, #tpu.memory_space<semaphore_mem>>)
      %dma_wait3A = arith.constant 0 : i32
      %dma_wait3A_26 = arith.constant 0 : i32
      %dma_wait3A_27 = tpu.memref_slice %arg4[%add3A, %dma_wait3A, %dma_wait3A_26] : memref<32x40x128xi32, #tpu.memory_space<hbm>> -> memref<1x40x128xi32, #tpu.memory_space<hbm>>
      %dma_wait3A_28 = tpu.memref_squeeze %dma_wait3A_27 : memref<1x40x128xi32, #tpu.memory_space<hbm>> -> memref<40x128xi32, #tpu.memory_space<hbm>>
      %dma_wait3A_29 = arith.constant 0 : i32
      %dma_wait3A_30 = arith.constant 0 : i32
      %dma_wait3A_31 = tpu.memref_slice %arg4[%add3A, %dma_wait3A_29, %dma_wait3A_30] : memref<32x40x128xi32, #tpu.memory_space<hbm>> -> memref<1x40x128xi32, #tpu.memory_space<hbm>>
      %dma_wait3A_32 = tpu.memref_squeeze %dma_wait3A_31 : memref<1x40x128xi32, #tpu.memory_space<hbm>> -> memref<40x128xi32, #tpu.memory_space<hbm>>
      tpu.wait_dma2 semaphore(%run_scoped3A : memref<!tpu.dma_semaphore, #tpu.memory_space<semaphore_mem>>) src(%dma_wait3A_32 : memref<40x128xi32, #tpu.memory_space<hbm>>) dst(%arg8 : memref<40x128xi32, #tpu.memory_space<vmem>>)
      tpu.yield
    }) : () -> ()
    %barrier3A = arith.constant 0 : index
    tpu.barrier barrier_id(%barrier3A)
    %scan3A = arith.constant 0 : i32
    %scan3A_5 = arith.constant 40 : i32
    %scan3A_6 = arith.addi %scan3A, %scan3A_5 : i32
    %scan3A_7 = arith.constant 1 : i32
    scf.for %scan3A_19 = %scan3A to %scan3A_6 step %scan3A_7  : i32 {
      %mul3A_20 = arith.constant 1 : i32
      %mul3A_21 = arith.muli %scan3A_19, %mul3A_20 : i32
      %add3A_22 = arith.constant 0 : i32
      %add3A_23 = arith.addi %add3A_22, %mul3A_21 : i32
      %dma_start3A = arith.constant 0 : i32
      %dma_start3A_24 = arith.constant 0 : i32
      %dma_start3A_25 = tpu.memref_slice %arg9[%add3A_23, %dma_start3A, %dma_start3A_24] : memref<40x128x16xf32, #tpu.memory_space<vmem>> -> memref<1x128x16xf32, #tpu.memory_space<vmem>>
      %dma_start3A_26 = tpu.memref_squeeze %dma_start3A_25 : memref<1x128x16xf32, #tpu.memory_space<vmem>> -> memref<128x16xf32, #tpu.memory_space<vmem>>
      %dma_start3A_27 = arith.constant 0 : i32
      %dma_start3A_28 = tpu.memref_slice %arg7[%add3A_23, %dma_start3A_27] : memref<40x128xi32, #tpu.memory_space<vmem>> -> memref<1x128xi32, #tpu.memory_space<vmem>>
      %dma_start3A_29 = tpu.memref_squeeze %dma_start3A_28 : memref<1x128xi32, #tpu.memory_space<vmem>> -> memref<128xi32, #tpu.memory_space<vmem>>
      %dma_start3A_30 = arith.constant 0 : i32
      %dma_start3A_31 = arith.constant 0 : i32
      %dma_start3A_32 = tpu.memref_slice %arg2[%dma_start3A_30, %dma_start3A_31] : memref<1000x16xf32, #tpu.memory_space<hbm>> -> memref<1000x16xf32, #tpu.memory_space<hbm>>
      tpu.enqueue_indirect_dma source(%dma_start3A_32 : memref<1000x16xf32, #tpu.memory_space<hbm>>) target(%dma_start3A_26 : memref<128x16xf32, #tpu.memory_space<vmem>>) offsets(%dma_start3A_29 : memref<128xi32, #tpu.memory_space<vmem>>) semaphore(%arg11 : memref<!tpu.dma_semaphore, #tpu.memory_space<semaphore_mem>>)
    }
    %scan3A_8 = arith.constant 40 : i32
    %scan3A_9 = arith.constant 0 : i32
    %scan3A_10 = arith.constant 40 : i32
    %scan3A_11 = arith.addi %scan3A_9, %scan3A_10 : i32
    %scan3A_12 = arith.constant 1 : i32
    scf.for %scan3A_19 = %scan3A_9 to %scan3A_11 step %scan3A_12  : i32 {
      %mul3A_20 = arith.constant 1 : i32
      %mul3A_21 = arith.muli %scan3A_19, %mul3A_20 : i32
      %add3A_22 = arith.constant 0 : i32
      %add3A_23 = arith.addi %add3A_22, %mul3A_21 : i32
      %dma_wait3A = arith.constant 0 : i32
      %dma_wait3A_24 = arith.constant 0 : i32
      %dma_wait3A_25 = tpu.memref_slice %arg9[%add3A_23, %dma_wait3A, %dma_wait3A_24] : memref<40x128x16xf32, #tpu.memory_space<vmem>> -> memref<1x128x16xf32, #tpu.memory_space<vmem>>
      %dma_wait3A_26 = tpu.memref_squeeze %dma_wait3A_25 : memref<1x128x16xf32, #tpu.memory_space<vmem>> -> memref<128x16xf32, #tpu.memory_space<vmem>>
      %dma_wait3A_27 = arith.constant 0 : i32
      %dma_wait3A_28 = tpu.memref_slice %arg7[%add3A_23, %dma_wait3A_27] : memref<40x128xi32, #tpu.memory_space<vmem>> -> memref<1x128xi32, #tpu.memory_space<vmem>>
      %dma_wait3A_29 = tpu.memref_squeeze %dma_wait3A_28 : memref<1x128xi32, #tpu.memory_space<vmem>> -> memref<128xi32, #tpu.memory_space<vmem>>
      %dma_wait3A_30 = arith.constant 0 : i32
      %dma_wait3A_31 = arith.constant 0 : i32
      %dma_wait3A_32 = tpu.memref_slice %arg2[%dma_wait3A_30, %dma_wait3A_31] : memref<1000x16xf32, #tpu.memory_space<hbm>> -> memref<1000x16xf32, #tpu.memory_space<hbm>>
      tpu.wait_indirect_dma semaphore(%arg11 : memref<!tpu.dma_semaphore, #tpu.memory_space<semaphore_mem>>) src(%dma_wait3A_32 : memref<1000x16xf32, #tpu.memory_space<hbm>>) dst(%dma_wait3A_26 : memref<128x16xf32, #tpu.memory_space<vmem>>)
      "tpu.region"() ({
        %run_scoped3A = tpu.sem_alloc : memref<!tpu.dma_semaphore, #tpu.memory_space<semaphore_mem>>
        %dma_start3A = arith.constant 0 : i32
        %dma_start3A_33 = arith.constant 0 : i32
        %dma_start3A_34 = tpu.memref_slice %arg9[%add3A_23, %dma_start3A, %dma_start3A_33] : memref<40x128x16xf32, #tpu.memory_space<vmem>> -> memref<1x128x16xf32, #tpu.memory_space<vmem>>
        %dma_start3A_35 = tpu.memref_squeeze %dma_start3A_34 : memref<1x128x16xf32, #tpu.memory_space<vmem>> -> memref<128x16xf32, #tpu.memory_space<vmem>>
        %dma_start3A_36 = arith.constant 0 : i32
        %dma_start3A_37 = tpu.memref_slice %arg8[%add3A_23, %dma_start3A_36] : memref<40x128xi32, #tpu.memory_space<vmem>> -> memref<1x128xi32, #tpu.memory_space<vmem>>
        %dma_start3A_38 = tpu.memref_squeeze %dma_start3A_37 : memref<1x128xi32, #tpu.memory_space<vmem>> -> memref<128xi32, #tpu.memory_space<vmem>>
        %dma_start3A_39 = arith.constant 0 : i32
        %dma_start3A_40 = arith.constant 0 : i32
        %dma_start3A_41 = tpu.memref_slice %arg10[%dma_start3A_39, %dma_start3A_40] : memref<10240x16xf32, #tpu.memory_space<vmem_shared>> -> memref<10240x16xf32, #tpu.memory_space<vmem_shared>>
        tpu.enqueue_indirect_dma source(%dma_start3A_35 : memref<128x16xf32, #tpu.memory_space<vmem>>) target(%dma_start3A_41 : memref<10240x16xf32, #tpu.memory_space<vmem_shared>>) offsets(%dma_start3A_38 : memref<128xi32, #tpu.memory_space<vmem>>) semaphore(%run_scoped3A : memref<!tpu.dma_semaphore, #tpu.memory_space<semaphore_mem>>) {add = true}
        %dma_wait3A_42 = arith.constant 0 : i32
        %dma_wait3A_43 = arith.constant 0 : i32
        %dma_wait3A_44 = tpu.memref_slice %arg9[%add3A_23, %dma_wait3A_42, %dma_wait3A_43] : memref<40x128x16xf32, #tpu.memory_space<vmem>> -> memref<1x128x16xf32, #tpu.memory_space<vmem>>
        %dma_wait3A_45 = tpu.memref_squeeze %dma_wait3A_44 : memref<1x128x16xf32, #tpu.memory_space<vmem>> -> memref<128x16xf32, #tpu.memory_space<vmem>>
        %dma_wait3A_46 = arith.constant 0 : i32
        %dma_wait3A_47 = tpu.memref_slice %arg8[%add3A_23, %dma_wait3A_46] : memref<40x128xi32, #tpu.memory_space<vmem>> -> memref<1x128xi32, #tpu.memory_space<vmem>>
        %dma_wait3A_48 = tpu.memref_squeeze %dma_wait3A_47 : memref<1x128xi32, #tpu.memory_space<vmem>> -> memref<128xi32, #tpu.memory_space<vmem>>
        %dma_wait3A_49 = arith.constant 0 : i32
        %dma_wait3A_50 = arith.constant 0 : i32
        %dma_wait3A_51 = tpu.memref_slice %arg10[%dma_wait3A_49, %dma_wait3A_50] : memref<10240x16xf32, #tpu.memory_space<vmem_shared>> -> memref<10240x16xf32, #tpu.memory_space<vmem_shared>>
        tpu.wait_indirect_dma semaphore(%run_scoped3A : memref<!tpu.dma_semaphore, #tpu.memory_space<semaphore_mem>>) src(%dma_wait3A_45 : memref<128x16xf32, #tpu.memory_space<vmem>>) dst(%dma_wait3A_51 : memref<10240x16xf32, #tpu.memory_space<vmem_shared>>)
        tpu.yield
      }) : () -> ()
    }
    %scan3A_13 = arith.constant 40 : i32
    %barrier3A_14 = arith.constant 0 : index
    tpu.barrier barrier_id(%barrier3A_14)
    %mul3A_15 = arith.constant 640 : i32
    %mul3A_16 = arith.muli %arg1, %mul3A_15 : i32
    %mul3A_17 = arith.constant 640 : i32
    %mul3A_18 = arith.muli %arg1, %mul3A_17 : i32
    "tpu.region"() ({
      %run_scoped3A = tpu.sem_alloc : memref<!tpu.dma_semaphore, #tpu.memory_space<semaphore_mem>>
      %dma_start3A = arith.constant 0 : i32
      %dma_start3A_19 = tpu.memref_slice %arg6[%arg0, %mul3A_18, %dma_start3A] : memref<2x10240x16xf32, #tpu.memory_space<hbm>> -> memref<1x640x16xf32, #tpu.memory_space<hbm>>
      %dma_start3A_20 = tpu.memref_squeeze %dma_start3A_19 : memref<1x640x16xf32, #tpu.memory_space<hbm>> -> memref<640x16xf32, #tpu.memory_space<hbm>>
      %dma_start3A_21 = arith.constant 0 : i32
      %dma_start3A_22 = tpu.memref_slice %arg10[%mul3A_16, %dma_start3A_21] : memref<10240x16xf32, #tpu.memory_space<vmem_shared>> -> memref<640x16xf32, #tpu.memory_space<vmem_shared>>
      tpu.enqueue_dma source(%dma_start3A_22 : memref<640x16xf32, #tpu.memory_space<vmem_shared>>) target(%dma_start3A_20 : memref<640x16xf32, #tpu.memory_space<hbm>>) target_semaphore(%run_scoped3A : memref<!tpu.dma_semaphore, #tpu.memory_space<semaphore_mem>>)
      %dma_wait3A = arith.constant 0 : i32
      %dma_wait3A_23 = tpu.memref_slice %arg6[%arg0, %mul3A_18, %dma_wait3A] : memref<2x10240x16xf32, #tpu.memory_space<hbm>> -> memref<1x640x16xf32, #tpu.memory_space<hbm>>
      %dma_wait3A_24 = tpu.memref_squeeze %dma_wait3A_23 : memref<1x640x16xf32, #tpu.memory_space<hbm>> -> memref<640x16xf32, #tpu.memory_space<hbm>>
      %dma_wait3A_25 = arith.constant 0 : i32
      %dma_wait3A_26 = tpu.memref_slice %arg10[%mul3A_16, %dma_wait3A_25] : memref<10240x16xf32, #tpu.memory_space<vmem_shared>> -> memref<640x16xf32, #tpu.memory_space<vmem_shared>>
      tpu.wait_dma2 semaphore(%run_scoped3A : memref<!tpu.dma_semaphore, #tpu.memory_space<semaphore_mem>>) src(%dma_wait3A_26 : memref<640x16xf32, #tpu.memory_space<vmem_shared>>) dst(%dma_wait3A_24 : memref<640x16xf32, #tpu.memory_space<hbm>>)
      tpu.yield
    }) : () -> ()
    return
  }
}

#map = affine_map<(d0, d1) -> (0, 0)>
#map1 = affine_map<(d0, d1) -> (0, 0, 0)>
module attributes {stable_mosaic.version = 14 : i64} {
  func.func @body(%arg0: i32, %arg1: i32, %arg2: memref<10000x8xf32, #tpu.memory_space<hbm>>, %arg3: memref<10000x8xf32, #tpu.memory_space<hbm>>, %arg4: memref<32x40x128xi32, #tpu.memory_space<hbm>>, %arg5: memref<32x40x128xi32, #tpu.memory_space<hbm>>, %arg6: memref<163840x8xf32, #tpu.memory_space<hbm>>, %arg7: memref<163840x8xf32, #tpu.memory_space<hbm>>, %arg8: memref<40x128xi32, #tpu.memory_space<vmem>>, %arg9: memref<40x128xi32, #tpu.memory_space<vmem>>, %arg10: memref<5120x8xf32, #tpu.memory_space<vmem>>, %arg11: memref<5120x8xf32, #tpu.memory_space<vmem>>, %arg12: memref<!tpu.dma_semaphore, #tpu.memory_space<semaphore_mem>>, %arg13: memref<!tpu.dma_semaphore, #tpu.memory_space<semaphore_mem>>) attributes {dimension_semantics = [#tpu.dimension_semantics<core_parallel>, #tpu.dimension_semantics<subcore_parallel>], iteration_bounds = array<i64: 2, 16>, scalar_prefetch = 0 : i64, scratch_operands = 6 : i64, tpu.core_type = #tpu.core_type<sc_vector_subcore>, window_params = [{transform_indices = #map}, {transform_indices = #map}, {transform_indices = #map1}, {transform_indices = #map1}, {transform_indices = #map}, {transform_indices = #map}]} {
    %mul3A = arith.constant 2 : i32
    %mul3A_0 = arith.muli %arg1, %mul3A : i32
    %add3A = arith.addi %mul3A_0, %arg0 : i32
    "tpu.region"() ({
      %run_scoped3A = tpu.sem_alloc : memref<!tpu.dma_semaphore, #tpu.memory_space<semaphore_mem>>
      %dma_start3A = arith.constant 0 : i32
      %dma_start3A_14 = arith.constant 0 : i32
      %dma_start3A_15 = tpu.memref_slice %arg4[%add3A, %dma_start3A, %dma_start3A_14] : memref<32x40x128xi32, #tpu.memory_space<hbm>> -> memref<1x40x128xi32, #tpu.memory_space<hbm>>
      %dma_start3A_16 = tpu.memref_squeeze %dma_start3A_15 : memref<1x40x128xi32, #tpu.memory_space<hbm>> -> memref<40x128xi32, #tpu.memory_space<hbm>>
      %dma_start3A_17 = arith.constant 0 : i32
      %dma_start3A_18 = arith.constant 0 : i32
      %dma_start3A_19 = tpu.memref_slice %arg4[%add3A, %dma_start3A_17, %dma_start3A_18] : memref<32x40x128xi32, #tpu.memory_space<hbm>> -> memref<1x40x128xi32, #tpu.memory_space<hbm>>
      %dma_start3A_20 = tpu.memref_squeeze %dma_start3A_19 : memref<1x40x128xi32, #tpu.memory_space<hbm>> -> memref<40x128xi32, #tpu.memory_space<hbm>>
      tpu.enqueue_dma source(%dma_start3A_20 : memref<40x128xi32, #tpu.memory_space<hbm>>) target(%arg8 : memref<40x128xi32, #tpu.memory_space<vmem>>) target_semaphore(%run_scoped3A : memref<!tpu.dma_semaphore, #tpu.memory_space<semaphore_mem>>)
      %dma_wait3A = arith.constant 0 : i32
      %dma_wait3A_21 = arith.constant 0 : i32
      %dma_wait3A_22 = tpu.memref_slice %arg4[%add3A, %dma_wait3A, %dma_wait3A_21] : memref<32x40x128xi32, #tpu.memory_space<hbm>> -> memref<1x40x128xi32, #tpu.memory_space<hbm>>
      %dma_wait3A_23 = tpu.memref_squeeze %dma_wait3A_22 : memref<1x40x128xi32, #tpu.memory_space<hbm>> -> memref<40x128xi32, #tpu.memory_space<hbm>>
      %dma_wait3A_24 = arith.constant 0 : i32
      %dma_wait3A_25 = arith.constant 0 : i32
      %dma_wait3A_26 = tpu.memref_slice %arg4[%add3A, %dma_wait3A_24, %dma_wait3A_25] : memref<32x40x128xi32, #tpu.memory_space<hbm>> -> memref<1x40x128xi32, #tpu.memory_space<hbm>>
      %dma_wait3A_27 = tpu.memref_squeeze %dma_wait3A_26 : memref<1x40x128xi32, #tpu.memory_space<hbm>> -> memref<40x128xi32, #tpu.memory_space<hbm>>
      tpu.wait_dma2 semaphore(%run_scoped3A : memref<!tpu.dma_semaphore, #tpu.memory_space<semaphore_mem>>) src(%dma_wait3A_27 : memref<40x128xi32, #tpu.memory_space<hbm>>) dst(%arg8 : memref<40x128xi32, #tpu.memory_space<vmem>>)
      tpu.yield
    }) : () -> ()
    "tpu.region"() ({
      %run_scoped3A = tpu.sem_alloc : memref<!tpu.dma_semaphore, #tpu.memory_space<semaphore_mem>>
      %dma_start3A = arith.constant 0 : i32
      %dma_start3A_14 = arith.constant 0 : i32
      %dma_start3A_15 = tpu.memref_slice %arg5[%add3A, %dma_start3A, %dma_start3A_14] : memref<32x40x128xi32, #tpu.memory_space<hbm>> -> memref<1x40x128xi32, #tpu.memory_space<hbm>>
      %dma_start3A_16 = tpu.memref_squeeze %dma_start3A_15 : memref<1x40x128xi32, #tpu.memory_space<hbm>> -> memref<40x128xi32, #tpu.memory_space<hbm>>
      %dma_start3A_17 = arith.constant 0 : i32
      %dma_start3A_18 = arith.constant 0 : i32
      %dma_start3A_19 = tpu.memref_slice %arg5[%add3A, %dma_start3A_17, %dma_start3A_18] : memref<32x40x128xi32, #tpu.memory_space<hbm>> -> memref<1x40x128xi32, #tpu.memory_space<hbm>>
      %dma_start3A_20 = tpu.memref_squeeze %dma_start3A_19 : memref<1x40x128xi32, #tpu.memory_space<hbm>> -> memref<40x128xi32, #tpu.memory_space<hbm>>
      tpu.enqueue_dma source(%dma_start3A_20 : memref<40x128xi32, #tpu.memory_space<hbm>>) target(%arg9 : memref<40x128xi32, #tpu.memory_space<vmem>>) target_semaphore(%run_scoped3A : memref<!tpu.dma_semaphore, #tpu.memory_space<semaphore_mem>>)
      %dma_wait3A = arith.constant 0 : i32
      %dma_wait3A_21 = arith.constant 0 : i32
      %dma_wait3A_22 = tpu.memref_slice %arg5[%add3A, %dma_wait3A, %dma_wait3A_21] : memref<32x40x128xi32, #tpu.memory_space<hbm>> -> memref<1x40x128xi32, #tpu.memory_space<hbm>>
      %dma_wait3A_23 = tpu.memref_squeeze %dma_wait3A_22 : memref<1x40x128xi32, #tpu.memory_space<hbm>> -> memref<40x128xi32, #tpu.memory_space<hbm>>
      %dma_wait3A_24 = arith.constant 0 : i32
      %dma_wait3A_25 = arith.constant 0 : i32
      %dma_wait3A_26 = tpu.memref_slice %arg5[%add3A, %dma_wait3A_24, %dma_wait3A_25] : memref<32x40x128xi32, #tpu.memory_space<hbm>> -> memref<1x40x128xi32, #tpu.memory_space<hbm>>
      %dma_wait3A_27 = tpu.memref_squeeze %dma_wait3A_26 : memref<1x40x128xi32, #tpu.memory_space<hbm>> -> memref<40x128xi32, #tpu.memory_space<hbm>>
      tpu.wait_dma2 semaphore(%run_scoped3A : memref<!tpu.dma_semaphore, #tpu.memory_space<semaphore_mem>>) src(%dma_wait3A_27 : memref<40x128xi32, #tpu.memory_space<hbm>>) dst(%arg9 : memref<40x128xi32, #tpu.memory_space<vmem>>)
      tpu.yield
    }) : () -> ()
    %scan3A = arith.constant 0 : i32
    %scan3A_1 = arith.constant 40 : i32
    %scan3A_2 = arith.addi %scan3A, %scan3A_1 : i32
    %scan3A_3 = arith.constant 1 : i32
    scf.for %scan3A_14 = %scan3A to %scan3A_2 step %scan3A_3  : i32 {
      %mul3A_15 = arith.constant 1 : i32
      %mul3A_16 = arith.muli %scan3A_14, %mul3A_15 : i32
      %add3A_17 = arith.constant 0 : i32
      %add3A_18 = arith.addi %add3A_17, %mul3A_16 : i32
      %mul3A_19 = arith.constant 128 : i32
      %mul3A_20 = arith.muli %add3A_18, %mul3A_19 : i32
      %dma_start3A = arith.constant 0 : i32
      %dma_start3A_21 = tpu.memref_slice %arg10[%mul3A_20, %dma_start3A] : memref<5120x8xf32, #tpu.memory_space<vmem>> -> memref<128x8xf32, #tpu.memory_space<vmem>>
      %dma_start3A_22 = arith.constant 0 : i32
      %dma_start3A_23 = tpu.memref_slice %arg8[%add3A_18, %dma_start3A_22] : memref<40x128xi32, #tpu.memory_space<vmem>> -> memref<1x128xi32, #tpu.memory_space<vmem>>
      %dma_start3A_24 = tpu.memref_squeeze %dma_start3A_23 : memref<1x128xi32, #tpu.memory_space<vmem>> -> memref<128xi32, #tpu.memory_space<vmem>>
      %dma_start3A_25 = arith.constant 0 : i32
      %dma_start3A_26 = arith.constant 0 : i32
      %dma_start3A_27 = tpu.memref_slice %arg2[%dma_start3A_25, %dma_start3A_26] : memref<10000x8xf32, #tpu.memory_space<hbm>> -> memref<10000x8xf32, #tpu.memory_space<hbm>>
      tpu.enqueue_indirect_dma source(%dma_start3A_27 : memref<10000x8xf32, #tpu.memory_space<hbm>>) target(%dma_start3A_21 : memref<128x8xf32, #tpu.memory_space<vmem>>) offsets(%dma_start3A_24 : memref<128xi32, #tpu.memory_space<vmem>>) semaphore(%arg12 : memref<!tpu.dma_semaphore, #tpu.memory_space<semaphore_mem>>)
      %mul3A_28 = arith.constant 128 : i32
      %mul3A_29 = arith.muli %add3A_18, %mul3A_28 : i32
      %dma_start3A_30 = arith.constant 0 : i32
      %dma_start3A_31 = tpu.memref_slice %arg11[%mul3A_29, %dma_start3A_30] : memref<5120x8xf32, #tpu.memory_space<vmem>> -> memref<128x8xf32, #tpu.memory_space<vmem>>
      %dma_start3A_32 = arith.constant 0 : i32
      %dma_start3A_33 = tpu.memref_slice %arg9[%add3A_18, %dma_start3A_32] : memref<40x128xi32, #tpu.memory_space<vmem>> -> memref<1x128xi32, #tpu.memory_space<vmem>>
      %dma_start3A_34 = tpu.memref_squeeze %dma_start3A_33 : memref<1x128xi32, #tpu.memory_space<vmem>> -> memref<128xi32, #tpu.memory_space<vmem>>
      %dma_start3A_35 = arith.constant 0 : i32
      %dma_start3A_36 = arith.constant 0 : i32
      %dma_start3A_37 = tpu.memref_slice %arg3[%dma_start3A_35, %dma_start3A_36] : memref<10000x8xf32, #tpu.memory_space<hbm>> -> memref<10000x8xf32, #tpu.memory_space<hbm>>
      tpu.enqueue_indirect_dma source(%dma_start3A_37 : memref<10000x8xf32, #tpu.memory_space<hbm>>) target(%dma_start3A_31 : memref<128x8xf32, #tpu.memory_space<vmem>>) offsets(%dma_start3A_34 : memref<128xi32, #tpu.memory_space<vmem>>) semaphore(%arg13 : memref<!tpu.dma_semaphore, #tpu.memory_space<semaphore_mem>>)
    }
    %scan3A_4 = arith.constant 40 : i32
    %scan3A_5 = arith.constant 0 : i32
    %scan3A_6 = arith.constant 40 : i32
    %scan3A_7 = arith.addi %scan3A_5, %scan3A_6 : i32
    %scan3A_8 = arith.constant 1 : i32
    scf.for %scan3A_14 = %scan3A_5 to %scan3A_7 step %scan3A_8  : i32 {
      %mul3A_15 = arith.constant 1 : i32
      %mul3A_16 = arith.muli %scan3A_14, %mul3A_15 : i32
      %add3A_17 = arith.constant 0 : i32
      %add3A_18 = arith.addi %add3A_17, %mul3A_16 : i32
      %mul3A_19 = arith.constant 128 : i32
      %mul3A_20 = arith.muli %add3A_18, %mul3A_19 : i32
      %dma_wait3A = arith.constant 0 : i32
      %dma_wait3A_21 = tpu.memref_slice %arg10[%mul3A_20, %dma_wait3A] : memref<5120x8xf32, #tpu.memory_space<vmem>> -> memref<128x8xf32, #tpu.memory_space<vmem>>
      %dma_wait3A_22 = arith.constant 0 : i32
      %dma_wait3A_23 = tpu.memref_slice %arg8[%add3A_18, %dma_wait3A_22] : memref<40x128xi32, #tpu.memory_space<vmem>> -> memref<1x128xi32, #tpu.memory_space<vmem>>
      %dma_wait3A_24 = tpu.memref_squeeze %dma_wait3A_23 : memref<1x128xi32, #tpu.memory_space<vmem>> -> memref<128xi32, #tpu.memory_space<vmem>>
      %dma_wait3A_25 = arith.constant 0 : i32
      %dma_wait3A_26 = arith.constant 0 : i32
      %dma_wait3A_27 = tpu.memref_slice %arg2[%dma_wait3A_25, %dma_wait3A_26] : memref<10000x8xf32, #tpu.memory_space<hbm>> -> memref<10000x8xf32, #tpu.memory_space<hbm>>
      tpu.wait_indirect_dma semaphore(%arg12 : memref<!tpu.dma_semaphore, #tpu.memory_space<semaphore_mem>>) src(%dma_wait3A_27 : memref<10000x8xf32, #tpu.memory_space<hbm>>) dst(%dma_wait3A_21 : memref<128x8xf32, #tpu.memory_space<vmem>>)
      %mul3A_28 = arith.constant 128 : i32
      %mul3A_29 = arith.muli %add3A_18, %mul3A_28 : i32
      %dma_wait3A_30 = arith.constant 0 : i32
      %dma_wait3A_31 = tpu.memref_slice %arg11[%mul3A_29, %dma_wait3A_30] : memref<5120x8xf32, #tpu.memory_space<vmem>> -> memref<128x8xf32, #tpu.memory_space<vmem>>
      %dma_wait3A_32 = arith.constant 0 : i32
      %dma_wait3A_33 = tpu.memref_slice %arg9[%add3A_18, %dma_wait3A_32] : memref<40x128xi32, #tpu.memory_space<vmem>> -> memref<1x128xi32, #tpu.memory_space<vmem>>
      %dma_wait3A_34 = tpu.memref_squeeze %dma_wait3A_33 : memref<1x128xi32, #tpu.memory_space<vmem>> -> memref<128xi32, #tpu.memory_space<vmem>>
      %dma_wait3A_35 = arith.constant 0 : i32
      %dma_wait3A_36 = arith.constant 0 : i32
      %dma_wait3A_37 = tpu.memref_slice %arg3[%dma_wait3A_35, %dma_wait3A_36] : memref<10000x8xf32, #tpu.memory_space<hbm>> -> memref<10000x8xf32, #tpu.memory_space<hbm>>
      tpu.wait_indirect_dma semaphore(%arg13 : memref<!tpu.dma_semaphore, #tpu.memory_space<semaphore_mem>>) src(%dma_wait3A_37 : memref<10000x8xf32, #tpu.memory_space<hbm>>) dst(%dma_wait3A_31 : memref<128x8xf32, #tpu.memory_space<vmem>>)
    }
    %scan3A_9 = arith.constant 40 : i32
    %mul3A_10 = arith.constant 5120 : i32
    %mul3A_11 = arith.muli %add3A, %mul3A_10 : i32
    "tpu.region"() ({
      %run_scoped3A = tpu.sem_alloc : memref<!tpu.dma_semaphore, #tpu.memory_space<semaphore_mem>>
      %dma_start3A = arith.constant 0 : i32
      %dma_start3A_14 = tpu.memref_slice %arg6[%mul3A_11, %dma_start3A] : memref<163840x8xf32, #tpu.memory_space<hbm>> -> memref<5120x8xf32, #tpu.memory_space<hbm>>
      %dma_start3A_15 = arith.constant 0 : i32
      %dma_start3A_16 = tpu.memref_slice %arg6[%mul3A_11, %dma_start3A_15] : memref<163840x8xf32, #tpu.memory_space<hbm>> -> memref<5120x8xf32, #tpu.memory_space<hbm>>
      tpu.enqueue_dma source(%arg10 : memref<5120x8xf32, #tpu.memory_space<vmem>>) target(%dma_start3A_16 : memref<5120x8xf32, #tpu.memory_space<hbm>>) target_semaphore(%run_scoped3A : memref<!tpu.dma_semaphore, #tpu.memory_space<semaphore_mem>>)
      %dma_wait3A = arith.constant 0 : i32
      %dma_wait3A_17 = tpu.memref_slice %arg6[%mul3A_11, %dma_wait3A] : memref<163840x8xf32, #tpu.memory_space<hbm>> -> memref<5120x8xf32, #tpu.memory_space<hbm>>
      %dma_wait3A_18 = arith.constant 0 : i32
      %dma_wait3A_19 = tpu.memref_slice %arg6[%mul3A_11, %dma_wait3A_18] : memref<163840x8xf32, #tpu.memory_space<hbm>> -> memref<5120x8xf32, #tpu.memory_space<hbm>>
      tpu.wait_dma2 semaphore(%run_scoped3A : memref<!tpu.dma_semaphore, #tpu.memory_space<semaphore_mem>>) src(%arg10 : memref<5120x8xf32, #tpu.memory_space<vmem>>) dst(%dma_wait3A_19 : memref<5120x8xf32, #tpu.memory_space<hbm>>)
      tpu.yield
    }) : () -> ()
    %mul3A_12 = arith.constant 5120 : i32
    %mul3A_13 = arith.muli %add3A, %mul3A_12 : i32
    "tpu.region"() ({
      %run_scoped3A = tpu.sem_alloc : memref<!tpu.dma_semaphore, #tpu.memory_space<semaphore_mem>>
      %dma_start3A = arith.constant 0 : i32
      %dma_start3A_14 = tpu.memref_slice %arg7[%mul3A_13, %dma_start3A] : memref<163840x8xf32, #tpu.memory_space<hbm>> -> memref<5120x8xf32, #tpu.memory_space<hbm>>
      %dma_start3A_15 = arith.constant 0 : i32
      %dma_start3A_16 = tpu.memref_slice %arg7[%mul3A_13, %dma_start3A_15] : memref<163840x8xf32, #tpu.memory_space<hbm>> -> memref<5120x8xf32, #tpu.memory_space<hbm>>
      tpu.enqueue_dma source(%arg11 : memref<5120x8xf32, #tpu.memory_space<vmem>>) target(%dma_start3A_16 : memref<5120x8xf32, #tpu.memory_space<hbm>>) target_semaphore(%run_scoped3A : memref<!tpu.dma_semaphore, #tpu.memory_space<semaphore_mem>>)
      %dma_wait3A = arith.constant 0 : i32
      %dma_wait3A_17 = tpu.memref_slice %arg7[%mul3A_13, %dma_wait3A] : memref<163840x8xf32, #tpu.memory_space<hbm>> -> memref<5120x8xf32, #tpu.memory_space<hbm>>
      %dma_wait3A_18 = arith.constant 0 : i32
      %dma_wait3A_19 = tpu.memref_slice %arg7[%mul3A_13, %dma_wait3A_18] : memref<163840x8xf32, #tpu.memory_space<hbm>> -> memref<5120x8xf32, #tpu.memory_space<hbm>>
      tpu.wait_dma2 semaphore(%run_scoped3A : memref<!tpu.dma_semaphore, #tpu.memory_space<semaphore_mem>>) src(%arg11 : memref<5120x8xf32, #tpu.memory_space<vmem>>) dst(%dma_wait3A_19 : memref<5120x8xf32, #tpu.memory_space<hbm>>)
      tpu.yield
    }) : () -> ()
    return
  }
}

#map = affine_map<(d0, d1) -> (0, 0)>
#map1 = affine_map<(d0, d1) -> (0, 0, 0)>
module attributes {stable_mosaic.version = 14 : i64} {
  func.func @body(%arg0: i32, %arg1: i32, %arg2: memref<163840x16xf32, #tpu.memory_space<hbm>>, %arg3: memref<32x40x128xi32, #tpu.memory_space<hbm>>, %arg4: memref<10240x16xf32, #tpu.memory_space<hbm>>, %arg5: memref<2x10240x16xf32, #tpu.memory_space<hbm>>, %arg6: memref<40x128xi32, #tpu.memory_space<vmem>>, %arg7: memref<5120x16xf32, #tpu.memory_space<vmem>>, %arg8: memref<10240x16xf32, #tpu.memory_space<vmem_shared>>) attributes {dimension_semantics = [#tpu.dimension_semantics<core_parallel>, #tpu.dimension_semantics<subcore_parallel>], iteration_bounds = array<i64: 2, 16>, scalar_prefetch = 0 : i64, scratch_operands = 3 : i64, tpu.core_type = #tpu.core_type<sc_vector_subcore>, window_params = [{transform_indices = #map}, {transform_indices = #map1}, {transform_indices = #map}, {transform_indices = #map1}]} {
    %mul3A = arith.constant 2 : i32
    %mul3A_0 = arith.muli %arg1, %mul3A : i32
    %add3A = arith.addi %mul3A_0, %arg0 : i32
    %mul3A_1 = arith.constant 640 : i32
    %mul3A_2 = arith.muli %arg1, %mul3A_1 : i32
    %mul3A_3 = arith.constant 640 : i32
    %mul3A_4 = arith.muli %arg1, %mul3A_3 : i32
    "tpu.region"() ({
      %run_scoped3A = tpu.sem_alloc : memref<!tpu.dma_semaphore, #tpu.memory_space<semaphore_mem>>
      %dma_start3A = arith.constant 0 : i32
      %dma_start3A_16 = tpu.memref_slice %arg8[%mul3A_4, %dma_start3A] : memref<10240x16xf32, #tpu.memory_space<vmem_shared>> -> memref<640x16xf32, #tpu.memory_space<vmem_shared>>
      %dma_start3A_17 = arith.constant 0 : i32
      %dma_start3A_18 = tpu.memref_slice %arg4[%mul3A_2, %dma_start3A_17] : memref<10240x16xf32, #tpu.memory_space<hbm>> -> memref<640x16xf32, #tpu.memory_space<hbm>>
      tpu.enqueue_dma source(%dma_start3A_18 : memref<640x16xf32, #tpu.memory_space<hbm>>) target(%dma_start3A_16 : memref<640x16xf32, #tpu.memory_space<vmem_shared>>) target_semaphore(%run_scoped3A : memref<!tpu.dma_semaphore, #tpu.memory_space<semaphore_mem>>)
      %dma_wait3A = arith.constant 0 : i32
      %dma_wait3A_19 = tpu.memref_slice %arg8[%mul3A_4, %dma_wait3A] : memref<10240x16xf32, #tpu.memory_space<vmem_shared>> -> memref<640x16xf32, #tpu.memory_space<vmem_shared>>
      %dma_wait3A_20 = arith.constant 0 : i32
      %dma_wait3A_21 = tpu.memref_slice %arg4[%mul3A_2, %dma_wait3A_20] : memref<10240x16xf32, #tpu.memory_space<hbm>> -> memref<640x16xf32, #tpu.memory_space<hbm>>
      tpu.wait_dma2 semaphore(%run_scoped3A : memref<!tpu.dma_semaphore, #tpu.memory_space<semaphore_mem>>) src(%dma_wait3A_21 : memref<640x16xf32, #tpu.memory_space<hbm>>) dst(%dma_wait3A_19 : memref<640x16xf32, #tpu.memory_space<vmem_shared>>)
      tpu.yield
    }) : () -> ()
    "tpu.region"() ({
      %run_scoped3A = tpu.sem_alloc : memref<!tpu.dma_semaphore, #tpu.memory_space<semaphore_mem>>
      %dma_start3A = arith.constant 0 : i32
      %dma_start3A_16 = arith.constant 0 : i32
      %dma_start3A_17 = tpu.memref_slice %arg3[%add3A, %dma_start3A, %dma_start3A_16] : memref<32x40x128xi32, #tpu.memory_space<hbm>> -> memref<1x40x128xi32, #tpu.memory_space<hbm>>
      %dma_start3A_18 = tpu.memref_squeeze %dma_start3A_17 : memref<1x40x128xi32, #tpu.memory_space<hbm>> -> memref<40x128xi32, #tpu.memory_space<hbm>>
      %dma_start3A_19 = arith.constant 0 : i32
      %dma_start3A_20 = arith.constant 0 : i32
      %dma_start3A_21 = tpu.memref_slice %arg3[%add3A, %dma_start3A_19, %dma_start3A_20] : memref<32x40x128xi32, #tpu.memory_space<hbm>> -> memref<1x40x128xi32, #tpu.memory_space<hbm>>
      %dma_start3A_22 = tpu.memref_squeeze %dma_start3A_21 : memref<1x40x128xi32, #tpu.memory_space<hbm>> -> memref<40x128xi32, #tpu.memory_space<hbm>>
      tpu.enqueue_dma source(%dma_start3A_22 : memref<40x128xi32, #tpu.memory_space<hbm>>) target(%arg6 : memref<40x128xi32, #tpu.memory_space<vmem>>) target_semaphore(%run_scoped3A : memref<!tpu.dma_semaphore, #tpu.memory_space<semaphore_mem>>)
      %dma_wait3A = arith.constant 0 : i32
      %dma_wait3A_23 = arith.constant 0 : i32
      %dma_wait3A_24 = tpu.memref_slice %arg3[%add3A, %dma_wait3A, %dma_wait3A_23] : memref<32x40x128xi32, #tpu.memory_space<hbm>> -> memref<1x40x128xi32, #tpu.memory_space<hbm>>
      %dma_wait3A_25 = tpu.memref_squeeze %dma_wait3A_24 : memref<1x40x128xi32, #tpu.memory_space<hbm>> -> memref<40x128xi32, #tpu.memory_space<hbm>>
      %dma_wait3A_26 = arith.constant 0 : i32
      %dma_wait3A_27 = arith.constant 0 : i32
      %dma_wait3A_28 = tpu.memref_slice %arg3[%add3A, %dma_wait3A_26, %dma_wait3A_27] : memref<32x40x128xi32, #tpu.memory_space<hbm>> -> memref<1x40x128xi32, #tpu.memory_space<hbm>>
      %dma_wait3A_29 = tpu.memref_squeeze %dma_wait3A_28 : memref<1x40x128xi32, #tpu.memory_space<hbm>> -> memref<40x128xi32, #tpu.memory_space<hbm>>
      tpu.wait_dma2 semaphore(%run_scoped3A : memref<!tpu.dma_semaphore, #tpu.memory_space<semaphore_mem>>) src(%dma_wait3A_29 : memref<40x128xi32, #tpu.memory_space<hbm>>) dst(%arg6 : memref<40x128xi32, #tpu.memory_space<vmem>>)
      tpu.yield
    }) : () -> ()
    %mul3A_5 = arith.constant 5120 : i32
    %mul3A_6 = arith.muli %add3A, %mul3A_5 : i32
    "tpu.region"() ({
      %run_scoped3A = tpu.sem_alloc : memref<!tpu.dma_semaphore, #tpu.memory_space<semaphore_mem>>
      %dma_start3A = arith.constant 0 : i32
      %dma_start3A_16 = tpu.memref_slice %arg2[%mul3A_6, %dma_start3A] : memref<163840x16xf32, #tpu.memory_space<hbm>> -> memref<5120x16xf32, #tpu.memory_space<hbm>>
      %dma_start3A_17 = arith.constant 0 : i32
      %dma_start3A_18 = tpu.memref_slice %arg2[%mul3A_6, %dma_start3A_17] : memref<163840x16xf32, #tpu.memory_space<hbm>> -> memref<5120x16xf32, #tpu.memory_space<hbm>>
      tpu.enqueue_dma source(%dma_start3A_18 : memref<5120x16xf32, #tpu.memory_space<hbm>>) target(%arg7 : memref<5120x16xf32, #tpu.memory_space<vmem>>) target_semaphore(%run_scoped3A : memref<!tpu.dma_semaphore, #tpu.memory_space<semaphore_mem>>)
      %dma_wait3A = arith.constant 0 : i32
      %dma_wait3A_19 = tpu.memref_slice %arg2[%mul3A_6, %dma_wait3A] : memref<163840x16xf32, #tpu.memory_space<hbm>> -> memref<5120x16xf32, #tpu.memory_space<hbm>>
      %dma_wait3A_20 = arith.constant 0 : i32
      %dma_wait3A_21 = tpu.memref_slice %arg2[%mul3A_6, %dma_wait3A_20] : memref<163840x16xf32, #tpu.memory_space<hbm>> -> memref<5120x16xf32, #tpu.memory_space<hbm>>
      tpu.wait_dma2 semaphore(%run_scoped3A : memref<!tpu.dma_semaphore, #tpu.memory_space<semaphore_mem>>) src(%dma_wait3A_21 : memref<5120x16xf32, #tpu.memory_space<hbm>>) dst(%arg7 : memref<5120x16xf32, #tpu.memory_space<vmem>>)
      tpu.yield
    }) : () -> ()
    %barrier3A = arith.constant 0 : index
    tpu.barrier barrier_id(%barrier3A)
    %scan3A = arith.constant 0 : i32
    %scan3A_7 = arith.constant 40 : i32
    %scan3A_8 = arith.addi %scan3A, %scan3A_7 : i32
    %scan3A_9 = arith.constant 1 : i32
    scf.for %scan3A_16 = %scan3A to %scan3A_8 step %scan3A_9  : i32 {
      %mul3A_17 = arith.constant 1 : i32
      %mul3A_18 = arith.muli %scan3A_16, %mul3A_17 : i32
      %add3A_19 = arith.constant 0 : i32
      %add3A_20 = arith.addi %add3A_19, %mul3A_18 : i32
      %mul3A_21 = arith.constant 128 : i32
      %mul3A_22 = arith.muli %add3A_20, %mul3A_21 : i32
      "tpu.region"() ({
        %run_scoped3A = tpu.sem_alloc : memref<!tpu.dma_semaphore, #tpu.memory_space<semaphore_mem>>
        %dma_start3A = arith.constant 0 : i32
        %dma_start3A_23 = tpu.memref_slice %arg7[%mul3A_22, %dma_start3A] : memref<5120x16xf32, #tpu.memory_space<vmem>> -> memref<128x16xf32, #tpu.memory_space<vmem>>
        %dma_start3A_24 = arith.constant 0 : i32
        %dma_start3A_25 = tpu.memref_slice %arg6[%add3A_20, %dma_start3A_24] : memref<40x128xi32, #tpu.memory_space<vmem>> -> memref<1x128xi32, #tpu.memory_space<vmem>>
        %dma_start3A_26 = tpu.memref_squeeze %dma_start3A_25 : memref<1x128xi32, #tpu.memory_space<vmem>> -> memref<128xi32, #tpu.memory_space<vmem>>
        %dma_start3A_27 = arith.constant 0 : i32
        %dma_start3A_28 = arith.constant 0 : i32
        %dma_start3A_29 = tpu.memref_slice %arg8[%dma_start3A_27, %dma_start3A_28] : memref<10240x16xf32, #tpu.memory_space<vmem_shared>> -> memref<10240x16xf32, #tpu.memory_space<vmem_shared>>
        tpu.enqueue_indirect_dma source(%dma_start3A_23 : memref<128x16xf32, #tpu.memory_space<vmem>>) target(%dma_start3A_29 : memref<10240x16xf32, #tpu.memory_space<vmem_shared>>) offsets(%dma_start3A_26 : memref<128xi32, #tpu.memory_space<vmem>>) semaphore(%run_scoped3A : memref<!tpu.dma_semaphore, #tpu.memory_space<semaphore_mem>>) {add = true}
        %dma_wait3A = arith.constant 0 : i32
        %dma_wait3A_30 = tpu.memref_slice %arg7[%mul3A_22, %dma_wait3A] : memref<5120x16xf32, #tpu.memory_space<vmem>> -> memref<128x16xf32, #tpu.memory_space<vmem>>
        %dma_wait3A_31 = arith.constant 0 : i32
        %dma_wait3A_32 = tpu.memref_slice %arg6[%add3A_20, %dma_wait3A_31] : memref<40x128xi32, #tpu.memory_space<vmem>> -> memref<1x128xi32, #tpu.memory_space<vmem>>
        %dma_wait3A_33 = tpu.memref_squeeze %dma_wait3A_32 : memref<1x128xi32, #tpu.memory_space<vmem>> -> memref<128xi32, #tpu.memory_space<vmem>>
        %dma_wait3A_34 = arith.constant 0 : i32
        %dma_wait3A_35 = arith.constant 0 : i32
        %dma_wait3A_36 = tpu.memref_slice %arg8[%dma_wait3A_34, %dma_wait3A_35] : memref<10240x16xf32, #tpu.memory_space<vmem_shared>> -> memref<10240x16xf32, #tpu.memory_space<vmem_shared>>
        tpu.wait_indirect_dma semaphore(%run_scoped3A : memref<!tpu.dma_semaphore, #tpu.memory_space<semaphore_mem>>) src(%dma_wait3A_30 : memref<128x16xf32, #tpu.memory_space<vmem>>) dst(%dma_wait3A_36 : memref<10240x16xf32, #tpu.memory_space<vmem_shared>>)
        tpu.yield
      }) : () -> ()
    }
    %scan3A_10 = arith.constant 40 : i32
    %barrier3A_11 = arith.constant 0 : index
    tpu.barrier barrier_id(%barrier3A_11)
    %mul3A_12 = arith.constant 640 : i32
    %mul3A_13 = arith.muli %arg1, %mul3A_12 : i32
    %mul3A_14 = arith.constant 640 : i32
    %mul3A_15 = arith.muli %arg1, %mul3A_14 : i32
    "tpu.region"() ({
      %run_scoped3A = tpu.sem_alloc : memref<!tpu.dma_semaphore, #tpu.memory_space<semaphore_mem>>
      %dma_start3A = arith.constant 0 : i32
      %dma_start3A_16 = tpu.memref_slice %arg5[%arg0, %mul3A_15, %dma_start3A] : memref<2x10240x16xf32, #tpu.memory_space<hbm>> -> memref<1x640x16xf32, #tpu.memory_space<hbm>>
      %dma_start3A_17 = tpu.memref_squeeze %dma_start3A_16 : memref<1x640x16xf32, #tpu.memory_space<hbm>> -> memref<640x16xf32, #tpu.memory_space<hbm>>
      %dma_start3A_18 = arith.constant 0 : i32
      %dma_start3A_19 = tpu.memref_slice %arg8[%mul3A_13, %dma_start3A_18] : memref<10240x16xf32, #tpu.memory_space<vmem_shared>> -> memref<640x16xf32, #tpu.memory_space<vmem_shared>>
      tpu.enqueue_dma source(%dma_start3A_19 : memref<640x16xf32, #tpu.memory_space<vmem_shared>>) target(%dma_start3A_17 : memref<640x16xf32, #tpu.memory_space<hbm>>) target_semaphore(%run_scoped3A : memref<!tpu.dma_semaphore, #tpu.memory_space<semaphore_mem>>)
      %dma_wait3A = arith.constant 0 : i32
      %dma_wait3A_20 = tpu.memref_slice %arg5[%arg0, %mul3A_15, %dma_wait3A] : memref<2x10240x16xf32, #tpu.memory_space<hbm>> -> memref<1x640x16xf32, #tpu.memory_space<hbm>>
      %dma_wait3A_21 = tpu.memref_squeeze %dma_wait3A_20 : memref<1x640x16xf32, #tpu.memory_space<hbm>> -> memref<640x16xf32, #tpu.memory_space<hbm>>
      %dma_wait3A_22 = arith.constant 0 : i32
      %dma_wait3A_23 = tpu.memref_slice %arg8[%mul3A_13, %dma_wait3A_22] : memref<10240x16xf32, #tpu.memory_space<vmem_shared>> -> memref<640x16xf32, #tpu.memory_space<vmem_shared>>
      tpu.wait_dma2 semaphore(%run_scoped3A : memref<!tpu.dma_semaphore, #tpu.memory_space<semaphore_mem>>) src(%dma_wait3A_23 : memref<640x16xf32, #tpu.memory_space<vmem_shared>>) dst(%dma_wait3A_21 : memref<640x16xf32, #tpu.memory_space<hbm>>)
      tpu.yield
    }) : () -> ()
    return
  }
}

#map = affine_map<(d0, d1) -> (0, 0)>
#map1 = affine_map<(d0, d1) -> (0, 0, 0)>
module attributes {stable_mosaic.version = 14 : i64} {
  func.func @body(%arg0: i32, %arg1: i32, %arg2: memref<10000x8xf32, #tpu.memory_space<hbm>>, %arg3: memref<10000x8xf32, #tpu.memory_space<hbm>>, %arg4: memref<32x40x128xi32, #tpu.memory_space<hbm>>, %arg5: memref<32x40x128xi32, #tpu.memory_space<hbm>>, %arg6: memref<163840x8xf32, #tpu.memory_space<hbm>>, %arg7: memref<163840x8xf32, #tpu.memory_space<hbm>>, %arg8: memref<40x128xi32, #tpu.memory_space<vmem>>, %arg9: memref<40x128xi32, #tpu.memory_space<vmem>>, %arg10: memref<5120x8xf32, #tpu.memory_space<vmem>>, %arg11: memref<5120x8xf32, #tpu.memory_space<vmem>>, %arg12: memref<!tpu.dma_semaphore, #tpu.memory_space<semaphore_mem>>, %arg13: memref<!tpu.dma_semaphore, #tpu.memory_space<semaphore_mem>>) attributes {dimension_semantics = [#tpu.dimension_semantics<core_parallel>, #tpu.dimension_semantics<subcore_parallel>], iteration_bounds = array<i64: 2, 16>, scalar_prefetch = 0 : i64, scratch_operands = 6 : i64, tpu.core_type = #tpu.core_type<sc_vector_subcore>, window_params = [{transform_indices = #map}, {transform_indices = #map}, {transform_indices = #map1}, {transform_indices = #map1}, {transform_indices = #map}, {transform_indices = #map}]} {
    %mul3A = arith.constant 2 : i32
    %mul3A_0 = arith.muli %arg1, %mul3A : i32
    %add3A = arith.addi %mul3A_0, %arg0 : i32
    "tpu.region"() ({
      %run_scoped3A = tpu.sem_alloc : memref<!tpu.dma_semaphore, #tpu.memory_space<semaphore_mem>>
      %dma_start3A = arith.constant 0 : i32
      %dma_start3A_14 = arith.constant 0 : i32
      %dma_start3A_15 = tpu.memref_slice %arg4[%add3A, %dma_start3A, %dma_start3A_14] : memref<32x40x128xi32, #tpu.memory_space<hbm>> -> memref<1x40x128xi32, #tpu.memory_space<hbm>>
      %dma_start3A_16 = tpu.memref_squeeze %dma_start3A_15 : memref<1x40x128xi32, #tpu.memory_space<hbm>> -> memref<40x128xi32, #tpu.memory_space<hbm>>
      %dma_start3A_17 = arith.constant 0 : i32
      %dma_start3A_18 = arith.constant 0 : i32
      %dma_start3A_19 = tpu.memref_slice %arg4[%add3A, %dma_start3A_17, %dma_start3A_18] : memref<32x40x128xi32, #tpu.memory_space<hbm>> -> memref<1x40x128xi32, #tpu.memory_space<hbm>>
      %dma_start3A_20 = tpu.memref_squeeze %dma_start3A_19 : memref<1x40x128xi32, #tpu.memory_space<hbm>> -> memref<40x128xi32, #tpu.memory_space<hbm>>
      tpu.enqueue_dma source(%dma_start3A_20 : memref<40x128xi32, #tpu.memory_space<hbm>>) target(%arg8 : memref<40x128xi32, #tpu.memory_space<vmem>>) target_semaphore(%run_scoped3A : memref<!tpu.dma_semaphore, #tpu.memory_space<semaphore_mem>>)
      %dma_wait3A = arith.constant 0 : i32
      %dma_wait3A_21 = arith.constant 0 : i32
      %dma_wait3A_22 = tpu.memref_slice %arg4[%add3A, %dma_wait3A, %dma_wait3A_21] : memref<32x40x128xi32, #tpu.memory_space<hbm>> -> memref<1x40x128xi32, #tpu.memory_space<hbm>>
      %dma_wait3A_23 = tpu.memref_squeeze %dma_wait3A_22 : memref<1x40x128xi32, #tpu.memory_space<hbm>> -> memref<40x128xi32, #tpu.memory_space<hbm>>
      %dma_wait3A_24 = arith.constant 0 : i32
      %dma_wait3A_25 = arith.constant 0 : i32
      %dma_wait3A_26 = tpu.memref_slice %arg4[%add3A, %dma_wait3A_24, %dma_wait3A_25] : memref<32x40x128xi32, #tpu.memory_space<hbm>> -> memref<1x40x128xi32, #tpu.memory_space<hbm>>
      %dma_wait3A_27 = tpu.memref_squeeze %dma_wait3A_26 : memref<1x40x128xi32, #tpu.memory_space<hbm>> -> memref<40x128xi32, #tpu.memory_space<hbm>>
      tpu.wait_dma2 semaphore(%run_scoped3A : memref<!tpu.dma_semaphore, #tpu.memory_space<semaphore_mem>>) src(%dma_wait3A_27 : memref<40x128xi32, #tpu.memory_space<hbm>>) dst(%arg8 : memref<40x128xi32, #tpu.memory_space<vmem>>)
      tpu.yield
    }) : () -> ()
    "tpu.region"() ({
      %run_scoped3A = tpu.sem_alloc : memref<!tpu.dma_semaphore, #tpu.memory_space<semaphore_mem>>
      %dma_start3A = arith.constant 0 : i32
      %dma_start3A_14 = arith.constant 0 : i32
      %dma_start3A_15 = tpu.memref_slice %arg5[%add3A, %dma_start3A, %dma_start3A_14] : memref<32x40x128xi32, #tpu.memory_space<hbm>> -> memref<1x40x128xi32, #tpu.memory_space<hbm>>
      %dma_start3A_16 = tpu.memref_squeeze %dma_start3A_15 : memref<1x40x128xi32, #tpu.memory_space<hbm>> -> memref<40x128xi32, #tpu.memory_space<hbm>>
      %dma_start3A_17 = arith.constant 0 : i32
      %dma_start3A_18 = arith.constant 0 : i32
      %dma_start3A_19 = tpu.memref_slice %arg5[%add3A, %dma_start3A_17, %dma_start3A_18] : memref<32x40x128xi32, #tpu.memory_space<hbm>> -> memref<1x40x128xi32, #tpu.memory_space<hbm>>
      %dma_start3A_20 = tpu.memref_squeeze %dma_start3A_19 : memref<1x40x128xi32, #tpu.memory_space<hbm>> -> memref<40x128xi32, #tpu.memory_space<hbm>>
      tpu.enqueue_dma source(%dma_start3A_20 : memref<40x128xi32, #tpu.memory_space<hbm>>) target(%arg9 : memref<40x128xi32, #tpu.memory_space<vmem>>) target_semaphore(%run_scoped3A : memref<!tpu.dma_semaphore, #tpu.memory_space<semaphore_mem>>)
      %dma_wait3A = arith.constant 0 : i32
      %dma_wait3A_21 = arith.constant 0 : i32
      %dma_wait3A_22 = tpu.memref_slice %arg5[%add3A, %dma_wait3A, %dma_wait3A_21] : memref<32x40x128xi32, #tpu.memory_space<hbm>> -> memref<1x40x128xi32, #tpu.memory_space<hbm>>
      %dma_wait3A_23 = tpu.memref_squeeze %dma_wait3A_22 : memref<1x40x128xi32, #tpu.memory_space<hbm>> -> memref<40x128xi32, #tpu.memory_space<hbm>>
      %dma_wait3A_24 = arith.constant 0 : i32
      %dma_wait3A_25 = arith.constant 0 : i32
      %dma_wait3A_26 = tpu.memref_slice %arg5[%add3A, %dma_wait3A_24, %dma_wait3A_25] : memref<32x40x128xi32, #tpu.memory_space<hbm>> -> memref<1x40x128xi32, #tpu.memory_space<hbm>>
      %dma_wait3A_27 = tpu.memref_squeeze %dma_wait3A_26 : memref<1x40x128xi32, #tpu.memory_space<hbm>> -> memref<40x128xi32, #tpu.memory_space<hbm>>
      tpu.wait_dma2 semaphore(%run_scoped3A : memref<!tpu.dma_semaphore, #tpu.memory_space<semaphore_mem>>) src(%dma_wait3A_27 : memref<40x128xi32, #tpu.memory_space<hbm>>) dst(%arg9 : memref<40x128xi32, #tpu.memory_space<vmem>>)
      tpu.yield
    }) : () -> ()
    %scan3A = arith.constant 0 : i32
    %scan3A_1 = arith.constant 40 : i32
    %scan3A_2 = arith.addi %scan3A, %scan3A_1 : i32
    %scan3A_3 = arith.constant 1 : i32
    scf.for %scan3A_14 = %scan3A to %scan3A_2 step %scan3A_3  : i32 {
      %mul3A_15 = arith.constant 1 : i32
      %mul3A_16 = arith.muli %scan3A_14, %mul3A_15 : i32
      %add3A_17 = arith.constant 0 : i32
      %add3A_18 = arith.addi %add3A_17, %mul3A_16 : i32
      %mul3A_19 = arith.constant 128 : i32
      %mul3A_20 = arith.muli %add3A_18, %mul3A_19 : i32
      %dma_start3A = arith.constant 0 : i32
      %dma_start3A_21 = tpu.memref_slice %arg10[%mul3A_20, %dma_start3A] : memref<5120x8xf32, #tpu.memory_space<vmem>> -> memref<128x8xf32, #tpu.memory_space<vmem>>
      %dma_start3A_22 = arith.constant 0 : i32
      %dma_start3A_23 = tpu.memref_slice %arg8[%add3A_18, %dma_start3A_22] : memref<40x128xi32, #tpu.memory_space<vmem>> -> memref<1x128xi32, #tpu.memory_space<vmem>>
      %dma_start3A_24 = tpu.memref_squeeze %dma_start3A_23 : memref<1x128xi32, #tpu.memory_space<vmem>> -> memref<128xi32, #tpu.memory_space<vmem>>
      %dma_start3A_25 = arith.constant 0 : i32
      %dma_start3A_26 = arith.constant 0 : i32
      %dma_start3A_27 = tpu.memref_slice %arg2[%dma_start3A_25, %dma_start3A_26] : memref<10000x8xf32, #tpu.memory_space<hbm>> -> memref<10000x8xf32, #tpu.memory_space<hbm>>
      tpu.enqueue_indirect_dma source(%dma_start3A_27 : memref<10000x8xf32, #tpu.memory_space<hbm>>) target(%dma_start3A_21 : memref<128x8xf32, #tpu.memory_space<vmem>>) offsets(%dma_start3A_24 : memref<128xi32, #tpu.memory_space<vmem>>) semaphore(%arg12 : memref<!tpu.dma_semaphore, #tpu.memory_space<semaphore_mem>>)
      %mul3A_28 = arith.constant 128 : i32
      %mul3A_29 = arith.muli %add3A_18, %mul3A_28 : i32
      %dma_start3A_30 = arith.constant 0 : i32
      %dma_start3A_31 = tpu.memref_slice %arg11[%mul3A_29, %dma_start3A_30] : memref<5120x8xf32, #tpu.memory_space<vmem>> -> memref<128x8xf32, #tpu.memory_space<vmem>>
      %dma_start3A_32 = arith.constant 0 : i32
      %dma_start3A_33 = tpu.memref_slice %arg9[%add3A_18, %dma_start3A_32] : memref<40x128xi32, #tpu.memory_space<vmem>> -> memref<1x128xi32, #tpu.memory_space<vmem>>
      %dma_start3A_34 = tpu.memref_squeeze %dma_start3A_33 : memref<1x128xi32, #tpu.memory_space<vmem>> -> memref<128xi32, #tpu.memory_space<vmem>>
      %dma_start3A_35 = arith.constant 0 : i32
      %dma_start3A_36 = arith.constant 0 : i32
      %dma_start3A_37 = tpu.memref_slice %arg3[%dma_start3A_35, %dma_start3A_36] : memref<10000x8xf32, #tpu.memory_space<hbm>> -> memref<10000x8xf32, #tpu.memory_space<hbm>>
      tpu.enqueue_indirect_dma source(%dma_start3A_37 : memref<10000x8xf32, #tpu.memory_space<hbm>>) target(%dma_start3A_31 : memref<128x8xf32, #tpu.memory_space<vmem>>) offsets(%dma_start3A_34 : memref<128xi32, #tpu.memory_space<vmem>>) semaphore(%arg13 : memref<!tpu.dma_semaphore, #tpu.memory_space<semaphore_mem>>)
    }
    %scan3A_4 = arith.constant 40 : i32
    %scan3A_5 = arith.constant 0 : i32
    %scan3A_6 = arith.constant 40 : i32
    %scan3A_7 = arith.addi %scan3A_5, %scan3A_6 : i32
    %scan3A_8 = arith.constant 1 : i32
    scf.for %scan3A_14 = %scan3A_5 to %scan3A_7 step %scan3A_8  : i32 {
      %mul3A_15 = arith.constant 1 : i32
      %mul3A_16 = arith.muli %scan3A_14, %mul3A_15 : i32
      %add3A_17 = arith.constant 0 : i32
      %add3A_18 = arith.addi %add3A_17, %mul3A_16 : i32
      %mul3A_19 = arith.constant 128 : i32
      %mul3A_20 = arith.muli %add3A_18, %mul3A_19 : i32
      %dma_wait3A = arith.constant 0 : i32
      %dma_wait3A_21 = tpu.memref_slice %arg10[%mul3A_20, %dma_wait3A] : memref<5120x8xf32, #tpu.memory_space<vmem>> -> memref<128x8xf32, #tpu.memory_space<vmem>>
      %dma_wait3A_22 = arith.constant 0 : i32
      %dma_wait3A_23 = tpu.memref_slice %arg8[%add3A_18, %dma_wait3A_22] : memref<40x128xi32, #tpu.memory_space<vmem>> -> memref<1x128xi32, #tpu.memory_space<vmem>>
      %dma_wait3A_24 = tpu.memref_squeeze %dma_wait3A_23 : memref<1x128xi32, #tpu.memory_space<vmem>> -> memref<128xi32, #tpu.memory_space<vmem>>
      %dma_wait3A_25 = arith.constant 0 : i32
      %dma_wait3A_26 = arith.constant 0 : i32
      %dma_wait3A_27 = tpu.memref_slice %arg2[%dma_wait3A_25, %dma_wait3A_26] : memref<10000x8xf32, #tpu.memory_space<hbm>> -> memref<10000x8xf32, #tpu.memory_space<hbm>>
      tpu.wait_indirect_dma semaphore(%arg12 : memref<!tpu.dma_semaphore, #tpu.memory_space<semaphore_mem>>) src(%dma_wait3A_27 : memref<10000x8xf32, #tpu.memory_space<hbm>>) dst(%dma_wait3A_21 : memref<128x8xf32, #tpu.memory_space<vmem>>)
      %mul3A_28 = arith.constant 128 : i32
      %mul3A_29 = arith.muli %add3A_18, %mul3A_28 : i32
      %dma_wait3A_30 = arith.constant 0 : i32
      %dma_wait3A_31 = tpu.memref_slice %arg11[%mul3A_29, %dma_wait3A_30] : memref<5120x8xf32, #tpu.memory_space<vmem>> -> memref<128x8xf32, #tpu.memory_space<vmem>>
      %dma_wait3A_32 = arith.constant 0 : i32
      %dma_wait3A_33 = tpu.memref_slice %arg9[%add3A_18, %dma_wait3A_32] : memref<40x128xi32, #tpu.memory_space<vmem>> -> memref<1x128xi32, #tpu.memory_space<vmem>>
      %dma_wait3A_34 = tpu.memref_squeeze %dma_wait3A_33 : memref<1x128xi32, #tpu.memory_space<vmem>> -> memref<128xi32, #tpu.memory_space<vmem>>
      %dma_wait3A_35 = arith.constant 0 : i32
      %dma_wait3A_36 = arith.constant 0 : i32
      %dma_wait3A_37 = tpu.memref_slice %arg3[%dma_wait3A_35, %dma_wait3A_36] : memref<10000x8xf32, #tpu.memory_space<hbm>> -> memref<10000x8xf32, #tpu.memory_space<hbm>>
      tpu.wait_indirect_dma semaphore(%arg13 : memref<!tpu.dma_semaphore, #tpu.memory_space<semaphore_mem>>) src(%dma_wait3A_37 : memref<10000x8xf32, #tpu.memory_space<hbm>>) dst(%dma_wait3A_31 : memref<128x8xf32, #tpu.memory_space<vmem>>)
    }
    %scan3A_9 = arith.constant 40 : i32
    %mul3A_10 = arith.constant 5120 : i32
    %mul3A_11 = arith.muli %add3A, %mul3A_10 : i32
    "tpu.region"() ({
      %run_scoped3A = tpu.sem_alloc : memref<!tpu.dma_semaphore, #tpu.memory_space<semaphore_mem>>
      %dma_start3A = arith.constant 0 : i32
      %dma_start3A_14 = tpu.memref_slice %arg6[%mul3A_11, %dma_start3A] : memref<163840x8xf32, #tpu.memory_space<hbm>> -> memref<5120x8xf32, #tpu.memory_space<hbm>>
      %dma_start3A_15 = arith.constant 0 : i32
      %dma_start3A_16 = tpu.memref_slice %arg6[%mul3A_11, %dma_start3A_15] : memref<163840x8xf32, #tpu.memory_space<hbm>> -> memref<5120x8xf32, #tpu.memory_space<hbm>>
      tpu.enqueue_dma source(%arg10 : memref<5120x8xf32, #tpu.memory_space<vmem>>) target(%dma_start3A_16 : memref<5120x8xf32, #tpu.memory_space<hbm>>) target_semaphore(%run_scoped3A : memref<!tpu.dma_semaphore, #tpu.memory_space<semaphore_mem>>)
      %dma_wait3A = arith.constant 0 : i32
      %dma_wait3A_17 = tpu.memref_slice %arg6[%mul3A_11, %dma_wait3A] : memref<163840x8xf32, #tpu.memory_space<hbm>> -> memref<5120x8xf32, #tpu.memory_space<hbm>>
      %dma_wait3A_18 = arith.constant 0 : i32
      %dma_wait3A_19 = tpu.memref_slice %arg6[%mul3A_11, %dma_wait3A_18] : memref<163840x8xf32, #tpu.memory_space<hbm>> -> memref<5120x8xf32, #tpu.memory_space<hbm>>
      tpu.wait_dma2 semaphore(%run_scoped3A : memref<!tpu.dma_semaphore, #tpu.memory_space<semaphore_mem>>) src(%arg10 : memref<5120x8xf32, #tpu.memory_space<vmem>>) dst(%dma_wait3A_19 : memref<5120x8xf32, #tpu.memory_space<hbm>>)
      tpu.yield
    }) : () -> ()
    %mul3A_12 = arith.constant 5120 : i32
    %mul3A_13 = arith.muli %add3A, %mul3A_12 : i32
    "tpu.region"() ({
      %run_scoped3A = tpu.sem_alloc : memref<!tpu.dma_semaphore, #tpu.memory_space<semaphore_mem>>
      %dma_start3A = arith.constant 0 : i32
      %dma_start3A_14 = tpu.memref_slice %arg7[%mul3A_13, %dma_start3A] : memref<163840x8xf32, #tpu.memory_space<hbm>> -> memref<5120x8xf32, #tpu.memory_space<hbm>>
      %dma_start3A_15 = arith.constant 0 : i32
      %dma_start3A_16 = tpu.memref_slice %arg7[%mul3A_13, %dma_start3A_15] : memref<163840x8xf32, #tpu.memory_space<hbm>> -> memref<5120x8xf32, #tpu.memory_space<hbm>>
      tpu.enqueue_dma source(%arg11 : memref<5120x8xf32, #tpu.memory_space<vmem>>) target(%dma_start3A_16 : memref<5120x8xf32, #tpu.memory_space<hbm>>) target_semaphore(%run_scoped3A : memref<!tpu.dma_semaphore, #tpu.memory_space<semaphore_mem>>)
      %dma_wait3A = arith.constant 0 : i32
      %dma_wait3A_17 = tpu.memref_slice %arg7[%mul3A_13, %dma_wait3A] : memref<163840x8xf32, #tpu.memory_space<hbm>> -> memref<5120x8xf32, #tpu.memory_space<hbm>>
      %dma_wait3A_18 = arith.constant 0 : i32
      %dma_wait3A_19 = tpu.memref_slice %arg7[%mul3A_13, %dma_wait3A_18] : memref<163840x8xf32, #tpu.memory_space<hbm>> -> memref<5120x8xf32, #tpu.memory_space<hbm>>
      tpu.wait_dma2 semaphore(%run_scoped3A : memref<!tpu.dma_semaphore, #tpu.memory_space<semaphore_mem>>) src(%arg11 : memref<5120x8xf32, #tpu.memory_space<vmem>>) dst(%dma_wait3A_19 : memref<5120x8xf32, #tpu.memory_space<hbm>>)
      tpu.yield
    }) : () -> ()
    return
  }
}

#map = affine_map<(d0, d1) -> (0, 0)>
#map1 = affine_map<(d0, d1) -> (0, 0, 0)>
module attributes {stable_mosaic.version = 14 : i64} {
  func.func @body(%arg0: i32, %arg1: i32, %arg2: memref<163840x16xf32, #tpu.memory_space<hbm>>, %arg3: memref<32x40x128xi32, #tpu.memory_space<hbm>>, %arg4: memref<10240x16xf32, #tpu.memory_space<hbm>>, %arg5: memref<2x10240x16xf32, #tpu.memory_space<hbm>>, %arg6: memref<40x128xi32, #tpu.memory_space<vmem>>, %arg7: memref<5120x16xf32, #tpu.memory_space<vmem>>, %arg8: memref<10240x16xf32, #tpu.memory_space<vmem_shared>>) attributes {dimension_semantics = [#tpu.dimension_semantics<core_parallel>, #tpu.dimension_semantics<subcore_parallel>], iteration_bounds = array<i64: 2, 16>, scalar_prefetch = 0 : i64, scratch_operands = 3 : i64, tpu.core_type = #tpu.core_type<sc_vector_subcore>, window_params = [{transform_indices = #map}, {transform_indices = #map1}, {transform_indices = #map}, {transform_indices = #map1}]} {
    %mul3A = arith.constant 2 : i32
    %mul3A_0 = arith.muli %arg1, %mul3A : i32
    %add3A = arith.addi %mul3A_0, %arg0 : i32
    %mul3A_1 = arith.constant 640 : i32
    %mul3A_2 = arith.muli %arg1, %mul3A_1 : i32
    %mul3A_3 = arith.constant 640 : i32
    %mul3A_4 = arith.muli %arg1, %mul3A_3 : i32
    "tpu.region"() ({
      %run_scoped3A = tpu.sem_alloc : memref<!tpu.dma_semaphore, #tpu.memory_space<semaphore_mem>>
      %dma_start3A = arith.constant 0 : i32
      %dma_start3A_16 = tpu.memref_slice %arg8[%mul3A_4, %dma_start3A] : memref<10240x16xf32, #tpu.memory_space<vmem_shared>> -> memref<640x16xf32, #tpu.memory_space<vmem_shared>>
      %dma_start3A_17 = arith.constant 0 : i32
      %dma_start3A_18 = tpu.memref_slice %arg4[%mul3A_2, %dma_start3A_17] : memref<10240x16xf32, #tpu.memory_space<hbm>> -> memref<640x16xf32, #tpu.memory_space<hbm>>
      tpu.enqueue_dma source(%dma_start3A_18 : memref<640x16xf32, #tpu.memory_space<hbm>>) target(%dma_start3A_16 : memref<640x16xf32, #tpu.memory_space<vmem_shared>>) target_semaphore(%run_scoped3A : memref<!tpu.dma_semaphore, #tpu.memory_space<semaphore_mem>>)
      %dma_wait3A = arith.constant 0 : i32
      %dma_wait3A_19 = tpu.memref_slice %arg8[%mul3A_4, %dma_wait3A] : memref<10240x16xf32, #tpu.memory_space<vmem_shared>> -> memref<640x16xf32, #tpu.memory_space<vmem_shared>>
      %dma_wait3A_20 = arith.constant 0 : i32
      %dma_wait3A_21 = tpu.memref_slice %arg4[%mul3A_2, %dma_wait3A_20] : memref<10240x16xf32, #tpu.memory_space<hbm>> -> memref<640x16xf32, #tpu.memory_space<hbm>>
      tpu.wait_dma2 semaphore(%run_scoped3A : memref<!tpu.dma_semaphore, #tpu.memory_space<semaphore_mem>>) src(%dma_wait3A_21 : memref<640x16xf32, #tpu.memory_space<hbm>>) dst(%dma_wait3A_19 : memref<640x16xf32, #tpu.memory_space<vmem_shared>>)
      tpu.yield
    }) : () -> ()
    "tpu.region"() ({
      %run_scoped3A = tpu.sem_alloc : memref<!tpu.dma_semaphore, #tpu.memory_space<semaphore_mem>>
      %dma_start3A = arith.constant 0 : i32
      %dma_start3A_16 = arith.constant 0 : i32
      %dma_start3A_17 = tpu.memref_slice %arg3[%add3A, %dma_start3A, %dma_start3A_16] : memref<32x40x128xi32, #tpu.memory_space<hbm>> -> memref<1x40x128xi32, #tpu.memory_space<hbm>>
      %dma_start3A_18 = tpu.memref_squeeze %dma_start3A_17 : memref<1x40x128xi32, #tpu.memory_space<hbm>> -> memref<40x128xi32, #tpu.memory_space<hbm>>
      %dma_start3A_19 = arith.constant 0 : i32
      %dma_start3A_20 = arith.constant 0 : i32
      %dma_start3A_21 = tpu.memref_slice %arg3[%add3A, %dma_start3A_19, %dma_start3A_20] : memref<32x40x128xi32, #tpu.memory_space<hbm>> -> memref<1x40x128xi32, #tpu.memory_space<hbm>>
      %dma_start3A_22 = tpu.memref_squeeze %dma_start3A_21 : memref<1x40x128xi32, #tpu.memory_space<hbm>> -> memref<40x128xi32, #tpu.memory_space<hbm>>
      tpu.enqueue_dma source(%dma_start3A_22 : memref<40x128xi32, #tpu.memory_space<hbm>>) target(%arg6 : memref<40x128xi32, #tpu.memory_space<vmem>>) target_semaphore(%run_scoped3A : memref<!tpu.dma_semaphore, #tpu.memory_space<semaphore_mem>>)
      %dma_wait3A = arith.constant 0 : i32
      %dma_wait3A_23 = arith.constant 0 : i32
      %dma_wait3A_24 = tpu.memref_slice %arg3[%add3A, %dma_wait3A, %dma_wait3A_23] : memref<32x40x128xi32, #tpu.memory_space<hbm>> -> memref<1x40x128xi32, #tpu.memory_space<hbm>>
      %dma_wait3A_25 = tpu.memref_squeeze %dma_wait3A_24 : memref<1x40x128xi32, #tpu.memory_space<hbm>> -> memref<40x128xi32, #tpu.memory_space<hbm>>
      %dma_wait3A_26 = arith.constant 0 : i32
      %dma_wait3A_27 = arith.constant 0 : i32
      %dma_wait3A_28 = tpu.memref_slice %arg3[%add3A, %dma_wait3A_26, %dma_wait3A_27] : memref<32x40x128xi32, #tpu.memory_space<hbm>> -> memref<1x40x128xi32, #tpu.memory_space<hbm>>
      %dma_wait3A_29 = tpu.memref_squeeze %dma_wait3A_28 : memref<1x40x128xi32, #tpu.memory_space<hbm>> -> memref<40x128xi32, #tpu.memory_space<hbm>>
      tpu.wait_dma2 semaphore(%run_scoped3A : memref<!tpu.dma_semaphore, #tpu.memory_space<semaphore_mem>>) src(%dma_wait3A_29 : memref<40x128xi32, #tpu.memory_space<hbm>>) dst(%arg6 : memref<40x128xi32, #tpu.memory_space<vmem>>)
      tpu.yield
    }) : () -> ()
    %mul3A_5 = arith.constant 5120 : i32
    %mul3A_6 = arith.muli %add3A, %mul3A_5 : i32
    "tpu.region"() ({
      %run_scoped3A = tpu.sem_alloc : memref<!tpu.dma_semaphore, #tpu.memory_space<semaphore_mem>>
      %dma_start3A = arith.constant 0 : i32
      %dma_start3A_16 = tpu.memref_slice %arg2[%mul3A_6, %dma_start3A] : memref<163840x16xf32, #tpu.memory_space<hbm>> -> memref<5120x16xf32, #tpu.memory_space<hbm>>
      %dma_start3A_17 = arith.constant 0 : i32
      %dma_start3A_18 = tpu.memref_slice %arg2[%mul3A_6, %dma_start3A_17] : memref<163840x16xf32, #tpu.memory_space<hbm>> -> memref<5120x16xf32, #tpu.memory_space<hbm>>
      tpu.enqueue_dma source(%dma_start3A_18 : memref<5120x16xf32, #tpu.memory_space<hbm>>) target(%arg7 : memref<5120x16xf32, #tpu.memory_space<vmem>>) target_semaphore(%run_scoped3A : memref<!tpu.dma_semaphore, #tpu.memory_space<semaphore_mem>>)
      %dma_wait3A = arith.constant 0 : i32
      %dma_wait3A_19 = tpu.memref_slice %arg2[%mul3A_6, %dma_wait3A] : memref<163840x16xf32, #tpu.memory_space<hbm>> -> memref<5120x16xf32, #tpu.memory_space<hbm>>
      %dma_wait3A_20 = arith.constant 0 : i32
      %dma_wait3A_21 = tpu.memref_slice %arg2[%mul3A_6, %dma_wait3A_20] : memref<163840x16xf32, #tpu.memory_space<hbm>> -> memref<5120x16xf32, #tpu.memory_space<hbm>>
      tpu.wait_dma2 semaphore(%run_scoped3A : memref<!tpu.dma_semaphore, #tpu.memory_space<semaphore_mem>>) src(%dma_wait3A_21 : memref<5120x16xf32, #tpu.memory_space<hbm>>) dst(%arg7 : memref<5120x16xf32, #tpu.memory_space<vmem>>)
      tpu.yield
    }) : () -> ()
    %barrier3A = arith.constant 0 : index
    tpu.barrier barrier_id(%barrier3A)
    %scan3A = arith.constant 0 : i32
    %scan3A_7 = arith.constant 40 : i32
    %scan3A_8 = arith.addi %scan3A, %scan3A_7 : i32
    %scan3A_9 = arith.constant 1 : i32
    scf.for %scan3A_16 = %scan3A to %scan3A_8 step %scan3A_9  : i32 {
      %mul3A_17 = arith.constant 1 : i32
      %mul3A_18 = arith.muli %scan3A_16, %mul3A_17 : i32
      %add3A_19 = arith.constant 0 : i32
      %add3A_20 = arith.addi %add3A_19, %mul3A_18 : i32
      %mul3A_21 = arith.constant 128 : i32
      %mul3A_22 = arith.muli %add3A_20, %mul3A_21 : i32
      "tpu.region"() ({
        %run_scoped3A = tpu.sem_alloc : memref<!tpu.dma_semaphore, #tpu.memory_space<semaphore_mem>>
        %dma_start3A = arith.constant 0 : i32
        %dma_start3A_23 = tpu.memref_slice %arg7[%mul3A_22, %dma_start3A] : memref<5120x16xf32, #tpu.memory_space<vmem>> -> memref<128x16xf32, #tpu.memory_space<vmem>>
        %dma_start3A_24 = arith.constant 0 : i32
        %dma_start3A_25 = tpu.memref_slice %arg6[%add3A_20, %dma_start3A_24] : memref<40x128xi32, #tpu.memory_space<vmem>> -> memref<1x128xi32, #tpu.memory_space<vmem>>
        %dma_start3A_26 = tpu.memref_squeeze %dma_start3A_25 : memref<1x128xi32, #tpu.memory_space<vmem>> -> memref<128xi32, #tpu.memory_space<vmem>>
        %dma_start3A_27 = arith.constant 0 : i32
        %dma_start3A_28 = arith.constant 0 : i32
        %dma_start3A_29 = tpu.memref_slice %arg8[%dma_start3A_27, %dma_start3A_28] : memref<10240x16xf32, #tpu.memory_space<vmem_shared>> -> memref<10240x16xf32, #tpu.memory_space<vmem_shared>>
        tpu.enqueue_indirect_dma source(%dma_start3A_23 : memref<128x16xf32, #tpu.memory_space<vmem>>) target(%dma_start3A_29 : memref<10240x16xf32, #tpu.memory_space<vmem_shared>>) offsets(%dma_start3A_26 : memref<128xi32, #tpu.memory_space<vmem>>) semaphore(%run_scoped3A : memref<!tpu.dma_semaphore, #tpu.memory_space<semaphore_mem>>) {add = true}
        %dma_wait3A = arith.constant 0 : i32
        %dma_wait3A_30 = tpu.memref_slice %arg7[%mul3A_22, %dma_wait3A] : memref<5120x16xf32, #tpu.memory_space<vmem>> -> memref<128x16xf32, #tpu.memory_space<vmem>>
        %dma_wait3A_31 = arith.constant 0 : i32
        %dma_wait3A_32 = tpu.memref_slice %arg6[%add3A_20, %dma_wait3A_31] : memref<40x128xi32, #tpu.memory_space<vmem>> -> memref<1x128xi32, #tpu.memory_space<vmem>>
        %dma_wait3A_33 = tpu.memref_squeeze %dma_wait3A_32 : memref<1x128xi32, #tpu.memory_space<vmem>> -> memref<128xi32, #tpu.memory_space<vmem>>
        %dma_wait3A_34 = arith.constant 0 : i32
        %dma_wait3A_35 = arith.constant 0 : i32
        %dma_wait3A_36 = tpu.memref_slice %arg8[%dma_wait3A_34, %dma_wait3A_35] : memref<10240x16xf32, #tpu.memory_space<vmem_shared>> -> memref<10240x16xf32, #tpu.memory_space<vmem_shared>>
        tpu.wait_indirect_dma semaphore(%run_scoped3A : memref<!tpu.dma_semaphore, #tpu.memory_space<semaphore_mem>>) src(%dma_wait3A_30 : memref<128x16xf32, #tpu.memory_space<vmem>>) dst(%dma_wait3A_36 : memref<10240x16xf32, #tpu.memory_space<vmem_shared>>)
        tpu.yield
      }) : () -> ()
    }
    %scan3A_10 = arith.constant 40 : i32
    %barrier3A_11 = arith.constant 0 : index
    tpu.barrier barrier_id(%barrier3A_11)
    %mul3A_12 = arith.constant 640 : i32
    %mul3A_13 = arith.muli %arg1, %mul3A_12 : i32
    %mul3A_14 = arith.constant 640 : i32
    %mul3A_15 = arith.muli %arg1, %mul3A_14 : i32
    "tpu.region"() ({
      %run_scoped3A = tpu.sem_alloc : memref<!tpu.dma_semaphore, #tpu.memory_space<semaphore_mem>>
      %dma_start3A = arith.constant 0 : i32
      %dma_start3A_16 = tpu.memref_slice %arg5[%arg0, %mul3A_15, %dma_start3A] : memref<2x10240x16xf32, #tpu.memory_space<hbm>> -> memref<1x640x16xf32, #tpu.memory_space<hbm>>
      %dma_start3A_17 = tpu.memref_squeeze %dma_start3A_16 : memref<1x640x16xf32, #tpu.memory_space<hbm>> -> memref<640x16xf32, #tpu.memory_space<hbm>>
      %dma_start3A_18 = arith.constant 0 : i32
      %dma_start3A_19 = tpu.memref_slice %arg8[%mul3A_13, %dma_start3A_18] : memref<10240x16xf32, #tpu.memory_space<vmem_shared>> -> memref<640x16xf32, #tpu.memory_space<vmem_shared>>
      tpu.enqueue_dma source(%dma_start3A_19 : memref<640x16xf32, #tpu.memory_space<vmem_shared>>) target(%dma_start3A_17 : memref<640x16xf32, #tpu.memory_space<hbm>>) target_semaphore(%run_scoped3A : memref<!tpu.dma_semaphore, #tpu.memory_space<semaphore_mem>>)
      %dma_wait3A = arith.constant 0 : i32
      %dma_wait3A_20 = tpu.memref_slice %arg5[%arg0, %mul3A_15, %dma_wait3A] : memref<2x10240x16xf32, #tpu.memory_space<hbm>> -> memref<1x640x16xf32, #tpu.memory_space<hbm>>
      %dma_wait3A_21 = tpu.memref_squeeze %dma_wait3A_20 : memref<1x640x16xf32, #tpu.memory_space<hbm>> -> memref<640x16xf32, #tpu.memory_space<hbm>>
      %dma_wait3A_22 = arith.constant 0 : i32
      %dma_wait3A_23 = tpu.memref_slice %arg8[%mul3A_13, %dma_wait3A_22] : memref<10240x16xf32, #tpu.memory_space<vmem_shared>> -> memref<640x16xf32, #tpu.memory_space<vmem_shared>>
      tpu.wait_dma2 semaphore(%run_scoped3A : memref<!tpu.dma_semaphore, #tpu.memory_space<semaphore_mem>>) src(%dma_wait3A_23 : memref<640x16xf32, #tpu.memory_space<vmem_shared>>) dst(%dma_wait3A_21 : memref<640x16xf32, #tpu.memory_space<hbm>>)
      tpu.yield
    }) : () -> ()
    return
  }
}

module attributes {stable_mosaic.version = 14 : i64} {
  func.func @body(%arg0: memref<1000x3xf32, #tpu.memory_space<vmem>>, %arg1: memref<3x8xf32, #tpu.memory_space<vmem>>, %arg2: memref<1x8xf32, #tpu.memory_space<vmem>>, %arg3: memref<1000x16xf32, #tpu.memory_space<vmem>>) attributes {dimension_semantics = [], scalar_prefetch = 0 : i64, scratch_operands = 0 : i64, tpu.core_type = #tpu.core_type<tc>} {
    %get3A = arith.constant 0 : index
    %get3A_0 = arith.constant 0 : index
    %get3A_1 = vector.load %arg0[%get3A, %get3A_0] : memref<1000x3xf32, #tpu.memory_space<vmem>>, vector<1000x3xf32>
    %get3A_2 = arith.constant 0 : index
    %get3A_3 = arith.constant 0 : index
    %get3A_4 = vector.load %arg1[%get3A_2, %get3A_3] : memref<3x8xf32, #tpu.memory_space<vmem>>, vector<3x8xf32>
    %convert_element_type3A = arith.truncf %get3A_1 : vector<1000x3xf32> to vector<1000x3xbf16>
    %convert_element_type3A_5 = arith.truncf %get3A_4 : vector<3x8xf32> to vector<3x8xbf16>
    %dot_general3A = arith.constant dense<0.000000e+00> : vector<1000x8xf32>
    %dot_general3A_6 = tpu.matmul %convert_element_type3A, %convert_element_type3A_5, %dot_general3A {dimension_numbers = #tpu.dot_dimension_numbers<[1], [0], [0], [1], [0, 0, 1, 1], [], []>, transpose_lhs_hint = false} : vector<1000x3xbf16>, vector<3x8xbf16>, vector<1000x8xf32> -> vector<1000x8xf32>
    %get3A_7 = arith.constant 0 : index
    %get3A_8 = arith.constant 0 : index
    %get3A_9 = vector.load %arg2[%get3A_7, %get3A_8] : memref<1x8xf32, #tpu.memory_space<vmem>>, vector<1x8xf32>
    %add3A = vector.broadcast %get3A_9 : vector<1x8xf32> to vector<1000x8xf32>
    %add3A_10 = arith.addf %dot_general3A_6, %add3A : vector<1000x8xf32>
    %iota3A = tpu.iota {dimensions = array<i32: 1>} : vector<1000x16xi32>
    %concatenate3A = tpu.concatenate %add3A_10, %add3A_10 in 1 : vector<1000x8xf32>, vector<1000x8xf32> -> vector<1000x16xf32>
    %lt3A = arith.constant 8 : i32
    %lt3A_11 = vector.broadcast %lt3A : i32 to vector<1000x16xi32>
    %lt3A_12 = arith.cmpi slt, %iota3A, %lt3A_11 : vector<1000x16xi32>
    %eq3A = arith.constant 8 : i32
    %eq3A_13 = vector.broadcast %eq3A : i32 to vector<1000x16xi32>
    %eq3A_14 = arith.cmpi eq, %iota3A, %eq3A_13 : vector<1000x16xi32>
    %jit3A = arith.constant 1.000000e+00 : f32
    %jit3A_15 = arith.constant 0.000000e+00 : f32
    %broadcast_in_dim3A = vector.broadcast %jit3A : f32 to vector<1000x16xf32>
    %broadcast_in_dim3A_16 = vector.broadcast %jit3A_15 : f32 to vector<1000x16xf32>
    %select_n3A = arith.select %eq3A_14, %broadcast_in_dim3A, %broadcast_in_dim3A_16 : vector<1000x16xi1>, vector<1000x16xf32>
    %select_n3A_17 = arith.select %lt3A_12, %concatenate3A, %select_n3A : vector<1000x16xi1>, vector<1000x16xf32>
    %swap3A = arith.constant 0 : index
    %swap3A_18 = arith.constant 0 : index
    %swap3A_19 = vector.load %arg3[%swap3A, %swap3A_18] : memref<1000x16xf32, #tpu.memory_space<vmem>>, vector<1000x16xf32>
    tpu.vector_store %arg3[%swap3A, %swap3A_18], %select_n3A_17 {strides = array<i32>} : memref<1000x16xf32, #tpu.memory_space<vmem>>, vector<1000x16xf32>,
    return
  }
}

module attributes {stable_mosaic.version = 14 : i64} {
  func.func @body(%arg0: memref<2x1024x16xf32, #tpu.memory_space<vmem>>, %arg1: memref<8x8xf32, #tpu.memory_space<vmem>>, %arg2: memref<1x8xf32, #tpu.memory_space<vmem>>, %arg3: memref<1000x16xf32, #tpu.memory_space<vmem>>) attributes {dimension_semantics = [], scalar_prefetch = 0 : i64, scratch_operands = 0 : i64, tpu.core_type = #tpu.core_type<tc>} {
    %get3A = arith.constant 0 : index
    %get3A_0 = arith.constant 0 : index
    %get3A_1 = arith.constant 0 : index
    %get3A_2 = vector.load %arg0[%get3A, %get3A_0, %get3A_1] : memref<2x1024x16xf32, #tpu.memory_space<vmem>>, vector<2x1024x16xf32>
    %slice3A = vector.extract_strided_slice %get3A_2 {offsets = [0, 0, 0], sizes = [1, 1024, 16], strides = [1, 1, 1]} : vector<2x1024x16xf32> to vector<1x1024x16xf32>
    %squeeze3A = vector.shape_cast %slice3A : vector<1x1024x16xf32> to vector<1024x16xf32>
    %slice3A_3 = vector.extract_strided_slice %get3A_2 {offsets = [1, 0, 0], sizes = [1, 1024, 16], strides = [1, 1, 1]} : vector<2x1024x16xf32> to vector<1x1024x16xf32>
    %squeeze3A_4 = vector.shape_cast %slice3A_3 : vector<1x1024x16xf32> to vector<1024x16xf32>
    %add3A = arith.addf %squeeze3A, %squeeze3A_4 : vector<1024x16xf32>
    %slice3A_5 = vector.extract_strided_slice %add3A {offsets = [0, 0], sizes = [1000, 16], strides = [1, 1]} : vector<1024x16xf32> to vector<1000x16xf32>
    %slice3A_6 = vector.extract_strided_slice %slice3A_5 {offsets = [0, 0], sizes = [1000, 8], strides = [1, 1]} : vector<1000x16xf32> to vector<1000x8xf32>
    %slice3A_7 = vector.extract_strided_slice %slice3A_5 {offsets = [0, 8], sizes = [1000, 1], strides = [1, 1]} : vector<1000x16xf32> to vector<1000x1xf32>
    %max3A = arith.constant 1.000000e+00 : f32
    %max3A_8 = vector.broadcast %max3A : f32 to vector<1000x1xf32>
    %max3A_9 = arith.maximumf %slice3A_7, %max3A_8 : vector<1000x1xf32>
    %div3A = vector.broadcast %max3A_9 : vector<1000x1xf32> to vector<1000x8xf32>
    %div3A_10 = arith.divf %slice3A_6, %div3A : vector<1000x8xf32>
    %get3A_11 = arith.constant 0 : index
    %get3A_12 = arith.constant 0 : index
    %get3A_13 = vector.load %arg1[%get3A_11, %get3A_12] : memref<8x8xf32, #tpu.memory_space<vmem>>, vector<8x8xf32>
    %convert_element_type3A = arith.truncf %div3A_10 : vector<1000x8xf32> to vector<1000x8xbf16>
    %convert_element_type3A_14 = arith.truncf %get3A_13 : vector<8x8xf32> to vector<8x8xbf16>
    %dot_general3A = arith.constant dense<0.000000e+00> : vector<1000x8xf32>
    %dot_general3A_15 = tpu.matmul %convert_element_type3A, %convert_element_type3A_14, %dot_general3A {dimension_numbers = #tpu.dot_dimension_numbers<[1], [0], [0], [1], [0, 0, 1, 1], [], []>, transpose_lhs_hint = false} : vector<1000x8xbf16>, vector<8x8xbf16>, vector<1000x8xf32> -> vector<1000x8xf32>
    %get3A_16 = arith.constant 0 : index
    %get3A_17 = arith.constant 0 : index
    %get3A_18 = vector.load %arg2[%get3A_16, %get3A_17] : memref<1x8xf32, #tpu.memory_space<vmem>>, vector<1x8xf32>
    %add3A_19 = vector.broadcast %get3A_18 : vector<1x8xf32> to vector<1000x8xf32>
    %add3A_20 = arith.addf %dot_general3A_15, %add3A_19 : vector<1000x8xf32>
    %iota3A = tpu.iota {dimensions = array<i32: 1>} : vector<1000x16xi32>
    %concatenate3A = tpu.concatenate %add3A_20, %add3A_20 in 1 : vector<1000x8xf32>, vector<1000x8xf32> -> vector<1000x16xf32>
    %lt3A = arith.constant 8 : i32
    %lt3A_21 = vector.broadcast %lt3A : i32 to vector<1000x16xi32>
    %lt3A_22 = arith.cmpi slt, %iota3A, %lt3A_21 : vector<1000x16xi32>
    %eq3A = arith.constant 8 : i32
    %eq3A_23 = vector.broadcast %eq3A : i32 to vector<1000x16xi32>
    %eq3A_24 = arith.cmpi eq, %iota3A, %eq3A_23 : vector<1000x16xi32>
    %jit3A = arith.constant 1.000000e+00 : f32
    %jit3A_25 = arith.constant 0.000000e+00 : f32
    %broadcast_in_dim3A = vector.broadcast %jit3A : f32 to vector<1000x16xf32>
    %broadcast_in_dim3A_26 = vector.broadcast %jit3A_25 : f32 to vector<1000x16xf32>
    %select_n3A = arith.select %eq3A_24, %broadcast_in_dim3A, %broadcast_in_dim3A_26 : vector<1000x16xi1>, vector<1000x16xf32>
    %select_n3A_27 = arith.select %lt3A_22, %concatenate3A, %select_n3A : vector<1000x16xi1>, vector<1000x16xf32>
    %swap3A = arith.constant 0 : index
    %swap3A_28 = arith.constant 0 : index
    %swap3A_29 = vector.load %arg3[%swap3A, %swap3A_28] : memref<1000x16xf32, #tpu.memory_space<vmem>>, vector<1000x16xf32>
    tpu.vector_store %arg3[%swap3A, %swap3A_28], %select_n3A_27 {strides = array<i32>} : memref<1000x16xf32, #tpu.memory_space<vmem>>, vector<1000x16xf32>,
    return
  }
}

module attributes {stable_mosaic.version = 14 : i64} {
  func.func @body(%arg0: memref<2x1024x16xf32, #tpu.memory_space<vmem>>, %arg1: memref<1000x8xf32, #tpu.memory_space<vmem>>, %arg2: memref<1000x16xf32, #tpu.memory_space<vmem>>) attributes {dimension_semantics = [], scalar_prefetch = 0 : i64, scratch_operands = 0 : i64, tpu.core_type = #tpu.core_type<tc>} {
    %get3A = arith.constant 0 : index
    %get3A_0 = arith.constant 0 : index
    %get3A_1 = arith.constant 0 : index
    %get3A_2 = vector.load %arg0[%get3A, %get3A_0, %get3A_1] : memref<2x1024x16xf32, #tpu.memory_space<vmem>>, vector<2x1024x16xf32>
    %slice3A = vector.extract_strided_slice %get3A_2 {offsets = [0, 0, 0], sizes = [1, 1024, 16], strides = [1, 1, 1]} : vector<2x1024x16xf32> to vector<1x1024x16xf32>
    %squeeze3A = vector.shape_cast %slice3A : vector<1x1024x16xf32> to vector<1024x16xf32>
    %slice3A_3 = vector.extract_strided_slice %get3A_2 {offsets = [1, 0, 0], sizes = [1, 1024, 16], strides = [1, 1, 1]} : vector<2x1024x16xf32> to vector<1x1024x16xf32>
    %squeeze3A_4 = vector.shape_cast %slice3A_3 : vector<1x1024x16xf32> to vector<1024x16xf32>
    %add3A = arith.addf %squeeze3A, %squeeze3A_4 : vector<1024x16xf32>
    %slice3A_5 = vector.extract_strided_slice %add3A {offsets = [0, 0], sizes = [1000, 16], strides = [1, 1]} : vector<1024x16xf32> to vector<1000x16xf32>
    %slice3A_6 = vector.extract_strided_slice %slice3A_5 {offsets = [0, 0], sizes = [1000, 8], strides = [1, 1]} : vector<1000x16xf32> to vector<1000x8xf32>
    %slice3A_7 = vector.extract_strided_slice %slice3A_5 {offsets = [0, 8], sizes = [1000, 1], strides = [1, 1]} : vector<1000x16xf32> to vector<1000x1xf32>
    %max3A = arith.constant 1.000000e+00 : f32
    %max3A_8 = vector.broadcast %max3A : f32 to vector<1000x1xf32>
    %max3A_9 = arith.maximumf %slice3A_7, %max3A_8 : vector<1000x1xf32>
    %div3A = vector.broadcast %max3A_9 : vector<1000x1xf32> to vector<1000x8xf32>
    %div3A_10 = arith.divf %slice3A_6, %div3A : vector<1000x8xf32>
    %swap3A = arith.constant 0 : index
    %swap3A_11 = arith.constant 0 : index
    %swap3A_12 = vector.load %arg1[%swap3A, %swap3A_11] : memref<1000x8xf32, #tpu.memory_space<vmem>>, vector<1000x8xf32>
    tpu.vector_store %arg1[%swap3A, %swap3A_11], %div3A_10 {strides = array<i32>} : memref<1000x8xf32, #tpu.memory_space<vmem>>, vector<1000x8xf32>,
    %iota3A = tpu.iota {dimensions = array<i32: 1>} : vector<1000x16xi32>
    %concatenate3A = tpu.concatenate %div3A_10, %div3A_10 in 1 : vector<1000x8xf32>, vector<1000x8xf32> -> vector<1000x16xf32>
    %lt3A = arith.constant 8 : i32
    %lt3A_13 = vector.broadcast %lt3A : i32 to vector<1000x16xi32>
    %lt3A_14 = arith.cmpi slt, %iota3A, %lt3A_13 : vector<1000x16xi32>
    %eq3A = arith.constant 8 : i32
    %eq3A_15 = vector.broadcast %eq3A : i32 to vector<1000x16xi32>
    %eq3A_16 = arith.cmpi eq, %iota3A, %eq3A_15 : vector<1000x16xi32>
    %jit3A = arith.constant 0.000000e+00 : f32
    %jit3A_17 = arith.constant 0.000000e+00 : f32
    %broadcast_in_dim3A = vector.broadcast %jit3A : f32 to vector<1000x16xf32>
    %broadcast_in_dim3A_18 = vector.broadcast %jit3A_17 : f32 to vector<1000x16xf32>
    %select_n3A = arith.select %eq3A_16, %broadcast_in_dim3A, %broadcast_in_dim3A_18 : vector<1000x16xi1>, vector<1000x16xf32>
    %select_n3A_19 = arith.select %lt3A_14, %concatenate3A, %select_n3A : vector<1000x16xi1>, vector<1000x16xf32>
    %swap3A_20 = arith.constant 0 : index
    %swap3A_21 = arith.constant 0 : index
    %swap3A_22 = vector.load %arg2[%swap3A_20, %swap3A_21] : memref<1000x16xf32, #tpu.memory_space<vmem>>, vector<1000x16xf32>
    tpu.vector_store %arg2[%swap3A_20, %swap3A_21], %select_n3A_19 {strides = array<i32>} : memref<1000x16xf32, #tpu.memory_space<vmem>>, vector<1000x16xf32>,
    return
  }
}

module attributes {stable_mosaic.version = 14 : i64} {
  func.func @body(%arg0: i32, %arg1: memref<1000x6xf32, #tpu.memory_space<vmem>>, %arg2: memref<8x8xf32, #tpu.memory_space<vmem>>, %arg3: memref<2x1000x16xf32, #tpu.memory_space<vmem>>, %arg4: memref<6x128xf32, #tpu.memory_space<vmem>>, %arg5: memref<1x128xf32, #tpu.memory_space<vmem>>, %arg6: memref<128x128xf32, #tpu.memory_space<vmem>>, %arg7: memref<1x128xf32, #tpu.memory_space<vmem>>, %arg8: memref<128x8xf32, #tpu.memory_space<vmem>>, %arg9: memref<1x8xf32, #tpu.memory_space<vmem>>, %arg10: memref<6x128xf32, #tpu.memory_space<vmem>>, %arg11: memref<1x128xf32, #tpu.memory_space<vmem>>, %arg12: memref<128x128xf32, #tpu.memory_space<vmem>>, %arg13: memref<1x128xf32, #tpu.memory_space<vmem>>, %arg14: memref<128x8xf32, #tpu.memory_space<vmem>>, %arg15: memref<1x8xf32, #tpu.memory_space<vmem>>, %arg16: memref<8x128xf32, #tpu.memory_space<vmem>>, %arg17: memref<1x128xf32, #tpu.memory_space<vmem>>, %arg18: memref<128x128xf32, #tpu.memory_space<vmem>>, %arg19: memref<1x128xf32, #tpu.memory_space<vmem>>, %arg20: memref<128x8xf32, #tpu.memory_space<vmem>>, %arg21: memref<1x8xf32, #tpu.memory_space<vmem>>, %arg22: memref<6x128xf32, #tpu.memory_space<vmem>>, %arg23: memref<1x128xf32, #tpu.memory_space<vmem>>, %arg24: memref<128x128xf32, #tpu.memory_space<vmem>>, %arg25: memref<1x128xf32, #tpu.memory_space<vmem>>, %arg26: memref<128x8xf32, #tpu.memory_space<vmem>>, %arg27: memref<1x8xf32, #tpu.memory_space<vmem>>, %arg28: memref<1000x8xf32, #tpu.memory_space<vmem>>, %arg29: memref<1000x8xf32, #tpu.memory_space<vmem>>, %arg30: memref<1000x8xf32, #tpu.memory_space<vmem>>) attributes {dimension_semantics = [#tpu.dimension_semantics<arbitrary>], iteration_bounds = array<i64: 10>, scalar_prefetch = 0 : i64, scratch_operands = 0 : i64, tpu.core_type = #tpu.core_type<tc>, window_params = [{transform_indices = @transform_0, window_bounds = array<i64: 1000, 6>}, {pipeline_mode = #tpu.pipeline_mode<synchronous>, transform_indices = @transform_1, window_bounds = array<i64: 8, 8>}, {transform_indices = @transform_2, window_bounds = array<i64: 2, 1000, 16>}, {pipeline_mode = #tpu.pipeline_mode<synchronous>, transform_indices = @transform_3, window_bounds = array<i64: 6, 128>}, {pipeline_mode = #tpu.pipeline_mode<synchronous>, transform_indices = @transform_4, window_bounds = array<i64: 1, 128>}, {pipeline_mode = #tpu.pipeline_mode<synchronous>, transform_indices = @transform_5, window_bounds = array<i64: 128, 128>}, {pipeline_mode = #tpu.pipeline_mode<synchronous>, transform_indices = @transform_6, window_bounds = array<i64: 1, 128>}, {pipeline_mode = #tpu.pipeline_mode<synchronous>, transform_indices = @transform_7, window_bounds = array<i64: 128, 8>}, {pipeline_mode = #tpu.pipeline_mode<synchronous>, transform_indices = @transform_8, window_bounds = array<i64: 1, 8>}, {pipeline_mode = #tpu.pipeline_mode<synchronous>, transform_indices = @transform_9, window_bounds = array<i64: 6, 128>}, {pipeline_mode = #tpu.pipeline_mode<synchronous>, transform_indices = @transform_10, window_bounds = array<i64: 1, 128>}, {pipeline_mode = #tpu.pipeline_mode<synchronous>, transform_indices = @transform_11, window_bounds = array<i64: 128, 128>}, {pipeline_mode = #tpu.pipeline_mode<synchronous>, transform_indices = @transform_12, window_bounds = array<i64: 1, 128>}, {pipeline_mode = #tpu.pipeline_mode<synchronous>, transform_indices = @transform_13, window_bounds = array<i64: 128, 8>}, {pipeline_mode = #tpu.pipeline_mode<synchronous>, transform_indices = @transform_14, window_bounds = array<i64: 1, 8>}, {pipeline_mode = #tpu.pipeline_mode<synchronous>, transform_indices = @transform_15, window_bounds = array<i64: 8, 128>}, {pipeline_mode = #tpu.pipeline_mode<synchronous>, transform_indices = @transform_16, window_bounds = array<i64: 1, 128>}, {pipeline_mode = #tpu.pipeline_mode<synchronous>, transform_indices = @transform_17, window_bounds = array<i64: 128, 128>}, {pipeline_mode = #tpu.pipeline_mode<synchronous>, transform_indices = @transform_18, window_bounds = array<i64: 1, 128>}, {pipeline_mode = #tpu.pipeline_mode<synchronous>, transform_indices = @transform_19, window_bounds = array<i64: 128, 8>}, {pipeline_mode = #tpu.pipeline_mode<synchronous>, transform_indices = @transform_20, window_bounds = array<i64: 1, 8>}, {pipeline_mode = #tpu.pipeline_mode<synchronous>, transform_indices = @transform_21, window_bounds = array<i64: 6, 128>}, {pipeline_mode = #tpu.pipeline_mode<synchronous>, transform_indices = @transform_22, window_bounds = array<i64: 1, 128>}, {pipeline_mode = #tpu.pipeline_mode<synchronous>, transform_indices = @transform_23, window_bounds = array<i64: 128, 128>}, {pipeline_mode = #tpu.pipeline_mode<synchronous>, transform_indices = @transform_24, window_bounds = array<i64: 1, 128>}, {pipeline_mode = #tpu.pipeline_mode<synchronous>, transform_indices = @transform_25, window_bounds = array<i64: 128, 8>}, {pipeline_mode = #tpu.pipeline_mode<synchronous>, transform_indices = @transform_26, window_bounds = array<i64: 1, 8>}, {transform_indices = @transform_27, window_bounds = array<i64: 1000, 8>}, {transform_indices = @transform_28, window_bounds = array<i64: 1000, 8>}, {transform_indices = @transform_29, window_bounds = array<i64: 1000, 8>}]} {
    %get3A = arith.constant 0 : index
    %get3A_0 = arith.constant 0 : index
    %get3A_1 = vector.load %arg1[%get3A, %get3A_0] : memref<1000x6xf32, #tpu.memory_space<vmem>>, vector<1000x6xf32>
    %get3A_2 = arith.constant 0 : index
    %get3A_3 = arith.constant 0 : index
    %get3A_4 = arith.constant 0 : index
    %get3A_5 = vector.load %arg3[%get3A_2, %get3A_3, %get3A_4] : memref<2x1000x16xf32, #tpu.memory_space<vmem>>, vector<2x1000x16xf32>
    %slice3A = vector.extract_strided_slice %get3A_5 {offsets = [0, 0, 0], sizes = [1, 1000, 16], strides = [1, 1, 1]} : vector<2x1000x16xf32> to vector<1x1000x16xf32>
    %squeeze3A = vector.shape_cast %slice3A : vector<1x1000x16xf32> to vector<1000x16xf32>
    %slice3A_6 = vector.extract_strided_slice %get3A_5 {offsets = [1, 0, 0], sizes = [1, 1000, 16], strides = [1, 1, 1]} : vector<2x1000x16xf32> to vector<1x1000x16xf32>
    %squeeze3A_7 = vector.shape_cast %slice3A_6 : vector<1x1000x16xf32> to vector<1000x16xf32>
    %add3A = arith.addf %squeeze3A, %squeeze3A_7 : vector<1000x16xf32>
    %slice3A_8 = vector.extract_strided_slice %add3A {offsets = [0, 0], sizes = [1000, 8], strides = [1, 1]} : vector<1000x16xf32> to vector<1000x8xf32>
    %get3A_9 = arith.constant 0 : index
    %get3A_10 = arith.constant 0 : index
    %get3A_11 = vector.load %arg4[%get3A_9, %get3A_10] : memref<6x128xf32, #tpu.memory_space<vmem>>, vector<6x128xf32>
    %convert_element_type3A = arith.truncf %get3A_1 : vector<1000x6xf32> to vector<1000x6xbf16>
    %convert_element_type3A_12 = arith.truncf %get3A_11 : vector<6x128xf32> to vector<6x128xbf16>
    %dot_general3A = arith.constant dense<0.000000e+00> : vector<1000x128xf32>
    %dot_general3A_13 = tpu.matmul %convert_element_type3A, %convert_element_type3A_12, %dot_general3A {dimension_numbers = #tpu.dot_dimension_numbers<[1], [0], [0], [1], [0, 0, 1, 1], [], []>, transpose_lhs_hint = false} : vector<1000x6xbf16>, vector<6x128xbf16>, vector<1000x128xf32> -> vector<1000x128xf32>
    %get3A_14 = arith.constant 0 : index
    %get3A_15 = arith.constant 0 : index
    %get3A_16 = vector.load %arg5[%get3A_14, %get3A_15] : memref<1x128xf32, #tpu.memory_space<vmem>>, vector<1x128xf32>
    %add3A_17 = vector.broadcast %get3A_16 : vector<1x128xf32> to vector<1000x128xf32>
    %add3A_18 = arith.addf %dot_general3A_13, %add3A_17 : vector<1000x128xf32>
    %gt3A = arith.constant 0.000000e+00 : f32
    %gt3A_19 = vector.broadcast %gt3A : f32 to vector<1000x128xf32>
    %gt3A_20 = arith.cmpf ogt, %add3A_18, %gt3A_19 : vector<1000x128xf32>
    %min3A = arith.constant 0.000000e+00 : f32
    %min3A_21 = vector.broadcast %min3A : f32 to vector<1000x128xf32>
    %min3A_22 = arith.minimumf %add3A_18, %min3A_21 : vector<1000x128xf32>
    %exp3A = math.exp %min3A_22 : vector<1000x128xf32>
    %sub3A = arith.constant 1.000000e+00 : f32
    %sub3A_23 = vector.broadcast %sub3A : f32 to vector<1000x128xf32>
    %sub3A_24 = arith.subf %exp3A, %sub3A_23 : vector<1000x128xf32>
    %select_n3A = arith.select %gt3A_20, %add3A_18, %sub3A_24 : vector<1000x128xi1>, vector<1000x128xf32>
    %get3A_25 = arith.constant 0 : index
    %get3A_26 = arith.constant 0 : index
    %get3A_27 = vector.load %arg6[%get3A_25, %get3A_26] : memref<128x128xf32, #tpu.memory_space<vmem>>, vector<128x128xf32>
    %convert_element_type3A_28 = arith.truncf %select_n3A : vector<1000x128xf32> to vector<1000x128xbf16>
    %convert_element_type3A_29 = arith.truncf %get3A_27 : vector<128x128xf32> to vector<128x128xbf16>
    %dot_general3A_30 = arith.constant dense<0.000000e+00> : vector<1000x128xf32>
    %dot_general3A_31 = tpu.matmul %convert_element_type3A_28, %convert_element_type3A_29, %dot_general3A_30 {dimension_numbers = #tpu.dot_dimension_numbers<[1], [0], [0], [1], [0, 0, 1, 1], [], []>, transpose_lhs_hint = false} : vector<1000x128xbf16>, vector<128x128xbf16>, vector<1000x128xf32> -> vector<1000x128xf32>
    %get3A_32 = arith.constant 0 : index
    %get3A_33 = arith.constant 0 : index
    %get3A_34 = vector.load %arg7[%get3A_32, %get3A_33] : memref<1x128xf32, #tpu.memory_space<vmem>>, vector<1x128xf32>
    %add3A_35 = vector.broadcast %get3A_34 : vector<1x128xf32> to vector<1000x128xf32>
    %add3A_36 = arith.addf %dot_general3A_31, %add3A_35 : vector<1000x128xf32>
    %gt3A_37 = arith.constant 0.000000e+00 : f32
    %gt3A_38 = vector.broadcast %gt3A_37 : f32 to vector<1000x128xf32>
    %gt3A_39 = arith.cmpf ogt, %add3A_36, %gt3A_38 : vector<1000x128xf32>
    %min3A_40 = arith.constant 0.000000e+00 : f32
    %min3A_41 = vector.broadcast %min3A_40 : f32 to vector<1000x128xf32>
    %min3A_42 = arith.minimumf %add3A_36, %min3A_41 : vector<1000x128xf32>
    %exp3A_43 = math.exp %min3A_42 : vector<1000x128xf32>
    %sub3A_44 = arith.constant 1.000000e+00 : f32
    %sub3A_45 = vector.broadcast %sub3A_44 : f32 to vector<1000x128xf32>
    %sub3A_46 = arith.subf %exp3A_43, %sub3A_45 : vector<1000x128xf32>
    %select_n3A_47 = arith.select %gt3A_39, %add3A_36, %sub3A_46 : vector<1000x128xi1>, vector<1000x128xf32>
    %get3A_48 = arith.constant 0 : index
    %get3A_49 = arith.constant 0 : index
    %get3A_50 = vector.load %arg8[%get3A_48, %get3A_49] : memref<128x8xf32, #tpu.memory_space<vmem>>, vector<128x8xf32>
    %convert_element_type3A_51 = arith.truncf %select_n3A_47 : vector<1000x128xf32> to vector<1000x128xbf16>
    %convert_element_type3A_52 = arith.truncf %get3A_50 : vector<128x8xf32> to vector<128x8xbf16>
    %dot_general3A_53 = arith.constant dense<0.000000e+00> : vector<1000x8xf32>
    %dot_general3A_54 = tpu.matmul %convert_element_type3A_51, %convert_element_type3A_52, %dot_general3A_53 {dimension_numbers = #tpu.dot_dimension_numbers<[1], [0], [0], [1], [0, 0, 1, 1], [], []>, transpose_lhs_hint = false} : vector<1000x128xbf16>, vector<128x8xbf16>, vector<1000x8xf32> -> vector<1000x8xf32>
    %get3A_55 = arith.constant 0 : index
    %get3A_56 = arith.constant 0 : index
    %get3A_57 = vector.load %arg9[%get3A_55, %get3A_56] : memref<1x8xf32, #tpu.memory_space<vmem>>, vector<1x8xf32>
    %add3A_58 = vector.broadcast %get3A_57 : vector<1x8xf32> to vector<1000x8xf32>
    %add3A_59 = arith.addf %dot_general3A_54, %add3A_58 : vector<1000x8xf32>
    %swap3A = arith.constant 0 : index
    %swap3A_60 = arith.constant 0 : index
    %swap3A_61 = vector.load %arg28[%swap3A, %swap3A_60] : memref<1000x8xf32, #tpu.memory_space<vmem>>, vector<1000x8xf32>
    tpu.vector_store %arg28[%swap3A, %swap3A_60], %add3A_59 {strides = array<i32>} : memref<1000x8xf32, #tpu.memory_space<vmem>>, vector<1000x8xf32>,
    %get3A_62 = arith.constant 0 : index
    %get3A_63 = arith.constant 0 : index
    %get3A_64 = vector.load %arg16[%get3A_62, %get3A_63] : memref<8x128xf32, #tpu.memory_space<vmem>>, vector<8x128xf32>
    %convert_element_type3A_65 = arith.truncf %slice3A_8 : vector<1000x8xf32> to vector<1000x8xbf16>
    %convert_element_type3A_66 = arith.truncf %get3A_64 : vector<8x128xf32> to vector<8x128xbf16>
    %dot_general3A_67 = arith.constant dense<0.000000e+00> : vector<1000x128xf32>
    %dot_general3A_68 = tpu.matmul %convert_element_type3A_65, %convert_element_type3A_66, %dot_general3A_67 {dimension_numbers = #tpu.dot_dimension_numbers<[1], [0], [0], [1], [0, 0, 1, 1], [], []>, transpose_lhs_hint = false} : vector<1000x8xbf16>, vector<8x128xbf16>, vector<1000x128xf32> -> vector<1000x128xf32>
    %get3A_69 = arith.constant 0 : index
    %get3A_70 = arith.constant 0 : index
    %get3A_71 = vector.load %arg17[%get3A_69, %get3A_70] : memref<1x128xf32, #tpu.memory_space<vmem>>, vector<1x128xf32>
    %add3A_72 = vector.broadcast %get3A_71 : vector<1x128xf32> to vector<1000x128xf32>
    %add3A_73 = arith.addf %dot_general3A_68, %add3A_72 : vector<1000x128xf32>
    %gt3A_74 = arith.constant 0.000000e+00 : f32
    %gt3A_75 = vector.broadcast %gt3A_74 : f32 to vector<1000x128xf32>
    %gt3A_76 = arith.cmpf ogt, %add3A_73, %gt3A_75 : vector<1000x128xf32>
    %min3A_77 = arith.constant 0.000000e+00 : f32
    %min3A_78 = vector.broadcast %min3A_77 : f32 to vector<1000x128xf32>
    %min3A_79 = arith.minimumf %add3A_73, %min3A_78 : vector<1000x128xf32>
    %exp3A_80 = math.exp %min3A_79 : vector<1000x128xf32>
    %sub3A_81 = arith.constant 1.000000e+00 : f32
    %sub3A_82 = vector.broadcast %sub3A_81 : f32 to vector<1000x128xf32>
    %sub3A_83 = arith.subf %exp3A_80, %sub3A_82 : vector<1000x128xf32>
    %select_n3A_84 = arith.select %gt3A_76, %add3A_73, %sub3A_83 : vector<1000x128xi1>, vector<1000x128xf32>
    %get3A_85 = arith.constant 0 : index
    %get3A_86 = arith.constant 0 : index
    %get3A_87 = vector.load %arg18[%get3A_85, %get3A_86] : memref<128x128xf32, #tpu.memory_space<vmem>>, vector<128x128xf32>
    %convert_element_type3A_88 = arith.truncf %select_n3A_84 : vector<1000x128xf32> to vector<1000x128xbf16>
    %convert_element_type3A_89 = arith.truncf %get3A_87 : vector<128x128xf32> to vector<128x128xbf16>
    %dot_general3A_90 = arith.constant dense<0.000000e+00> : vector<1000x128xf32>
    %dot_general3A_91 = tpu.matmul %convert_element_type3A_88, %convert_element_type3A_89, %dot_general3A_90 {dimension_numbers = #tpu.dot_dimension_numbers<[1], [0], [0], [1], [0, 0, 1, 1], [], []>, transpose_lhs_hint = false} : vector<1000x128xbf16>, vector<128x128xbf16>, vector<1000x128xf32> -> vector<1000x128xf32>
    %get3A_92 = arith.constant 0 : index
    %get3A_93 = arith.constant 0 : index
    %get3A_94 = vector.load %arg19[%get3A_92, %get3A_93] : memref<1x128xf32, #tpu.memory_space<vmem>>, vector<1x128xf32>
    %add3A_95 = vector.broadcast %get3A_94 : vector<1x128xf32> to vector<1000x128xf32>
    %add3A_96 = arith.addf %dot_general3A_91, %add3A_95 : vector<1000x128xf32>
    %gt3A_97 = arith.constant 0.000000e+00 : f32
    %gt3A_98 = vector.broadcast %gt3A_97 : f32 to vector<1000x128xf32>
    %gt3A_99 = arith.cmpf ogt, %add3A_96, %gt3A_98 : vector<1000x128xf32>
    %min3A_100 = arith.constant 0.000000e+00 : f32
    %min3A_101 = vector.broadcast %min3A_100 : f32 to vector<1000x128xf32>
    %min3A_102 = arith.minimumf %add3A_96, %min3A_101 : vector<1000x128xf32>
    %exp3A_103 = math.exp %min3A_102 : vector<1000x128xf32>
    %sub3A_104 = arith.constant 1.000000e+00 : f32
    %sub3A_105 = vector.broadcast %sub3A_104 : f32 to vector<1000x128xf32>
    %sub3A_106 = arith.subf %exp3A_103, %sub3A_105 : vector<1000x128xf32>
    %select_n3A_107 = arith.select %gt3A_99, %add3A_96, %sub3A_106 : vector<1000x128xi1>, vector<1000x128xf32>
    %get3A_108 = arith.constant 0 : index
    %get3A_109 = arith.constant 0 : index
    %get3A_110 = vector.load %arg20[%get3A_108, %get3A_109] : memref<128x8xf32, #tpu.memory_space<vmem>>, vector<128x8xf32>
    %convert_element_type3A_111 = arith.truncf %select_n3A_107 : vector<1000x128xf32> to vector<1000x128xbf16>
    %convert_element_type3A_112 = arith.truncf %get3A_110 : vector<128x8xf32> to vector<128x8xbf16>
    %dot_general3A_113 = arith.constant dense<0.000000e+00> : vector<1000x8xf32>
    %dot_general3A_114 = tpu.matmul %convert_element_type3A_111, %convert_element_type3A_112, %dot_general3A_113 {dimension_numbers = #tpu.dot_dimension_numbers<[1], [0], [0], [1], [0, 0, 1, 1], [], []>, transpose_lhs_hint = false} : vector<1000x128xbf16>, vector<128x8xbf16>, vector<1000x8xf32> -> vector<1000x8xf32>
    %get3A_115 = arith.constant 0 : index
    %get3A_116 = arith.constant 0 : index
    %get3A_117 = vector.load %arg21[%get3A_115, %get3A_116] : memref<1x8xf32, #tpu.memory_space<vmem>>, vector<1x8xf32>
    %add3A_118 = vector.broadcast %get3A_117 : vector<1x8xf32> to vector<1000x8xf32>
    %add3A_119 = arith.addf %dot_general3A_114, %add3A_118 : vector<1000x8xf32>
    %get3A_120 = arith.constant 0 : index
    %get3A_121 = arith.constant 0 : index
    %get3A_122 = vector.load %arg10[%get3A_120, %get3A_121] : memref<6x128xf32, #tpu.memory_space<vmem>>, vector<6x128xf32>
    %convert_element_type3A_123 = arith.truncf %get3A_1 : vector<1000x6xf32> to vector<1000x6xbf16>
    %convert_element_type3A_124 = arith.truncf %get3A_122 : vector<6x128xf32> to vector<6x128xbf16>
    %dot_general3A_125 = arith.constant dense<0.000000e+00> : vector<1000x128xf32>
    %dot_general3A_126 = tpu.matmul %convert_element_type3A_123, %convert_element_type3A_124, %dot_general3A_125 {dimension_numbers = #tpu.dot_dimension_numbers<[1], [0], [0], [1], [0, 0, 1, 1], [], []>, transpose_lhs_hint = false} : vector<1000x6xbf16>, vector<6x128xbf16>, vector<1000x128xf32> -> vector<1000x128xf32>
    %get3A_127 = arith.constant 0 : index
    %get3A_128 = arith.constant 0 : index
    %get3A_129 = vector.load %arg11[%get3A_127, %get3A_128] : memref<1x128xf32, #tpu.memory_space<vmem>>, vector<1x128xf32>
    %add3A_130 = vector.broadcast %get3A_129 : vector<1x128xf32> to vector<1000x128xf32>
    %add3A_131 = arith.addf %dot_general3A_126, %add3A_130 : vector<1000x128xf32>
    %gt3A_132 = arith.constant 0.000000e+00 : f32
    %gt3A_133 = vector.broadcast %gt3A_132 : f32 to vector<1000x128xf32>
    %gt3A_134 = arith.cmpf ogt, %add3A_131, %gt3A_133 : vector<1000x128xf32>
    %min3A_135 = arith.constant 0.000000e+00 : f32
    %min3A_136 = vector.broadcast %min3A_135 : f32 to vector<1000x128xf32>
    %min3A_137 = arith.minimumf %add3A_131, %min3A_136 : vector<1000x128xf32>
    %exp3A_138 = math.exp %min3A_137 : vector<1000x128xf32>
    %sub3A_139 = arith.constant 1.000000e+00 : f32
    %sub3A_140 = vector.broadcast %sub3A_139 : f32 to vector<1000x128xf32>
    %sub3A_141 = arith.subf %exp3A_138, %sub3A_140 : vector<1000x128xf32>
    %select_n3A_142 = arith.select %gt3A_134, %add3A_131, %sub3A_141 : vector<1000x128xi1>, vector<1000x128xf32>
    %get3A_143 = arith.constant 0 : index
    %get3A_144 = arith.constant 0 : index
    %get3A_145 = vector.load %arg12[%get3A_143, %get3A_144] : memref<128x128xf32, #tpu.memory_space<vmem>>, vector<128x128xf32>
    %convert_element_type3A_146 = arith.truncf %select_n3A_142 : vector<1000x128xf32> to vector<1000x128xbf16>
    %convert_element_type3A_147 = arith.truncf %get3A_145 : vector<128x128xf32> to vector<128x128xbf16>
    %dot_general3A_148 = arith.constant dense<0.000000e+00> : vector<1000x128xf32>
    %dot_general3A_149 = tpu.matmul %convert_element_type3A_146, %convert_element_type3A_147, %dot_general3A_148 {dimension_numbers = #tpu.dot_dimension_numbers<[1], [0], [0], [1], [0, 0, 1, 1], [], []>, transpose_lhs_hint = false} : vector<1000x128xbf16>, vector<128x128xbf16>, vector<1000x128xf32> -> vector<1000x128xf32>
    %get3A_150 = arith.constant 0 : index
    %get3A_151 = arith.constant 0 : index
    %get3A_152 = vector.load %arg13[%get3A_150, %get3A_151] : memref<1x128xf32, #tpu.memory_space<vmem>>, vector<1x128xf32>
    %add3A_153 = vector.broadcast %get3A_152 : vector<1x128xf32> to vector<1000x128xf32>
    %add3A_154 = arith.addf %dot_general3A_149, %add3A_153 : vector<1000x128xf32>
    %gt3A_155 = arith.constant 0.000000e+00 : f32
    %gt3A_156 = vector.broadcast %gt3A_155 : f32 to vector<1000x128xf32>
    %gt3A_157 = arith.cmpf ogt, %add3A_154, %gt3A_156 : vector<1000x128xf32>
    %min3A_158 = arith.constant 0.000000e+00 : f32
    %min3A_159 = vector.broadcast %min3A_158 : f32 to vector<1000x128xf32>
    %min3A_160 = arith.minimumf %add3A_154, %min3A_159 : vector<1000x128xf32>
    %exp3A_161 = math.exp %min3A_160 : vector<1000x128xf32>
    %sub3A_162 = arith.constant 1.000000e+00 : f32
    %sub3A_163 = vector.broadcast %sub3A_162 : f32 to vector<1000x128xf32>
    %sub3A_164 = arith.subf %exp3A_161, %sub3A_163 : vector<1000x128xf32>
    %select_n3A_165 = arith.select %gt3A_157, %add3A_154, %sub3A_164 : vector<1000x128xi1>, vector<1000x128xf32>
    %get3A_166 = arith.constant 0 : index
    %get3A_167 = arith.constant 0 : index
    %get3A_168 = vector.load %arg14[%get3A_166, %get3A_167] : memref<128x8xf32, #tpu.memory_space<vmem>>, vector<128x8xf32>
    %convert_element_type3A_169 = arith.truncf %select_n3A_165 : vector<1000x128xf32> to vector<1000x128xbf16>
    %convert_element_type3A_170 = arith.truncf %get3A_168 : vector<128x8xf32> to vector<128x8xbf16>
    %dot_general3A_171 = arith.constant dense<0.000000e+00> : vector<1000x8xf32>
    %dot_general3A_172 = tpu.matmul %convert_element_type3A_169, %convert_element_type3A_170, %dot_general3A_171 {dimension_numbers = #tpu.dot_dimension_numbers<[1], [0], [0], [1], [0, 0, 1, 1], [], []>, transpose_lhs_hint = false} : vector<1000x128xbf16>, vector<128x8xbf16>, vector<1000x8xf32> -> vector<1000x8xf32>
    %get3A_173 = arith.constant 0 : index
    %get3A_174 = arith.constant 0 : index
    %get3A_175 = vector.load %arg15[%get3A_173, %get3A_174] : memref<1x8xf32, #tpu.memory_space<vmem>>, vector<1x8xf32>
    %add3A_176 = vector.broadcast %get3A_175 : vector<1x8xf32> to vector<1000x8xf32>
    %add3A_177 = arith.addf %dot_general3A_172, %add3A_176 : vector<1000x8xf32>
    %add3A_178 = arith.addf %add3A_119, %add3A_177 : vector<1000x8xf32>
    %swap3A_179 = arith.constant 0 : index
    %swap3A_180 = arith.constant 0 : index
    %swap3A_181 = vector.load %arg29[%swap3A_179, %swap3A_180] : memref<1000x8xf32, #tpu.memory_space<vmem>>, vector<1000x8xf32>
    tpu.vector_store %arg29[%swap3A_179, %swap3A_180], %add3A_178 {strides = array<i32>} : memref<1000x8xf32, #tpu.memory_space<vmem>>, vector<1000x8xf32>,
    %get3A_182 = arith.constant 0 : index
    %get3A_183 = arith.constant 0 : index
    %get3A_184 = vector.load %arg22[%get3A_182, %get3A_183] : memref<6x128xf32, #tpu.memory_space<vmem>>, vector<6x128xf32>
    %convert_element_type3A_185 = arith.truncf %get3A_1 : vector<1000x6xf32> to vector<1000x6xbf16>
    %convert_element_type3A_186 = arith.truncf %get3A_184 : vector<6x128xf32> to vector<6x128xbf16>
    %dot_general3A_187 = arith.constant dense<0.000000e+00> : vector<1000x128xf32>
    %dot_general3A_188 = tpu.matmul %convert_element_type3A_185, %convert_element_type3A_186, %dot_general3A_187 {dimension_numbers = #tpu.dot_dimension_numbers<[1], [0], [0], [1], [0, 0, 1, 1], [], []>, transpose_lhs_hint = false} : vector<1000x6xbf16>, vector<6x128xbf16>, vector<1000x128xf32> -> vector<1000x128xf32>
    %get3A_189 = arith.constant 0 : index
    %get3A_190 = arith.constant 0 : index
    %get3A_191 = vector.load %arg23[%get3A_189, %get3A_190] : memref<1x128xf32, #tpu.memory_space<vmem>>, vector<1x128xf32>
    %add3A_192 = vector.broadcast %get3A_191 : vector<1x128xf32> to vector<1000x128xf32>
    %add3A_193 = arith.addf %dot_general3A_188, %add3A_192 : vector<1000x128xf32>
    %gt3A_194 = arith.constant 0.000000e+00 : f32
    %gt3A_195 = vector.broadcast %gt3A_194 : f32 to vector<1000x128xf32>
    %gt3A_196 = arith.cmpf ogt, %add3A_193, %gt3A_195 : vector<1000x128xf32>
    %min3A_197 = arith.constant 0.000000e+00 : f32
    %min3A_198 = vector.broadcast %min3A_197 : f32 to vector<1000x128xf32>
    %min3A_199 = arith.minimumf %add3A_193, %min3A_198 : vector<1000x128xf32>
    %exp3A_200 = math.exp %min3A_199 : vector<1000x128xf32>
    %sub3A_201 = arith.constant 1.000000e+00 : f32
    %sub3A_202 = vector.broadcast %sub3A_201 : f32 to vector<1000x128xf32>
    %sub3A_203 = arith.subf %exp3A_200, %sub3A_202 : vector<1000x128xf32>
    %select_n3A_204 = arith.select %gt3A_196, %add3A_193, %sub3A_203 : vector<1000x128xi1>, vector<1000x128xf32>
    %get3A_205 = arith.constant 0 : index
    %get3A_206 = arith.constant 0 : index
    %get3A_207 = vector.load %arg24[%get3A_205, %get3A_206] : memref<128x128xf32, #tpu.memory_space<vmem>>, vector<128x128xf32>
    %convert_element_type3A_208 = arith.truncf %select_n3A_204 : vector<1000x128xf32> to vector<1000x128xbf16>
    %convert_element_type3A_209 = arith.truncf %get3A_207 : vector<128x128xf32> to vector<128x128xbf16>
    %dot_general3A_210 = arith.constant dense<0.000000e+00> : vector<1000x128xf32>
    %dot_general3A_211 = tpu.matmul %convert_element_type3A_208, %convert_element_type3A_209, %dot_general3A_210 {dimension_numbers = #tpu.dot_dimension_numbers<[1], [0], [0], [1], [0, 0, 1, 1], [], []>, transpose_lhs_hint = false} : vector<1000x128xbf16>, vector<128x128xbf16>, vector<1000x128xf32> -> vector<1000x128xf32>
    %get3A_212 = arith.constant 0 : index
    %get3A_213 = arith.constant 0 : index
    %get3A_214 = vector.load %arg25[%get3A_212, %get3A_213] : memref<1x128xf32, #tpu.memory_space<vmem>>, vector<1x128xf32>
    %add3A_215 = vector.broadcast %get3A_214 : vector<1x128xf32> to vector<1000x128xf32>
    %add3A_216 = arith.addf %dot_general3A_211, %add3A_215 : vector<1000x128xf32>
    %gt3A_217 = arith.constant 0.000000e+00 : f32
    %gt3A_218 = vector.broadcast %gt3A_217 : f32 to vector<1000x128xf32>
    %gt3A_219 = arith.cmpf ogt, %add3A_216, %gt3A_218 : vector<1000x128xf32>
    %min3A_220 = arith.constant 0.000000e+00 : f32
    %min3A_221 = vector.broadcast %min3A_220 : f32 to vector<1000x128xf32>
    %min3A_222 = arith.minimumf %add3A_216, %min3A_221 : vector<1000x128xf32>
    %exp3A_223 = math.exp %min3A_222 : vector<1000x128xf32>
    %sub3A_224 = arith.constant 1.000000e+00 : f32
    %sub3A_225 = vector.broadcast %sub3A_224 : f32 to vector<1000x128xf32>
    %sub3A_226 = arith.subf %exp3A_223, %sub3A_225 : vector<1000x128xf32>
    %select_n3A_227 = arith.select %gt3A_219, %add3A_216, %sub3A_226 : vector<1000x128xi1>, vector<1000x128xf32>
    %get3A_228 = arith.constant 0 : index
    %get3A_229 = arith.constant 0 : index
    %get3A_230 = vector.load %arg26[%get3A_228, %get3A_229] : memref<128x8xf32, #tpu.memory_space<vmem>>, vector<128x8xf32>
    %convert_element_type3A_231 = arith.truncf %select_n3A_227 : vector<1000x128xf32> to vector<1000x128xbf16>
    %convert_element_type3A_232 = arith.truncf %get3A_230 : vector<128x8xf32> to vector<128x8xbf16>
    %dot_general3A_233 = arith.constant dense<0.000000e+00> : vector<1000x8xf32>
    %dot_general3A_234 = tpu.matmul %convert_element_type3A_231, %convert_element_type3A_232, %dot_general3A_233 {dimension_numbers = #tpu.dot_dimension_numbers<[1], [0], [0], [1], [0, 0, 1, 1], [], []>, transpose_lhs_hint = false} : vector<1000x128xbf16>, vector<128x8xbf16>, vector<1000x8xf32> -> vector<1000x8xf32>
    %get3A_235 = arith.constant 0 : index
    %get3A_236 = arith.constant 0 : index
    %get3A_237 = vector.load %arg27[%get3A_235, %get3A_236] : memref<1x8xf32, #tpu.memory_space<vmem>>, vector<1x8xf32>
    %add3A_238 = vector.broadcast %get3A_237 : vector<1x8xf32> to vector<1000x8xf32>
    %add3A_239 = arith.addf %dot_general3A_234, %add3A_238 : vector<1000x8xf32>
    %swap3A_240 = arith.constant 0 : index
    %swap3A_241 = arith.constant 0 : index
    %swap3A_242 = vector.load %arg30[%swap3A_240, %swap3A_241] : memref<1000x8xf32, #tpu.memory_space<vmem>>, vector<1000x8xf32>
    tpu.vector_store %arg30[%swap3A_240, %swap3A_241], %add3A_239 {strides = array<i32>} : memref<1000x8xf32, #tpu.memory_space<vmem>>, vector<1000x8xf32>,
    return
  }
  func.func @transform_0(%arg0: i32) -> (i32, i32) {
    %c0_i32 = arith.constant 0 : i32
    %c0_i32_0 = arith.constant 0 : i32
    return %arg0, %c0_i32 : i32, i32
  }
  func.func @transform_1(%arg0: i32) -> (i32, i32) {
    %c0_i32 = arith.constant 0 : i32
    %c0_i32_0 = arith.constant 0 : i32
    %c0_i32_1 = arith.constant 0 : i32
    return %c0_i32, %c0_i32_0 : i32, i32
  }
  func.func @transform_2(%arg0: i32) -> (i32, i32, i32) {
    %c0_i32 = arith.constant 0 : i32
    %c0_i32_0 = arith.constant 0 : i32
    %c0_i32_1 = arith.constant 0 : i32
    return %c0_i32, %arg0, %c0_i32_0 : i32, i32, i32
  }
  func.func @transform_3(%arg0: i32) -> (i32, i32) {
    %c0_i32 = arith.constant 0 : i32
    %c0_i32_0 = arith.constant 0 : i32
    %c0_i32_1 = arith.constant 0 : i32
    return %c0_i32, %c0_i32_0 : i32, i32
  }
  func.func @transform_4(%arg0: i32) -> (i32, i32) {
    %c0_i32 = arith.constant 0 : i32
    %c0_i32_0 = arith.constant 0 : i32
    %c0_i32_1 = arith.constant 0 : i32
    return %c0_i32, %c0_i32_0 : i32, i32
  }
  func.func @transform_5(%arg0: i32) -> (i32, i32) {
    %c0_i32 = arith.constant 0 : i32
    %c0_i32_0 = arith.constant 0 : i32
    %c0_i32_1 = arith.constant 0 : i32
    return %c0_i32, %c0_i32_0 : i32, i32
  }
  func.func @transform_6(%arg0: i32) -> (i32, i32) {
    %c0_i32 = arith.constant 0 : i32
    %c0_i32_0 = arith.constant 0 : i32
    %c0_i32_1 = arith.constant 0 : i32
    return %c0_i32, %c0_i32_0 : i32, i32
  }
  func.func @transform_7(%arg0: i32) -> (i32, i32) {
    %c0_i32 = arith.constant 0 : i32
    %c0_i32_0 = arith.constant 0 : i32
    %c0_i32_1 = arith.constant 0 : i32
    return %c0_i32, %c0_i32_0 : i32, i32
  }
  func.func @transform_8(%arg0: i32) -> (i32, i32) {
    %c0_i32 = arith.constant 0 : i32
    %c0_i32_0 = arith.constant 0 : i32
    %c0_i32_1 = arith.constant 0 : i32
    return %c0_i32, %c0_i32_0 : i32, i32
  }
  func.func @transform_9(%arg0: i32) -> (i32, i32) {
    %c0_i32 = arith.constant 0 : i32
    %c0_i32_0 = arith.constant 0 : i32
    %c0_i32_1 = arith.constant 0 : i32
    return %c0_i32, %c0_i32_0 : i32, i32
  }
  func.func @transform_10(%arg0: i32) -> (i32, i32) {
    %c0_i32 = arith.constant 0 : i32
    %c0_i32_0 = arith.constant 0 : i32
    %c0_i32_1 = arith.constant 0 : i32
    return %c0_i32, %c0_i32_0 : i32, i32
  }
  func.func @transform_11(%arg0: i32) -> (i32, i32) {
    %c0_i32 = arith.constant 0 : i32
    %c0_i32_0 = arith.constant 0 : i32
    %c0_i32_1 = arith.constant 0 : i32
    return %c0_i32, %c0_i32_0 : i32, i32
  }
  func.func @transform_12(%arg0: i32) -> (i32, i32) {
    %c0_i32 = arith.constant 0 : i32
    %c0_i32_0 = arith.constant 0 : i32
    %c0_i32_1 = arith.constant 0 : i32
    return %c0_i32, %c0_i32_0 : i32, i32
  }
  func.func @transform_13(%arg0: i32) -> (i32, i32) {
    %c0_i32 = arith.constant 0 : i32
    %c0_i32_0 = arith.constant 0 : i32
    %c0_i32_1 = arith.constant 0 : i32
    return %c0_i32, %c0_i32_0 : i32, i32
  }
  func.func @transform_14(%arg0: i32) -> (i32, i32) {
    %c0_i32 = arith.constant 0 : i32
    %c0_i32_0 = arith.constant 0 : i32
    %c0_i32_1 = arith.constant 0 : i32
    return %c0_i32, %c0_i32_0 : i32, i32
  }
  func.func @transform_15(%arg0: i32) -> (i32, i32) {
    %c0_i32 = arith.constant 0 : i32
    %c0_i32_0 = arith.constant 0 : i32
    %c0_i32_1 = arith.constant 0 : i32
    return %c0_i32, %c0_i32_0 : i32, i32
  }
  func.func @transform_16(%arg0: i32) -> (i32, i32) {
    %c0_i32 = arith.constant 0 : i32
    %c0_i32_0 = arith.constant 0 : i32
    %c0_i32_1 = arith.constant 0 : i32
    return %c0_i32, %c0_i32_0 : i32, i32
  }
  func.func @transform_17(%arg0: i32) -> (i32, i32) {
    %c0_i32 = arith.constant 0 : i32
    %c0_i32_0 = arith.constant 0 : i32
    %c0_i32_1 = arith.constant 0 : i32
    return %c0_i32, %c0_i32_0 : i32, i32
  }
  func.func @transform_18(%arg0: i32) -> (i32, i32) {
    %c0_i32 = arith.constant 0 : i32
    %c0_i32_0 = arith.constant 0 : i32
    %c0_i32_1 = arith.constant 0 : i32
    return %c0_i32, %c0_i32_0 : i32, i32
  }
  func.func @transform_19(%arg0: i32) -> (i32, i32) {
    %c0_i32 = arith.constant 0 : i32
    %c0_i32_0 = arith.constant 0 : i32
    %c0_i32_1 = arith.constant 0 : i32
    return %c0_i32, %c0_i32_0 : i32, i32
  }
  func.func @transform_20(%arg0: i32) -> (i32, i32) {
    %c0_i32 = arith.constant 0 : i32
    %c0_i32_0 = arith.constant 0 : i32
    %c0_i32_1 = arith.constant 0 : i32
    return %c0_i32, %c0_i32_0 : i32, i32
  }
  func.func @transform_21(%arg0: i32) -> (i32, i32) {
    %c0_i32 = arith.constant 0 : i32
    %c0_i32_0 = arith.constant 0 : i32
    %c0_i32_1 = arith.constant 0 : i32
    return %c0_i32, %c0_i32_0 : i32, i32
  }
  func.func @transform_22(%arg0: i32) -> (i32, i32) {
    %c0_i32 = arith.constant 0 : i32
    %c0_i32_0 = arith.constant 0 : i32
    %c0_i32_1 = arith.constant 0 : i32
    return %c0_i32, %c0_i32_0 : i32, i32
  }
  func.func @transform_23(%arg0: i32) -> (i32, i32) {
    %c0_i32 = arith.constant 0 : i32
    %c0_i32_0 = arith.constant 0 : i32
    %c0_i32_1 = arith.constant 0 : i32
    return %c0_i32, %c0_i32_0 : i32, i32
  }
  func.func @transform_24(%arg0: i32) -> (i32, i32) {
    %c0_i32 = arith.constant 0 : i32
    %c0_i32_0 = arith.constant 0 : i32
    %c0_i32_1 = arith.constant 0 : i32
    return %c0_i32, %c0_i32_0 : i32, i32
  }
  func.func @transform_25(%arg0: i32) -> (i32, i32) {
    %c0_i32 = arith.constant 0 : i32
    %c0_i32_0 = arith.constant 0 : i32
    %c0_i32_1 = arith.constant 0 : i32
    return %c0_i32, %c0_i32_0 : i32, i32
  }
  func.func @transform_26(%arg0: i32) -> (i32, i32) {
    %c0_i32 = arith.constant 0 : i32
    %c0_i32_0 = arith.constant 0 : i32
    %c0_i32_1 = arith.constant 0 : i32
    return %c0_i32, %c0_i32_0 : i32, i32
  }
  func.func @transform_27(%arg0: i32) -> (i32, i32) {
    %c0_i32 = arith.constant 0 : i32
    %c0_i32_0 = arith.constant 0 : i32
    return %arg0, %c0_i32 : i32, i32
  }
  func.func @transform_28(%arg0: i32) -> (i32, i32) {
    %c0_i32 = arith.constant 0 : i32
    %c0_i32_0 = arith.constant 0 : i32
    return %arg0, %c0_i32 : i32, i32
  }
  func.func @transform_29(%arg0: i32) -> (i32, i32) {
    %c0_i32 = arith.constant 0 : i32
    %c0_i32_0 = arith.constant 0 : i32
    return %arg0, %c0_i32 : i32, i32
  }
}

module attributes {stable_mosaic.version = 14 : i64} {
  func.func @body(%arg0: i32, %arg1: memref<512x128xf32, #tpu.memory_space<vmem>>, %arg2: memref<512x128xf32, #tpu.memory_space<vmem>>, %arg3: memref<128x2048xf32, #tpu.memory_space<vmem>>, %arg4: memref<1x2048xf32, #tpu.memory_space<vmem>>, %arg5: memref<128x128xf32, #tpu.memory_space<vmem>>, %arg6: memref<1x128xf32, #tpu.memory_space<vmem>>, %arg7: memref<1024x128xf32, #tpu.memory_space<vmem>>, %arg8: memref<1x128xf32, #tpu.memory_space<vmem>>, %arg9: memref<1024x128xf32, #tpu.memory_space<vmem>>) attributes {dimension_semantics = [#tpu.dimension_semantics<arbitrary>], iteration_bounds = array<i64: 20>, scalar_prefetch = 0 : i64, scratch_operands = 0 : i64, tpu.core_type = #tpu.core_type<tc>, window_params = [{transform_indices = @transform_0, window_bounds = array<i64: 512, 128>}, {transform_indices = @transform_1, window_bounds = array<i64: 512, 128>}, {pipeline_mode = #tpu.pipeline_mode<synchronous>, transform_indices = @transform_2, window_bounds = array<i64: 128, 2048>}, {pipeline_mode = #tpu.pipeline_mode<synchronous>, transform_indices = @transform_3, window_bounds = array<i64: 1, 2048>}, {pipeline_mode = #tpu.pipeline_mode<synchronous>, transform_indices = @transform_4, window_bounds = array<i64: 128, 128>}, {pipeline_mode = #tpu.pipeline_mode<synchronous>, transform_indices = @transform_5, window_bounds = array<i64: 1, 128>}, {pipeline_mode = #tpu.pipeline_mode<synchronous>, transform_indices = @transform_6, window_bounds = array<i64: 1024, 128>}, {pipeline_mode = #tpu.pipeline_mode<synchronous>, transform_indices = @transform_7, window_bounds = array<i64: 1, 128>}, {transform_indices = @transform_8, window_bounds = array<i64: 1024, 128>}]} {
    %get3A = arith.constant 0 : index
    %get3A_0 = arith.constant 0 : index
    %get3A_1 = vector.load %arg1[%get3A, %get3A_0] : memref<512x128xf32, #tpu.memory_space<vmem>>, vector<512x128xf32>
    %get3A_2 = arith.constant 0 : index
    %get3A_3 = arith.constant 0 : index
    %get3A_4 = vector.load %arg2[%get3A_2, %get3A_3] : memref<512x128xf32, #tpu.memory_space<vmem>>, vector<512x128xf32>
    %add3A = arith.addf %get3A_1, %get3A_4 : vector<512x128xf32>
    %get3A_5 = arith.constant 0 : index
    %get3A_6 = arith.constant 0 : index
    %get3A_7 = vector.load %arg3[%get3A_5, %get3A_6] : memref<128x2048xf32, #tpu.memory_space<vmem>>, vector<128x2048xf32>
    %convert_element_type3A = arith.truncf %add3A : vector<512x128xf32> to vector<512x128xbf16>
    %convert_element_type3A_8 = arith.truncf %get3A_7 : vector<128x2048xf32> to vector<128x2048xbf16>
    %dot_general3A = arith.constant dense<0.000000e+00> : vector<512x2048xf32>
    %dot_general3A_9 = tpu.matmul %convert_element_type3A, %convert_element_type3A_8, %dot_general3A {dimension_numbers = #tpu.dot_dimension_numbers<[1], [0], [0], [1], [0, 0, 1, 1], [], []>, transpose_lhs_hint = false} : vector<512x128xbf16>, vector<128x2048xbf16>, vector<512x2048xf32> -> vector<512x2048xf32>
    %get3A_10 = arith.constant 0 : index
    %get3A_11 = arith.constant 0 : index
    %get3A_12 = vector.load %arg4[%get3A_10, %get3A_11] : memref<1x2048xf32, #tpu.memory_space<vmem>>, vector<1x2048xf32>
    %add3A_13 = vector.broadcast %get3A_12 : vector<1x2048xf32> to vector<512x2048xf32>
    %add3A_14 = arith.addf %dot_general3A_9, %add3A_13 : vector<512x2048xf32>
    %gt3A = arith.constant 0.000000e+00 : f32
    %gt3A_15 = vector.broadcast %gt3A : f32 to vector<512x2048xf32>
    %gt3A_16 = arith.cmpf ogt, %add3A_14, %gt3A_15 : vector<512x2048xf32>
    %min3A = arith.constant 0.000000e+00 : f32
    %min3A_17 = vector.broadcast %min3A : f32 to vector<512x2048xf32>
    %min3A_18 = arith.minimumf %add3A_14, %min3A_17 : vector<512x2048xf32>
    %exp3A = math.exp %min3A_18 : vector<512x2048xf32>
    %sub3A = arith.constant 1.000000e+00 : f32
    %sub3A_19 = vector.broadcast %sub3A : f32 to vector<512x2048xf32>
    %sub3A_20 = arith.subf %exp3A, %sub3A_19 : vector<512x2048xf32>
    %select_n3A = arith.select %gt3A_16, %add3A_14, %sub3A_20 : vector<512x2048xi1>, vector<512x2048xf32>
    %reshape3A = vector.shape_cast %select_n3A : vector<512x2048xf32> to vector<8192x128xf32>
    %get3A_21 = arith.constant 0 : index
    %get3A_22 = arith.constant 0 : index
    %get3A_23 = vector.load %arg5[%get3A_21, %get3A_22] : memref<128x128xf32, #tpu.memory_space<vmem>>, vector<128x128xf32>
    %convert_element_type3A_24 = arith.truncf %reshape3A : vector<8192x128xf32> to vector<8192x128xbf16>
    %convert_element_type3A_25 = arith.truncf %get3A_23 : vector<128x128xf32> to vector<128x128xbf16>
    %dot_general3A_26 = arith.constant dense<0.000000e+00> : vector<8192x128xf32>
    %dot_general3A_27 = tpu.matmul %convert_element_type3A_24, %convert_element_type3A_25, %dot_general3A_26 {dimension_numbers = #tpu.dot_dimension_numbers<[1], [0], [0], [1], [0, 0, 1, 1], [], []>, transpose_lhs_hint = false} : vector<8192x128xbf16>, vector<128x128xbf16>, vector<8192x128xf32> -> vector<8192x128xf32>
    %get3A_28 = arith.constant 0 : index
    %get3A_29 = arith.constant 0 : index
    %get3A_30 = vector.load %arg6[%get3A_28, %get3A_29] : memref<1x128xf32, #tpu.memory_space<vmem>>, vector<1x128xf32>
    %add3A_31 = vector.broadcast %get3A_30 : vector<1x128xf32> to vector<8192x128xf32>
    %add3A_32 = arith.addf %dot_general3A_27, %add3A_31 : vector<8192x128xf32>
    %gt3A_33 = arith.constant 0.000000e+00 : f32
    %gt3A_34 = vector.broadcast %gt3A_33 : f32 to vector<8192x128xf32>
    %gt3A_35 = arith.cmpf ogt, %add3A_32, %gt3A_34 : vector<8192x128xf32>
    %min3A_36 = arith.constant 0.000000e+00 : f32
    %min3A_37 = vector.broadcast %min3A_36 : f32 to vector<8192x128xf32>
    %min3A_38 = arith.minimumf %add3A_32, %min3A_37 : vector<8192x128xf32>
    %exp3A_39 = math.exp %min3A_38 : vector<8192x128xf32>
    %sub3A_40 = arith.constant 1.000000e+00 : f32
    %sub3A_41 = vector.broadcast %sub3A_40 : f32 to vector<8192x128xf32>
    %sub3A_42 = arith.subf %exp3A_39, %sub3A_41 : vector<8192x128xf32>
    %select_n3A_43 = arith.select %gt3A_35, %add3A_32, %sub3A_42 : vector<8192x128xi1>, vector<8192x128xf32>
    %reshape3A_44 = vector.shape_cast %select_n3A_43 : vector<8192x128xf32> to vector<1024x1024xf32>
    %get3A_45 = arith.constant 0 : index
    %get3A_46 = arith.constant 0 : index
    %get3A_47 = vector.load %arg7[%get3A_45, %get3A_46] : memref<1024x128xf32, #tpu.memory_space<vmem>>, vector<1024x128xf32>
    %convert_element_type3A_48 = arith.truncf %reshape3A_44 : vector<1024x1024xf32> to vector<1024x1024xbf16>
    %convert_element_type3A_49 = arith.truncf %get3A_47 : vector<1024x128xf32> to vector<1024x128xbf16>
    %dot_general3A_50 = arith.constant dense<0.000000e+00> : vector<1024x128xf32>
    %dot_general3A_51 = tpu.matmul %convert_element_type3A_48, %convert_element_type3A_49, %dot_general3A_50 {dimension_numbers = #tpu.dot_dimension_numbers<[1], [0], [0], [1], [0, 0, 1, 1], [], []>, transpose_lhs_hint = false} : vector<1024x1024xbf16>, vector<1024x128xbf16>, vector<1024x128xf32> -> vector<1024x128xf32>
    %get3A_52 = arith.constant 0 : index
    %get3A_53 = arith.constant 0 : index
    %get3A_54 = vector.load %arg8[%get3A_52, %get3A_53] : memref<1x128xf32, #tpu.memory_space<vmem>>, vector<1x128xf32>
    %add3A_55 = vector.broadcast %get3A_54 : vector<1x128xf32> to vector<1024x128xf32>
    %add3A_56 = arith.addf %dot_general3A_51, %add3A_55 : vector<1024x128xf32>
    %swap3A = arith.constant 0 : index
    %swap3A_57 = arith.constant 0 : index
    %swap3A_58 = vector.load %arg9[%swap3A, %swap3A_57] : memref<1024x128xf32, #tpu.memory_space<vmem>>, vector<1024x128xf32>
    tpu.vector_store %arg9[%swap3A, %swap3A_57], %add3A_56 {strides = array<i32>} : memref<1024x128xf32, #tpu.memory_space<vmem>>, vector<1024x128xf32>,
    return
  }
  func.func @transform_0(%arg0: i32) -> (i32, i32) {
    %c0_i32 = arith.constant 0 : i32
    %c0_i32_0 = arith.constant 0 : i32
    return %arg0, %c0_i32 : i32, i32
  }
  func.func @transform_1(%arg0: i32) -> (i32, i32) {
    %c0_i32 = arith.constant 0 : i32
    %c0_i32_0 = arith.constant 0 : i32
    return %arg0, %c0_i32 : i32, i32
  }
  func.func @transform_2(%arg0: i32) -> (i32, i32) {
    %c0_i32 = arith.constant 0 : i32
    %c0_i32_0 = arith.constant 0 : i32
    %c0_i32_1 = arith.constant 0 : i32
    return %c0_i32, %c0_i32_0 : i32, i32
  }
  func.func @transform_3(%arg0: i32) -> (i32, i32) {
    %c0_i32 = arith.constant 0 : i32
    %c0_i32_0 = arith.constant 0 : i32
    %c0_i32_1 = arith.constant 0 : i32
    return %c0_i32, %c0_i32_0 : i32, i32
  }
  func.func @transform_4(%arg0: i32) -> (i32, i32) {
    %c0_i32 = arith.constant 0 : i32
    %c0_i32_0 = arith.constant 0 : i32
    %c0_i32_1 = arith.constant 0 : i32
    return %c0_i32, %c0_i32_0 : i32, i32
  }
  func.func @transform_5(%arg0: i32) -> (i32, i32) {
    %c0_i32 = arith.constant 0 : i32
    %c0_i32_0 = arith.constant 0 : i32
    %c0_i32_1 = arith.constant 0 : i32
    return %c0_i32, %c0_i32_0 : i32, i32
  }
  func.func @transform_6(%arg0: i32) -> (i32, i32) {
    %c0_i32 = arith.constant 0 : i32
    %c0_i32_0 = arith.constant 0 : i32
    %c0_i32_1 = arith.constant 0 : i32
    return %c0_i32, %c0_i32_0 : i32, i32
  }
  func.func @transform_7(%arg0: i32) -> (i32, i32) {
    %c0_i32 = arith.constant 0 : i32
    %c0_i32_0 = arith.constant 0 : i32
    %c0_i32_1 = arith.constant 0 : i32
    return %c0_i32, %c0_i32_0 : i32, i32
  }
  func.func @transform_8(%arg0: i32) -> (i32, i32) {
    %c0_i32 = arith.constant 0 : i32
    %c0_i32_0 = arith.constant 0 : i32
    return %arg0, %c0_i32 : i32, i32
  }
}

module attributes {stable_mosaic.version = 14 : i64} {
  func.func @body(%arg0: i32, %arg1: memref<2x1000x16xf32, #tpu.memory_space<vmem>>, %arg2: memref<1000x8xf32, #tpu.memory_space<vmem>>, %arg3: memref<2x1000x16xf32, #tpu.memory_space<vmem>>, %arg4: memref<8x128xf32, #tpu.memory_space<vmem>>, %arg5: memref<1x128xf32, #tpu.memory_space<vmem>>, %arg6: memref<128x128xf32, #tpu.memory_space<vmem>>, %arg7: memref<1x128xf32, #tpu.memory_space<vmem>>, %arg8: memref<128x8xf32, #tpu.memory_space<vmem>>, %arg9: memref<1x8xf32, #tpu.memory_space<vmem>>, %arg10: memref<8x128xf32, #tpu.memory_space<vmem>>, %arg11: memref<1x128xf32, #tpu.memory_space<vmem>>, %arg12: memref<128x128xf32, #tpu.memory_space<vmem>>, %arg13: memref<1x128xf32, #tpu.memory_space<vmem>>, %arg14: memref<128x8xf32, #tpu.memory_space<vmem>>, %arg15: memref<1x8xf32, #tpu.memory_space<vmem>>, %arg16: memref<8x128xf32, #tpu.memory_space<vmem>>, %arg17: memref<1x128xf32, #tpu.memory_space<vmem>>, %arg18: memref<128x128xf32, #tpu.memory_space<vmem>>, %arg19: memref<1x128xf32, #tpu.memory_space<vmem>>, %arg20: memref<128x8xf32, #tpu.memory_space<vmem>>, %arg21: memref<1x8xf32, #tpu.memory_space<vmem>>, %arg22: memref<8x128xf32, #tpu.memory_space<vmem>>, %arg23: memref<1x128xf32, #tpu.memory_space<vmem>>, %arg24: memref<128x128xf32, #tpu.memory_space<vmem>>, %arg25: memref<1x128xf32, #tpu.memory_space<vmem>>, %arg26: memref<128x8xf32, #tpu.memory_space<vmem>>, %arg27: memref<1x8xf32, #tpu.memory_space<vmem>>, %arg28: memref<1000x8xf32, #tpu.memory_space<vmem>>, %arg29: memref<1000x8xf32, #tpu.memory_space<vmem>>, %arg30: memref<1000x8xf32, #tpu.memory_space<vmem>>) attributes {dimension_semantics = [#tpu.dimension_semantics<arbitrary>], iteration_bounds = array<i64: 10>, scalar_prefetch = 0 : i64, scratch_operands = 0 : i64, tpu.core_type = #tpu.core_type<tc>, window_params = [{transform_indices = @transform_0, window_bounds = array<i64: 2, 1000, 16>}, {transform_indices = @transform_1, window_bounds = array<i64: 1000, 8>}, {transform_indices = @transform_2, window_bounds = array<i64: 2, 1000, 16>}, {pipeline_mode = #tpu.pipeline_mode<synchronous>, transform_indices = @transform_3, window_bounds = array<i64: 8, 128>}, {pipeline_mode = #tpu.pipeline_mode<synchronous>, transform_indices = @transform_4, window_bounds = array<i64: 1, 128>}, {pipeline_mode = #tpu.pipeline_mode<synchronous>, transform_indices = @transform_5, window_bounds = array<i64: 128, 128>}, {pipeline_mode = #tpu.pipeline_mode<synchronous>, transform_indices = @transform_6, window_bounds = array<i64: 1, 128>}, {pipeline_mode = #tpu.pipeline_mode<synchronous>, transform_indices = @transform_7, window_bounds = array<i64: 128, 8>}, {pipeline_mode = #tpu.pipeline_mode<synchronous>, transform_indices = @transform_8, window_bounds = array<i64: 1, 8>}, {pipeline_mode = #tpu.pipeline_mode<synchronous>, transform_indices = @transform_9, window_bounds = array<i64: 8, 128>}, {pipeline_mode = #tpu.pipeline_mode<synchronous>, transform_indices = @transform_10, window_bounds = array<i64: 1, 128>}, {pipeline_mode = #tpu.pipeline_mode<synchronous>, transform_indices = @transform_11, window_bounds = array<i64: 128, 128>}, {pipeline_mode = #tpu.pipeline_mode<synchronous>, transform_indices = @transform_12, window_bounds = array<i64: 1, 128>}, {pipeline_mode = #tpu.pipeline_mode<synchronous>, transform_indices = @transform_13, window_bounds = array<i64: 128, 8>}, {pipeline_mode = #tpu.pipeline_mode<synchronous>, transform_indices = @transform_14, window_bounds = array<i64: 1, 8>}, {pipeline_mode = #tpu.pipeline_mode<synchronous>, transform_indices = @transform_15, window_bounds = array<i64: 8, 128>}, {pipeline_mode = #tpu.pipeline_mode<synchronous>, transform_indices = @transform_16, window_bounds = array<i64: 1, 128>}, {pipeline_mode = #tpu.pipeline_mode<synchronous>, transform_indices = @transform_17, window_bounds = array<i64: 128, 128>}, {pipeline_mode = #tpu.pipeline_mode<synchronous>, transform_indices = @transform_18, window_bounds = array<i64: 1, 128>}, {pipeline_mode = #tpu.pipeline_mode<synchronous>, transform_indices = @transform_19, window_bounds = array<i64: 128, 8>}, {pipeline_mode = #tpu.pipeline_mode<synchronous>, transform_indices = @transform_20, window_bounds = array<i64: 1, 8>}, {pipeline_mode = #tpu.pipeline_mode<synchronous>, transform_indices = @transform_21, window_bounds = array<i64: 8, 128>}, {pipeline_mode = #tpu.pipeline_mode<synchronous>, transform_indices = @transform_22, window_bounds = array<i64: 1, 128>}, {pipeline_mode = #tpu.pipeline_mode<synchronous>, transform_indices = @transform_23, window_bounds = array<i64: 128, 128>}, {pipeline_mode = #tpu.pipeline_mode<synchronous>, transform_indices = @transform_24, window_bounds = array<i64: 1, 128>}, {pipeline_mode = #tpu.pipeline_mode<synchronous>, transform_indices = @transform_25, window_bounds = array<i64: 128, 8>}, {pipeline_mode = #tpu.pipeline_mode<synchronous>, transform_indices = @transform_26, window_bounds = array<i64: 1, 8>}, {transform_indices = @transform_27, window_bounds = array<i64: 1000, 8>}, {transform_indices = @transform_28, window_bounds = array<i64: 1000, 8>}, {transform_indices = @transform_29, window_bounds = array<i64: 1000, 8>}]} {
    %get3A = arith.constant 0 : index
    %get3A_0 = arith.constant 0 : index
    %get3A_1 = arith.constant 0 : index
    %get3A_2 = vector.load %arg1[%get3A, %get3A_0, %get3A_1] : memref<2x1000x16xf32, #tpu.memory_space<vmem>>, vector<2x1000x16xf32>
    %slice3A = vector.extract_strided_slice %get3A_2 {offsets = [0, 0, 0], sizes = [1, 1000, 16], strides = [1, 1, 1]} : vector<2x1000x16xf32> to vector<1x1000x16xf32>
    %squeeze3A = vector.shape_cast %slice3A : vector<1x1000x16xf32> to vector<1000x16xf32>
    %slice3A_3 = vector.extract_strided_slice %get3A_2 {offsets = [1, 0, 0], sizes = [1, 1000, 16], strides = [1, 1, 1]} : vector<2x1000x16xf32> to vector<1x1000x16xf32>
    %squeeze3A_4 = vector.shape_cast %slice3A_3 : vector<1x1000x16xf32> to vector<1000x16xf32>
    %add3A = arith.addf %squeeze3A, %squeeze3A_4 : vector<1000x16xf32>
    %slice3A_5 = vector.extract_strided_slice %add3A {offsets = [0, 0], sizes = [1000, 8], strides = [1, 1]} : vector<1000x16xf32> to vector<1000x8xf32>
    %slice3A_6 = vector.extract_strided_slice %add3A {offsets = [0, 8], sizes = [1000, 1], strides = [1, 1]} : vector<1000x16xf32> to vector<1000x1xf32>
    %get3A_7 = arith.constant 0 : index
    %get3A_8 = arith.constant 0 : index
    %get3A_9 = vector.load %arg2[%get3A_7, %get3A_8] : memref<1000x8xf32, #tpu.memory_space<vmem>>, vector<1000x8xf32>
    %mul3A = vector.broadcast %slice3A_6 : vector<1000x1xf32> to vector<1000x8xf32>
    %mul3A_10 = arith.mulf %mul3A, %get3A_9 : vector<1000x8xf32>
    %add3A_11 = arith.addf %slice3A_5, %mul3A_10 : vector<1000x8xf32>
    %get3A_12 = arith.constant 0 : index
    %get3A_13 = arith.constant 0 : index
    %get3A_14 = arith.constant 0 : index
    %get3A_15 = vector.load %arg3[%get3A_12, %get3A_13, %get3A_14] : memref<2x1000x16xf32, #tpu.memory_space<vmem>>, vector<2x1000x16xf32>
    %slice3A_16 = vector.extract_strided_slice %get3A_15 {offsets = [0, 0, 0], sizes = [1, 1000, 16], strides = [1, 1, 1]} : vector<2x1000x16xf32> to vector<1x1000x16xf32>
    %squeeze3A_17 = vector.shape_cast %slice3A_16 : vector<1x1000x16xf32> to vector<1000x16xf32>
    %slice3A_18 = vector.extract_strided_slice %get3A_15 {offsets = [1, 0, 0], sizes = [1, 1000, 16], strides = [1, 1, 1]} : vector<2x1000x16xf32> to vector<1x1000x16xf32>
    %squeeze3A_19 = vector.shape_cast %slice3A_18 : vector<1x1000x16xf32> to vector<1000x16xf32>
    %add3A_20 = arith.addf %squeeze3A_17, %squeeze3A_19 : vector<1000x16xf32>
    %slice3A_21 = vector.extract_strided_slice %add3A_20 {offsets = [0, 0], sizes = [1000, 8], strides = [1, 1]} : vector<1000x16xf32> to vector<1000x8xf32>
    %get3A_22 = arith.constant 0 : index
    %get3A_23 = arith.constant 0 : index
    %get3A_24 = vector.load %arg4[%get3A_22, %get3A_23] : memref<8x128xf32, #tpu.memory_space<vmem>>, vector<8x128xf32>
    %convert_element_type3A = arith.truncf %add3A_11 : vector<1000x8xf32> to vector<1000x8xbf16>
    %convert_element_type3A_25 = arith.truncf %get3A_24 : vector<8x128xf32> to vector<8x128xbf16>
    %dot_general3A = arith.constant dense<0.000000e+00> : vector<1000x128xf32>
    %dot_general3A_26 = tpu.matmul %convert_element_type3A, %convert_element_type3A_25, %dot_general3A {dimension_numbers = #tpu.dot_dimension_numbers<[1], [0], [0], [1], [0, 0, 1, 1], [], []>, transpose_lhs_hint = false} : vector<1000x8xbf16>, vector<8x128xbf16>, vector<1000x128xf32> -> vector<1000x128xf32>
    %get3A_27 = arith.constant 0 : index
    %get3A_28 = arith.constant 0 : index
    %get3A_29 = vector.load %arg5[%get3A_27, %get3A_28] : memref<1x128xf32, #tpu.memory_space<vmem>>, vector<1x128xf32>
    %add3A_30 = vector.broadcast %get3A_29 : vector<1x128xf32> to vector<1000x128xf32>
    %add3A_31 = arith.addf %dot_general3A_26, %add3A_30 : vector<1000x128xf32>
    %gt3A = arith.constant 0.000000e+00 : f32
    %gt3A_32 = vector.broadcast %gt3A : f32 to vector<1000x128xf32>
    %gt3A_33 = arith.cmpf ogt, %add3A_31, %gt3A_32 : vector<1000x128xf32>
    %min3A = arith.constant 0.000000e+00 : f32
    %min3A_34 = vector.broadcast %min3A : f32 to vector<1000x128xf32>
    %min3A_35 = arith.minimumf %add3A_31, %min3A_34 : vector<1000x128xf32>
    %exp3A = math.exp %min3A_35 : vector<1000x128xf32>
    %sub3A = arith.constant 1.000000e+00 : f32
    %sub3A_36 = vector.broadcast %sub3A : f32 to vector<1000x128xf32>
    %sub3A_37 = arith.subf %exp3A, %sub3A_36 : vector<1000x128xf32>
    %select_n3A = arith.select %gt3A_33, %add3A_31, %sub3A_37 : vector<1000x128xi1>, vector<1000x128xf32>
    %get3A_38 = arith.constant 0 : index
    %get3A_39 = arith.constant 0 : index
    %get3A_40 = vector.load %arg6[%get3A_38, %get3A_39] : memref<128x128xf32, #tpu.memory_space<vmem>>, vector<128x128xf32>
    %convert_element_type3A_41 = arith.truncf %select_n3A : vector<1000x128xf32> to vector<1000x128xbf16>
    %convert_element_type3A_42 = arith.truncf %get3A_40 : vector<128x128xf32> to vector<128x128xbf16>
    %dot_general3A_43 = arith.constant dense<0.000000e+00> : vector<1000x128xf32>
    %dot_general3A_44 = tpu.matmul %convert_element_type3A_41, %convert_element_type3A_42, %dot_general3A_43 {dimension_numbers = #tpu.dot_dimension_numbers<[1], [0], [0], [1], [0, 0, 1, 1], [], []>, transpose_lhs_hint = false} : vector<1000x128xbf16>, vector<128x128xbf16>, vector<1000x128xf32> -> vector<1000x128xf32>
    %get3A_45 = arith.constant 0 : index
    %get3A_46 = arith.constant 0 : index
    %get3A_47 = vector.load %arg7[%get3A_45, %get3A_46] : memref<1x128xf32, #tpu.memory_space<vmem>>, vector<1x128xf32>
    %add3A_48 = vector.broadcast %get3A_47 : vector<1x128xf32> to vector<1000x128xf32>
    %add3A_49 = arith.addf %dot_general3A_44, %add3A_48 : vector<1000x128xf32>
    %gt3A_50 = arith.constant 0.000000e+00 : f32
    %gt3A_51 = vector.broadcast %gt3A_50 : f32 to vector<1000x128xf32>
    %gt3A_52 = arith.cmpf ogt, %add3A_49, %gt3A_51 : vector<1000x128xf32>
    %min3A_53 = arith.constant 0.000000e+00 : f32
    %min3A_54 = vector.broadcast %min3A_53 : f32 to vector<1000x128xf32>
    %min3A_55 = arith.minimumf %add3A_49, %min3A_54 : vector<1000x128xf32>
    %exp3A_56 = math.exp %min3A_55 : vector<1000x128xf32>
    %sub3A_57 = arith.constant 1.000000e+00 : f32
    %sub3A_58 = vector.broadcast %sub3A_57 : f32 to vector<1000x128xf32>
    %sub3A_59 = arith.subf %exp3A_56, %sub3A_58 : vector<1000x128xf32>
    %select_n3A_60 = arith.select %gt3A_52, %add3A_49, %sub3A_59 : vector<1000x128xi1>, vector<1000x128xf32>
    %get3A_61 = arith.constant 0 : index
    %get3A_62 = arith.constant 0 : index
    %get3A_63 = vector.load %arg8[%get3A_61, %get3A_62] : memref<128x8xf32, #tpu.memory_space<vmem>>, vector<128x8xf32>
    %convert_element_type3A_64 = arith.truncf %select_n3A_60 : vector<1000x128xf32> to vector<1000x128xbf16>
    %convert_element_type3A_65 = arith.truncf %get3A_63 : vector<128x8xf32> to vector<128x8xbf16>
    %dot_general3A_66 = arith.constant dense<0.000000e+00> : vector<1000x8xf32>
    %dot_general3A_67 = tpu.matmul %convert_element_type3A_64, %convert_element_type3A_65, %dot_general3A_66 {dimension_numbers = #tpu.dot_dimension_numbers<[1], [0], [0], [1], [0, 0, 1, 1], [], []>, transpose_lhs_hint = false} : vector<1000x128xbf16>, vector<128x8xbf16>, vector<1000x8xf32> -> vector<1000x8xf32>
    %get3A_68 = arith.constant 0 : index
    %get3A_69 = arith.constant 0 : index
    %get3A_70 = vector.load %arg9[%get3A_68, %get3A_69] : memref<1x8xf32, #tpu.memory_space<vmem>>, vector<1x8xf32>
    %add3A_71 = vector.broadcast %get3A_70 : vector<1x8xf32> to vector<1000x8xf32>
    %add3A_72 = arith.addf %dot_general3A_67, %add3A_71 : vector<1000x8xf32>
    %swap3A = arith.constant 0 : index
    %swap3A_73 = arith.constant 0 : index
    %swap3A_74 = vector.load %arg28[%swap3A, %swap3A_73] : memref<1000x8xf32, #tpu.memory_space<vmem>>, vector<1000x8xf32>
    tpu.vector_store %arg28[%swap3A, %swap3A_73], %add3A_72 {strides = array<i32>} : memref<1000x8xf32, #tpu.memory_space<vmem>>, vector<1000x8xf32>,
    %get3A_75 = arith.constant 0 : index
    %get3A_76 = arith.constant 0 : index
    %get3A_77 = vector.load %arg16[%get3A_75, %get3A_76] : memref<8x128xf32, #tpu.memory_space<vmem>>, vector<8x128xf32>
    %convert_element_type3A_78 = arith.truncf %slice3A_21 : vector<1000x8xf32> to vector<1000x8xbf16>
    %convert_element_type3A_79 = arith.truncf %get3A_77 : vector<8x128xf32> to vector<8x128xbf16>
    %dot_general3A_80 = arith.constant dense<0.000000e+00> : vector<1000x128xf32>
    %dot_general3A_81 = tpu.matmul %convert_element_type3A_78, %convert_element_type3A_79, %dot_general3A_80 {dimension_numbers = #tpu.dot_dimension_numbers<[1], [0], [0], [1], [0, 0, 1, 1], [], []>, transpose_lhs_hint = false} : vector<1000x8xbf16>, vector<8x128xbf16>, vector<1000x128xf32> -> vector<1000x128xf32>
    %get3A_82 = arith.constant 0 : index
    %get3A_83 = arith.constant 0 : index
    %get3A_84 = vector.load %arg17[%get3A_82, %get3A_83] : memref<1x128xf32, #tpu.memory_space<vmem>>, vector<1x128xf32>
    %add3A_85 = vector.broadcast %get3A_84 : vector<1x128xf32> to vector<1000x128xf32>
    %add3A_86 = arith.addf %dot_general3A_81, %add3A_85 : vector<1000x128xf32>
    %gt3A_87 = arith.constant 0.000000e+00 : f32
    %gt3A_88 = vector.broadcast %gt3A_87 : f32 to vector<1000x128xf32>
    %gt3A_89 = arith.cmpf ogt, %add3A_86, %gt3A_88 : vector<1000x128xf32>
    %min3A_90 = arith.constant 0.000000e+00 : f32
    %min3A_91 = vector.broadcast %min3A_90 : f32 to vector<1000x128xf32>
    %min3A_92 = arith.minimumf %add3A_86, %min3A_91 : vector<1000x128xf32>
    %exp3A_93 = math.exp %min3A_92 : vector<1000x128xf32>
    %sub3A_94 = arith.constant 1.000000e+00 : f32
    %sub3A_95 = vector.broadcast %sub3A_94 : f32 to vector<1000x128xf32>
    %sub3A_96 = arith.subf %exp3A_93, %sub3A_95 : vector<1000x128xf32>
    %select_n3A_97 = arith.select %gt3A_89, %add3A_86, %sub3A_96 : vector<1000x128xi1>, vector<1000x128xf32>
    %get3A_98 = arith.constant 0 : index
    %get3A_99 = arith.constant 0 : index
    %get3A_100 = vector.load %arg18[%get3A_98, %get3A_99] : memref<128x128xf32, #tpu.memory_space<vmem>>, vector<128x128xf32>
    %convert_element_type3A_101 = arith.truncf %select_n3A_97 : vector<1000x128xf32> to vector<1000x128xbf16>
    %convert_element_type3A_102 = arith.truncf %get3A_100 : vector<128x128xf32> to vector<128x128xbf16>
    %dot_general3A_103 = arith.constant dense<0.000000e+00> : vector<1000x128xf32>
    %dot_general3A_104 = tpu.matmul %convert_element_type3A_101, %convert_element_type3A_102, %dot_general3A_103 {dimension_numbers = #tpu.dot_dimension_numbers<[1], [0], [0], [1], [0, 0, 1, 1], [], []>, transpose_lhs_hint = false} : vector<1000x128xbf16>, vector<128x128xbf16>, vector<1000x128xf32> -> vector<1000x128xf32>
    %get3A_105 = arith.constant 0 : index
    %get3A_106 = arith.constant 0 : index
    %get3A_107 = vector.load %arg19[%get3A_105, %get3A_106] : memref<1x128xf32, #tpu.memory_space<vmem>>, vector<1x128xf32>
    %add3A_108 = vector.broadcast %get3A_107 : vector<1x128xf32> to vector<1000x128xf32>
    %add3A_109 = arith.addf %dot_general3A_104, %add3A_108 : vector<1000x128xf32>
    %gt3A_110 = arith.constant 0.000000e+00 : f32
    %gt3A_111 = vector.broadcast %gt3A_110 : f32 to vector<1000x128xf32>
    %gt3A_112 = arith.cmpf ogt, %add3A_109, %gt3A_111 : vector<1000x128xf32>
    %min3A_113 = arith.constant 0.000000e+00 : f32
    %min3A_114 = vector.broadcast %min3A_113 : f32 to vector<1000x128xf32>
    %min3A_115 = arith.minimumf %add3A_109, %min3A_114 : vector<1000x128xf32>
    %exp3A_116 = math.exp %min3A_115 : vector<1000x128xf32>
    %sub3A_117 = arith.constant 1.000000e+00 : f32
    %sub3A_118 = vector.broadcast %sub3A_117 : f32 to vector<1000x128xf32>
    %sub3A_119 = arith.subf %exp3A_116, %sub3A_118 : vector<1000x128xf32>
    %select_n3A_120 = arith.select %gt3A_112, %add3A_109, %sub3A_119 : vector<1000x128xi1>, vector<1000x128xf32>
    %get3A_121 = arith.constant 0 : index
    %get3A_122 = arith.constant 0 : index
    %get3A_123 = vector.load %arg20[%get3A_121, %get3A_122] : memref<128x8xf32, #tpu.memory_space<vmem>>, vector<128x8xf32>
    %convert_element_type3A_124 = arith.truncf %select_n3A_120 : vector<1000x128xf32> to vector<1000x128xbf16>
    %convert_element_type3A_125 = arith.truncf %get3A_123 : vector<128x8xf32> to vector<128x8xbf16>
    %dot_general3A_126 = arith.constant dense<0.000000e+00> : vector<1000x8xf32>
    %dot_general3A_127 = tpu.matmul %convert_element_type3A_124, %convert_element_type3A_125, %dot_general3A_126 {dimension_numbers = #tpu.dot_dimension_numbers<[1], [0], [0], [1], [0, 0, 1, 1], [], []>, transpose_lhs_hint = false} : vector<1000x128xbf16>, vector<128x8xbf16>, vector<1000x8xf32> -> vector<1000x8xf32>
    %get3A_128 = arith.constant 0 : index
    %get3A_129 = arith.constant 0 : index
    %get3A_130 = vector.load %arg21[%get3A_128, %get3A_129] : memref<1x8xf32, #tpu.memory_space<vmem>>, vector<1x8xf32>
    %add3A_131 = vector.broadcast %get3A_130 : vector<1x8xf32> to vector<1000x8xf32>
    %add3A_132 = arith.addf %dot_general3A_127, %add3A_131 : vector<1000x8xf32>
    %get3A_133 = arith.constant 0 : index
    %get3A_134 = arith.constant 0 : index
    %get3A_135 = vector.load %arg10[%get3A_133, %get3A_134] : memref<8x128xf32, #tpu.memory_space<vmem>>, vector<8x128xf32>
    %convert_element_type3A_136 = arith.truncf %add3A_11 : vector<1000x8xf32> to vector<1000x8xbf16>
    %convert_element_type3A_137 = arith.truncf %get3A_135 : vector<8x128xf32> to vector<8x128xbf16>
    %dot_general3A_138 = arith.constant dense<0.000000e+00> : vector<1000x128xf32>
    %dot_general3A_139 = tpu.matmul %convert_element_type3A_136, %convert_element_type3A_137, %dot_general3A_138 {dimension_numbers = #tpu.dot_dimension_numbers<[1], [0], [0], [1], [0, 0, 1, 1], [], []>, transpose_lhs_hint = false} : vector<1000x8xbf16>, vector<8x128xbf16>, vector<1000x128xf32> -> vector<1000x128xf32>
    %get3A_140 = arith.constant 0 : index
    %get3A_141 = arith.constant 0 : index
    %get3A_142 = vector.load %arg11[%get3A_140, %get3A_141] : memref<1x128xf32, #tpu.memory_space<vmem>>, vector<1x128xf32>
    %add3A_143 = vector.broadcast %get3A_142 : vector<1x128xf32> to vector<1000x128xf32>
    %add3A_144 = arith.addf %dot_general3A_139, %add3A_143 : vector<1000x128xf32>
    %gt3A_145 = arith.constant 0.000000e+00 : f32
    %gt3A_146 = vector.broadcast %gt3A_145 : f32 to vector<1000x128xf32>
    %gt3A_147 = arith.cmpf ogt, %add3A_144, %gt3A_146 : vector<1000x128xf32>
    %min3A_148 = arith.constant 0.000000e+00 : f32
    %min3A_149 = vector.broadcast %min3A_148 : f32 to vector<1000x128xf32>
    %min3A_150 = arith.minimumf %add3A_144, %min3A_149 : vector<1000x128xf32>
    %exp3A_151 = math.exp %min3A_150 : vector<1000x128xf32>
    %sub3A_152 = arith.constant 1.000000e+00 : f32
    %sub3A_153 = vector.broadcast %sub3A_152 : f32 to vector<1000x128xf32>
    %sub3A_154 = arith.subf %exp3A_151, %sub3A_153 : vector<1000x128xf32>
    %select_n3A_155 = arith.select %gt3A_147, %add3A_144, %sub3A_154 : vector<1000x128xi1>, vector<1000x128xf32>
    %get3A_156 = arith.constant 0 : index
    %get3A_157 = arith.constant 0 : index
    %get3A_158 = vector.load %arg12[%get3A_156, %get3A_157] : memref<128x128xf32, #tpu.memory_space<vmem>>, vector<128x128xf32>
    %convert_element_type3A_159 = arith.truncf %select_n3A_155 : vector<1000x128xf32> to vector<1000x128xbf16>
    %convert_element_type3A_160 = arith.truncf %get3A_158 : vector<128x128xf32> to vector<128x128xbf16>
    %dot_general3A_161 = arith.constant dense<0.000000e+00> : vector<1000x128xf32>
    %dot_general3A_162 = tpu.matmul %convert_element_type3A_159, %convert_element_type3A_160, %dot_general3A_161 {dimension_numbers = #tpu.dot_dimension_numbers<[1], [0], [0], [1], [0, 0, 1, 1], [], []>, transpose_lhs_hint = false} : vector<1000x128xbf16>, vector<128x128xbf16>, vector<1000x128xf32> -> vector<1000x128xf32>
    %get3A_163 = arith.constant 0 : index
    %get3A_164 = arith.constant 0 : index
    %get3A_165 = vector.load %arg13[%get3A_163, %get3A_164] : memref<1x128xf32, #tpu.memory_space<vmem>>, vector<1x128xf32>
    %add3A_166 = vector.broadcast %get3A_165 : vector<1x128xf32> to vector<1000x128xf32>
    %add3A_167 = arith.addf %dot_general3A_162, %add3A_166 : vector<1000x128xf32>
    %gt3A_168 = arith.constant 0.000000e+00 : f32
    %gt3A_169 = vector.broadcast %gt3A_168 : f32 to vector<1000x128xf32>
    %gt3A_170 = arith.cmpf ogt, %add3A_167, %gt3A_169 : vector<1000x128xf32>
    %min3A_171 = arith.constant 0.000000e+00 : f32
    %min3A_172 = vector.broadcast %min3A_171 : f32 to vector<1000x128xf32>
    %min3A_173 = arith.minimumf %add3A_167, %min3A_172 : vector<1000x128xf32>
    %exp3A_174 = math.exp %min3A_173 : vector<1000x128xf32>
    %sub3A_175 = arith.constant 1.000000e+00 : f32
    %sub3A_176 = vector.broadcast %sub3A_175 : f32 to vector<1000x128xf32>
    %sub3A_177 = arith.subf %exp3A_174, %sub3A_176 : vector<1000x128xf32>
    %select_n3A_178 = arith.select %gt3A_170, %add3A_167, %sub3A_177 : vector<1000x128xi1>, vector<1000x128xf32>
    %get3A_179 = arith.constant 0 : index
    %get3A_180 = arith.constant 0 : index
    %get3A_181 = vector.load %arg14[%get3A_179, %get3A_180] : memref<128x8xf32, #tpu.memory_space<vmem>>, vector<128x8xf32>
    %convert_element_type3A_182 = arith.truncf %select_n3A_178 : vector<1000x128xf32> to vector<1000x128xbf16>
    %convert_element_type3A_183 = arith.truncf %get3A_181 : vector<128x8xf32> to vector<128x8xbf16>
    %dot_general3A_184 = arith.constant dense<0.000000e+00> : vector<1000x8xf32>
    %dot_general3A_185 = tpu.matmul %convert_element_type3A_182, %convert_element_type3A_183, %dot_general3A_184 {dimension_numbers = #tpu.dot_dimension_numbers<[1], [0], [0], [1], [0, 0, 1, 1], [], []>, transpose_lhs_hint = false} : vector<1000x128xbf16>, vector<128x8xbf16>, vector<1000x8xf32> -> vector<1000x8xf32>
    %get3A_186 = arith.constant 0 : index
    %get3A_187 = arith.constant 0 : index
    %get3A_188 = vector.load %arg15[%get3A_186, %get3A_187] : memref<1x8xf32, #tpu.memory_space<vmem>>, vector<1x8xf32>
    %add3A_189 = vector.broadcast %get3A_188 : vector<1x8xf32> to vector<1000x8xf32>
    %add3A_190 = arith.addf %dot_general3A_185, %add3A_189 : vector<1000x8xf32>
    %add3A_191 = arith.addf %add3A_132, %add3A_190 : vector<1000x8xf32>
    %swap3A_192 = arith.constant 0 : index
    %swap3A_193 = arith.constant 0 : index
    %swap3A_194 = vector.load %arg29[%swap3A_192, %swap3A_193] : memref<1000x8xf32, #tpu.memory_space<vmem>>, vector<1000x8xf32>
    tpu.vector_store %arg29[%swap3A_192, %swap3A_193], %add3A_191 {strides = array<i32>} : memref<1000x8xf32, #tpu.memory_space<vmem>>, vector<1000x8xf32>,
    %get3A_195 = arith.constant 0 : index
    %get3A_196 = arith.constant 0 : index
    %get3A_197 = vector.load %arg22[%get3A_195, %get3A_196] : memref<8x128xf32, #tpu.memory_space<vmem>>, vector<8x128xf32>
    %convert_element_type3A_198 = arith.truncf %add3A_11 : vector<1000x8xf32> to vector<1000x8xbf16>
    %convert_element_type3A_199 = arith.truncf %get3A_197 : vector<8x128xf32> to vector<8x128xbf16>
    %dot_general3A_200 = arith.constant dense<0.000000e+00> : vector<1000x128xf32>
    %dot_general3A_201 = tpu.matmul %convert_element_type3A_198, %convert_element_type3A_199, %dot_general3A_200 {dimension_numbers = #tpu.dot_dimension_numbers<[1], [0], [0], [1], [0, 0, 1, 1], [], []>, transpose_lhs_hint = false} : vector<1000x8xbf16>, vector<8x128xbf16>, vector<1000x128xf32> -> vector<1000x128xf32>
    %get3A_202 = arith.constant 0 : index
    %get3A_203 = arith.constant 0 : index
    %get3A_204 = vector.load %arg23[%get3A_202, %get3A_203] : memref<1x128xf32, #tpu.memory_space<vmem>>, vector<1x128xf32>
    %add3A_205 = vector.broadcast %get3A_204 : vector<1x128xf32> to vector<1000x128xf32>
    %add3A_206 = arith.addf %dot_general3A_201, %add3A_205 : vector<1000x128xf32>
    %gt3A_207 = arith.constant 0.000000e+00 : f32
    %gt3A_208 = vector.broadcast %gt3A_207 : f32 to vector<1000x128xf32>
    %gt3A_209 = arith.cmpf ogt, %add3A_206, %gt3A_208 : vector<1000x128xf32>
    %min3A_210 = arith.constant 0.000000e+00 : f32
    %min3A_211 = vector.broadcast %min3A_210 : f32 to vector<1000x128xf32>
    %min3A_212 = arith.minimumf %add3A_206, %min3A_211 : vector<1000x128xf32>
    %exp3A_213 = math.exp %min3A_212 : vector<1000x128xf32>
    %sub3A_214 = arith.constant 1.000000e+00 : f32
    %sub3A_215 = vector.broadcast %sub3A_214 : f32 to vector<1000x128xf32>
    %sub3A_216 = arith.subf %exp3A_213, %sub3A_215 : vector<1000x128xf32>
    %select_n3A_217 = arith.select %gt3A_209, %add3A_206, %sub3A_216 : vector<1000x128xi1>, vector<1000x128xf32>
    %get3A_218 = arith.constant 0 : index
    %get3A_219 = arith.constant 0 : index
    %get3A_220 = vector.load %arg24[%get3A_218, %get3A_219] : memref<128x128xf32, #tpu.memory_space<vmem>>, vector<128x128xf32>
    %convert_element_type3A_221 = arith.truncf %select_n3A_217 : vector<1000x128xf32> to vector<1000x128xbf16>
    %convert_element_type3A_222 = arith.truncf %get3A_220 : vector<128x128xf32> to vector<128x128xbf16>
    %dot_general3A_223 = arith.constant dense<0.000000e+00> : vector<1000x128xf32>
    %dot_general3A_224 = tpu.matmul %convert_element_type3A_221, %convert_element_type3A_222, %dot_general3A_223 {dimension_numbers = #tpu.dot_dimension_numbers<[1], [0], [0], [1], [0, 0, 1, 1], [], []>, transpose_lhs_hint = false} : vector<1000x128xbf16>, vector<128x128xbf16>, vector<1000x128xf32> -> vector<1000x128xf32>
    %get3A_225 = arith.constant 0 : index
    %get3A_226 = arith.constant 0 : index
    %get3A_227 = vector.load %arg25[%get3A_225, %get3A_226] : memref<1x128xf32, #tpu.memory_space<vmem>>, vector<1x128xf32>
    %add3A_228 = vector.broadcast %get3A_227 : vector<1x128xf32> to vector<1000x128xf32>
    %add3A_229 = arith.addf %dot_general3A_224, %add3A_228 : vector<1000x128xf32>
    %gt3A_230 = arith.constant 0.000000e+00 : f32
    %gt3A_231 = vector.broadcast %gt3A_230 : f32 to vector<1000x128xf32>
    %gt3A_232 = arith.cmpf ogt, %add3A_229, %gt3A_231 : vector<1000x128xf32>
    %min3A_233 = arith.constant 0.000000e+00 : f32
    %min3A_234 = vector.broadcast %min3A_233 : f32 to vector<1000x128xf32>
    %min3A_235 = arith.minimumf %add3A_229, %min3A_234 : vector<1000x128xf32>
    %exp3A_236 = math.exp %min3A_235 : vector<1000x128xf32>
    %sub3A_237 = arith.constant 1.000000e+00 : f32
    %sub3A_238 = vector.broadcast %sub3A_237 : f32 to vector<1000x128xf32>
    %sub3A_239 = arith.subf %exp3A_236, %sub3A_238 : vector<1000x128xf32>
    %select_n3A_240 = arith.select %gt3A_232, %add3A_229, %sub3A_239 : vector<1000x128xi1>, vector<1000x128xf32>
    %get3A_241 = arith.constant 0 : index
    %get3A_242 = arith.constant 0 : index
    %get3A_243 = vector.load %arg26[%get3A_241, %get3A_242] : memref<128x8xf32, #tpu.memory_space<vmem>>, vector<128x8xf32>
    %convert_element_type3A_244 = arith.truncf %select_n3A_240 : vector<1000x128xf32> to vector<1000x128xbf16>
    %convert_element_type3A_245 = arith.truncf %get3A_243 : vector<128x8xf32> to vector<128x8xbf16>
    %dot_general3A_246 = arith.constant dense<0.000000e+00> : vector<1000x8xf32>
    %dot_general3A_247 = tpu.matmul %convert_element_type3A_244, %convert_element_type3A_245, %dot_general3A_246 {dimension_numbers = #tpu.dot_dimension_numbers<[1], [0], [0], [1], [0, 0, 1, 1], [], []>, transpose_lhs_hint = false} : vector<1000x128xbf16>, vector<128x8xbf16>, vector<1000x8xf32> -> vector<1000x8xf32>
    %get3A_248 = arith.constant 0 : index
    %get3A_249 = arith.constant 0 : index
    %get3A_250 = vector.load %arg27[%get3A_248, %get3A_249] : memref<1x8xf32, #tpu.memory_space<vmem>>, vector<1x8xf32>
    %add3A_251 = vector.broadcast %get3A_250 : vector<1x8xf32> to vector<1000x8xf32>
    %add3A_252 = arith.addf %dot_general3A_247, %add3A_251 : vector<1000x8xf32>
    %swap3A_253 = arith.constant 0 : index
    %swap3A_254 = arith.constant 0 : index
    %swap3A_255 = vector.load %arg30[%swap3A_253, %swap3A_254] : memref<1000x8xf32, #tpu.memory_space<vmem>>, vector<1000x8xf32>
    tpu.vector_store %arg30[%swap3A_253, %swap3A_254], %add3A_252 {strides = array<i32>} : memref<1000x8xf32, #tpu.memory_space<vmem>>, vector<1000x8xf32>,
    return
  }
  func.func @transform_0(%arg0: i32) -> (i32, i32, i32) {
    %c0_i32 = arith.constant 0 : i32
    %c0_i32_0 = arith.constant 0 : i32
    %c0_i32_1 = arith.constant 0 : i32
    return %c0_i32, %arg0, %c0_i32_0 : i32, i32, i32
  }
  func.func @transform_1(%arg0: i32) -> (i32, i32) {
    %c0_i32 = arith.constant 0 : i32
    %c0_i32_0 = arith.constant 0 : i32
    return %arg0, %c0_i32 : i32, i32
  }
  func.func @transform_2(%arg0: i32) -> (i32, i32, i32) {
    %c0_i32 = arith.constant 0 : i32
    %c0_i32_0 = arith.constant 0 : i32
    %c0_i32_1 = arith.constant 0 : i32
    return %c0_i32, %arg0, %c0_i32_0 : i32, i32, i32
  }
  func.func @transform_3(%arg0: i32) -> (i32, i32) {
    %c0_i32 = arith.constant 0 : i32
    %c0_i32_0 = arith.constant 0 : i32
    %c0_i32_1 = arith.constant 0 : i32
    return %c0_i32, %c0_i32_0 : i32, i32
  }
  func.func @transform_4(%arg0: i32) -> (i32, i32) {
    %c0_i32 = arith.constant 0 : i32
    %c0_i32_0 = arith.constant 0 : i32
    %c0_i32_1 = arith.constant 0 : i32
    return %c0_i32, %c0_i32_0 : i32, i32
  }
  func.func @transform_5(%arg0: i32) -> (i32, i32) {
    %c0_i32 = arith.constant 0 : i32
    %c0_i32_0 = arith.constant 0 : i32
    %c0_i32_1 = arith.constant 0 : i32
    return %c0_i32, %c0_i32_0 : i32, i32
  }
  func.func @transform_6(%arg0: i32) -> (i32, i32) {
    %c0_i32 = arith.constant 0 : i32
    %c0_i32_0 = arith.constant 0 : i32
    %c0_i32_1 = arith.constant 0 : i32
    return %c0_i32, %c0_i32_0 : i32, i32
  }
  func.func @transform_7(%arg0: i32) -> (i32, i32) {
    %c0_i32 = arith.constant 0 : i32
    %c0_i32_0 = arith.constant 0 : i32
    %c0_i32_1 = arith.constant 0 : i32
    return %c0_i32, %c0_i32_0 : i32, i32
  }
  func.func @transform_8(%arg0: i32) -> (i32, i32) {
    %c0_i32 = arith.constant 0 : i32
    %c0_i32_0 = arith.constant 0 : i32
    %c0_i32_1 = arith.constant 0 : i32
    return %c0_i32, %c0_i32_0 : i32, i32
  }
  func.func @transform_9(%arg0: i32) -> (i32, i32) {
    %c0_i32 = arith.constant 0 : i32
    %c0_i32_0 = arith.constant 0 : i32
    %c0_i32_1 = arith.constant 0 : i32
    return %c0_i32, %c0_i32_0 : i32, i32
  }
  func.func @transform_10(%arg0: i32) -> (i32, i32) {
    %c0_i32 = arith.constant 0 : i32
    %c0_i32_0 = arith.constant 0 : i32
    %c0_i32_1 = arith.constant 0 : i32
    return %c0_i32, %c0_i32_0 : i32, i32
  }
  func.func @transform_11(%arg0: i32) -> (i32, i32) {
    %c0_i32 = arith.constant 0 : i32
    %c0_i32_0 = arith.constant 0 : i32
    %c0_i32_1 = arith.constant 0 : i32
    return %c0_i32, %c0_i32_0 : i32, i32
  }
  func.func @transform_12(%arg0: i32) -> (i32, i32) {
    %c0_i32 = arith.constant 0 : i32
    %c0_i32_0 = arith.constant 0 : i32
    %c0_i32_1 = arith.constant 0 : i32
    return %c0_i32, %c0_i32_0 : i32, i32
  }
  func.func @transform_13(%arg0: i32) -> (i32, i32) {
    %c0_i32 = arith.constant 0 : i32
    %c0_i32_0 = arith.constant 0 : i32
    %c0_i32_1 = arith.constant 0 : i32
    return %c0_i32, %c0_i32_0 : i32, i32
  }
  func.func @transform_14(%arg0: i32) -> (i32, i32) {
    %c0_i32 = arith.constant 0 : i32
    %c0_i32_0 = arith.constant 0 : i32
    %c0_i32_1 = arith.constant 0 : i32
    return %c0_i32, %c0_i32_0 : i32, i32
  }
  func.func @transform_15(%arg0: i32) -> (i32, i32) {
    %c0_i32 = arith.constant 0 : i32
    %c0_i32_0 = arith.constant 0 : i32
    %c0_i32_1 = arith.constant 0 : i32
    return %c0_i32, %c0_i32_0 : i32, i32
  }
  func.func @transform_16(%arg0: i32) -> (i32, i32) {
    %c0_i32 = arith.constant 0 : i32
    %c0_i32_0 = arith.constant 0 : i32
    %c0_i32_1 = arith.constant 0 : i32
    return %c0_i32, %c0_i32_0 : i32, i32
  }
  func.func @transform_17(%arg0: i32) -> (i32, i32) {
    %c0_i32 = arith.constant 0 : i32
    %c0_i32_0 = arith.constant 0 : i32
    %c0_i32_1 = arith.constant 0 : i32
    return %c0_i32, %c0_i32_0 : i32, i32
  }
  func.func @transform_18(%arg0: i32) -> (i32, i32) {
    %c0_i32 = arith.constant 0 : i32
    %c0_i32_0 = arith.constant 0 : i32
    %c0_i32_1 = arith.constant 0 : i32
    return %c0_i32, %c0_i32_0 : i32, i32
  }
  func.func @transform_19(%arg0: i32) -> (i32, i32) {
    %c0_i32 = arith.constant 0 : i32
    %c0_i32_0 = arith.constant 0 : i32
    %c0_i32_1 = arith.constant 0 : i32
    return %c0_i32, %c0_i32_0 : i32, i32
  }
  func.func @transform_20(%arg0: i32) -> (i32, i32) {
    %c0_i32 = arith.constant 0 : i32
    %c0_i32_0 = arith.constant 0 : i32
    %c0_i32_1 = arith.constant 0 : i32
    return %c0_i32, %c0_i32_0 : i32, i32
  }
  func.func @transform_21(%arg0: i32) -> (i32, i32) {
    %c0_i32 = arith.constant 0 : i32
    %c0_i32_0 = arith.constant 0 : i32
    %c0_i32_1 = arith.constant 0 : i32
    return %c0_i32, %c0_i32_0 : i32, i32
  }
  func.func @transform_22(%arg0: i32) -> (i32, i32) {
    %c0_i32 = arith.constant 0 : i32
    %c0_i32_0 = arith.constant 0 : i32
    %c0_i32_1 = arith.constant 0 : i32
    return %c0_i32, %c0_i32_0 : i32, i32
  }
  func.func @transform_23(%arg0: i32) -> (i32, i32) {
    %c0_i32 = arith.constant 0 : i32
    %c0_i32_0 = arith.constant 0 : i32
    %c0_i32_1 = arith.constant 0 : i32
    return %c0_i32, %c0_i32_0 : i32, i32
  }
  func.func @transform_24(%arg0: i32) -> (i32, i32) {
    %c0_i32 = arith.constant 0 : i32
    %c0_i32_0 = arith.constant 0 : i32
    %c0_i32_1 = arith.constant 0 : i32
    return %c0_i32, %c0_i32_0 : i32, i32
  }
  func.func @transform_25(%arg0: i32) -> (i32, i32) {
    %c0_i32 = arith.constant 0 : i32
    %c0_i32_0 = arith.constant 0 : i32
    %c0_i32_1 = arith.constant 0 : i32
    return %c0_i32, %c0_i32_0 : i32, i32
  }
  func.func @transform_26(%arg0: i32) -> (i32, i32) {
    %c0_i32 = arith.constant 0 : i32
    %c0_i32_0 = arith.constant 0 : i32
    %c0_i32_1 = arith.constant 0 : i32
    return %c0_i32, %c0_i32_0 : i32, i32
  }
  func.func @transform_27(%arg0: i32) -> (i32, i32) {
    %c0_i32 = arith.constant 0 : i32
    %c0_i32_0 = arith.constant 0 : i32
    return %arg0, %c0_i32 : i32, i32
  }
  func.func @transform_28(%arg0: i32) -> (i32, i32) {
    %c0_i32 = arith.constant 0 : i32
    %c0_i32_0 = arith.constant 0 : i32
    return %arg0, %c0_i32 : i32, i32
  }
  func.func @transform_29(%arg0: i32) -> (i32, i32) {
    %c0_i32 = arith.constant 0 : i32
    %c0_i32_0 = arith.constant 0 : i32
    return %arg0, %c0_i32 : i32, i32
  }
}

module attributes {stable_mosaic.version = 14 : i64} {
  func.func @body(%arg0: i32, %arg1: memref<2x1000x16xf32, #tpu.memory_space<vmem>>, %arg2: memref<1000x8xf32, #tpu.memory_space<vmem>>, %arg3: memref<1000x8xf32, #tpu.memory_space<vmem>>) attributes {dimension_semantics = [#tpu.dimension_semantics<arbitrary>], iteration_bounds = array<i64: 10>, scalar_prefetch = 0 : i64, scratch_operands = 0 : i64, tpu.core_type = #tpu.core_type<tc>, window_params = [{transform_indices = @transform_0, window_bounds = array<i64: 2, 1000, 16>}, {transform_indices = @transform_1, window_bounds = array<i64: 1000, 8>}, {transform_indices = @transform_2, window_bounds = array<i64: 1000, 8>}]} {
    %get3A = arith.constant 0 : index
    %get3A_0 = arith.constant 0 : index
    %get3A_1 = arith.constant 0 : index
    %get3A_2 = vector.load %arg1[%get3A, %get3A_0, %get3A_1] : memref<2x1000x16xf32, #tpu.memory_space<vmem>>, vector<2x1000x16xf32>
    %slice3A = vector.extract_strided_slice %get3A_2 {offsets = [0, 0, 0], sizes = [1, 1000, 16], strides = [1, 1, 1]} : vector<2x1000x16xf32> to vector<1x1000x16xf32>
    %squeeze3A = vector.shape_cast %slice3A : vector<1x1000x16xf32> to vector<1000x16xf32>
    %slice3A_3 = vector.extract_strided_slice %get3A_2 {offsets = [1, 0, 0], sizes = [1, 1000, 16], strides = [1, 1, 1]} : vector<2x1000x16xf32> to vector<1x1000x16xf32>
    %squeeze3A_4 = vector.shape_cast %slice3A_3 : vector<1x1000x16xf32> to vector<1000x16xf32>
    %add3A = arith.addf %squeeze3A, %squeeze3A_4 : vector<1000x16xf32>
    %slice3A_5 = vector.extract_strided_slice %add3A {offsets = [0, 0], sizes = [1000, 8], strides = [1, 1]} : vector<1000x16xf32> to vector<1000x8xf32>
    %slice3A_6 = vector.extract_strided_slice %add3A {offsets = [0, 8], sizes = [1000, 1], strides = [1, 1]} : vector<1000x16xf32> to vector<1000x1xf32>
    %get3A_7 = arith.constant 0 : index
    %get3A_8 = arith.constant 0 : index
    %get3A_9 = vector.load %arg2[%get3A_7, %get3A_8] : memref<1000x8xf32, #tpu.memory_space<vmem>>, vector<1000x8xf32>
    %mul3A = vector.broadcast %slice3A_6 : vector<1000x1xf32> to vector<1000x8xf32>
    %mul3A_10 = arith.mulf %mul3A, %get3A_9 : vector<1000x8xf32>
    %add3A_11 = arith.addf %slice3A_5, %mul3A_10 : vector<1000x8xf32>
    %swap3A = arith.constant 0 : index
    %swap3A_12 = arith.constant 0 : index
    %swap3A_13 = vector.load %arg3[%swap3A, %swap3A_12] : memref<1000x8xf32, #tpu.memory_space<vmem>>, vector<1000x8xf32>
    tpu.vector_store %arg3[%swap3A, %swap3A_12], %add3A_11 {strides = array<i32>} : memref<1000x8xf32, #tpu.memory_space<vmem>>, vector<1000x8xf32>,
    return
  }
  func.func @transform_0(%arg0: i32) -> (i32, i32, i32) {
    %c0_i32 = arith.constant 0 : i32
    %c0_i32_0 = arith.constant 0 : i32
    %c0_i32_1 = arith.constant 0 : i32
    return %c0_i32, %arg0, %c0_i32_0 : i32, i32, i32
  }
  func.func @transform_1(%arg0: i32) -> (i32, i32) {
    %c0_i32 = arith.constant 0 : i32
    %c0_i32_0 = arith.constant 0 : i32
    return %arg0, %c0_i32 : i32, i32
  }
  func.func @transform_2(%arg0: i32) -> (i32, i32) {
    %c0_i32 = arith.constant 0 : i32
    %c0_i32_0 = arith.constant 0 : i32
    return %arg0, %c0_i32 : i32, i32
  }
}

</mosaic_0001>

<sc_bundles>
// kernel: kernel.17.cloned.1.call-start
scs
__scs_entry_jumppad:
0x0: {  	(pc) =	sbr.rel $0x88, $3  }
0x1: {  	(tag) =	ssettag $0x0;
	lr =	simm.s32 $0x1  }
0x2: {  	[smem:$0x3F5D] =	sst lr;
	_ =	strace $0xD0000000  }
0x3: {  	_ = 	snop  }
0x4: {  	_ = 	snop  }
0x5: {  	_ = 	snop  }
0x6: {  	_ = 	snop  }
0x7: {  	_ = 	snop  }
__scs_overlays_trampoline_lowered:
0x8: {  	[smem:$0x3F6C] =	sst s0  }
0x9: {  	[smem:$0x3F6D] =	sst s1  }
0xa: {  	[smem:$0x3F6E] =	sst s2  }
0xb: {  	[smem:$0x3F6F] =	sst s3  }
0xc: {  	[smem:$0x3F70] =	sst s4  }
0xd: {  	[smem:$0x3F71] =	sst s5  }
0xe: {  	[smem:$0x3F72] =	sst s6  }
0xf: {  	[smem:$0x3F73] =	sst s7  }
0x10: {  	[smem:$0x3F74] =	sst s8  }
0x11: {  	[smem:$0x3F75] =	sst s9;
	s0 =	simm.s32 @!p0 $0x0  }
0x12: {  	s1 =	sld [smem:$0x3F5B];
	s0 =	simm.s32 @p0 $0x1  }
0x13: {  	[smem:$0x3F76] =	sst s0;
	s0 =	simm.s32 @!p1 $0x0  }
0x14: {  	s2 =	sld [smem:$0x3F5A];
	s0 =	simm.s32 @p1 $0x1  }
0x15: {  	[smem:$0x3F77] =	sst s0;
	s0 =	simm.s32 @!p2 $0x0  }
0x16: {  	s3 =	sld [smem:$0x3FDB];
	s0 =	simm.s32 @p2 $0x1  }
0x17: {  	s4 =	simm.s32 $0x1BF5;
	[smem:$0x3F79] =	sst s0  }
0x18: {  	s0 =	sld [smem:$0x3F5C];
	_ =	swait.ge [sflag:s4], $0x0  }
0x19: {  	s7 =	sld [smem:$0x3F5D]  }
0x1a: {  	s8 =	sadd.s32 $0xFFFFE003, lr  }
0x1b: {  	s9 =	sadd.s32 $0xFFFFFEF7, lr;
	s5 =	simm.s32 $0xFFFFFFFF;
	p2 =	slt.u32 s8, $0xFFFFF086  }
0x1c: {  	p1 =	slt.u32 s9, $0xF7A;
	s5 =	simm.s32 @!p2 $0x0  }
0x1d: {  	s5 =	simm.s32 @p1 $0x1;
	p0 =	seq.s32 s7, s2  }
0x1e: {  	s7 =	smul.u32 @!p0 $0xF7A, s2;
	p2 =	seq.s32 @!p0 s5, $0x0  }
0x1f: {  	s9 =	smul.u32 $0xF7A, s1;
	s8 =	simm.s32 @!p0 $0x1BF5;
	p2 =	por !p2, p0  }
0x20: {  	[sflag:s8] =	ssyncset.s32 @!p0 $0xFFFFF086;
	s6 =	sadd.s32 @!p0 s3, s7;
	s7 =	simm.s32 @!p0 $0x108  }
0x21: {  	s3 =	sadd.s32 s3, s9;
	s6 =	sadd.s32 @!p0 $0x88, s6;
	s7 =	simm.s32 @p2 $0x1082  }
0x22: {  	[simem:s7], [sflag:s8] =	dma.local @!p0 [hbm:s6], $0xF7A  }
0x23: {  	s9 =	sor.u32 $0xD0000000, s2;
	s6 =	simm.s32 $0x108;
	_ =	swait.ge @!p0 [sflag:s8], $0x0  }
0x24: {  	s3 =	sadd.s32 $0x88, s3;
	s6 =	simm.s32 @!p1 $0x1082;
	[sflag:s4] =	ssyncset.s32 $0xFFFFF086  }
0x25: {  	[simem:s6], [sflag:s4] =	dma.local [hbm:s3], $0xF7A  }
0x26: {  	[smem:$0x3F5D] =	sst s1;
	(tag) =	ssettag s2;
	_ =	strace s9  }
0x27: {  	s1 =	sld [smem:$0x3F6D]  }
0x28: {  	s2 =	sld [smem:$0x3F6E]  }
0x29: {  	s4 =	sld [smem:$0x3F70]  }
0x2a: {  	p0 =	seq.s32 s5, $0x0;
	s5 =	sld [smem:$0x3F71]  }
0x2b: {  	s6 =	sld [smem:$0x3F72]  }
0x2c: {  	s7 =	sld [smem:$0x3F73]  }
0x2d: {  	s3 =	simm.s32 $0x108;
	s8 =	sld [smem:$0x3F74]  }
0x2e: {  	s3 =	simm.s32 @!p0 $0x1082;
	s9 =	sld [smem:$0x3F75]  }
0x2f: {  	lr =	sadd.s32 s0, s3;
	s0 =	sld [smem:$0x3F6C]  }
0x30: {  	s3 =	sld [smem:$0x3F6F]  }
0x31: {  	[smem:$0x3F78] =	sst s10  }
0x32: {  	s10 =	sld [smem:$0x3F76];
	_ =	sdelay $0x3  }
0x33: {  	p0 =	seq.s32 s10, $0x1;
	s10 =	sld [smem:$0x3F78];
	_ =	sdelay $0x3  }
0x34: {  	[smem:$0x3F78] =	sst s10  }
0x35: {  	s10 =	sld [smem:$0x3F77];
	_ =	sdelay $0x3  }
0x36: {  	p1 =	seq.s32 s10, $0x1;
	s10 =	sld [smem:$0x3F78];
	_ =	sdelay $0x3  }
0x37: {  	[smem:$0x3F78] =	sst s10  }
0x38: {  	s10 =	sld [smem:$0x3F79]  }
0x39: {  	_ = 	snop;
	(pc) =	sbr.ind lr, $3  }
0x3a: {  	_ = 	snop  }
0x3b: {  	_ = 	snop  }
0x3c: {  	p2 =	seq.s32 s10, $0x1;
	s10 =	sld [smem:$0x3F78]  }
0x3d: {  	_ =	shalt  }
0x3e: {  	_ =	shalt  }
0x3f: {  	_ =	shalt  }
0x40: {  	_ =	shalt  }
0x41: {  	_ =	shalt  }
0x42: {  	_ =	shalt  }
0x43: {  	_ =	shalt  }
0x44: {  	_ =	shalt  }
0x45: {  	_ =	shalt  }
0x46: {  	_ =	shalt  }
0x47: {  	_ =	shalt  }
0x48: {  	_ =	shalt  }
0x49: {  	_ =	shalt  }
0x4a: {  	_ =	shalt  }
0x4b: {  	_ =	shalt  }
0x4c: {  	_ =	shalt  }
0x4d: {  	_ =	shalt  }
0x4e: {  	_ =	shalt  }
0x4f: {  	_ =	shalt  }
0x50: {  	_ =	shalt  }
0x51: {  	_ =	shalt  }
0x52: {  	_ =	shalt  }
0x53: {  	_ =	shalt  }
0x54: {  	_ =	shalt  }
0x55: {  	_ =	shalt  }
0x56: {  	_ =	shalt  }
0x57: {  	_ =	shalt  }
0x58: {  	_ =	shalt  }
0x59: {  	_ =	shalt  }
0x5a: {  	_ =	shalt  }
0x5b: {  	_ =	shalt  }
0x5c: {  	_ =	shalt  }
0x5d: {  	_ =	shalt  }
0x5e: {  	_ =	shalt  }
0x5f: {  	_ =	shalt  }
0x60: {  	_ =	shalt  }
0x61: {  	_ =	shalt  }
0x62: {  	_ =	shalt  }
0x63: {  	_ =	shalt  }
0x64: {  	_ =	shalt  }
0x65: {  	_ =	shalt  }
0x66: {  	_ =	shalt  }
0x67: {  	_ =	shalt  }
0x68: {  	_ =	shalt  }
0x69: {  	_ =	shalt  }
0x6a: {  	_ =	shalt  }
0x6b: {  	_ =	shalt  }
0x6c: {  	_ =	shalt  }
0x6d: {  	_ =	shalt  }
0x6e: {  	_ =	shalt  }
0x6f: {  	_ =	shalt  }
0x70: {  	_ =	shalt  }
0x71: {  	_ =	shalt  }
0x72: {  	_ =	shalt  }
0x73: {  	_ =	shalt  }
0x74: {  	_ =	shalt  }
0x75: {  	_ =	shalt  }
0x76: {  	_ =	shalt  }
0x77: {  	_ =	shalt  }
0x78: {  	_ =	shalt  }
0x79: {  	_ =	shalt  }
0x7a: {  	_ =	shalt  }
0x7b: {  	_ =	shalt  }
0x7c: {  	_ =	shalt  }
0x7d: {  	_ =	shalt  }
0x7e: {  	_ =	shalt  }
0x7f: {  	_ =	shalt  }
0x80: {  	_ =	shalt  }
0x81: {  	_ =	shalt  }
0x82: {  	_ =	shalt  }
0x83: {  	_ =	shalt  }
0x84: {  	_ =	shalt  }
0x85: {  	_ =	shalt  }
0x86: {  	_ =	shalt  }
0x87: {  	_ =	shalt  }
.Lfunc_end0:
.L_simem_size_0:
called_computation_lowered:
.L_overlay_start_0:
0x88: {  	s2 =	sld [smem:$0x3FD9]  }
0x89: {  	s3 =	sld [smem:$0x3FFE];
	_ =	sdelay $0x1  }
0x8a: {  	s1 =	srdreg.scid  }
0x8b: {  	s0 =	sand.u32 $0x1, s1  }
0x8c: {  	s14 =	sshll.u32 s0, $0xA;
	s2 =	sadd.s32 s3, s2  }
0x8d: {  	s2 =	sadd.s32 s2, s14  }
0x8e: {  	[smem:$0x3F84] =	sst s2  }
0x8f: {  	_ = 	snop  }
0x90: {  	s2 =	sld [smem:$0x3FD0];
	_ =	sdelay $0x2  }
0x91: {  	s15 =	simm.s32 $0xA;
	s4 =	simm.s32 $0x10  }
0x92: {  	[smem:s4], [sflag:s15] =	dma.local [hbm:s2], $0x1  }
0x93: {  	_ =	swait.eq [sflag:s15], $0x1  }
0x94: {  	[sflag:s15] =	ssyncset.done $0x0  }
0x95: {  	[sflag:s15] =	ssyncadd.s32 $0xFFFFFFFF  }
0x96: {  	s16 =	sld [smem:$0x10];
	(tm) =	ssettm $0x1  }
0x97: {  	s17 =	sld [smem:$0x3FFB];
	_ =	sdelay $0x3  }
0x98: {  	_ =	strace s17  }
0x99: {  	s3 =	sld [smem:$0x3FFC];
	_ =	sdelay $0x3  }
0x9a: {  	_ =	strace s3  }
0x9b: {  	s3 =	sld [smem:$0x3FFD];
	_ =	sdelay $0x3  }
0x9c: {  	_ =	strace s3  }
0x9d: {  	_ =	strace $0x8FFFFFFF  }
0x9e: {  	s18 =	sld [smem:$0x3FDB];
	_ =	sdelay $0x1  }
0x9f: {  	s19 =	simm.s32 $_scs_section_size  }
0xa0: {  	s5 =	simm.s32 $_size__tile_overlayer_lowered;
	s6 =	simm.s32 $_tile_overlayer_lowered  }
0xa1: {  	s22 =	simm.s32 $0x1BFF;
	s21 =	sshll.u32 s6, $0x1;
	s3 =	sadd.s32 s19, s18  }
0xa2: {  	s7 =	simm.s32 $0x0;
	s20 =	sshll.u32 s5, $0x1;
	s5 =	sadd.s32 s21, s3  }
0xa3: {  	[timem:s7], [sflag:s22] =	dma.local [hbm:s5], s20  }
0xa4: {  	_ =	swait.ge [sflag:s22], s20  }
0xa5: {  	s4 =	ssub.s32 $0x0, s20;
	[sflag:s22] =	ssyncset.done $0x0  }
0xa6: {  	[sflag:s22] =	ssyncadd.s32 s4;
	_ =	sdelay $0x1  }
0xa7: {  	s23 =	simm.s32 $0x1B8B  }
0xa8: {  	_ =	swait.ge [sflag:s23], $0x1  }
0xa9: {  	[sflag:s23] =	ssyncset.done $0x0  }
0xaa: {  	s25 =	simm.s32 $0x1B8E;
	s24 =	sld [smem:$0x3FFE];
	[sflag:s23] =	ssyncadd.s32 $0xFFFFFFFF  }
0xab: {  	s26 =	simm.s32 $execute0_lowered;
	[smem:$0x3FD2] =	sst s25  }
0xac: {  	s5 =	sshll.u32 s26, $0x1;
	_ =	strace $0x80000046;
	[dreg:$0x1] =	wrdreg $0xFFFFFFFF  }
0xad: {  	s28 =	simm.s32 $_size_execute0_lowered;
	s3 =	sadd.s32 s3, s5;
	[dreg:$0x0] =	wrdreg $0x0  }
0xae: {  	s5 =	sshll.u32 s28, $0x1;
	[dreg:$0x2] =	wrdreg s3  }
0xaf: {  	[dreg:$0x3] =	wrdreg s5  }
0xb0: {  	[dreg:$0x4] =	wrdreg $0xC0  }
0xb1: {  	_ =	task [dreg:s7], $0x5FFFF  }
0xb2: {  	[dreg:$0x1] =	wrdreg $0xFFFFFFFF  }
0xb3: {  	[dreg:$0x0] =	wrdreg $0x60  }
0xb4: {  	[dreg:$0x2] =	wrdreg s24  }
0xb5: {  	[dreg:$0x3] =	wrdreg s16  }
0xb6: {  	[dreg:$0x4] =	wrdreg $0x168000  }
0xb7: {  	[dreg:$0x5] =	wrdreg $0x9  }
0xb8: {  	_ =	task.clear_ibuf [dreg:s7], $0x6FFFF;
	_ =	strace $0x90000046  }
0xb9: {  	s29 =	simm.s32 $0x9;
	_ =	strace $0x80000048  }
0xba: {  	_ =	swait.ge [sflag:s29], $0x1  }
0xbb: {  	[sflag:s29] =	ssyncadd.s32 $0xFFFFFFFF  }
0xbc: {  	_ =	strace $0x90000048  }
0xbd: {  	_ =	sfence  }
0xbe: {  	s30 =	sld [smem:$0x0];
	_ =	sdelay $0x2  }
0xbf: {  	s31 =	sshll.u32 s1, $0xD;
	s1 =	sshrl.u32 s1, $0x2  }
0xc0: {  	s3 =	sand.u32 $0x4000, s31;
	s1 =	sadd.s32 s1, s30  }
0xc1: {  	s0 =	sor.u32 s3, s0;
	s1 =	sshll.u32 s1, $0x11  }
0xc2: {  	s0 =	sor.u32 s1, s0  }
0xc3: {  	s0 =	sadd.s32 $0x8F2B, s0  }
0xc4: {  	[sflag:s0] =	ssyncadd.remote.s32 $0x1  }
0xc5: {  	_ =	sfence.sel $0xFFFF  }
0xc6: {  	[dreg:$0x0] =	wrdreg $0xFFFFFFFF;
	(pc) =	sbr.abs _section_cstart, $3  }
0xc7: {  	[dreg:$0x1] =	wrdreg $0xFFFFFFFF  }
0xc8: {  	_ =	task.clear_ibuf [dreg:s7], $0x2FFFF;
	_ =	strace $0x9FFFFFFF  }
0xc9: {  	(tm) =	ssettm $0x7FFFFFFF  }
tec
execute0_lowered:
.L_overlay_start_1:
0x0: {  	(tag) =	ssettag $0x1  }
0x1: {  	s5 =	rddreg [dreg:$0x0]  }
0x2: {  	s9 =	rddreg [dreg:$0x1];
	s1 =	srdreg.scid  }
0x3: {  	s0 =	stileid.u32;
	s2 =	rddreg [dreg:$0x2]  }
0x4: {  	s3 =	simm.s32 $0x0;
	s13 =	simm.s32 $0x1400;
	s14 =	simm.s32 $0x80  }
0x5: {  	s15 =	simm.s32 $0x1;
	s6 =	sand.u32 $0x1, s1;
	s1 =	rddreg [dreg:$0x3]  }
0x6: {  	s16 =	simm.s32 $0x0;
	s4 =	sshll.u32 s0, $0x1;
	[smem:$0x7FF] =	sst s3  }
0x7: {  	s29 =	sshll.u32 s0, $0x7;
	s11 =	sshll.u32 s0, $0xA;
	s31 =	sshll.u32 s0, $0x6  }
0x8: {  	s4 =	sor.u32 s6, s4;
	_ =	strace $0x80000047;
	s10 =	ssub.s32 $0x2, s6  }
0x9: {  	s12 =	sadd.s32 s11, s2;
	s6 =	sshll.u32 s6, $0xE;
	s7 =	smul.u32 $0x280, s4  }
0xa: {  	s4 =	sadd.s32 $0xAE00, s5;
	s30 =	sshrl.u32 s10, $0x1;
	s11 =	sor.u32 s11, s6  }
0xb: {  	s6 =	sor.u32 $0x1C02, s31;
	s10 =	ssub.s32 s10, s30;
	s11 =	sshrl.u32 s11, $0x3  }
0xc: {  	s8 =	sadd.s32 s7, s5;
	s5 =	sadd.s32 s29, s5;
	s9 =	sadd.s32 s9, s11  }
0xd: {  	s10 =	smax.u32 s10, $0x1;
	s11 =	sshrl.u32 s12, $0x3;
	s12 =	simm.s32 $0x2  }
0xe: {  	s5 =	sadd.s32 $0x1F600, s5;
	s7 =	sadd.s32 $0xB600, s8;
	s8 =	sadd.s32 $0x10600, s8  }
.LBB2_1:
0xf: {  	[spmem:s11], [sflag:s6] =	dma.local [hbm:s5], $0x80  }
0x10: {  	_ =	swait.ge [sflag:s12], $0x80  }
0x11: {  	[sflag:s12] =	ssyncset.done $0x0  }
0x12: {  	[sflag:s12] =	ssyncadd.s32 $0xFFFFFF80  }
0x13: {  	[tilespmem:s3], [sflag:$0x2] =	stream.linear.gather [hbm4b:s7+s3], $0x1400, $0x38;
	[tilespmem:$0x16C00] =	vst v63  }
0x14: {  	_ =	swait.ge [sflag:s12], $0x1400  }
0x15: {  	[sflag:s12] =	ssyncset.done $0x0  }
0x16: {  	[sflag:s12] =	ssyncadd.s32 $0xFFFFEC00  }
0x17: {  	[tilespmem:s13], [sflag:$0x2] =	stream.linear.gather [hbm4b:s8+s3], $0x1400, $0x38;
	[tilespmem:$0x16C00] =	vst v63  }
0x18: {  	_ =	swait.ge [sflag:s12], $0x1400  }
0x19: {  	[sflag:s12] =	ssyncset.done $0x0  }
0x1a: {  	s17 =	simm.s32 $0x2800;
	[sflag:s12] =	ssyncadd.s32 $0xFFFFEC00  }
0x1b: {  	s18 =	simm.s32 $0x2800;
	s19 =	simm.s32 $0x0;
	[bflag:$0x0] =	sbarrier.arrive $0xFFFF  }
.LBB2_2:
0x1c: {  	p0 =	sne.s32 s19, $0x4E00  }
.Ltmp0:
0x1d: {  	_ = 	snop;
	(pc) =	sbr.rel @p0 .LBB2_2-.Ltmp0, $4  }
0x1e: {  	_ = 	snop  }
0x1f: {  	s20 =	sshra.s32 s19, $0x2  }
0x20: {  	[tilespmem:s18], [sflag:$0x1] =	stream.indirect.gather [hbm4b:s4+s14], $0x10, s20, s14, $0xb8;
	[tilespmem:$0x16C00] =	vst v63  }
0x21: {  	s19 =	sadd.s32 $0x200, s19;
	s18 =	sadd.s32 $0x800, s18  }
0x22: {  	_ =	swait.ge [sflag:s15], $0x800  }
0x23: {  	[sflag:s15] =	ssyncset.done $0x0  }
0x24: {  	s18 =	simm.s32 $0x1400;
	[sflag:s15] =	ssyncadd.s32 $0xFFFFF800  }
0x25: {  	[spmem:s2] =	stream.indirect.scatter.add.f32 [tilespmem:s17], [sflag:$0x2], $0x10, s18, s14, $0xb8;
	[tilespmem:$0x16C00] =	vst v63  }
0x26: {  	_ =	swait.ge [sflag:s12], $0x800  }
0x27: {  	s18 =	simm.s32 $0x200;
	[sflag:s12] =	ssyncset.done $0x0  }
.LBB2_4:
0x28: {  	p0 =	sne.s32 s18, $0x4E00;
	[sflag:s12] =	ssyncadd.s32 $0xFFFFF800;
	s17 =	sadd.s32 $0x800, s17  }
0x29: {  	s19 =	smov.u32 s18;
	s18 =	sadd.s32 $0x200, s18;
	_ =	swait.ge [sflag:s15], $0x800  }
.Ltmp1:
0x2a: {  	s19 =	sshra.s32 s19, $0x2;
	[sflag:s15] =	ssyncset.done $0x0;
	(pc) =	sbr.rel @p0 .LBB2_4-.Ltmp1, $4  }
0x2b: {  	s19 =	sadd.s32 $0x1400, s19;
	[sflag:s15] =	ssyncadd.s32 $0xFFFFF800  }
0x2c: {  	[spmem:s2] =	stream.indirect.scatter.add.f32 [tilespmem:s17], [sflag:$0x2], $0x10, s19, s14, $0xb8;
	[tilespmem:$0x16C00] =	vst v63  }
0x2d: {  	_ =	swait.ge [sflag:s12], $0x800  }
0x2e: {  	[sflag:s12] =	ssyncset.done $0x0  }
0x2f: {  	s16 =	sadd.s32 $0x1, s16  }
0x30: {  	[sflag:s12] =	ssyncadd.s32 $0xFFFFF800;
	p0 =	sne.s32 s16, s10  }
.Ltmp2:
0x31: {  	[bflag:$0x0] =	sbarrier.arrive $0xFFFF;
	(pc) =	sbr.rel @p0 .LBB2_1-.Ltmp2, $4  }
0x32: {  	[hbm:s9], [sflag:s6] =	dma.local [spmem:s11], $0x80  }
0x33: {  	_ =	swait.ge [sflag:s12], $0x80  }
0x34: {  	[sflag:s12] =	ssyncset.done $0x0  }
0x35: {  	[sflag:s12] =	ssyncadd.s32 $0xFFFFFF80  }
0x36: {  	_ =	sfence.sel $0x180000  }
0x37: {  	[bflag:$0x0] =	sbarrier.arrive $0xFFFF  }
0x38: {  	p0 =	sne.s32 s0, $0x0;
	_ =	strace $0x90000047  }
0x39: {  	s0 =	sadd.s32 @!p0 $0x100000, s1;
	[bflag:$0x2] =	sbarrier.arrive $0xFFFF  }
0x3a: {  	[sflag:s0] =	ssyncadd.tile.s32 @!p0 $0x1;
	_ =	shalt  }
.Lfunc_end2:
_tile_overlayer_lowered:
.L_overlay_start_2:
0x3b: {  	(tag) =	ssettag $0x2  }
0x3c: {  	s0 =	rddreg [dreg:$0x0];
	s2 =	stileid.u32  }
0x3d: {  	s1 =	rddreg [dreg:$0x1];
	p0 =	sne.s32 s2, $0x0  }
0x3e: {  	s3 =	rddreg [dreg:$0x2];
	[bflag:$0x3] =	sbarrier.arrive $0xFFFF;
	s2 =	simm.s32 @!p0 $0x1C02  }
0x3f: {  	[timem:s3], [sflag:s2] =	dma.local @!p0 [hbm:s0], s1  }
0x40: {  	s0 =	simm.s32 @!p0 $0x2  }
0x41: {  	_ =	swait.ge @!p0 [sflag:s0], s1  }
0x42: {  	s1 =	ssub.s32 @!p0 $0x0, s1;
	[sflag:s0] =	ssyncset.done @!p0 $0x0  }
0x43: {  	[sflag:s0] =	ssyncadd.s32 @!p0 s1  }
0x44: {  	[bflag:$0x3] =	sbarrier.arrive $0xFFFF  }
0x45: {  	_ =	shalt  }

// kernel: kernel.20.cloned.1.call-start
scs
__scs_entry_jumppad:
0x0: {  	(pc) =	sbr.rel $0x88, $3  }
0x1: {  	(tag) =	ssettag $0x0;
	lr =	simm.s32 $0x1  }
0x2: {  	[smem:$0x3F5D] =	sst lr;
	_ =	strace $0xD0000000  }
0x3: {  	_ = 	snop  }
0x4: {  	_ = 	snop  }
0x5: {  	_ = 	snop  }
0x6: {  	_ = 	snop  }
0x7: {  	_ = 	snop  }
__scs_overlays_trampoline_lowered:
0x8: {  	[smem:$0x3F6C] =	sst s0  }
0x9: {  	[smem:$0x3F6D] =	sst s1  }
0xa: {  	[smem:$0x3F6E] =	sst s2  }
0xb: {  	[smem:$0x3F6F] =	sst s3  }
0xc: {  	[smem:$0x3F70] =	sst s4  }
0xd: {  	[smem:$0x3F71] =	sst s5  }
0xe: {  	[smem:$0x3F72] =	sst s6  }
0xf: {  	[smem:$0x3F73] =	sst s7  }
0x10: {  	[smem:$0x3F74] =	sst s8  }
0x11: {  	[smem:$0x3F75] =	sst s9;
	s0 =	simm.s32 @!p0 $0x0  }
0x12: {  	s1 =	sld [smem:$0x3F5B];
	s0 =	simm.s32 @p0 $0x1  }
0x13: {  	[smem:$0x3F76] =	sst s0;
	s0 =	simm.s32 @!p1 $0x0  }
0x14: {  	s2 =	sld [smem:$0x3F5A];
	s0 =	simm.s32 @p1 $0x1  }
0x15: {  	[smem:$0x3F77] =	sst s0;
	s0 =	simm.s32 @!p2 $0x0  }
0x16: {  	s3 =	sld [smem:$0x3FDB];
	s0 =	simm.s32 @p2 $0x1  }
0x17: {  	s4 =	simm.s32 $0x1BF5;
	[smem:$0x3F79] =	sst s0  }
0x18: {  	s0 =	sld [smem:$0x3F5C];
	_ =	swait.ge [sflag:s4], $0x0  }
0x19: {  	s7 =	sld [smem:$0x3F5D]  }
0x1a: {  	s8 =	sadd.s32 $0xFFFFE003, lr  }
0x1b: {  	s9 =	sadd.s32 $0xFFFFFEF7, lr;
	s5 =	simm.s32 $0xFFFFFFFF;
	p2 =	slt.u32 s8, $0xFFFFF086  }
0x1c: {  	p1 =	slt.u32 s9, $0xF7A;
	s5 =	simm.s32 @!p2 $0x0  }
0x1d: {  	s5 =	simm.s32 @p1 $0x1;
	p0 =	seq.s32 s7, s2  }
0x1e: {  	s7 =	smul.u32 @!p0 $0xF7A, s2;
	p2 =	seq.s32 @!p0 s5, $0x0  }
0x1f: {  	s9 =	smul.u32 $0xF7A, s1;
	s8 =	simm.s32 @!p0 $0x1BF5;
	p2 =	por !p2, p0  }
0x20: {  	[sflag:s8] =	ssyncset.s32 @!p0 $0xFFFFF086;
	s6 =	sadd.s32 @!p0 s3, s7;
	s7 =	simm.s32 @!p0 $0x108  }
0x21: {  	s3 =	sadd.s32 s3, s9;
	s6 =	sadd.s32 @!p0 $0x88, s6;
	s7 =	simm.s32 @p2 $0x1082  }
0x22: {  	[simem:s7], [sflag:s8] =	dma.local @!p0 [hbm:s6], $0xF7A  }
0x23: {  	s9 =	sor.u32 $0xD0000000, s2;
	s6 =	simm.s32 $0x108;
	_ =	swait.ge @!p0 [sflag:s8], $0x0  }
0x24: {  	s3 =	sadd.s32 $0x88, s3;
	s6 =	simm.s32 @!p1 $0x1082;
	[sflag:s4] =	ssyncset.s32 $0xFFFFF086  }
0x25: {  	[simem:s6], [sflag:s4] =	dma.local [hbm:s3], $0xF7A  }
0x26: {  	[smem:$0x3F5D] =	sst s1;
	(tag) =	ssettag s2;
	_ =	strace s9  }
0x27: {  	s1 =	sld [smem:$0x3F6D]  }
0x28: {  	s2 =	sld [smem:$0x3F6E]  }
0x29: {  	s4 =	sld [smem:$0x3F70]  }
0x2a: {  	p0 =	seq.s32 s5, $0x0;
	s5 =	sld [smem:$0x3F71]  }
0x2b: {  	s6 =	sld [smem:$0x3F72]  }
0x2c: {  	s7 =	sld [smem:$0x3F73]  }
0x2d: {  	s3 =	simm.s32 $0x108;
	s8 =	sld [smem:$0x3F74]  }
0x2e: {  	s3 =	simm.s32 @!p0 $0x1082;
	s9 =	sld [smem:$0x3F75]  }
0x2f: {  	lr =	sadd.s32 s0, s3;
	s0 =	sld [smem:$0x3F6C]  }
0x30: {  	s3 =	sld [smem:$0x3F6F]  }
0x31: {  	[smem:$0x3F78] =	sst s10  }
0x32: {  	s10 =	sld [smem:$0x3F76];
	_ =	sdelay $0x3  }
0x33: {  	p0 =	seq.s32 s10, $0x1;
	s10 =	sld [smem:$0x3F78];
	_ =	sdelay $0x3  }
0x34: {  	[smem:$0x3F78] =	sst s10  }
0x35: {  	s10 =	sld [smem:$0x3F77];
	_ =	sdelay $0x3  }
0x36: {  	p1 =	seq.s32 s10, $0x1;
	s10 =	sld [smem:$0x3F78];
	_ =	sdelay $0x3  }
0x37: {  	[smem:$0x3F78] =	sst s10  }
0x38: {  	s10 =	sld [smem:$0x3F79]  }
0x39: {  	_ = 	snop;
	(pc) =	sbr.ind lr, $3  }
0x3a: {  	_ = 	snop  }
0x3b: {  	_ = 	snop  }
0x3c: {  	p2 =	seq.s32 s10, $0x1;
	s10 =	sld [smem:$0x3F78]  }
0x3d: {  	_ =	shalt  }
0x3e: {  	_ =	shalt  }
0x3f: {  	_ =	shalt  }
0x40: {  	_ =	shalt  }
0x41: {  	_ =	shalt  }
0x42: {  	_ =	shalt  }
0x43: {  	_ =	shalt  }
0x44: {  	_ =	shalt  }
0x45: {  	_ =	shalt  }
0x46: {  	_ =	shalt  }
0x47: {  	_ =	shalt  }
0x48: {  	_ =	shalt  }
0x49: {  	_ =	shalt  }
0x4a: {  	_ =	shalt  }
0x4b: {  	_ =	shalt  }
0x4c: {  	_ =	shalt  }
0x4d: {  	_ =	shalt  }
0x4e: {  	_ =	shalt  }
0x4f: {  	_ =	shalt  }
0x50: {  	_ =	shalt  }
0x51: {  	_ =	shalt  }
0x52: {  	_ =	shalt  }
0x53: {  	_ =	shalt  }
0x54: {  	_ =	shalt  }
0x55: {  	_ =	shalt  }
0x56: {  	_ =	shalt  }
0x57: {  	_ =	shalt  }
0x58: {  	_ =	shalt  }
0x59: {  	_ =	shalt  }
0x5a: {  	_ =	shalt  }
0x5b: {  	_ =	shalt  }
0x5c: {  	_ =	shalt  }
0x5d: {  	_ =	shalt  }
0x5e: {  	_ =	shalt  }
0x5f: {  	_ =	shalt  }
0x60: {  	_ =	shalt  }
0x61: {  	_ =	shalt  }
0x62: {  	_ =	shalt  }
0x63: {  	_ =	shalt  }
0x64: {  	_ =	shalt  }
0x65: {  	_ =	shalt  }
0x66: {  	_ =	shalt  }
0x67: {  	_ =	shalt  }
0x68: {  	_ =	shalt  }
0x69: {  	_ =	shalt  }
0x6a: {  	_ =	shalt  }
0x6b: {  	_ =	shalt  }
0x6c: {  	_ =	shalt  }
0x6d: {  	_ =	shalt  }
0x6e: {  	_ =	shalt  }
0x6f: {  	_ =	shalt  }
0x70: {  	_ =	shalt  }
0x71: {  	_ =	shalt  }
0x72: {  	_ =	shalt  }
0x73: {  	_ =	shalt  }
0x74: {  	_ =	shalt  }
0x75: {  	_ =	shalt  }
0x76: {  	_ =	shalt  }
0x77: {  	_ =	shalt  }
0x78: {  	_ =	shalt  }
0x79: {  	_ =	shalt  }
0x7a: {  	_ =	shalt  }
0x7b: {  	_ =	shalt  }
0x7c: {  	_ =	shalt  }
0x7d: {  	_ =	shalt  }
0x7e: {  	_ =	shalt  }
0x7f: {  	_ =	shalt  }
0x80: {  	_ =	shalt  }
0x81: {  	_ =	shalt  }
0x82: {  	_ =	shalt  }
0x83: {  	_ =	shalt  }
0x84: {  	_ =	shalt  }
0x85: {  	_ =	shalt  }
0x86: {  	_ =	shalt  }
0x87: {  	_ =	shalt  }
.Lfunc_end0:
.L_simem_size_0:
called_computation.1_lowered:
.L_overlay_start_0:
0x88: {  	s2 =	sld [smem:$0x3FD9]  }
0x89: {  	s3 =	sld [smem:$0x3FFE];
	_ =	sdelay $0x1  }
0x8a: {  	s1 =	srdreg.scid  }
0x8b: {  	s0 =	sand.u32 $0x1, s1  }
0x8c: {  	s14 =	sshll.u32 s0, $0xA;
	s2 =	sadd.s32 s3, s2  }
0x8d: {  	s2 =	sadd.s32 s2, s14  }
0x8e: {  	[smem:$0x3F84] =	sst s2  }
0x8f: {  	_ = 	snop  }
0x90: {  	s2 =	sld [smem:$0x3FD0];
	_ =	sdelay $0x2  }
0x91: {  	s15 =	simm.s32 $0xA;
	s4 =	simm.s32 $0x10  }
0x92: {  	[smem:s4], [sflag:s15] =	dma.local [hbm:s2], $0x1  }
0x93: {  	_ =	swait.eq [sflag:s15], $0x1  }
0x94: {  	[sflag:s15] =	ssyncset.done $0x0  }
0x95: {  	[sflag:s15] =	ssyncadd.s32 $0xFFFFFFFF  }
0x96: {  	s16 =	sld [smem:$0x10];
	(tm) =	ssettm $0x1  }
0x97: {  	s17 =	sld [smem:$0x3FFB];
	_ =	sdelay $0x3  }
0x98: {  	_ =	strace s17  }
0x99: {  	s3 =	sld [smem:$0x3FFC];
	_ =	sdelay $0x3  }
0x9a: {  	_ =	strace s3  }
0x9b: {  	s3 =	sld [smem:$0x3FFD];
	_ =	sdelay $0x3  }
0x9c: {  	_ =	strace s3  }
0x9d: {  	_ =	strace $0x8FFFFFFF  }
0x9e: {  	s18 =	sld [smem:$0x3FDB];
	_ =	sdelay $0x1  }
0x9f: {  	s19 =	simm.s32 $_scs_section_size  }
0xa0: {  	s5 =	simm.s32 $_size__tile_overlayer_lowered;
	s6 =	simm.s32 $_tile_overlayer_lowered  }
0xa1: {  	s22 =	simm.s32 $0x1BFF;
	s21 =	sshll.u32 s6, $0x1;
	s3 =	sadd.s32 s19, s18  }
0xa2: {  	s7 =	simm.s32 $0x0;
	s20 =	sshll.u32 s5, $0x1;
	s5 =	sadd.s32 s21, s3  }
0xa3: {  	[timem:s7], [sflag:s22] =	dma.local [hbm:s5], s20  }
0xa4: {  	_ =	swait.ge [sflag:s22], s20  }
0xa5: {  	s4 =	ssub.s32 $0x0, s20;
	[sflag:s22] =	ssyncset.done $0x0  }
0xa6: {  	[sflag:s22] =	ssyncadd.s32 s4;
	_ =	sdelay $0x1  }
0xa7: {  	s23 =	simm.s32 $0x1B8B  }
0xa8: {  	_ =	swait.ge [sflag:s23], $0x1  }
0xa9: {  	[sflag:s23] =	ssyncset.done $0x0  }
0xaa: {  	s25 =	simm.s32 $0x1B8E;
	s24 =	sld [smem:$0x3FFE];
	[sflag:s23] =	ssyncadd.s32 $0xFFFFFFFF  }
0xab: {  	s26 =	simm.s32 $execute0_lowered;
	[smem:$0x3FD2] =	sst s25  }
0xac: {  	s5 =	sshll.u32 s26, $0x1;
	_ =	strace $0x80000049;
	[dreg:$0x1] =	wrdreg $0xFFFFFFFF  }
0xad: {  	s28 =	simm.s32 $_size_execute0_lowered;
	s3 =	sadd.s32 s3, s5;
	[dreg:$0x0] =	wrdreg $0x0  }
0xae: {  	s5 =	sshll.u32 s28, $0x1;
	[dreg:$0x2] =	wrdreg s3  }
0xaf: {  	[dreg:$0x3] =	wrdreg s5  }
0xb0: {  	[dreg:$0x4] =	wrdreg $0xC0  }
0xb1: {  	_ =	task [dreg:s7], $0x5FFFF  }
0xb2: {  	[dreg:$0x1] =	wrdreg $0xFFFFFFFF  }
0xb3: {  	[dreg:$0x0] =	wrdreg $0x60  }
0xb4: {  	[dreg:$0x2] =	wrdreg s24  }
0xb5: {  	[dreg:$0x3] =	wrdreg s16  }
0xb6: {  	[dreg:$0x4] =	wrdreg $0x168000  }
0xb7: {  	[dreg:$0x5] =	wrdreg $0x9  }
0xb8: {  	_ =	task.clear_ibuf [dreg:s7], $0x6FFFF;
	_ =	strace $0x90000049  }
0xb9: {  	s29 =	simm.s32 $0x9;
	_ =	strace $0x8000004B  }
0xba: {  	_ =	swait.ge [sflag:s29], $0x1  }
0xbb: {  	[sflag:s29] =	ssyncadd.s32 $0xFFFFFFFF  }
0xbc: {  	_ =	strace $0x9000004B  }
0xbd: {  	_ =	sfence  }
0xbe: {  	s30 =	sld [smem:$0x0];
	_ =	sdelay $0x2  }
0xbf: {  	s31 =	sshll.u32 s1, $0xD;
	s1 =	sshrl.u32 s1, $0x2  }
0xc0: {  	s3 =	sand.u32 $0x4000, s31;
	s1 =	sadd.s32 s1, s30  }
0xc1: {  	s0 =	sor.u32 s3, s0;
	s1 =	sshll.u32 s1, $0x11  }
0xc2: {  	s0 =	sor.u32 s1, s0  }
0xc3: {  	s0 =	sadd.s32 $0x8F2B, s0  }
0xc4: {  	[sflag:s0] =	ssyncadd.remote.s32 $0x1  }
0xc5: {  	_ =	sfence.sel $0xFFFF  }
0xc6: {  	[dreg:$0x0] =	wrdreg $0xFFFFFFFF;
	(pc) =	sbr.abs _section_cstart, $3  }
0xc7: {  	[dreg:$0x1] =	wrdreg $0xFFFFFFFF  }
0xc8: {  	_ =	task.clear_ibuf [dreg:s7], $0x2FFFF;
	_ =	strace $0x9FFFFFFF  }
0xc9: {  	(tm) =	ssettm $0x7FFFFFFF  }
tec
execute0_lowered:
.L_overlay_start_1:
0x0: {  	(tag) =	ssettag $0x1  }
0x1: {  	s5 =	rddreg [dreg:$0x0]  }
0x2: {  	s9 =	rddreg [dreg:$0x1];
	s1 =	srdreg.scid  }
0x3: {  	s0 =	stileid.u32;
	s2 =	rddreg [dreg:$0x2]  }
0x4: {  	s3 =	simm.s32 $0x0;
	s13 =	simm.s32 $0x1400;
	s14 =	simm.s32 $0x80  }
0x5: {  	s15 =	simm.s32 $0x1;
	s6 =	sand.u32 $0x1, s1;
	s1 =	rddreg [dreg:$0x3]  }
0x6: {  	s16 =	simm.s32 $0x0;
	s4 =	sshll.u32 s0, $0x1;
	[smem:$0x7FF] =	sst s3  }
0x7: {  	s29 =	sshll.u32 s0, $0x7;
	s11 =	sshll.u32 s0, $0xA;
	s31 =	sshll.u32 s0, $0x6  }
0x8: {  	s4 =	sor.u32 s6, s4;
	_ =	strace $0x8000004A;
	s10 =	ssub.s32 $0x2, s6  }
0x9: {  	s12 =	sadd.s32 s11, s2;
	s6 =	sshll.u32 s6, $0xE;
	s7 =	smul.u32 $0x280, s4  }
0xa: {  	s4 =	sadd.s32 $0xAE00, s5;
	s30 =	sshrl.u32 s10, $0x1;
	s11 =	sor.u32 s11, s6  }
0xb: {  	s6 =	sor.u32 $0x1C02, s31;
	s10 =	ssub.s32 s10, s30;
	s11 =	sshrl.u32 s11, $0x3  }
0xc: {  	s8 =	sadd.s32 s7, s5;
	s5 =	sadd.s32 s29, s5;
	s9 =	sadd.s32 s9, s11  }
0xd: {  	s10 =	smax.u32 s10, $0x1;
	s11 =	sshrl.u32 s12, $0x3;
	s12 =	simm.s32 $0x2  }
0xe: {  	s5 =	sadd.s32 $0x1F600, s5;
	s7 =	sadd.s32 $0xB600, s8;
	s8 =	sadd.s32 $0x10600, s8  }
.LBB2_1:
0xf: {  	[spmem:s11], [sflag:s6] =	dma.local [hbm:s5], $0x80  }
0x10: {  	_ =	swait.ge [sflag:s12], $0x80  }
0x11: {  	[sflag:s12] =	ssyncset.done $0x0  }
0x12: {  	[sflag:s12] =	ssyncadd.s32 $0xFFFFFF80  }
0x13: {  	[tilespmem:s3], [sflag:$0x2] =	stream.linear.gather [hbm4b:s7+s3], $0x1400, $0x38;
	[tilespmem:$0x16C00] =	vst v63  }
0x14: {  	_ =	swait.ge [sflag:s12], $0x1400  }
0x15: {  	[sflag:s12] =	ssyncset.done $0x0  }
0x16: {  	[sflag:s12] =	ssyncadd.s32 $0xFFFFEC00  }
0x17: {  	[tilespmem:s13], [sflag:$0x2] =	stream.linear.gather [hbm4b:s8+s3], $0x1400, $0x38;
	[tilespmem:$0x16C00] =	vst v63  }
0x18: {  	_ =	swait.ge [sflag:s12], $0x1400  }
0x19: {  	[sflag:s12] =	ssyncset.done $0x0  }
0x1a: {  	s17 =	simm.s32 $0x2800;
	[sflag:s12] =	ssyncadd.s32 $0xFFFFEC00  }
0x1b: {  	s18 =	simm.s32 $0x2800;
	s19 =	simm.s32 $0x0;
	[bflag:$0x0] =	sbarrier.arrive $0xFFFF  }
.LBB2_2:
0x1c: {  	p0 =	sne.s32 s19, $0x4E00  }
.Ltmp0:
0x1d: {  	_ = 	snop;
	(pc) =	sbr.rel @p0 .LBB2_2-.Ltmp0, $4  }
0x1e: {  	_ = 	snop  }
0x1f: {  	s20 =	sshra.s32 s19, $0x2  }
0x20: {  	[tilespmem:s18], [sflag:$0x1] =	stream.indirect.gather [hbm4b:s4+s14], $0x10, s20, s14, $0xb8;
	[tilespmem:$0x16C00] =	vst v63  }
0x21: {  	s19 =	sadd.s32 $0x200, s19;
	s18 =	sadd.s32 $0x800, s18  }
0x22: {  	_ =	swait.ge [sflag:s15], $0x800  }
0x23: {  	[sflag:s15] =	ssyncset.done $0x0  }
0x24: {  	s18 =	simm.s32 $0x1400;
	[sflag:s15] =	ssyncadd.s32 $0xFFFFF800  }
0x25: {  	[spmem:s2] =	stream.indirect.scatter.add.f32 [tilespmem:s17], [sflag:$0x2], $0x10, s18, s14, $0xb8;
	[tilespmem:$0x16C00] =	vst v63  }
0x26: {  	_ =	swait.ge [sflag:s12], $0x800  }
0x27: {  	s18 =	simm.s32 $0x200;
	[sflag:s12] =	ssyncset.done $0x0  }
.LBB2_4:
0x28: {  	p0 =	sne.s32 s18, $0x4E00;
	[sflag:s12] =	ssyncadd.s32 $0xFFFFF800;
	s17 =	sadd.s32 $0x800, s17  }
0x29: {  	s19 =	smov.u32 s18;
	s18 =	sadd.s32 $0x200, s18;
	_ =	swait.ge [sflag:s15], $0x800  }
.Ltmp1:
0x2a: {  	s19 =	sshra.s32 s19, $0x2;
	[sflag:s15] =	ssyncset.done $0x0;
	(pc) =	sbr.rel @p0 .LBB2_4-.Ltmp1, $4  }
0x2b: {  	s19 =	sadd.s32 $0x1400, s19;
	[sflag:s15] =	ssyncadd.s32 $0xFFFFF800  }
0x2c: {  	[spmem:s2] =	stream.indirect.scatter.add.f32 [tilespmem:s17], [sflag:$0x2], $0x10, s19, s14, $0xb8;
	[tilespmem:$0x16C00] =	vst v63  }
0x2d: {  	_ =	swait.ge [sflag:s12], $0x800  }
0x2e: {  	[sflag:s12] =	ssyncset.done $0x0  }
0x2f: {  	s16 =	sadd.s32 $0x1, s16  }
0x30: {  	[sflag:s12] =	ssyncadd.s32 $0xFFFFF800;
	p0 =	sne.s32 s16, s10  }
.Ltmp2:
0x31: {  	[bflag:$0x0] =	sbarrier.arrive $0xFFFF;
	(pc) =	sbr.rel @p0 .LBB2_1-.Ltmp2, $4  }
0x32: {  	[hbm:s9], [sflag:s6] =	dma.local [spmem:s11], $0x80  }
0x33: {  	_ =	swait.ge [sflag:s12], $0x80  }
0x34: {  	[sflag:s12] =	ssyncset.done $0x0  }
0x35: {  	[sflag:s12] =	ssyncadd.s32 $0xFFFFFF80  }
0x36: {  	_ =	sfence.sel $0x180000  }
0x37: {  	[bflag:$0x0] =	sbarrier.arrive $0xFFFF  }
0x38: {  	p0 =	sne.s32 s0, $0x0;
	_ =	strace $0x9000004A  }
0x39: {  	s0 =	sadd.s32 @!p0 $0x100000, s1;
	[bflag:$0x2] =	sbarrier.arrive $0xFFFF  }
0x3a: {  	[sflag:s0] =	ssyncadd.tile.s32 @!p0 $0x1;
	_ =	shalt  }
.Lfunc_end2:
_tile_overlayer_lowered:
.L_overlay_start_2:
0x3b: {  	(tag) =	ssettag $0x2  }
0x3c: {  	s0 =	rddreg [dreg:$0x0];
	s2 =	stileid.u32  }
0x3d: {  	s1 =	rddreg [dreg:$0x1];
	p0 =	sne.s32 s2, $0x0  }
0x3e: {  	s3 =	rddreg [dreg:$0x2];
	[bflag:$0x3] =	sbarrier.arrive $0xFFFF;
	s2 =	simm.s32 @!p0 $0x1C02  }
0x3f: {  	[timem:s3], [sflag:s2] =	dma.local @!p0 [hbm:s0], s1  }
0x40: {  	s0 =	simm.s32 @!p0 $0x2  }
0x41: {  	_ =	swait.ge @!p0 [sflag:s0], s1  }
0x42: {  	s1 =	ssub.s32 @!p0 $0x0, s1;
	[sflag:s0] =	ssyncset.done @!p0 $0x0  }
0x43: {  	[sflag:s0] =	ssyncadd.s32 @!p0 s1  }
0x44: {  	[bflag:$0x3] =	sbarrier.arrive $0xFFFF  }
0x45: {  	_ =	shalt  }

// kernel: kernel.23.cloned.1.call-start
scs
__scs_entry_jumppad:
0x0: {  	(pc) =	sbr.rel $0x88, $3  }
0x1: {  	(tag) =	ssettag $0x0;
	lr =	simm.s32 $0x1  }
0x2: {  	[smem:$0x3F5D] =	sst lr;
	_ =	strace $0xD0000000  }
0x3: {  	_ = 	snop  }
0x4: {  	_ = 	snop  }
0x5: {  	_ = 	snop  }
0x6: {  	_ = 	snop  }
0x7: {  	_ = 	snop  }
__scs_overlays_trampoline_lowered:
0x8: {  	[smem:$0x3F6C] =	sst s0  }
0x9: {  	[smem:$0x3F6D] =	sst s1  }
0xa: {  	[smem:$0x3F6E] =	sst s2  }
0xb: {  	[smem:$0x3F6F] =	sst s3  }
0xc: {  	[smem:$0x3F70] =	sst s4  }
0xd: {  	[smem:$0x3F71] =	sst s5  }
0xe: {  	[smem:$0x3F72] =	sst s6  }
0xf: {  	[smem:$0x3F73] =	sst s7  }
0x10: {  	[smem:$0x3F74] =	sst s8  }
0x11: {  	[smem:$0x3F75] =	sst s9;
	s0 =	simm.s32 @!p0 $0x0  }
0x12: {  	s1 =	sld [smem:$0x3F5B];
	s0 =	simm.s32 @p0 $0x1  }
0x13: {  	[smem:$0x3F76] =	sst s0;
	s0 =	simm.s32 @!p1 $0x0  }
0x14: {  	s2 =	sld [smem:$0x3F5A];
	s0 =	simm.s32 @p1 $0x1  }
0x15: {  	[smem:$0x3F77] =	sst s0;
	s0 =	simm.s32 @!p2 $0x0  }
0x16: {  	s3 =	sld [smem:$0x3FDB];
	s0 =	simm.s32 @p2 $0x1  }
0x17: {  	s4 =	simm.s32 $0x1BF5;
	[smem:$0x3F79] =	sst s0  }
0x18: {  	s0 =	sld [smem:$0x3F5C];
	_ =	swait.ge [sflag:s4], $0x0  }
0x19: {  	s7 =	sld [smem:$0x3F5D]  }
0x1a: {  	s8 =	sadd.s32 $0xFFFFE003, lr  }
0x1b: {  	s9 =	sadd.s32 $0xFFFFFEF7, lr;
	s5 =	simm.s32 $0xFFFFFFFF;
	p2 =	slt.u32 s8, $0xFFFFF086  }
0x1c: {  	p1 =	slt.u32 s9, $0xF7A;
	s5 =	simm.s32 @!p2 $0x0  }
0x1d: {  	s5 =	simm.s32 @p1 $0x1;
	p0 =	seq.s32 s7, s2  }
0x1e: {  	s7 =	smul.u32 @!p0 $0xF7A, s2;
	p2 =	seq.s32 @!p0 s5, $0x0  }
0x1f: {  	s9 =	smul.u32 $0xF7A, s1;
	s8 =	simm.s32 @!p0 $0x1BF5;
	p2 =	por !p2, p0  }
0x20: {  	[sflag:s8] =	ssyncset.s32 @!p0 $0xFFFFF086;
	s6 =	sadd.s32 @!p0 s3, s7;
	s7 =	simm.s32 @!p0 $0x108  }
0x21: {  	s3 =	sadd.s32 s3, s9;
	s6 =	sadd.s32 @!p0 $0x88, s6;
	s7 =	simm.s32 @p2 $0x1082  }
0x22: {  	[simem:s7], [sflag:s8] =	dma.local @!p0 [hbm:s6], $0xF7A  }
0x23: {  	s9 =	sor.u32 $0xD0000000, s2;
	s6 =	simm.s32 $0x108;
	_ =	swait.ge @!p0 [sflag:s8], $0x0  }
0x24: {  	s3 =	sadd.s32 $0x88, s3;
	s6 =	simm.s32 @!p1 $0x1082;
	[sflag:s4] =	ssyncset.s32 $0xFFFFF086  }
0x25: {  	[simem:s6], [sflag:s4] =	dma.local [hbm:s3], $0xF7A  }
0x26: {  	[smem:$0x3F5D] =	sst s1;
	(tag) =	ssettag s2;
	_ =	strace s9  }
0x27: {  	s1 =	sld [smem:$0x3F6D]  }
0x28: {  	s2 =	sld [smem:$0x3F6E]  }
0x29: {  	s4 =	sld [smem:$0x3F70]  }
0x2a: {  	p0 =	seq.s32 s5, $0x0;
	s5 =	sld [smem:$0x3F71]  }
0x2b: {  	s6 =	sld [smem:$0x3F72]  }
0x2c: {  	s7 =	sld [smem:$0x3F73]  }
0x2d: {  	s3 =	simm.s32 $0x108;
	s8 =	sld [smem:$0x3F74]  }
0x2e: {  	s3 =	simm.s32 @!p0 $0x1082;
	s9 =	sld [smem:$0x3F75]  }
0x2f: {  	lr =	sadd.s32 s0, s3;
	s0 =	sld [smem:$0x3F6C]  }
0x30: {  	s3 =	sld [smem:$0x3F6F]  }
0x31: {  	[smem:$0x3F78] =	sst s10  }
0x32: {  	s10 =	sld [smem:$0x3F76];
	_ =	sdelay $0x3  }
0x33: {  	p0 =	seq.s32 s10, $0x1;
	s10 =	sld [smem:$0x3F78];
	_ =	sdelay $0x3  }
0x34: {  	[smem:$0x3F78] =	sst s10  }
0x35: {  	s10 =	sld [smem:$0x3F77];
	_ =	sdelay $0x3  }
0x36: {  	p1 =	seq.s32 s10, $0x1;
	s10 =	sld [smem:$0x3F78];
	_ =	sdelay $0x3  }
0x37: {  	[smem:$0x3F78] =	sst s10  }
0x38: {  	s10 =	sld [smem:$0x3F79]  }
0x39: {  	_ = 	snop;
	(pc) =	sbr.ind lr, $3  }
0x3a: {  	_ = 	snop  }
0x3b: {  	_ = 	snop  }
0x3c: {  	p2 =	seq.s32 s10, $0x1;
	s10 =	sld [smem:$0x3F78]  }
0x3d: {  	_ =	shalt  }
0x3e: {  	_ =	shalt  }
0x3f: {  	_ =	shalt  }
0x40: {  	_ =	shalt  }
0x41: {  	_ =	shalt  }
0x42: {  	_ =	shalt  }
0x43: {  	_ =	shalt  }
0x44: {  	_ =	shalt  }
0x45: {  	_ =	shalt  }
0x46: {  	_ =	shalt  }
0x47: {  	_ =	shalt  }
0x48: {  	_ =	shalt  }
0x49: {  	_ =	shalt  }
0x4a: {  	_ =	shalt  }
0x4b: {  	_ =	shalt  }
0x4c: {  	_ =	shalt  }
0x4d: {  	_ =	shalt  }
0x4e: {  	_ =	shalt  }
0x4f: {  	_ =	shalt  }
0x50: {  	_ =	shalt  }
0x51: {  	_ =	shalt  }
0x52: {  	_ =	shalt  }
0x53: {  	_ =	shalt  }
0x54: {  	_ =	shalt  }
0x55: {  	_ =	shalt  }
0x56: {  	_ =	shalt  }
0x57: {  	_ =	shalt  }
0x58: {  	_ =	shalt  }
0x59: {  	_ =	shalt  }
0x5a: {  	_ =	shalt  }
0x5b: {  	_ =	shalt  }
0x5c: {  	_ =	shalt  }
0x5d: {  	_ =	shalt  }
0x5e: {  	_ =	shalt  }
0x5f: {  	_ =	shalt  }
0x60: {  	_ =	shalt  }
0x61: {  	_ =	shalt  }
0x62: {  	_ =	shalt  }
0x63: {  	_ =	shalt  }
0x64: {  	_ =	shalt  }
0x65: {  	_ =	shalt  }
0x66: {  	_ =	shalt  }
0x67: {  	_ =	shalt  }
0x68: {  	_ =	shalt  }
0x69: {  	_ =	shalt  }
0x6a: {  	_ =	shalt  }
0x6b: {  	_ =	shalt  }
0x6c: {  	_ =	shalt  }
0x6d: {  	_ =	shalt  }
0x6e: {  	_ =	shalt  }
0x6f: {  	_ =	shalt  }
0x70: {  	_ =	shalt  }
0x71: {  	_ =	shalt  }
0x72: {  	_ =	shalt  }
0x73: {  	_ =	shalt  }
0x74: {  	_ =	shalt  }
0x75: {  	_ =	shalt  }
0x76: {  	_ =	shalt  }
0x77: {  	_ =	shalt  }
0x78: {  	_ =	shalt  }
0x79: {  	_ =	shalt  }
0x7a: {  	_ =	shalt  }
0x7b: {  	_ =	shalt  }
0x7c: {  	_ =	shalt  }
0x7d: {  	_ =	shalt  }
0x7e: {  	_ =	shalt  }
0x7f: {  	_ =	shalt  }
0x80: {  	_ =	shalt  }
0x81: {  	_ =	shalt  }
0x82: {  	_ =	shalt  }
0x83: {  	_ =	shalt  }
0x84: {  	_ =	shalt  }
0x85: {  	_ =	shalt  }
0x86: {  	_ =	shalt  }
0x87: {  	_ =	shalt  }
.Lfunc_end0:
.L_simem_size_0:
called_computation.2_lowered:
.L_overlay_start_0:
0x88: {  	s2 =	sld [smem:$0x3FD9]  }
0x89: {  	s3 =	sld [smem:$0x3FFE];
	_ =	sdelay $0x1  }
0x8a: {  	s1 =	srdreg.scid  }
0x8b: {  	s0 =	sand.u32 $0x1, s1  }
0x8c: {  	s14 =	sshll.u32 s0, $0xA;
	s2 =	sadd.s32 s3, s2  }
0x8d: {  	s2 =	sadd.s32 s2, s14  }
0x8e: {  	[smem:$0x3F84] =	sst s2  }
0x8f: {  	_ = 	snop  }
0x90: {  	s2 =	sld [smem:$0x3FD0];
	_ =	sdelay $0x2  }
0x91: {  	s15 =	simm.s32 $0xA;
	s4 =	simm.s32 $0x10  }
0x92: {  	[smem:s4], [sflag:s15] =	dma.local [hbm:s2], $0x1  }
0x93: {  	_ =	swait.eq [sflag:s15], $0x1  }
0x94: {  	[sflag:s15] =	ssyncset.done $0x0  }
0x95: {  	[sflag:s15] =	ssyncadd.s32 $0xFFFFFFFF  }
0x96: {  	s16 =	sld [smem:$0x10];
	(tm) =	ssettm $0x1  }
0x97: {  	s17 =	sld [smem:$0x3FFB];
	_ =	sdelay $0x3  }
0x98: {  	_ =	strace s17  }
0x99: {  	s3 =	sld [smem:$0x3FFC];
	_ =	sdelay $0x3  }
0x9a: {  	_ =	strace s3  }
0x9b: {  	s3 =	sld [smem:$0x3FFD];
	_ =	sdelay $0x3  }
0x9c: {  	_ =	strace s3  }
0x9d: {  	_ =	strace $0x8FFFFFFF  }
0x9e: {  	s18 =	sld [smem:$0x3FDB];
	_ =	sdelay $0x1  }
0x9f: {  	s19 =	simm.s32 $_scs_section_size  }
0xa0: {  	s5 =	simm.s32 $_size__tile_overlayer_lowered;
	s6 =	simm.s32 $_tile_overlayer_lowered  }
0xa1: {  	s22 =	simm.s32 $0x1BFF;
	s21 =	sshll.u32 s6, $0x1;
	s3 =	sadd.s32 s19, s18  }
0xa2: {  	s7 =	simm.s32 $0x0;
	s20 =	sshll.u32 s5, $0x1;
	s5 =	sadd.s32 s21, s3  }
0xa3: {  	[timem:s7], [sflag:s22] =	dma.local [hbm:s5], s20  }
0xa4: {  	_ =	swait.ge [sflag:s22], s20  }
0xa5: {  	s4 =	ssub.s32 $0x0, s20;
	[sflag:s22] =	ssyncset.done $0x0  }
0xa6: {  	[sflag:s22] =	ssyncadd.s32 s4;
	_ =	sdelay $0x1  }
0xa7: {  	s23 =	simm.s32 $0x1B8B  }
0xa8: {  	_ =	swait.ge [sflag:s23], $0x1  }
0xa9: {  	[sflag:s23] =	ssyncset.done $0x0  }
0xaa: {  	s25 =	simm.s32 $0x1B8E;
	s24 =	sld [smem:$0x3FFE];
	[sflag:s23] =	ssyncadd.s32 $0xFFFFFFFF  }
0xab: {  	s26 =	simm.s32 $execute0_lowered;
	[smem:$0x3FD2] =	sst s25  }
0xac: {  	s5 =	sshll.u32 s26, $0x1;
	_ =	strace $0x8000004C;
	[dreg:$0x1] =	wrdreg $0xFFFFFFFF  }
0xad: {  	s28 =	simm.s32 $_size_execute0_lowered;
	s3 =	sadd.s32 s3, s5;
	[dreg:$0x0] =	wrdreg $0x0  }
0xae: {  	s5 =	sshll.u32 s28, $0x1;
	[dreg:$0x2] =	wrdreg s3  }
0xaf: {  	[dreg:$0x3] =	wrdreg s5  }
0xb0: {  	[dreg:$0x4] =	wrdreg $0xC0  }
0xb1: {  	_ =	task [dreg:s7], $0x5FFFF  }
0xb2: {  	[dreg:$0x1] =	wrdreg $0xFFFFFFFF  }
0xb3: {  	[dreg:$0x0] =	wrdreg $0x60  }
0xb4: {  	[dreg:$0x2] =	wrdreg s16  }
0xb5: {  	[dreg:$0x3] =	wrdreg s24  }
0xb6: {  	[dreg:$0x4] =	wrdreg $0x168000  }
0xb7: {  	[dreg:$0x5] =	wrdreg $0x9  }
0xb8: {  	_ =	task.clear_ibuf [dreg:s7], $0x6FFFF;
	_ =	strace $0x9000004C  }
0xb9: {  	s29 =	simm.s32 $0x9;
	_ =	strace $0x8000004E  }
0xba: {  	_ =	swait.ge [sflag:s29], $0x1  }
0xbb: {  	[sflag:s29] =	ssyncadd.s32 $0xFFFFFFFF  }
0xbc: {  	_ =	strace $0x9000004E  }
0xbd: {  	_ =	sfence  }
0xbe: {  	s30 =	sld [smem:$0x0];
	_ =	sdelay $0x2  }
0xbf: {  	s31 =	sshll.u32 s1, $0xD;
	s1 =	sshrl.u32 s1, $0x2  }
0xc0: {  	s3 =	sand.u32 $0x4000, s31;
	s1 =	sadd.s32 s1, s30  }
0xc1: {  	s0 =	sor.u32 s3, s0;
	s1 =	sshll.u32 s1, $0x11  }
0xc2: {  	s0 =	sor.u32 s1, s0  }
0xc3: {  	s0 =	sadd.s32 $0x8F2B, s0  }
0xc4: {  	[sflag:s0] =	ssyncadd.remote.s32 $0x1  }
0xc5: {  	_ =	sfence.sel $0xFFFF  }
0xc6: {  	[dreg:$0x0] =	wrdreg $0xFFFFFFFF;
	(pc) =	sbr.abs _section_cstart, $3  }
0xc7: {  	[dreg:$0x1] =	wrdreg $0xFFFFFFFF  }
0xc8: {  	_ =	task.clear_ibuf [dreg:s7], $0x2FFFF;
	_ =	strace $0x9FFFFFFF  }
0xc9: {  	(tm) =	ssettm $0x7FFFFFFF  }
tec
execute0_lowered:
.L_overlay_start_1:
0x0: {  	(tag) =	ssettag $0x1  }
0x1: {  	s2 =	rddreg [dreg:$0x0]  }
0x2: {  	s1 =	srdreg.scid;
	s6 =	rddreg [dreg:$0x1]  }
0x3: {  	s0 =	stileid.u32;
	s3 =	rddreg [dreg:$0x2]  }
0x4: {  	s4 =	simm.s32 $0x0;
	s14 =	simm.s32 $0x80;
	s15 =	simm.s32 $0x1  }
0x5: {  	s16 =	simm.s32 $0x0;
	s5 =	sand.u32 $0x1, s1;
	s26 =	sshll.u32 s0, $0x1  }
0x6: {  	s8 =	smul.u32 $0x2800, s0;
	[smem:$0x7FF] =	sst s4;
	s31 =	sshll.u32 s0, $0x6  }
0x7: {  	s1 =	sor.u32 s5, s26;
	s9 =	smul.u32 $0x28000, s5;
	s5 =	ssub.s32 $0x2, s5  }
0x8: {  	s7 =	smul.u32 $0x280, s1;
	s1 =	rddreg [dreg:$0x3];
	_ =	strace $0x8000004D  }
0x9: {  	s29 =	sshrl.u32 s8, $0x3;
	s30 =	sshrl.u32 s5, $0x1;
	s13 =	sadd.s32 s8, s3  }
0xa: {  	s28 =	sadd.s32 s8, s9;
	s9 =	sadd.s32 s29, s6;
	s12 =	ssub.s32 s5, s30  }
0xb: {  	s10 =	sadd.s32 s7, s6;
	s7 =	sshrl.u32 s28, $0x3;
	s5 =	sadd.s32 $0xAE00, s9  }
0xc: {  	s11 =	sadd.s32 s7, s6;
	s6 =	sor.u32 $0x1C02, s31;
	s7 =	sadd.s32 $0x1A600, s10  }
0xd: {  	s8 =	sadd.s32 $0x15600, s10;
	s10 =	smax.u32 s12, $0x1;
	s12 =	simm.s32 $0x2  }
0xe: {  	s9 =	sadd.s32 $0x1F600, s11;
	s11 =	sshrl.u32 s13, $0x3;
	s13 =	simm.s32 $0x1400  }
.LBB2_1:
0xf: {  	[spmem:s11], [sflag:s6] =	dma.local [hbm:s5], $0x500  }
0x10: {  	_ =	swait.ge [sflag:s12], $0x500  }
0x11: {  	[sflag:s12] =	ssyncset.done $0x0  }
0x12: {  	[sflag:s12] =	ssyncadd.s32 $0xFFFFFB00  }
0x13: {  	[tilespmem:s4], [sflag:$0x2] =	stream.linear.gather [hbm4b:s7+s4], $0x1400, $0x38;
	[tilespmem:$0x19000] =	vst v63  }
0x14: {  	_ =	swait.ge [sflag:s12], $0x1400  }
0x15: {  	[sflag:s12] =	ssyncset.done $0x0  }
0x16: {  	[sflag:s12] =	ssyncadd.s32 $0xFFFFEC00  }
0x17: {  	[tilespmem:s13], [sflag:$0x2] =	stream.linear.gather [hbm4b:s8+s4], $0x1400, $0x38;
	[tilespmem:$0x19000] =	vst v63  }
0x18: {  	_ =	swait.ge [sflag:s12], $0x1400  }
0x19: {  	[sflag:s12] =	ssyncset.done $0x0  }
0x1a: {  	s17 =	simm.s32 $0x2800;
	[sflag:s12] =	ssyncadd.s32 $0xFFFFEC00  }
0x1b: {  	s18 =	simm.s32 $0x2800;
	s19 =	simm.s32 $0x0;
	[bflag:$0x0] =	sbarrier.arrive $0xFFFF  }
.LBB2_2:
0x1c: {  	p0 =	sne.s32 s19, $0x4E00  }
.Ltmp0:
0x1d: {  	_ = 	snop;
	(pc) =	sbr.rel @p0 .LBB2_2-.Ltmp0, $4  }
0x1e: {  	_ = 	snop  }
0x1f: {  	s20 =	sshra.s32 s19, $0x2  }
0x20: {  	[tilespmem:s18], [sflag:$0x1] =	stream.indirect.gather [hbm4b:s2+s14], $0x10, s20, s14, $0xb8;
	[tilespmem:$0x19000] =	vst v63  }
0x21: {  	s19 =	sadd.s32 $0x200, s19;
	s18 =	sadd.s32 $0x800, s18  }
0x22: {  	_ =	swait.ge [sflag:s15], $0x800  }
0x23: {  	[sflag:s15] =	ssyncset.done $0x0  }
0x24: {  	s18 =	simm.s32 $0x1400;
	[sflag:s15] =	ssyncadd.s32 $0xFFFFF800  }
0x25: {  	[spmem:s3] =	stream.indirect.scatter.add.f32 [tilespmem:s17], [sflag:$0x2], $0x10, s18, s14, $0xb8;
	[tilespmem:$0x19000] =	vst v63  }
0x26: {  	_ =	swait.ge [sflag:s12], $0x800  }
0x27: {  	s18 =	simm.s32 $0x200;
	[sflag:s12] =	ssyncset.done $0x0  }
.LBB2_4:
0x28: {  	p0 =	sne.s32 s18, $0x4E00;
	[sflag:s12] =	ssyncadd.s32 $0xFFFFF800;
	s17 =	sadd.s32 $0x800, s17  }
0x29: {  	s19 =	smov.u32 s18;
	s18 =	sadd.s32 $0x200, s18;
	_ =	swait.ge [sflag:s15], $0x800  }
.Ltmp1:
0x2a: {  	s19 =	sshra.s32 s19, $0x2;
	[sflag:s15] =	ssyncset.done $0x0;
	(pc) =	sbr.rel @p0 .LBB2_4-.Ltmp1, $4  }
0x2b: {  	s19 =	sadd.s32 $0x1400, s19;
	[sflag:s15] =	ssyncadd.s32 $0xFFFFF800  }
0x2c: {  	[spmem:s3] =	stream.indirect.scatter.add.f32 [tilespmem:s17], [sflag:$0x2], $0x10, s19, s14, $0xb8;
	[tilespmem:$0x19000] =	vst v63  }
0x2d: {  	_ =	swait.ge [sflag:s12], $0x800  }
0x2e: {  	[sflag:s12] =	ssyncset.done $0x0  }
0x2f: {  	s16 =	sadd.s32 $0x1, s16  }
0x30: {  	[sflag:s12] =	ssyncadd.s32 $0xFFFFF800;
	p0 =	sne.s32 s16, s10  }
.Ltmp2:
0x31: {  	[bflag:$0x0] =	sbarrier.arrive $0xFFFF;
	(pc) =	sbr.rel @p0 .LBB2_1-.Ltmp2, $4  }
0x32: {  	[hbm:s9], [sflag:s6] =	dma.local [spmem:s11], $0x500  }
0x33: {  	_ =	swait.ge [sflag:s12], $0x500  }
0x34: {  	[sflag:s12] =	ssyncset.done $0x0  }
0x35: {  	[sflag:s12] =	ssyncadd.s32 $0xFFFFFB00  }
0x36: {  	_ =	sfence.sel $0x180000  }
0x37: {  	[bflag:$0x0] =	sbarrier.arrive $0xFFFF  }
0x38: {  	p0 =	sne.s32 s0, $0x0;
	_ =	strace $0x9000004D  }
0x39: {  	s0 =	sadd.s32 @!p0 $0x100000, s1;
	[bflag:$0x2] =	sbarrier.arrive $0xFFFF  }
0x3a: {  	[sflag:s0] =	ssyncadd.tile.s32 @!p0 $0x1;
	_ =	shalt  }
.Lfunc_end2:
_tile_overlayer_lowered:
.L_overlay_start_2:
0x3b: {  	(tag) =	ssettag $0x2  }
0x3c: {  	s0 =	rddreg [dreg:$0x0];
	s2 =	stileid.u32  }
0x3d: {  	s1 =	rddreg [dreg:$0x1];
	p0 =	sne.s32 s2, $0x0  }
0x3e: {  	s3 =	rddreg [dreg:$0x2];
	[bflag:$0x3] =	sbarrier.arrive $0xFFFF;
	s2 =	simm.s32 @!p0 $0x1C02  }
0x3f: {  	[timem:s3], [sflag:s2] =	dma.local @!p0 [hbm:s0], s1  }
0x40: {  	s0 =	simm.s32 @!p0 $0x2  }
0x41: {  	_ =	swait.ge @!p0 [sflag:s0], s1  }
0x42: {  	s1 =	ssub.s32 @!p0 $0x0, s1;
	[sflag:s0] =	ssyncset.done @!p0 $0x0  }
0x43: {  	[sflag:s0] =	ssyncadd.s32 @!p0 s1  }
0x44: {  	[bflag:$0x3] =	sbarrier.arrive $0xFFFF  }
0x45: {  	_ =	shalt  }

// kernel: kernel.26.cloned.1.call-start
scs
__scs_entry_jumppad:
0x0: {  	(pc) =	sbr.rel $0x88, $3  }
0x1: {  	(tag) =	ssettag $0x0;
	lr =	simm.s32 $0x1  }
0x2: {  	[smem:$0x3F5D] =	sst lr;
	_ =	strace $0xD0000000  }
0x3: {  	_ = 	snop  }
0x4: {  	_ = 	snop  }
0x5: {  	_ = 	snop  }
0x6: {  	_ = 	snop  }
0x7: {  	_ = 	snop  }
__scs_overlays_trampoline_lowered:
0x8: {  	[smem:$0x3F6C] =	sst s0  }
0x9: {  	[smem:$0x3F6D] =	sst s1  }
0xa: {  	[smem:$0x3F6E] =	sst s2  }
0xb: {  	[smem:$0x3F6F] =	sst s3  }
0xc: {  	[smem:$0x3F70] =	sst s4  }
0xd: {  	[smem:$0x3F71] =	sst s5  }
0xe: {  	[smem:$0x3F72] =	sst s6  }
0xf: {  	[smem:$0x3F73] =	sst s7  }
0x10: {  	[smem:$0x3F74] =	sst s8  }
0x11: {  	[smem:$0x3F75] =	sst s9;
	s0 =	simm.s32 @!p0 $0x0  }
0x12: {  	s1 =	sld [smem:$0x3F5B];
	s0 =	simm.s32 @p0 $0x1  }
0x13: {  	[smem:$0x3F76] =	sst s0;
	s0 =	simm.s32 @!p1 $0x0  }
0x14: {  	s2 =	sld [smem:$0x3F5A];
	s0 =	simm.s32 @p1 $0x1  }
0x15: {  	[smem:$0x3F77] =	sst s0;
	s0 =	simm.s32 @!p2 $0x0  }
0x16: {  	s3 =	sld [smem:$0x3FDB];
	s0 =	simm.s32 @p2 $0x1  }
0x17: {  	s4 =	simm.s32 $0x1BF5;
	[smem:$0x3F79] =	sst s0  }
0x18: {  	s0 =	sld [smem:$0x3F5C];
	_ =	swait.ge [sflag:s4], $0x0  }
0x19: {  	s7 =	sld [smem:$0x3F5D]  }
0x1a: {  	s8 =	sadd.s32 $0xFFFFE003, lr  }
0x1b: {  	s9 =	sadd.s32 $0xFFFFFEF7, lr;
	s5 =	simm.s32 $0xFFFFFFFF;
	p2 =	slt.u32 s8, $0xFFFFF086  }
0x1c: {  	p1 =	slt.u32 s9, $0xF7A;
	s5 =	simm.s32 @!p2 $0x0  }
0x1d: {  	s5 =	simm.s32 @p1 $0x1;
	p0 =	seq.s32 s7, s2  }
0x1e: {  	s7 =	smul.u32 @!p0 $0xF7A, s2;
	p2 =	seq.s32 @!p0 s5, $0x0  }
0x1f: {  	s9 =	smul.u32 $0xF7A, s1;
	s8 =	simm.s32 @!p0 $0x1BF5;
	p2 =	por !p2, p0  }
0x20: {  	[sflag:s8] =	ssyncset.s32 @!p0 $0xFFFFF086;
	s6 =	sadd.s32 @!p0 s3, s7;
	s7 =	simm.s32 @!p0 $0x108  }
0x21: {  	s3 =	sadd.s32 s3, s9;
	s6 =	sadd.s32 @!p0 $0x88, s6;
	s7 =	simm.s32 @p2 $0x1082  }
0x22: {  	[simem:s7], [sflag:s8] =	dma.local @!p0 [hbm:s6], $0xF7A  }
0x23: {  	s9 =	sor.u32 $0xD0000000, s2;
	s6 =	simm.s32 $0x108;
	_ =	swait.ge @!p0 [sflag:s8], $0x0  }
0x24: {  	s3 =	sadd.s32 $0x88, s3;
	s6 =	simm.s32 @!p1 $0x1082;
	[sflag:s4] =	ssyncset.s32 $0xFFFFF086  }
0x25: {  	[simem:s6], [sflag:s4] =	dma.local [hbm:s3], $0xF7A  }
0x26: {  	[smem:$0x3F5D] =	sst s1;
	(tag) =	ssettag s2;
	_ =	strace s9  }
0x27: {  	s1 =	sld [smem:$0x3F6D]  }
0x28: {  	s2 =	sld [smem:$0x3F6E]  }
0x29: {  	s4 =	sld [smem:$0x3F70]  }
0x2a: {  	p0 =	seq.s32 s5, $0x0;
	s5 =	sld [smem:$0x3F71]  }
0x2b: {  	s6 =	sld [smem:$0x3F72]  }
0x2c: {  	s7 =	sld [smem:$0x3F73]  }
0x2d: {  	s3 =	simm.s32 $0x108;
	s8 =	sld [smem:$0x3F74]  }
0x2e: {  	s3 =	simm.s32 @!p0 $0x1082;
	s9 =	sld [smem:$0x3F75]  }
0x2f: {  	lr =	sadd.s32 s0, s3;
	s0 =	sld [smem:$0x3F6C]  }
0x30: {  	s3 =	sld [smem:$0x3F6F]  }
0x31: {  	[smem:$0x3F78] =	sst s10  }
0x32: {  	s10 =	sld [smem:$0x3F76];
	_ =	sdelay $0x3  }
0x33: {  	p0 =	seq.s32 s10, $0x1;
	s10 =	sld [smem:$0x3F78];
	_ =	sdelay $0x3  }
0x34: {  	[smem:$0x3F78] =	sst s10  }
0x35: {  	s10 =	sld [smem:$0x3F77];
	_ =	sdelay $0x3  }
0x36: {  	p1 =	seq.s32 s10, $0x1;
	s10 =	sld [smem:$0x3F78];
	_ =	sdelay $0x3  }
0x37: {  	[smem:$0x3F78] =	sst s10  }
0x38: {  	s10 =	sld [smem:$0x3F79]  }
0x39: {  	_ = 	snop;
	(pc) =	sbr.ind lr, $3  }
0x3a: {  	_ = 	snop  }
0x3b: {  	_ = 	snop  }
0x3c: {  	p2 =	seq.s32 s10, $0x1;
	s10 =	sld [smem:$0x3F78]  }
0x3d: {  	_ =	shalt  }
0x3e: {  	_ =	shalt  }
0x3f: {  	_ =	shalt  }
0x40: {  	_ =	shalt  }
0x41: {  	_ =	shalt  }
0x42: {  	_ =	shalt  }
0x43: {  	_ =	shalt  }
0x44: {  	_ =	shalt  }
0x45: {  	_ =	shalt  }
0x46: {  	_ =	shalt  }
0x47: {  	_ =	shalt  }
0x48: {  	_ =	shalt  }
0x49: {  	_ =	shalt  }
0x4a: {  	_ =	shalt  }
0x4b: {  	_ =	shalt  }
0x4c: {  	_ =	shalt  }
0x4d: {  	_ =	shalt  }
0x4e: {  	_ =	shalt  }
0x4f: {  	_ =	shalt  }
0x50: {  	_ =	shalt  }
0x51: {  	_ =	shalt  }
0x52: {  	_ =	shalt  }
0x53: {  	_ =	shalt  }
0x54: {  	_ =	shalt  }
0x55: {  	_ =	shalt  }
0x56: {  	_ =	shalt  }
0x57: {  	_ =	shalt  }
0x58: {  	_ =	shalt  }
0x59: {  	_ =	shalt  }
0x5a: {  	_ =	shalt  }
0x5b: {  	_ =	shalt  }
0x5c: {  	_ =	shalt  }
0x5d: {  	_ =	shalt  }
0x5e: {  	_ =	shalt  }
0x5f: {  	_ =	shalt  }
0x60: {  	_ =	shalt  }
0x61: {  	_ =	shalt  }
0x62: {  	_ =	shalt  }
0x63: {  	_ =	shalt  }
0x64: {  	_ =	shalt  }
0x65: {  	_ =	shalt  }
0x66: {  	_ =	shalt  }
0x67: {  	_ =	shalt  }
0x68: {  	_ =	shalt  }
0x69: {  	_ =	shalt  }
0x6a: {  	_ =	shalt  }
0x6b: {  	_ =	shalt  }
0x6c: {  	_ =	shalt  }
0x6d: {  	_ =	shalt  }
0x6e: {  	_ =	shalt  }
0x6f: {  	_ =	shalt  }
0x70: {  	_ =	shalt  }
0x71: {  	_ =	shalt  }
0x72: {  	_ =	shalt  }
0x73: {  	_ =	shalt  }
0x74: {  	_ =	shalt  }
0x75: {  	_ =	shalt  }
0x76: {  	_ =	shalt  }
0x77: {  	_ =	shalt  }
0x78: {  	_ =	shalt  }
0x79: {  	_ =	shalt  }
0x7a: {  	_ =	shalt  }
0x7b: {  	_ =	shalt  }
0x7c: {  	_ =	shalt  }
0x7d: {  	_ =	shalt  }
0x7e: {  	_ =	shalt  }
0x7f: {  	_ =	shalt  }
0x80: {  	_ =	shalt  }
0x81: {  	_ =	shalt  }
0x82: {  	_ =	shalt  }
0x83: {  	_ =	shalt  }
0x84: {  	_ =	shalt  }
0x85: {  	_ =	shalt  }
0x86: {  	_ =	shalt  }
0x87: {  	_ =	shalt  }
.Lfunc_end0:
.L_simem_size_0:
called_computation.3_lowered:
.L_overlay_start_0:
0x88: {  	s2 =	sld [smem:$0x3FD9]  }
0x89: {  	s3 =	sld [smem:$0x3FFE];
	_ =	sdelay $0x1  }
0x8a: {  	s1 =	srdreg.scid  }
0x8b: {  	s0 =	sand.u32 $0x1, s1  }
0x8c: {  	s14 =	sshll.u32 s0, $0xA;
	s2 =	sadd.s32 s3, s2  }
0x8d: {  	s2 =	sadd.s32 s2, s14  }
0x8e: {  	[smem:$0x3F84] =	sst s2  }
0x8f: {  	_ = 	snop  }
0x90: {  	s2 =	sld [smem:$0x3FD0];
	_ =	sdelay $0x2  }
0x91: {  	s15 =	simm.s32 $0xA;
	s4 =	simm.s32 $0x10  }
0x92: {  	[smem:s4], [sflag:s15] =	dma.local [hbm:s2], $0x1  }
0x93: {  	_ =	swait.eq [sflag:s15], $0x1  }
0x94: {  	[sflag:s15] =	ssyncset.done $0x0  }
0x95: {  	[sflag:s15] =	ssyncadd.s32 $0xFFFFFFFF  }
0x96: {  	s16 =	sld [smem:$0x10];
	(tm) =	ssettm $0x1  }
0x97: {  	s17 =	sld [smem:$0x3FFB];
	_ =	sdelay $0x3  }
0x98: {  	_ =	strace s17  }
0x99: {  	s3 =	sld [smem:$0x3FFC];
	_ =	sdelay $0x3  }
0x9a: {  	_ =	strace s3  }
0x9b: {  	s3 =	sld [smem:$0x3FFD];
	_ =	sdelay $0x3  }
0x9c: {  	_ =	strace s3  }
0x9d: {  	_ =	strace $0x8FFFFFFF  }
0x9e: {  	s18 =	sld [smem:$0x3FDB];
	_ =	sdelay $0x1  }
0x9f: {  	s19 =	simm.s32 $_scs_section_size  }
0xa0: {  	s5 =	simm.s32 $_size__tile_overlayer_lowered;
	s6 =	simm.s32 $_tile_overlayer_lowered  }
0xa1: {  	s22 =	simm.s32 $0x1BFF;
	s21 =	sshll.u32 s6, $0x1;
	s3 =	sadd.s32 s19, s18  }
0xa2: {  	s7 =	simm.s32 $0x0;
	s20 =	sshll.u32 s5, $0x1;
	s5 =	sadd.s32 s21, s3  }
0xa3: {  	[timem:s7], [sflag:s22] =	dma.local [hbm:s5], s20  }
0xa4: {  	_ =	swait.ge [sflag:s22], s20  }
0xa5: {  	s4 =	ssub.s32 $0x0, s20;
	[sflag:s22] =	ssyncset.done $0x0  }
0xa6: {  	[sflag:s22] =	ssyncadd.s32 s4;
	_ =	sdelay $0x1  }
0xa7: {  	s23 =	simm.s32 $0x1B8B  }
0xa8: {  	_ =	swait.ge [sflag:s23], $0x1  }
0xa9: {  	[sflag:s23] =	ssyncset.done $0x0  }
0xaa: {  	s25 =	simm.s32 $0x1B8E;
	s24 =	sld [smem:$0x3FFE];
	[sflag:s23] =	ssyncadd.s32 $0xFFFFFFFF  }
0xab: {  	s26 =	simm.s32 $execute0_lowered;
	[smem:$0x3FD2] =	sst s25  }
0xac: {  	s5 =	sshll.u32 s26, $0x1;
	_ =	strace $0x8000004F;
	[dreg:$0x1] =	wrdreg $0xFFFFFFFF  }
0xad: {  	s28 =	simm.s32 $_size_execute0_lowered;
	s3 =	sadd.s32 s3, s5;
	[dreg:$0x0] =	wrdreg $0x0  }
0xae: {  	s5 =	sshll.u32 s28, $0x1;
	[dreg:$0x2] =	wrdreg s3  }
0xaf: {  	[dreg:$0x3] =	wrdreg s5  }
0xb0: {  	[dreg:$0x4] =	wrdreg $0xC0  }
0xb1: {  	_ =	task [dreg:s7], $0x5FFFF  }
0xb2: {  	[dreg:$0x1] =	wrdreg $0xFFFFFFFF  }
0xb3: {  	[dreg:$0x0] =	wrdreg $0x60  }
0xb4: {  	[dreg:$0x2] =	wrdreg s16  }
0xb5: {  	[dreg:$0x3] =	wrdreg s24  }
0xb6: {  	[dreg:$0x4] =	wrdreg $0x9  }
0xb7: {  	_ =	task.clear_ibuf [dreg:s7], $0x5FFFF;
	_ =	strace $0x9000004F  }
0xb8: {  	s29 =	simm.s32 $0x9;
	_ =	strace $0x80000051  }
0xb9: {  	_ =	swait.ge [sflag:s29], $0x1  }
0xba: {  	[sflag:s29] =	ssyncadd.s32 $0xFFFFFFFF  }
0xbb: {  	_ =	strace $0x90000051  }
0xbc: {  	_ =	sfence  }
0xbd: {  	s30 =	sld [smem:$0x0];
	_ =	sdelay $0x2  }
0xbe: {  	s31 =	sshll.u32 s1, $0xD;
	s1 =	sshrl.u32 s1, $0x2  }
0xbf: {  	s3 =	sand.u32 $0x4000, s31;
	s1 =	sadd.s32 s1, s30  }
0xc0: {  	s0 =	sor.u32 s3, s0;
	s1 =	sshll.u32 s1, $0x11  }
0xc1: {  	s0 =	sor.u32 s1, s0  }
0xc2: {  	s0 =	sadd.s32 $0x8F2B, s0  }
0xc3: {  	[sflag:s0] =	ssyncadd.remote.s32 $0x1  }
0xc4: {  	_ =	sfence.sel $0xFFFF  }
0xc5: {  	[dreg:$0x0] =	wrdreg $0xFFFFFFFF;
	(pc) =	sbr.abs _section_cstart, $3  }
0xc6: {  	[dreg:$0x1] =	wrdreg $0xFFFFFFFF  }
0xc7: {  	_ =	task.clear_ibuf [dreg:s7], $0x2FFFF;
	_ =	strace $0x9FFFFFFF  }
0xc8: {  	(tm) =	ssettm $0x7FFFFFFF  }
0xc9: {  	_ =	shalt  }
tec
execute0_lowered:
.L_overlay_start_1:
0x0: {  	(tag) =	ssettag $0x1  }
0x1: {  	s2 =	rddreg [dreg:$0x0];
	s1 =	srdreg.scid  }
0x2: {  	s0 =	stileid.u32;
	s5 =	rddreg [dreg:$0x1];
	s3 =	simm.s32 $0x0  }
0x3: {  	s11 =	simm.s32 $0x1400;
	s12 =	simm.s32 $0x80;
	s13 =	simm.s32 $0x1  }
0x4: {  	s14 =	simm.s32 $0x2;
	s4 =	sand.u32 $0x1, s1;
	s6 =	sshll.u32 s0, $0x1  }
0x5: {  	s15 =	simm.s32 $0x2800;
	s16 =	simm.s32 $0xC800;
	s6 =	sor.u32 s4, s6  }
0x6: {  	s17 =	simm.s32 $0x0;
	s1 =	rddreg [dreg:$0x2];
	s7 =	smul.u32 $0x280, s6  }
0x7: {  	[smem:$0x7FF] =	sst s3;
	s8 =	ssub.s32 $0x2, s4;
	s6 =	smul.u32 $0x1400, s6  }
0x8: {  	_ =	strace $0x80000050;
	s4 =	sadd.s32 $0x14E00, s5;
	s9 =	sshrl.u32 s8, $0x1  }
0x9: {  	s9 =	ssub.s32 s8, s9;
	s7 =	sadd.s32 s7, s5;
	s10 =	sadd.s32 s6, s5  }
0xa: {  	s9 =	smax.u32 s9, $0x1;
	s5 =	sadd.s32 $0xFE00, s7;
	s6 =	sadd.s32 $0x29600, s7  }
0xb: {  	s7 =	sadd.s32 $0x83600, s10;
	s8 =	sadd.s32 $0xAB600, s10;
	s10 =	simm.s32 $0x3  }
.LBB2_1:
0xc: {  	[tilespmem:s3], [sflag:$0x3] =	stream.linear.gather [hbm4b:s5+s3], $0x1400, $0x38;
	[tilespmem:$0x16800] =	vst v63  }
0xd: {  	_ =	swait.ge [sflag:s10], $0x1400  }
0xe: {  	[sflag:s10] =	ssyncset.done $0x0  }
0xf: {  	[sflag:s10] =	ssyncadd.s32 $0xFFFFEC00  }
0x10: {  	[tilespmem:s11], [sflag:$0x3] =	stream.linear.gather [hbm4b:s6+s3], $0x1400, $0x38;
	[tilespmem:$0x16800] =	vst v63  }
0x11: {  	_ =	swait.ge [sflag:s10], $0x1400  }
0x12: {  	[sflag:s10] =	ssyncset.done $0x0  }
0x13: {  	s18 =	simm.s32 $0x0;
	s31 =	simm.s32 $0x1400;
	[sflag:s10] =	ssyncadd.s32 $0xFFFFEC00  }
0x14: {  	[tilespmem:s15], [sflag:$0x1] =	stream.indirect.gather [hbm4b:s2+s12], $0x8, s18, s12, $0xb8;
	[tilespmem:$0x16800] =	vst v63  }
0x15: {  	s19 =	simm.s32 $0x2C00;
	s20 =	simm.s32 $0xC800;
	s18 =	simm.s32 $0x200  }
0x16: {  	[tilespmem:s16], [sflag:$0x2] =	stream.indirect.gather [hbm4b:s4+s12], $0x8, s31, s12, $0xb8;
	[tilespmem:$0x16800] =	vst v63  }
.LBB2_2:
0x17: {  	s21 =	sshra.s32 s18, $0x2;
	p0 =	sne.s32 s18, $0x4E00;
	s18 =	sadd.s32 $0x200, s18  }
0x18: {  	[tilespmem:s19], [sflag:$0x1] =	stream.indirect.gather [hbm4b:s2+s12], $0x8, s21, s12, $0xb8;
	[tilespmem:$0x16800] =	vst v63  }
.Ltmp0:
0x19: {  	_ = 	snop;
	(pc) =	sbr.rel @p0 .LBB2_2-.Ltmp0, $4  }
0x1a: {  	s20 =	sadd.s32 $0x400, s20;
	s21 =	sadd.s32 $0x1400, s21  }
0x1b: {  	[tilespmem:s20], [sflag:$0x2] =	stream.indirect.gather [hbm4b:s4+s12], $0x8, s21, s12, $0xb8;
	[tilespmem:$0x16800] =	vst v63  }
0x1c: {  	_ = 	snop  }
0x1d: {  	s19 =	sadd.s32 $0x400, s19  }
0x1e: {  	_ =	swait.ge [sflag:s13], $0x400  }
0x1f: {  	[sflag:s13] =	ssyncset.done $0x0  }
0x20: {  	[sflag:s13] =	ssyncadd.s32 $0xFFFFFC00  }
0x21: {  	_ =	swait.ge [sflag:s14], $0x400  }
0x22: {  	s18 =	simm.s32 $0x27;
	[sflag:s14] =	ssyncset.done $0x0  }
.LBB2_4:
0x23: {  	p0 =	sne.s32 s18, $0x1;
	s18 =	sadd.s32 $0xFFFFFFFF, s18;
	[sflag:s14] =	ssyncadd.s32 $0xFFFFFC00  }
.Ltmp1:
0x24: {  	_ =	swait.ge [sflag:s13], $0x400;
	(pc) =	sbr.rel @p0 .LBB2_4-.Ltmp1, $4  }
0x25: {  	[sflag:s13] =	ssyncset.done $0x0  }
0x26: {  	[sflag:s13] =	ssyncadd.s32 $0xFFFFFC00  }
0x27: {  	_ =	swait.ge [sflag:s14], $0x400  }
0x28: {  	[sflag:s14] =	ssyncset.done $0x0  }
0x29: {  	[sflag:s14] =	ssyncadd.s32 $0xFFFFFC00  }
0x2a: {  	[hbm4b:s7+s3] =	stream.linear.scatter [tilespmem:s15], [sflag:$0x3], $0xA000, $0x38;
	[tilespmem:$0x16800] =	vst v63  }
0x2b: {  	s17 =	sadd.s32 $0x1, s17;
	_ =	swait.ge [sflag:s10], $0xA000  }
0x2c: {  	p0 =	sne.s32 s17, s9;
	[sflag:s10] =	ssyncset.done $0x0  }
.Ltmp2:
0x2d: {  	[sflag:s10] =	ssyncadd.s32 $0xFFFF6000;
	(pc) =	sbr.rel @p0 .LBB2_1-.Ltmp2, $4  }
0x2e: {  	[hbm4b:s8+s3] =	stream.linear.scatter [tilespmem:s16], [sflag:$0x3], $0xA000, $0x38;
	[tilespmem:$0x16800] =	vst v63  }
0x2f: {  	_ =	swait.ge [sflag:s10], $0xA000  }
0x30: {  	[sflag:s10] =	ssyncset.done $0x0  }
0x31: {  	[sflag:s10] =	ssyncadd.s32 $0xFFFF6000  }
0x32: {  	_ =	sfence.sel $0x180000  }
0x33: {  	[bflag:$0x0] =	sbarrier.arrive $0xFFFF  }
0x34: {  	p0 =	sne.s32 s0, $0x0;
	_ =	strace $0x90000050  }
0x35: {  	s0 =	sadd.s32 @!p0 $0x100000, s1;
	[bflag:$0x2] =	sbarrier.arrive $0xFFFF  }
0x36: {  	[sflag:s0] =	ssyncadd.tile.s32 @!p0 $0x1;
	_ =	shalt  }
.Lfunc_end2:
_tile_overlayer_lowered:
.L_overlay_start_2:
0x37: {  	(tag) =	ssettag $0x2  }
0x38: {  	s0 =	rddreg [dreg:$0x0];
	s2 =	stileid.u32  }
0x39: {  	s1 =	rddreg [dreg:$0x1];
	p0 =	sne.s32 s2, $0x0  }
0x3a: {  	s3 =	rddreg [dreg:$0x2];
	[bflag:$0x3] =	sbarrier.arrive $0xFFFF;
	s2 =	simm.s32 @!p0 $0x1C03  }
0x3b: {  	[timem:s3], [sflag:s2] =	dma.local @!p0 [hbm:s0], s1  }
0x3c: {  	s0 =	simm.s32 @!p0 $0x3  }
0x3d: {  	_ =	swait.ge @!p0 [sflag:s0], s1  }
0x3e: {  	s1 =	ssub.s32 @!p0 $0x0, s1;
	[sflag:s0] =	ssyncset.done @!p0 $0x0  }
0x3f: {  	[sflag:s0] =	ssyncadd.s32 @!p0 s1  }
0x40: {  	[bflag:$0x3] =	sbarrier.arrive $0xFFFF  }
0x41: {  	_ =	shalt  }

// kernel: kernel.29.cloned.1.call-start
scs
__scs_entry_jumppad:
0x0: {  	(pc) =	sbr.rel $0x88, $3  }
0x1: {  	(tag) =	ssettag $0x0;
	lr =	simm.s32 $0x1  }
0x2: {  	[smem:$0x3F5D] =	sst lr;
	_ =	strace $0xD0000000  }
0x3: {  	_ = 	snop  }
0x4: {  	_ = 	snop  }
0x5: {  	_ = 	snop  }
0x6: {  	_ = 	snop  }
0x7: {  	_ = 	snop  }
__scs_overlays_trampoline_lowered:
0x8: {  	[smem:$0x3F6C] =	sst s0  }
0x9: {  	[smem:$0x3F6D] =	sst s1  }
0xa: {  	[smem:$0x3F6E] =	sst s2  }
0xb: {  	[smem:$0x3F6F] =	sst s3  }
0xc: {  	[smem:$0x3F70] =	sst s4  }
0xd: {  	[smem:$0x3F71] =	sst s5  }
0xe: {  	[smem:$0x3F72] =	sst s6  }
0xf: {  	[smem:$0x3F73] =	sst s7  }
0x10: {  	[smem:$0x3F74] =	sst s8  }
0x11: {  	[smem:$0x3F75] =	sst s9;
	s0 =	simm.s32 @!p0 $0x0  }
0x12: {  	s1 =	sld [smem:$0x3F5B];
	s0 =	simm.s32 @p0 $0x1  }
0x13: {  	[smem:$0x3F76] =	sst s0;
	s0 =	simm.s32 @!p1 $0x0  }
0x14: {  	s2 =	sld [smem:$0x3F5A];
	s0 =	simm.s32 @p1 $0x1  }
0x15: {  	[smem:$0x3F77] =	sst s0;
	s0 =	simm.s32 @!p2 $0x0  }
0x16: {  	s3 =	sld [smem:$0x3FDB];
	s0 =	simm.s32 @p2 $0x1  }
0x17: {  	s4 =	simm.s32 $0x1BF5;
	[smem:$0x3F79] =	sst s0  }
0x18: {  	s0 =	sld [smem:$0x3F5C];
	_ =	swait.ge [sflag:s4], $0x0  }
0x19: {  	s7 =	sld [smem:$0x3F5D]  }
0x1a: {  	s8 =	sadd.s32 $0xFFFFE003, lr  }
0x1b: {  	s9 =	sadd.s32 $0xFFFFFEF7, lr;
	s5 =	simm.s32 $0xFFFFFFFF;
	p2 =	slt.u32 s8, $0xFFFFF086  }
0x1c: {  	p1 =	slt.u32 s9, $0xF7A;
	s5 =	simm.s32 @!p2 $0x0  }
0x1d: {  	s5 =	simm.s32 @p1 $0x1;
	p0 =	seq.s32 s7, s2  }
0x1e: {  	s7 =	smul.u32 @!p0 $0xF7A, s2;
	p2 =	seq.s32 @!p0 s5, $0x0  }
0x1f: {  	s9 =	smul.u32 $0xF7A, s1;
	s8 =	simm.s32 @!p0 $0x1BF5;
	p2 =	por !p2, p0  }
0x20: {  	[sflag:s8] =	ssyncset.s32 @!p0 $0xFFFFF086;
	s6 =	sadd.s32 @!p0 s3, s7;
	s7 =	simm.s32 @!p0 $0x108  }
0x21: {  	s3 =	sadd.s32 s3, s9;
	s6 =	sadd.s32 @!p0 $0x88, s6;
	s7 =	simm.s32 @p2 $0x1082  }
0x22: {  	[simem:s7], [sflag:s8] =	dma.local @!p0 [hbm:s6], $0xF7A  }
0x23: {  	s9 =	sor.u32 $0xD0000000, s2;
	s6 =	simm.s32 $0x108;
	_ =	swait.ge @!p0 [sflag:s8], $0x0  }
0x24: {  	s3 =	sadd.s32 $0x88, s3;
	s6 =	simm.s32 @!p1 $0x1082;
	[sflag:s4] =	ssyncset.s32 $0xFFFFF086  }
0x25: {  	[simem:s6], [sflag:s4] =	dma.local [hbm:s3], $0xF7A  }
0x26: {  	[smem:$0x3F5D] =	sst s1;
	(tag) =	ssettag s2;
	_ =	strace s9  }
0x27: {  	s1 =	sld [smem:$0x3F6D]  }
0x28: {  	s2 =	sld [smem:$0x3F6E]  }
0x29: {  	s4 =	sld [smem:$0x3F70]  }
0x2a: {  	p0 =	seq.s32 s5, $0x0;
	s5 =	sld [smem:$0x3F71]  }
0x2b: {  	s6 =	sld [smem:$0x3F72]  }
0x2c: {  	s7 =	sld [smem:$0x3F73]  }
0x2d: {  	s3 =	simm.s32 $0x108;
	s8 =	sld [smem:$0x3F74]  }
0x2e: {  	s3 =	simm.s32 @!p0 $0x1082;
	s9 =	sld [smem:$0x3F75]  }
0x2f: {  	lr =	sadd.s32 s0, s3;
	s0 =	sld [smem:$0x3F6C]  }
0x30: {  	s3 =	sld [smem:$0x3F6F]  }
0x31: {  	[smem:$0x3F78] =	sst s10  }
0x32: {  	s10 =	sld [smem:$0x3F76];
	_ =	sdelay $0x3  }
0x33: {  	p0 =	seq.s32 s10, $0x1;
	s10 =	sld [smem:$0x3F78];
	_ =	sdelay $0x3  }
0x34: {  	[smem:$0x3F78] =	sst s10  }
0x35: {  	s10 =	sld [smem:$0x3F77];
	_ =	sdelay $0x3  }
0x36: {  	p1 =	seq.s32 s10, $0x1;
	s10 =	sld [smem:$0x3F78];
	_ =	sdelay $0x3  }
0x37: {  	[smem:$0x3F78] =	sst s10  }
0x38: {  	s10 =	sld [smem:$0x3F79]  }
0x39: {  	_ = 	snop;
	(pc) =	sbr.ind lr, $3  }
0x3a: {  	_ = 	snop  }
0x3b: {  	_ = 	snop  }
0x3c: {  	p2 =	seq.s32 s10, $0x1;
	s10 =	sld [smem:$0x3F78]  }
0x3d: {  	_ =	shalt  }
0x3e: {  	_ =	shalt  }
0x3f: {  	_ =	shalt  }
0x40: {  	_ =	shalt  }
0x41: {  	_ =	shalt  }
0x42: {  	_ =	shalt  }
0x43: {  	_ =	shalt  }
0x44: {  	_ =	shalt  }
0x45: {  	_ =	shalt  }
0x46: {  	_ =	shalt  }
0x47: {  	_ =	shalt  }
0x48: {  	_ =	shalt  }
0x49: {  	_ =	shalt  }
0x4a: {  	_ =	shalt  }
0x4b: {  	_ =	shalt  }
0x4c: {  	_ =	shalt  }
0x4d: {  	_ =	shalt  }
0x4e: {  	_ =	shalt  }
0x4f: {  	_ =	shalt  }
0x50: {  	_ =	shalt  }
0x51: {  	_ =	shalt  }
0x52: {  	_ =	shalt  }
0x53: {  	_ =	shalt  }
0x54: {  	_ =	shalt  }
0x55: {  	_ =	shalt  }
0x56: {  	_ =	shalt  }
0x57: {  	_ =	shalt  }
0x58: {  	_ =	shalt  }
0x59: {  	_ =	shalt  }
0x5a: {  	_ =	shalt  }
0x5b: {  	_ =	shalt  }
0x5c: {  	_ =	shalt  }
0x5d: {  	_ =	shalt  }
0x5e: {  	_ =	shalt  }
0x5f: {  	_ =	shalt  }
0x60: {  	_ =	shalt  }
0x61: {  	_ =	shalt  }
0x62: {  	_ =	shalt  }
0x63: {  	_ =	shalt  }
0x64: {  	_ =	shalt  }
0x65: {  	_ =	shalt  }
0x66: {  	_ =	shalt  }
0x67: {  	_ =	shalt  }
0x68: {  	_ =	shalt  }
0x69: {  	_ =	shalt  }
0x6a: {  	_ =	shalt  }
0x6b: {  	_ =	shalt  }
0x6c: {  	_ =	shalt  }
0x6d: {  	_ =	shalt  }
0x6e: {  	_ =	shalt  }
0x6f: {  	_ =	shalt  }
0x70: {  	_ =	shalt  }
0x71: {  	_ =	shalt  }
0x72: {  	_ =	shalt  }
0x73: {  	_ =	shalt  }
0x74: {  	_ =	shalt  }
0x75: {  	_ =	shalt  }
0x76: {  	_ =	shalt  }
0x77: {  	_ =	shalt  }
0x78: {  	_ =	shalt  }
0x79: {  	_ =	shalt  }
0x7a: {  	_ =	shalt  }
0x7b: {  	_ =	shalt  }
0x7c: {  	_ =	shalt  }
0x7d: {  	_ =	shalt  }
0x7e: {  	_ =	shalt  }
0x7f: {  	_ =	shalt  }
0x80: {  	_ =	shalt  }
0x81: {  	_ =	shalt  }
0x82: {  	_ =	shalt  }
0x83: {  	_ =	shalt  }
0x84: {  	_ =	shalt  }
0x85: {  	_ =	shalt  }
0x86: {  	_ =	shalt  }
0x87: {  	_ =	shalt  }
.Lfunc_end0:
.L_simem_size_0:
called_computation.4_lowered:
.L_overlay_start_0:
0x88: {  	s2 =	sld [smem:$0x3FD9]  }
0x89: {  	s3 =	sld [smem:$0x3FFE];
	_ =	sdelay $0x1  }
0x8a: {  	s1 =	srdreg.scid  }
0x8b: {  	s0 =	sand.u32 $0x1, s1  }
0x8c: {  	s16 =	sshll.u32 s0, $0xA;
	s2 =	sadd.s32 s3, s2  }
0x8d: {  	s2 =	sadd.s32 s2, s16  }
0x8e: {  	[smem:$0x3F84] =	sst s2  }
0x8f: {  	_ = 	snop  }
0x90: {  	(tm) =	ssettm $0x1  }
0x91: {  	s17 =	sld [smem:$0x3FFB];
	_ =	sdelay $0x3  }
0x92: {  	_ =	strace s17  }
0x93: {  	s2 =	sld [smem:$0x3FFC];
	_ =	sdelay $0x3  }
0x94: {  	_ =	strace s2  }
0x95: {  	s2 =	sld [smem:$0x3FFD];
	_ =	sdelay $0x3  }
0x96: {  	_ =	strace s2  }
0x97: {  	_ =	strace $0x8FFFFFFF  }
0x98: {  	s18 =	sld [smem:$0x3FDB];
	_ =	sdelay $0x1  }
0x99: {  	s19 =	simm.s32 $_scs_section_size  }
0x9a: {  	s4 =	simm.s32 $_size__tile_overlayer_lowered;
	s5 =	simm.s32 $_tile_overlayer_lowered  }
0x9b: {  	s22 =	simm.s32 $0x1BFF;
	s21 =	sshll.u32 s5, $0x1;
	s2 =	sadd.s32 s19, s18  }
0x9c: {  	s6 =	simm.s32 $0x0;
	s20 =	sshll.u32 s4, $0x1;
	s4 =	sadd.s32 s21, s2  }
0x9d: {  	[timem:s6], [sflag:s22] =	dma.local [hbm:s4], s20  }
0x9e: {  	_ =	swait.ge [sflag:s22], s20  }
0x9f: {  	s3 =	ssub.s32 $0x0, s20;
	[sflag:s22] =	ssyncset.done $0x0  }
0xa0: {  	[sflag:s22] =	ssyncadd.s32 s3;
	_ =	sdelay $0x1  }
0xa1: {  	s23 =	simm.s32 $0x1B8B  }
0xa2: {  	_ =	swait.ge [sflag:s23], $0x1  }
0xa3: {  	[sflag:s23] =	ssyncset.done $0x0  }
0xa4: {  	s25 =	simm.s32 $0x1B8E;
	s24 =	sld [smem:$0x3FFE];
	[sflag:s23] =	ssyncadd.s32 $0xFFFFFFFF  }
0xa5: {  	s26 =	simm.s32 $execute0_lowered;
	[smem:$0x3FD2] =	sst s25  }
0xa6: {  	s4 =	sshll.u32 s26, $0x1;
	_ =	strace $0x80000052;
	[dreg:$0x1] =	wrdreg $0xFFFFFFFF  }
0xa7: {  	s28 =	simm.s32 $_size_execute0_lowered;
	s2 =	sadd.s32 s2, s4;
	[dreg:$0x0] =	wrdreg $0x0  }
0xa8: {  	s4 =	sshll.u32 s28, $0x1;
	[dreg:$0x2] =	wrdreg s2  }
0xa9: {  	[dreg:$0x3] =	wrdreg s4  }
0xaa: {  	[dreg:$0x4] =	wrdreg $0xC0  }
0xab: {  	_ =	task [dreg:s6], $0x5FFFF  }
0xac: {  	[dreg:$0x1] =	wrdreg $0xFFFFFFFF  }
0xad: {  	[dreg:$0x0] =	wrdreg $0x60  }
0xae: {  	[dreg:$0x2] =	wrdreg s24  }
0xaf: {  	[dreg:$0x3] =	wrdreg $0x154000  }
0xb0: {  	[dreg:$0x4] =	wrdreg $0x9  }
0xb1: {  	_ =	task.clear_ibuf [dreg:s6], $0x5FFFF;
	_ =	strace $0x90000052  }
0xb2: {  	s29 =	simm.s32 $0x9;
	_ =	strace $0x80000054  }
0xb3: {  	_ =	swait.ge [sflag:s29], $0x1  }
0xb4: {  	[sflag:s29] =	ssyncadd.s32 $0xFFFFFFFF  }
0xb5: {  	_ =	strace $0x90000054  }
0xb6: {  	_ =	sfence  }
0xb7: {  	s30 =	sld [smem:$0x0];
	_ =	sdelay $0x2  }
0xb8: {  	s31 =	sshll.u32 s1, $0xD;
	s1 =	sshrl.u32 s1, $0x2  }
0xb9: {  	s3 =	sand.u32 $0x4000, s31;
	s1 =	sadd.s32 s1, s30  }
0xba: {  	s0 =	sor.u32 s3, s0;
	s1 =	sshll.u32 s1, $0x11  }
0xbb: {  	s0 =	sor.u32 s1, s0  }
0xbc: {  	s0 =	sadd.s32 $0x8F2B, s0  }
0xbd: {  	[sflag:s0] =	ssyncadd.remote.s32 $0x1  }
0xbe: {  	_ =	sfence.sel $0xFFFF  }
0xbf: {  	[dreg:$0x0] =	wrdreg $0xFFFFFFFF;
	(pc) =	sbr.abs _section_cstart, $3  }
0xc0: {  	[dreg:$0x1] =	wrdreg $0xFFFFFFFF  }
0xc1: {  	_ =	task.clear_ibuf [dreg:s6], $0x2FFFF;
	_ =	strace $0x9FFFFFFF  }
0xc2: {  	(tm) =	ssettm $0x7FFFFFFF  }
0xc3: {  	_ =	shalt  }
tec
execute0_lowered:
.L_overlay_start_1:
0x0: {  	(tag) =	ssettag $0x1  }
0x1: {  	s1 =	srdreg.scid;
	s5 =	rddreg [dreg:$0x0]  }
0x2: {  	s0 =	stileid.u32;
	s2 =	rddreg [dreg:$0x1]  }
0x3: {  	s4 =	sand.u32 $0x1, s1;
	s26 =	sshll.u32 s0, $0x1;
	s8 =	smul.u32 $0x2800, s0  }
0x4: {  	s3 =	simm.s32 $0x0;
	s1 =	sor.u32 s4, s26;
	s9 =	smul.u32 $0x28000, s4  }
0x5: {  	[smem:$0x7FF] =	sst s3;
	s31 =	sshll.u32 s0, $0x6;
	s6 =	smul.u32 $0x2800, s1  }
0x6: {  	s4 =	ssub.s32 $0x2, s4;
	s7 =	smul.u32 $0x280, s1;
	s1 =	rddreg [dreg:$0x2]  }
0x7: {  	_ =	strace $0x80000053;
	s30 =	sshrl.u32 s8, $0x3;
	s11 =	sshrl.u32 s4, $0x1  }
0x8: {  	s13 =	sadd.s32 s8, s2;
	s29 =	sadd.s32 s8, s9;
	s9 =	sadd.s32 s30, s5  }
0x9: {  	s11 =	ssub.s32 s4, s11;
	s10 =	sadd.s32 s6, s5;
	s28 =	sadd.s32 s7, s5  }
0xa: {  	s7 =	sshrl.u32 s29, $0x3;
	s4 =	sadd.s32 $0xAE00, s9;
	s9 =	smax.u32 s11, $0x1  }
0xb: {  	s11 =	simm.s32 $0x1;
	s12 =	sadd.s32 s7, s5;
	s5 =	sor.u32 $0x1C01, s31  }
0xc: {  	s6 =	sadd.s32 $0x2E600, s28;
	s7 =	sadd.s32 $0x83600, s10;
	s10 =	sshrl.u32 s13, $0x3  }
0xd: {  	s13 =	simm.s32 $0x0;
	s8 =	sadd.s32 $0x14E00, s12;
	s12 =	simm.s32 $0x80  }
.LBB2_1:
0xe: {  	[spmem:s10], [sflag:s5] =	dma.local [hbm:s4], $0x500  }
0xf: {  	_ =	swait.ge [sflag:s11], $0x500  }
0x10: {  	[sflag:s11] =	ssyncset.done $0x0  }
0x11: {  	[sflag:s11] =	ssyncadd.s32 $0xFFFFFB00  }
0x12: {  	[tilespmem:s3], [sflag:$0x1] =	stream.linear.gather [hbm4b:s6+s3], $0x1400, $0x38;
	[tilespmem:$0x17C00] =	vst v63  }
0x13: {  	_ =	swait.ge [sflag:s11], $0x1400  }
0x14: {  	[sflag:s11] =	ssyncset.done $0x0  }
0x15: {  	s14 =	simm.s32 $0x1400;
	[sflag:s11] =	ssyncadd.s32 $0xFFFFEC00  }
0x16: {  	[tilespmem:s14], [sflag:$0x1] =	stream.linear.gather [hbm4b:s7+s3], $0x14000, $0x38;
	[tilespmem:$0x17C00] =	vst v63  }
0x17: {  	_ =	swait.ge [sflag:s11], $0x14000  }
0x18: {  	[sflag:s11] =	ssyncset.done $0x0  }
0x19: {  	[sflag:s11] =	ssyncadd.s32 $0xFFFEC000  }
0x1a: {  	s15 =	simm.s32 $0x0;
	[bflag:$0x0] =	sbarrier.arrive $0xFFFF  }
0x1b: {  	[spmem:s2] =	stream.indirect.scatter.add.f32 [tilespmem:s14], [sflag:$0x1], $0x10, s15, s12, $0xb8;
	[tilespmem:$0x17C00] =	vst v63  }
0x1c: {  	_ =	swait.ge [sflag:s11], $0x800  }
0x1d: {  	s15 =	simm.s32 $0x200;
	[sflag:s11] =	ssyncset.done $0x0  }
.LBB2_2:
0x1e: {  	s16 =	sshra.s32 s15, $0x2  }
0x1f: {  	[sflag:s11] =	ssyncadd.s32 $0xFFFFF800;
	s14 =	sadd.s32 $0x800, s14;
	p0 =	sne.s32 s15, $0x4E00  }
0x20: {  	[spmem:s2] =	stream.indirect.scatter.add.f32 [tilespmem:s14], [sflag:$0x1], $0x10, s16, s12, $0xb8;
	[tilespmem:$0x17C00] =	vst v63  }
.Ltmp0:
0x21: {  	_ = 	snop;
	(pc) =	sbr.rel @p0 .LBB2_2-.Ltmp0, $4  }
0x22: {  	_ = 	snop  }
0x23: {  	s15 =	sadd.s32 $0x200, s15  }
0x24: {  	_ =	swait.ge [sflag:s11], $0x800  }
0x25: {  	[sflag:s11] =	ssyncset.done $0x0  }
0x26: {  	s13 =	sadd.s32 $0x1, s13  }
0x27: {  	[sflag:s11] =	ssyncadd.s32 $0xFFFFF800;
	p0 =	sne.s32 s13, s9  }
.Ltmp1:
0x28: {  	[bflag:$0x0] =	sbarrier.arrive $0xFFFF;
	(pc) =	sbr.rel @p0 .LBB2_1-.Ltmp1, $4  }
0x29: {  	[hbm:s8], [sflag:s5] =	dma.local [spmem:s10], $0x500  }
0x2a: {  	_ =	swait.ge [sflag:s11], $0x500  }
0x2b: {  	[sflag:s11] =	ssyncset.done $0x0  }
0x2c: {  	[sflag:s11] =	ssyncadd.s32 $0xFFFFFB00  }
0x2d: {  	_ =	sfence.sel $0x180000  }
0x2e: {  	[bflag:$0x0] =	sbarrier.arrive $0xFFFF  }
0x2f: {  	p0 =	sne.s32 s0, $0x0;
	_ =	strace $0x90000053  }
0x30: {  	s0 =	sadd.s32 @!p0 $0x100000, s1;
	[bflag:$0x2] =	sbarrier.arrive $0xFFFF  }
0x31: {  	[sflag:s0] =	ssyncadd.tile.s32 @!p0 $0x1;
	_ =	shalt  }
.Lfunc_end2:
_tile_overlayer_lowered:
.L_overlay_start_2:
0x32: {  	(tag) =	ssettag $0x2  }
0x33: {  	s0 =	rddreg [dreg:$0x0];
	s2 =	stileid.u32  }
0x34: {  	s1 =	rddreg [dreg:$0x1];
	p0 =	sne.s32 s2, $0x0  }
0x35: {  	s3 =	rddreg [dreg:$0x2];
	[bflag:$0x3] =	sbarrier.arrive $0xFFFF;
	s2 =	simm.s32 @!p0 $0x1C01  }
0x36: {  	[timem:s3], [sflag:s2] =	dma.local @!p0 [hbm:s0], s1  }
0x37: {  	s0 =	simm.s32 @!p0 $0x1  }
0x38: {  	_ =	swait.ge @!p0 [sflag:s0], s1  }
0x39: {  	s1 =	ssub.s32 @!p0 $0x0, s1;
	[sflag:s0] =	ssyncset.done @!p0 $0x0  }
0x3a: {  	[sflag:s0] =	ssyncadd.s32 @!p0 s1  }
0x3b: {  	[bflag:$0x3] =	sbarrier.arrive $0xFFFF  }
0x3c: {  	_ =	shalt  }

// kernel: kernel.32.cloned.1.call-start
scs
__scs_entry_jumppad:
0x0: {  	(pc) =	sbr.rel $0x88, $3  }
0x1: {  	(tag) =	ssettag $0x0;
	lr =	simm.s32 $0x1  }
0x2: {  	[smem:$0x3F5D] =	sst lr;
	_ =	strace $0xD0000000  }
0x3: {  	_ = 	snop  }
0x4: {  	_ = 	snop  }
0x5: {  	_ = 	snop  }
0x6: {  	_ = 	snop  }
0x7: {  	_ = 	snop  }
__scs_overlays_trampoline_lowered:
0x8: {  	[smem:$0x3F6C] =	sst s0  }
0x9: {  	[smem:$0x3F6D] =	sst s1  }
0xa: {  	[smem:$0x3F6E] =	sst s2  }
0xb: {  	[smem:$0x3F6F] =	sst s3  }
0xc: {  	[smem:$0x3F70] =	sst s4  }
0xd: {  	[smem:$0x3F71] =	sst s5  }
0xe: {  	[smem:$0x3F72] =	sst s6  }
0xf: {  	[smem:$0x3F73] =	sst s7  }
0x10: {  	[smem:$0x3F74] =	sst s8  }
0x11: {  	[smem:$0x3F75] =	sst s9;
	s0 =	simm.s32 @!p0 $0x0  }
0x12: {  	s1 =	sld [smem:$0x3F5B];
	s0 =	simm.s32 @p0 $0x1  }
0x13: {  	[smem:$0x3F76] =	sst s0;
	s0 =	simm.s32 @!p1 $0x0  }
0x14: {  	s2 =	sld [smem:$0x3F5A];
	s0 =	simm.s32 @p1 $0x1  }
0x15: {  	[smem:$0x3F77] =	sst s0;
	s0 =	simm.s32 @!p2 $0x0  }
0x16: {  	s3 =	sld [smem:$0x3FDB];
	s0 =	simm.s32 @p2 $0x1  }
0x17: {  	s4 =	simm.s32 $0x1BF5;
	[smem:$0x3F79] =	sst s0  }
0x18: {  	s0 =	sld [smem:$0x3F5C];
	_ =	swait.ge [sflag:s4], $0x0  }
0x19: {  	s7 =	sld [smem:$0x3F5D]  }
0x1a: {  	s8 =	sadd.s32 $0xFFFFE003, lr  }
0x1b: {  	s9 =	sadd.s32 $0xFFFFFEF7, lr;
	s5 =	simm.s32 $0xFFFFFFFF;
	p2 =	slt.u32 s8, $0xFFFFF086  }
0x1c: {  	p1 =	slt.u32 s9, $0xF7A;
	s5 =	simm.s32 @!p2 $0x0  }
0x1d: {  	s5 =	simm.s32 @p1 $0x1;
	p0 =	seq.s32 s7, s2  }
0x1e: {  	s7 =	smul.u32 @!p0 $0xF7A, s2;
	p2 =	seq.s32 @!p0 s5, $0x0  }
0x1f: {  	s9 =	smul.u32 $0xF7A, s1;
	s8 =	simm.s32 @!p0 $0x1BF5;
	p2 =	por !p2, p0  }
0x20: {  	[sflag:s8] =	ssyncset.s32 @!p0 $0xFFFFF086;
	s6 =	sadd.s32 @!p0 s3, s7;
	s7 =	simm.s32 @!p0 $0x108  }
0x21: {  	s3 =	sadd.s32 s3, s9;
	s6 =	sadd.s32 @!p0 $0x88, s6;
	s7 =	simm.s32 @p2 $0x1082  }
0x22: {  	[simem:s7], [sflag:s8] =	dma.local @!p0 [hbm:s6], $0xF7A  }
0x23: {  	s9 =	sor.u32 $0xD0000000, s2;
	s6 =	simm.s32 $0x108;
	_ =	swait.ge @!p0 [sflag:s8], $0x0  }
0x24: {  	s3 =	sadd.s32 $0x88, s3;
	s6 =	simm.s32 @!p1 $0x1082;
	[sflag:s4] =	ssyncset.s32 $0xFFFFF086  }
0x25: {  	[simem:s6], [sflag:s4] =	dma.local [hbm:s3], $0xF7A  }
0x26: {  	[smem:$0x3F5D] =	sst s1;
	(tag) =	ssettag s2;
	_ =	strace s9  }
0x27: {  	s1 =	sld [smem:$0x3F6D]  }
0x28: {  	s2 =	sld [smem:$0x3F6E]  }
0x29: {  	s4 =	sld [smem:$0x3F70]  }
0x2a: {  	p0 =	seq.s32 s5, $0x0;
	s5 =	sld [smem:$0x3F71]  }
0x2b: {  	s6 =	sld [smem:$0x3F72]  }
0x2c: {  	s7 =	sld [smem:$0x3F73]  }
0x2d: {  	s3 =	simm.s32 $0x108;
	s8 =	sld [smem:$0x3F74]  }
0x2e: {  	s3 =	simm.s32 @!p0 $0x1082;
	s9 =	sld [smem:$0x3F75]  }
0x2f: {  	lr =	sadd.s32 s0, s3;
	s0 =	sld [smem:$0x3F6C]  }
0x30: {  	s3 =	sld [smem:$0x3F6F]  }
0x31: {  	[smem:$0x3F78] =	sst s10  }
0x32: {  	s10 =	sld [smem:$0x3F76];
	_ =	sdelay $0x3  }
0x33: {  	p0 =	seq.s32 s10, $0x1;
	s10 =	sld [smem:$0x3F78];
	_ =	sdelay $0x3  }
0x34: {  	[smem:$0x3F78] =	sst s10  }
0x35: {  	s10 =	sld [smem:$0x3F77];
	_ =	sdelay $0x3  }
0x36: {  	p1 =	seq.s32 s10, $0x1;
	s10 =	sld [smem:$0x3F78];
	_ =	sdelay $0x3  }
0x37: {  	[smem:$0x3F78] =	sst s10  }
0x38: {  	s10 =	sld [smem:$0x3F79]  }
0x39: {  	_ = 	snop;
	(pc) =	sbr.ind lr, $3  }
0x3a: {  	_ = 	snop  }
0x3b: {  	_ = 	snop  }
0x3c: {  	p2 =	seq.s32 s10, $0x1;
	s10 =	sld [smem:$0x3F78]  }
0x3d: {  	_ =	shalt  }
0x3e: {  	_ =	shalt  }
0x3f: {  	_ =	shalt  }
0x40: {  	_ =	shalt  }
0x41: {  	_ =	shalt  }
0x42: {  	_ =	shalt  }
0x43: {  	_ =	shalt  }
0x44: {  	_ =	shalt  }
0x45: {  	_ =	shalt  }
0x46: {  	_ =	shalt  }
0x47: {  	_ =	shalt  }
0x48: {  	_ =	shalt  }
0x49: {  	_ =	shalt  }
0x4a: {  	_ =	shalt  }
0x4b: {  	_ =	shalt  }
0x4c: {  	_ =	shalt  }
0x4d: {  	_ =	shalt  }
0x4e: {  	_ =	shalt  }
0x4f: {  	_ =	shalt  }
0x50: {  	_ =	shalt  }
0x51: {  	_ =	shalt  }
0x52: {  	_ =	shalt  }
0x53: {  	_ =	shalt  }
0x54: {  	_ =	shalt  }
0x55: {  	_ =	shalt  }
0x56: {  	_ =	shalt  }
0x57: {  	_ =	shalt  }
0x58: {  	_ =	shalt  }
0x59: {  	_ =	shalt  }
0x5a: {  	_ =	shalt  }
0x5b: {  	_ =	shalt  }
0x5c: {  	_ =	shalt  }
0x5d: {  	_ =	shalt  }
0x5e: {  	_ =	shalt  }
0x5f: {  	_ =	shalt  }
0x60: {  	_ =	shalt  }
0x61: {  	_ =	shalt  }
0x62: {  	_ =	shalt  }
0x63: {  	_ =	shalt  }
0x64: {  	_ =	shalt  }
0x65: {  	_ =	shalt  }
0x66: {  	_ =	shalt  }
0x67: {  	_ =	shalt  }
0x68: {  	_ =	shalt  }
0x69: {  	_ =	shalt  }
0x6a: {  	_ =	shalt  }
0x6b: {  	_ =	shalt  }
0x6c: {  	_ =	shalt  }
0x6d: {  	_ =	shalt  }
0x6e: {  	_ =	shalt  }
0x6f: {  	_ =	shalt  }
0x70: {  	_ =	shalt  }
0x71: {  	_ =	shalt  }
0x72: {  	_ =	shalt  }
0x73: {  	_ =	shalt  }
0x74: {  	_ =	shalt  }
0x75: {  	_ =	shalt  }
0x76: {  	_ =	shalt  }
0x77: {  	_ =	shalt  }
0x78: {  	_ =	shalt  }
0x79: {  	_ =	shalt  }
0x7a: {  	_ =	shalt  }
0x7b: {  	_ =	shalt  }
0x7c: {  	_ =	shalt  }
0x7d: {  	_ =	shalt  }
0x7e: {  	_ =	shalt  }
0x7f: {  	_ =	shalt  }
0x80: {  	_ =	shalt  }
0x81: {  	_ =	shalt  }
0x82: {  	_ =	shalt  }
0x83: {  	_ =	shalt  }
0x84: {  	_ =	shalt  }
0x85: {  	_ =	shalt  }
0x86: {  	_ =	shalt  }
0x87: {  	_ =	shalt  }
.Lfunc_end0:
.L_simem_size_0:
called_computation.5_lowered:
.L_overlay_start_0:
0x88: {  	s2 =	sld [smem:$0x3FD9]  }
0x89: {  	s3 =	sld [smem:$0x3FFE];
	_ =	sdelay $0x1  }
0x8a: {  	s1 =	srdreg.scid  }
0x8b: {  	s0 =	sand.u32 $0x1, s1  }
0x8c: {  	s14 =	sshll.u32 s0, $0xA;
	s2 =	sadd.s32 s3, s2  }
0x8d: {  	s2 =	sadd.s32 s2, s14  }
0x8e: {  	[smem:$0x3F84] =	sst s2  }
0x8f: {  	_ = 	snop  }
0x90: {  	s2 =	sld [smem:$0x3FD0];
	_ =	sdelay $0x2  }
0x91: {  	s15 =	simm.s32 $0xA;
	s4 =	simm.s32 $0x10  }
0x92: {  	[smem:s4], [sflag:s15] =	dma.local [hbm:s2], $0x1  }
0x93: {  	_ =	swait.eq [sflag:s15], $0x1  }
0x94: {  	[sflag:s15] =	ssyncset.done $0x0  }
0x95: {  	[sflag:s15] =	ssyncadd.s32 $0xFFFFFFFF  }
0x96: {  	s16 =	sld [smem:$0x10];
	(tm) =	ssettm $0x1  }
0x97: {  	s17 =	sld [smem:$0x3FFB];
	_ =	sdelay $0x3  }
0x98: {  	_ =	strace s17  }
0x99: {  	s3 =	sld [smem:$0x3FFC];
	_ =	sdelay $0x3  }
0x9a: {  	_ =	strace s3  }
0x9b: {  	s3 =	sld [smem:$0x3FFD];
	_ =	sdelay $0x3  }
0x9c: {  	_ =	strace s3  }
0x9d: {  	_ =	strace $0x8FFFFFFF  }
0x9e: {  	s18 =	sld [smem:$0x3FDB];
	_ =	sdelay $0x1  }
0x9f: {  	s19 =	simm.s32 $_scs_section_size  }
0xa0: {  	s5 =	simm.s32 $_size__tile_overlayer_lowered;
	s6 =	simm.s32 $_tile_overlayer_lowered  }
0xa1: {  	s22 =	simm.s32 $0x1BFF;
	s21 =	sshll.u32 s6, $0x1;
	s3 =	sadd.s32 s19, s18  }
0xa2: {  	s7 =	simm.s32 $0x0;
	s20 =	sshll.u32 s5, $0x1;
	s5 =	sadd.s32 s21, s3  }
0xa3: {  	[timem:s7], [sflag:s22] =	dma.local [hbm:s5], s20  }
0xa4: {  	_ =	swait.ge [sflag:s22], s20  }
0xa5: {  	s4 =	ssub.s32 $0x0, s20;
	[sflag:s22] =	ssyncset.done $0x0  }
0xa6: {  	[sflag:s22] =	ssyncadd.s32 s4;
	_ =	sdelay $0x1  }
0xa7: {  	s23 =	simm.s32 $0x1B8B  }
0xa8: {  	_ =	swait.ge [sflag:s23], $0x1  }
0xa9: {  	[sflag:s23] =	ssyncset.done $0x0  }
0xaa: {  	s25 =	simm.s32 $0x1B8E;
	s24 =	sld [smem:$0x3FFE];
	[sflag:s23] =	ssyncadd.s32 $0xFFFFFFFF  }
0xab: {  	s26 =	simm.s32 $execute0_lowered;
	[smem:$0x3FD2] =	sst s25  }
0xac: {  	s5 =	sshll.u32 s26, $0x1;
	_ =	strace $0x80000055;
	[dreg:$0x1] =	wrdreg $0xFFFFFFFF  }
0xad: {  	s28 =	simm.s32 $_size_execute0_lowered;
	s3 =	sadd.s32 s3, s5;
	[dreg:$0x0] =	wrdreg $0x0  }
0xae: {  	s5 =	sshll.u32 s28, $0x1;
	[dreg:$0x2] =	wrdreg s3  }
0xaf: {  	[dreg:$0x3] =	wrdreg s5  }
0xb0: {  	[dreg:$0x4] =	wrdreg $0xC0  }
0xb1: {  	_ =	task [dreg:s7], $0x5FFFF  }
0xb2: {  	[dreg:$0x1] =	wrdreg $0xFFFFFFFF  }
0xb3: {  	[dreg:$0x0] =	wrdreg $0x60  }
0xb4: {  	[dreg:$0x2] =	wrdreg s16  }
0xb5: {  	[dreg:$0x3] =	wrdreg s24  }
0xb6: {  	[dreg:$0x4] =	wrdreg $0x9  }
0xb7: {  	_ =	task.clear_ibuf [dreg:s7], $0x5FFFF;
	_ =	strace $0x90000055  }
0xb8: {  	s29 =	simm.s32 $0x9;
	_ =	strace $0x80000057  }
0xb9: {  	_ =	swait.ge [sflag:s29], $0x1  }
0xba: {  	[sflag:s29] =	ssyncadd.s32 $0xFFFFFFFF  }
0xbb: {  	_ =	strace $0x90000057  }
0xbc: {  	_ =	sfence  }
0xbd: {  	s30 =	sld [smem:$0x0];
	_ =	sdelay $0x2  }
0xbe: {  	s31 =	sshll.u32 s1, $0xD;
	s1 =	sshrl.u32 s1, $0x2  }
0xbf: {  	s3 =	sand.u32 $0x4000, s31;
	s1 =	sadd.s32 s1, s30  }
0xc0: {  	s0 =	sor.u32 s3, s0;
	s1 =	sshll.u32 s1, $0x11  }
0xc1: {  	s0 =	sor.u32 s1, s0  }
0xc2: {  	s0 =	sadd.s32 $0x8F2B, s0  }
0xc3: {  	[sflag:s0] =	ssyncadd.remote.s32 $0x1  }
0xc4: {  	_ =	sfence.sel $0xFFFF  }
0xc5: {  	[dreg:$0x0] =	wrdreg $0xFFFFFFFF;
	(pc) =	sbr.abs _section_cstart, $3  }
0xc6: {  	[dreg:$0x1] =	wrdreg $0xFFFFFFFF  }
0xc7: {  	_ =	task.clear_ibuf [dreg:s7], $0x2FFFF;
	_ =	strace $0x9FFFFFFF  }
0xc8: {  	(tm) =	ssettm $0x7FFFFFFF  }
0xc9: {  	_ =	shalt  }
tec
execute0_lowered:
.L_overlay_start_1:
0x0: {  	(tag) =	ssettag $0x1  }
0x1: {  	s2 =	rddreg [dreg:$0x0];
	s1 =	srdreg.scid  }
0x2: {  	s0 =	stileid.u32;
	s5 =	rddreg [dreg:$0x1];
	s3 =	simm.s32 $0x0  }
0x3: {  	s11 =	simm.s32 $0x1400;
	s12 =	simm.s32 $0x80;
	s13 =	simm.s32 $0x1  }
0x4: {  	s14 =	simm.s32 $0x2;
	s4 =	sand.u32 $0x1, s1;
	s6 =	sshll.u32 s0, $0x1  }
0x5: {  	s15 =	simm.s32 $0x2800;
	s16 =	simm.s32 $0xC800;
	s6 =	sor.u32 s4, s6  }
0x6: {  	s17 =	simm.s32 $0x0;
	s1 =	rddreg [dreg:$0x2];
	s7 =	smul.u32 $0x280, s6  }
0x7: {  	[smem:$0x7FF] =	sst s3;
	s8 =	ssub.s32 $0x2, s4;
	s6 =	smul.u32 $0x1400, s6  }
0x8: {  	_ =	strace $0x80000056;
	s4 =	sadd.s32 $0x14E00, s5;
	s9 =	sshrl.u32 s8, $0x1  }
0x9: {  	s9 =	ssub.s32 s8, s9;
	s7 =	sadd.s32 s7, s5;
	s10 =	sadd.s32 s6, s5  }
0xa: {  	s9 =	smax.u32 s9, $0x1;
	s5 =	sadd.s32 $0xFE00, s7;
	s6 =	sadd.s32 $0x29600, s7  }
0xb: {  	s7 =	sadd.s32 $0x33600, s10;
	s8 =	sadd.s32 $0x5B600, s10;
	s10 =	simm.s32 $0x3  }
.LBB2_1:
0xc: {  	[tilespmem:s3], [sflag:$0x3] =	stream.linear.gather [hbm4b:s5+s3], $0x1400, $0x38;
	[tilespmem:$0x16800] =	vst v63  }
0xd: {  	_ =	swait.ge [sflag:s10], $0x1400  }
0xe: {  	[sflag:s10] =	ssyncset.done $0x0  }
0xf: {  	[sflag:s10] =	ssyncadd.s32 $0xFFFFEC00  }
0x10: {  	[tilespmem:s11], [sflag:$0x3] =	stream.linear.gather [hbm4b:s6+s3], $0x1400, $0x38;
	[tilespmem:$0x16800] =	vst v63  }
0x11: {  	_ =	swait.ge [sflag:s10], $0x1400  }
0x12: {  	[sflag:s10] =	ssyncset.done $0x0  }
0x13: {  	s18 =	simm.s32 $0x0;
	s31 =	simm.s32 $0x1400;
	[sflag:s10] =	ssyncadd.s32 $0xFFFFEC00  }
0x14: {  	[tilespmem:s15], [sflag:$0x1] =	stream.indirect.gather [hbm4b:s2+s12], $0x8, s18, s12, $0xb8;
	[tilespmem:$0x16800] =	vst v63  }
0x15: {  	s19 =	simm.s32 $0x2C00;
	s20 =	simm.s32 $0xC800;
	s18 =	simm.s32 $0x200  }
0x16: {  	[tilespmem:s16], [sflag:$0x2] =	stream.indirect.gather [hbm4b:s4+s12], $0x8, s31, s12, $0xb8;
	[tilespmem:$0x16800] =	vst v63  }
.LBB2_2:
0x17: {  	s21 =	sshra.s32 s18, $0x2;
	p0 =	sne.s32 s18, $0x4E00;
	s18 =	sadd.s32 $0x200, s18  }
0x18: {  	[tilespmem:s19], [sflag:$0x1] =	stream.indirect.gather [hbm4b:s2+s12], $0x8, s21, s12, $0xb8;
	[tilespmem:$0x16800] =	vst v63  }
.Ltmp0:
0x19: {  	_ = 	snop;
	(pc) =	sbr.rel @p0 .LBB2_2-.Ltmp0, $4  }
0x1a: {  	s20 =	sadd.s32 $0x400, s20;
	s21 =	sadd.s32 $0x1400, s21  }
0x1b: {  	[tilespmem:s20], [sflag:$0x2] =	stream.indirect.gather [hbm4b:s4+s12], $0x8, s21, s12, $0xb8;
	[tilespmem:$0x16800] =	vst v63  }
0x1c: {  	_ = 	snop  }
0x1d: {  	s19 =	sadd.s32 $0x400, s19  }
0x1e: {  	_ =	swait.ge [sflag:s13], $0x400  }
0x1f: {  	[sflag:s13] =	ssyncset.done $0x0  }
0x20: {  	[sflag:s13] =	ssyncadd.s32 $0xFFFFFC00  }
0x21: {  	_ =	swait.ge [sflag:s14], $0x400  }
0x22: {  	s18 =	simm.s32 $0x27;
	[sflag:s14] =	ssyncset.done $0x0  }
.LBB2_4:
0x23: {  	p0 =	sne.s32 s18, $0x1;
	s18 =	sadd.s32 $0xFFFFFFFF, s18;
	[sflag:s14] =	ssyncadd.s32 $0xFFFFFC00  }
.Ltmp1:
0x24: {  	_ =	swait.ge [sflag:s13], $0x400;
	(pc) =	sbr.rel @p0 .LBB2_4-.Ltmp1, $4  }
0x25: {  	[sflag:s13] =	ssyncset.done $0x0  }
0x26: {  	[sflag:s13] =	ssyncadd.s32 $0xFFFFFC00  }
0x27: {  	_ =	swait.ge [sflag:s14], $0x400  }
0x28: {  	[sflag:s14] =	ssyncset.done $0x0  }
0x29: {  	[sflag:s14] =	ssyncadd.s32 $0xFFFFFC00  }
0x2a: {  	[hbm4b:s7+s3] =	stream.linear.scatter [tilespmem:s15], [sflag:$0x3], $0xA000, $0x38;
	[tilespmem:$0x16800] =	vst v63  }
0x2b: {  	s17 =	sadd.s32 $0x1, s17;
	_ =	swait.ge [sflag:s10], $0xA000  }
0x2c: {  	p0 =	sne.s32 s17, s9;
	[sflag:s10] =	ssyncset.done $0x0  }
.Ltmp2:
0x2d: {  	[sflag:s10] =	ssyncadd.s32 $0xFFFF6000;
	(pc) =	sbr.rel @p0 .LBB2_1-.Ltmp2, $4  }
0x2e: {  	[hbm4b:s8+s3] =	stream.linear.scatter [tilespmem:s16], [sflag:$0x3], $0xA000, $0x38;
	[tilespmem:$0x16800] =	vst v63  }
0x2f: {  	_ =	swait.ge [sflag:s10], $0xA000  }
0x30: {  	[sflag:s10] =	ssyncset.done $0x0  }
0x31: {  	[sflag:s10] =	ssyncadd.s32 $0xFFFF6000  }
0x32: {  	_ =	sfence.sel $0x180000  }
0x33: {  	[bflag:$0x0] =	sbarrier.arrive $0xFFFF  }
0x34: {  	p0 =	sne.s32 s0, $0x0;
	_ =	strace $0x90000056  }
0x35: {  	s0 =	sadd.s32 @!p0 $0x100000, s1;
	[bflag:$0x2] =	sbarrier.arrive $0xFFFF  }
0x36: {  	[sflag:s0] =	ssyncadd.tile.s32 @!p0 $0x1;
	_ =	shalt  }
.Lfunc_end2:
_tile_overlayer_lowered:
.L_overlay_start_2:
0x37: {  	(tag) =	ssettag $0x2  }
0x38: {  	s0 =	rddreg [dreg:$0x0];
	s2 =	stileid.u32  }
0x39: {  	s1 =	rddreg [dreg:$0x1];
	p0 =	sne.s32 s2, $0x0  }
0x3a: {  	s3 =	rddreg [dreg:$0x2];
	[bflag:$0x3] =	sbarrier.arrive $0xFFFF;
	s2 =	simm.s32 @!p0 $0x1C03  }
0x3b: {  	[timem:s3], [sflag:s2] =	dma.local @!p0 [hbm:s0], s1  }
0x3c: {  	s0 =	simm.s32 @!p0 $0x3  }
0x3d: {  	_ =	swait.ge @!p0 [sflag:s0], s1  }
0x3e: {  	s1 =	ssub.s32 @!p0 $0x0, s1;
	[sflag:s0] =	ssyncset.done @!p0 $0x0  }
0x3f: {  	[sflag:s0] =	ssyncadd.s32 @!p0 s1  }
0x40: {  	[bflag:$0x3] =	sbarrier.arrive $0xFFFF  }
0x41: {  	_ =	shalt  }

// kernel: kernel.35.cloned.1.call-start
scs
__scs_entry_jumppad:
0x0: {  	(pc) =	sbr.rel $0x88, $3  }
0x1: {  	(tag) =	ssettag $0x0;
	lr =	simm.s32 $0x1  }
0x2: {  	[smem:$0x3F5D] =	sst lr;
	_ =	strace $0xD0000000  }
0x3: {  	_ = 	snop  }
0x4: {  	_ = 	snop  }
0x5: {  	_ = 	snop  }
0x6: {  	_ = 	snop  }
0x7: {  	_ = 	snop  }
__scs_overlays_trampoline_lowered:
0x8: {  	[smem:$0x3F6C] =	sst s0  }
0x9: {  	[smem:$0x3F6D] =	sst s1  }
0xa: {  	[smem:$0x3F6E] =	sst s2  }
0xb: {  	[smem:$0x3F6F] =	sst s3  }
0xc: {  	[smem:$0x3F70] =	sst s4  }
0xd: {  	[smem:$0x3F71] =	sst s5  }
0xe: {  	[smem:$0x3F72] =	sst s6  }
0xf: {  	[smem:$0x3F73] =	sst s7  }
0x10: {  	[smem:$0x3F74] =	sst s8  }
0x11: {  	[smem:$0x3F75] =	sst s9;
	s0 =	simm.s32 @!p0 $0x0  }
0x12: {  	s1 =	sld [smem:$0x3F5B];
	s0 =	simm.s32 @p0 $0x1  }
0x13: {  	[smem:$0x3F76] =	sst s0;
	s0 =	simm.s32 @!p1 $0x0  }
0x14: {  	s2 =	sld [smem:$0x3F5A];
	s0 =	simm.s32 @p1 $0x1  }
0x15: {  	[smem:$0x3F77] =	sst s0;
	s0 =	simm.s32 @!p2 $0x0  }
0x16: {  	s3 =	sld [smem:$0x3FDB];
	s0 =	simm.s32 @p2 $0x1  }
0x17: {  	s4 =	simm.s32 $0x1BF5;
	[smem:$0x3F79] =	sst s0  }
0x18: {  	s0 =	sld [smem:$0x3F5C];
	_ =	swait.ge [sflag:s4], $0x0  }
0x19: {  	s7 =	sld [smem:$0x3F5D]  }
0x1a: {  	s8 =	sadd.s32 $0xFFFFE003, lr  }
0x1b: {  	s9 =	sadd.s32 $0xFFFFFEF7, lr;
	s5 =	simm.s32 $0xFFFFFFFF;
	p2 =	slt.u32 s8, $0xFFFFF086  }
0x1c: {  	p1 =	slt.u32 s9, $0xF7A;
	s5 =	simm.s32 @!p2 $0x0  }
0x1d: {  	s5 =	simm.s32 @p1 $0x1;
	p0 =	seq.s32 s7, s2  }
0x1e: {  	s7 =	smul.u32 @!p0 $0xF7A, s2;
	p2 =	seq.s32 @!p0 s5, $0x0  }
0x1f: {  	s9 =	smul.u32 $0xF7A, s1;
	s8 =	simm.s32 @!p0 $0x1BF5;
	p2 =	por !p2, p0  }
0x20: {  	[sflag:s8] =	ssyncset.s32 @!p0 $0xFFFFF086;
	s6 =	sadd.s32 @!p0 s3, s7;
	s7 =	simm.s32 @!p0 $0x108  }
0x21: {  	s3 =	sadd.s32 s3, s9;
	s6 =	sadd.s32 @!p0 $0x88, s6;
	s7 =	simm.s32 @p2 $0x1082  }
0x22: {  	[simem:s7], [sflag:s8] =	dma.local @!p0 [hbm:s6], $0xF7A  }
0x23: {  	s9 =	sor.u32 $0xD0000000, s2;
	s6 =	simm.s32 $0x108;
	_ =	swait.ge @!p0 [sflag:s8], $0x0  }
0x24: {  	s3 =	sadd.s32 $0x88, s3;
	s6 =	simm.s32 @!p1 $0x1082;
	[sflag:s4] =	ssyncset.s32 $0xFFFFF086  }
0x25: {  	[simem:s6], [sflag:s4] =	dma.local [hbm:s3], $0xF7A  }
0x26: {  	[smem:$0x3F5D] =	sst s1;
	(tag) =	ssettag s2;
	_ =	strace s9  }
0x27: {  	s1 =	sld [smem:$0x3F6D]  }
0x28: {  	s2 =	sld [smem:$0x3F6E]  }
0x29: {  	s4 =	sld [smem:$0x3F70]  }
0x2a: {  	p0 =	seq.s32 s5, $0x0;
	s5 =	sld [smem:$0x3F71]  }
0x2b: {  	s6 =	sld [smem:$0x3F72]  }
0x2c: {  	s7 =	sld [smem:$0x3F73]  }
0x2d: {  	s3 =	simm.s32 $0x108;
	s8 =	sld [smem:$0x3F74]  }
0x2e: {  	s3 =	simm.s32 @!p0 $0x1082;
	s9 =	sld [smem:$0x3F75]  }
0x2f: {  	lr =	sadd.s32 s0, s3;
	s0 =	sld [smem:$0x3F6C]  }
0x30: {  	s3 =	sld [smem:$0x3F6F]  }
0x31: {  	[smem:$0x3F78] =	sst s10  }
0x32: {  	s10 =	sld [smem:$0x3F76];
	_ =	sdelay $0x3  }
0x33: {  	p0 =	seq.s32 s10, $0x1;
	s10 =	sld [smem:$0x3F78];
	_ =	sdelay $0x3  }
0x34: {  	[smem:$0x3F78] =	sst s10  }
0x35: {  	s10 =	sld [smem:$0x3F77];
	_ =	sdelay $0x3  }
0x36: {  	p1 =	seq.s32 s10, $0x1;
	s10 =	sld [smem:$0x3F78];
	_ =	sdelay $0x3  }
0x37: {  	[smem:$0x3F78] =	sst s10  }
0x38: {  	s10 =	sld [smem:$0x3F79]  }
0x39: {  	_ = 	snop;
	(pc) =	sbr.ind lr, $3  }
0x3a: {  	_ = 	snop  }
0x3b: {  	_ = 	snop  }
0x3c: {  	p2 =	seq.s32 s10, $0x1;
	s10 =	sld [smem:$0x3F78]  }
0x3d: {  	_ =	shalt  }
0x3e: {  	_ =	shalt  }
0x3f: {  	_ =	shalt  }
0x40: {  	_ =	shalt  }
0x41: {  	_ =	shalt  }
0x42: {  	_ =	shalt  }
0x43: {  	_ =	shalt  }
0x44: {  	_ =	shalt  }
0x45: {  	_ =	shalt  }
0x46: {  	_ =	shalt  }
0x47: {  	_ =	shalt  }
0x48: {  	_ =	shalt  }
0x49: {  	_ =	shalt  }
0x4a: {  	_ =	shalt  }
0x4b: {  	_ =	shalt  }
0x4c: {  	_ =	shalt  }
0x4d: {  	_ =	shalt  }
0x4e: {  	_ =	shalt  }
0x4f: {  	_ =	shalt  }
0x50: {  	_ =	shalt  }
0x51: {  	_ =	shalt  }
0x52: {  	_ =	shalt  }
0x53: {  	_ =	shalt  }
0x54: {  	_ =	shalt  }
0x55: {  	_ =	shalt  }
0x56: {  	_ =	shalt  }
0x57: {  	_ =	shalt  }
0x58: {  	_ =	shalt  }
0x59: {  	_ =	shalt  }
0x5a: {  	_ =	shalt  }
0x5b: {  	_ =	shalt  }
0x5c: {  	_ =	shalt  }
0x5d: {  	_ =	shalt  }
0x5e: {  	_ =	shalt  }
0x5f: {  	_ =	shalt  }
0x60: {  	_ =	shalt  }
0x61: {  	_ =	shalt  }
0x62: {  	_ =	shalt  }
0x63: {  	_ =	shalt  }
0x64: {  	_ =	shalt  }
0x65: {  	_ =	shalt  }
0x66: {  	_ =	shalt  }
0x67: {  	_ =	shalt  }
0x68: {  	_ =	shalt  }
0x69: {  	_ =	shalt  }
0x6a: {  	_ =	shalt  }
0x6b: {  	_ =	shalt  }
0x6c: {  	_ =	shalt  }
0x6d: {  	_ =	shalt  }
0x6e: {  	_ =	shalt  }
0x6f: {  	_ =	shalt  }
0x70: {  	_ =	shalt  }
0x71: {  	_ =	shalt  }
0x72: {  	_ =	shalt  }
0x73: {  	_ =	shalt  }
0x74: {  	_ =	shalt  }
0x75: {  	_ =	shalt  }
0x76: {  	_ =	shalt  }
0x77: {  	_ =	shalt  }
0x78: {  	_ =	shalt  }
0x79: {  	_ =	shalt  }
0x7a: {  	_ =	shalt  }
0x7b: {  	_ =	shalt  }
0x7c: {  	_ =	shalt  }
0x7d: {  	_ =	shalt  }
0x7e: {  	_ =	shalt  }
0x7f: {  	_ =	shalt  }
0x80: {  	_ =	shalt  }
0x81: {  	_ =	shalt  }
0x82: {  	_ =	shalt  }
0x83: {  	_ =	shalt  }
0x84: {  	_ =	shalt  }
0x85: {  	_ =	shalt  }
0x86: {  	_ =	shalt  }
0x87: {  	_ =	shalt  }
.Lfunc_end0:
.L_simem_size_0:
called_computation.6_lowered:
.L_overlay_start_0:
0x88: {  	s2 =	sld [smem:$0x3FD9]  }
0x89: {  	s3 =	sld [smem:$0x3FFE];
	_ =	sdelay $0x1  }
0x8a: {  	s1 =	srdreg.scid  }
0x8b: {  	s0 =	sand.u32 $0x1, s1  }
0x8c: {  	s16 =	sshll.u32 s0, $0xA;
	s2 =	sadd.s32 s3, s2  }
0x8d: {  	s2 =	sadd.s32 s2, s16  }
0x8e: {  	[smem:$0x3F84] =	sst s2  }
0x8f: {  	_ = 	snop  }
0x90: {  	(tm) =	ssettm $0x1  }
0x91: {  	s17 =	sld [smem:$0x3FFB];
	_ =	sdelay $0x3  }
0x92: {  	_ =	strace s17  }
0x93: {  	s2 =	sld [smem:$0x3FFC];
	_ =	sdelay $0x3  }
0x94: {  	_ =	strace s2  }
0x95: {  	s2 =	sld [smem:$0x3FFD];
	_ =	sdelay $0x3  }
0x96: {  	_ =	strace s2  }
0x97: {  	_ =	strace $0x8FFFFFFF  }
0x98: {  	s18 =	sld [smem:$0x3FDB];
	_ =	sdelay $0x1  }
0x99: {  	s19 =	simm.s32 $_scs_section_size  }
0x9a: {  	s4 =	simm.s32 $_size__tile_overlayer_lowered;
	s5 =	simm.s32 $_tile_overlayer_lowered  }
0x9b: {  	s22 =	simm.s32 $0x1BFF;
	s21 =	sshll.u32 s5, $0x1;
	s2 =	sadd.s32 s19, s18  }
0x9c: {  	s6 =	simm.s32 $0x0;
	s20 =	sshll.u32 s4, $0x1;
	s4 =	sadd.s32 s21, s2  }
0x9d: {  	[timem:s6], [sflag:s22] =	dma.local [hbm:s4], s20  }
0x9e: {  	_ =	swait.ge [sflag:s22], s20  }
0x9f: {  	s3 =	ssub.s32 $0x0, s20;
	[sflag:s22] =	ssyncset.done $0x0  }
0xa0: {  	[sflag:s22] =	ssyncadd.s32 s3;
	_ =	sdelay $0x1  }
0xa1: {  	s23 =	simm.s32 $0x1B8B  }
0xa2: {  	_ =	swait.ge [sflag:s23], $0x1  }
0xa3: {  	[sflag:s23] =	ssyncset.done $0x0  }
0xa4: {  	s25 =	simm.s32 $0x1B8E;
	s24 =	sld [smem:$0x3FFE];
	[sflag:s23] =	ssyncadd.s32 $0xFFFFFFFF  }
0xa5: {  	s26 =	simm.s32 $execute0_lowered;
	[smem:$0x3FD2] =	sst s25  }
0xa6: {  	s4 =	sshll.u32 s26, $0x1;
	_ =	strace $0x80000058;
	[dreg:$0x1] =	wrdreg $0xFFFFFFFF  }
0xa7: {  	s28 =	simm.s32 $_size_execute0_lowered;
	s2 =	sadd.s32 s2, s4;
	[dreg:$0x0] =	wrdreg $0x0  }
0xa8: {  	s4 =	sshll.u32 s28, $0x1;
	[dreg:$0x2] =	wrdreg s2  }
0xa9: {  	[dreg:$0x3] =	wrdreg s4  }
0xaa: {  	[dreg:$0x4] =	wrdreg $0xC0  }
0xab: {  	_ =	task [dreg:s6], $0x5FFFF  }
0xac: {  	[dreg:$0x1] =	wrdreg $0xFFFFFFFF  }
0xad: {  	[dreg:$0x0] =	wrdreg $0x60  }
0xae: {  	[dreg:$0x2] =	wrdreg s24  }
0xaf: {  	[dreg:$0x3] =	wrdreg $0x154000  }
0xb0: {  	[dreg:$0x4] =	wrdreg $0x9  }
0xb1: {  	_ =	task.clear_ibuf [dreg:s6], $0x5FFFF;
	_ =	strace $0x90000058  }
0xb2: {  	s29 =	simm.s32 $0x9;
	_ =	strace $0x8000005A  }
0xb3: {  	_ =	swait.ge [sflag:s29], $0x1  }
0xb4: {  	[sflag:s29] =	ssyncadd.s32 $0xFFFFFFFF  }
0xb5: {  	_ =	strace $0x9000005A  }
0xb6: {  	_ =	sfence  }
0xb7: {  	s30 =	sld [smem:$0x0];
	_ =	sdelay $0x2  }
0xb8: {  	s31 =	sshll.u32 s1, $0xD;
	s1 =	sshrl.u32 s1, $0x2  }
0xb9: {  	s3 =	sand.u32 $0x4000, s31;
	s1 =	sadd.s32 s1, s30  }
0xba: {  	s0 =	sor.u32 s3, s0;
	s1 =	sshll.u32 s1, $0x11  }
0xbb: {  	s0 =	sor.u32 s1, s0  }
0xbc: {  	s0 =	sadd.s32 $0x8F2B, s0  }
0xbd: {  	[sflag:s0] =	ssyncadd.remote.s32 $0x1  }
0xbe: {  	_ =	sfence.sel $0xFFFF  }
0xbf: {  	[dreg:$0x0] =	wrdreg $0xFFFFFFFF;
	(pc) =	sbr.abs _section_cstart, $3  }
0xc0: {  	[dreg:$0x1] =	wrdreg $0xFFFFFFFF  }
0xc1: {  	_ =	task.clear_ibuf [dreg:s6], $0x2FFFF;
	_ =	strace $0x9FFFFFFF  }
0xc2: {  	(tm) =	ssettm $0x7FFFFFFF  }
0xc3: {  	_ =	shalt  }
tec
execute0_lowered:
.L_overlay_start_1:
0x0: {  	(tag) =	ssettag $0x1  }
0x1: {  	s1 =	srdreg.scid;
	s5 =	rddreg [dreg:$0x0]  }
0x2: {  	s0 =	stileid.u32;
	s2 =	rddreg [dreg:$0x1]  }
0x3: {  	s4 =	sand.u32 $0x1, s1;
	s26 =	sshll.u32 s0, $0x1;
	s8 =	smul.u32 $0x2800, s0  }
0x4: {  	s3 =	simm.s32 $0x0;
	s1 =	sor.u32 s4, s26;
	s9 =	smul.u32 $0x28000, s4  }
0x5: {  	[smem:$0x7FF] =	sst s3;
	s31 =	sshll.u32 s0, $0x6;
	s6 =	smul.u32 $0x2800, s1  }
0x6: {  	s4 =	ssub.s32 $0x2, s4;
	s7 =	smul.u32 $0x280, s1;
	s1 =	rddreg [dreg:$0x2]  }
0x7: {  	_ =	strace $0x80000059;
	s30 =	sshrl.u32 s8, $0x3;
	s11 =	sshrl.u32 s4, $0x1  }
0x8: {  	s13 =	sadd.s32 s8, s2;
	s29 =	sadd.s32 s8, s9;
	s9 =	sadd.s32 s30, s5  }
0x9: {  	s11 =	ssub.s32 s4, s11;
	s10 =	sadd.s32 s6, s5;
	s28 =	sadd.s32 s7, s5  }
0xa: {  	s7 =	sshrl.u32 s29, $0x3;
	s4 =	sadd.s32 $0xAE00, s9;
	s9 =	smax.u32 s11, $0x1  }
0xb: {  	s11 =	simm.s32 $0x1;
	s12 =	sadd.s32 s7, s5;
	s5 =	sor.u32 $0x1C01, s31  }
0xc: {  	s6 =	sadd.s32 $0x2E600, s28;
	s7 =	sadd.s32 $0x33600, s10;
	s10 =	sshrl.u32 s13, $0x3  }
0xd: {  	s13 =	simm.s32 $0x0;
	s8 =	sadd.s32 $0xFE00, s12;
	s12 =	simm.s32 $0x80  }
.LBB2_1:
0xe: {  	[spmem:s10], [sflag:s5] =	dma.local [hbm:s4], $0x500  }
0xf: {  	_ =	swait.ge [sflag:s11], $0x500  }
0x10: {  	[sflag:s11] =	ssyncset.done $0x0  }
0x11: {  	[sflag:s11] =	ssyncadd.s32 $0xFFFFFB00  }
0x12: {  	[tilespmem:s3], [sflag:$0x1] =	stream.linear.gather [hbm4b:s6+s3], $0x1400, $0x38;
	[tilespmem:$0x17C00] =	vst v63  }
0x13: {  	_ =	swait.ge [sflag:s11], $0x1400  }
0x14: {  	[sflag:s11] =	ssyncset.done $0x0  }
0x15: {  	s14 =	simm.s32 $0x1400;
	[sflag:s11] =	ssyncadd.s32 $0xFFFFEC00  }
0x16: {  	[tilespmem:s14], [sflag:$0x1] =	stream.linear.gather [hbm4b:s7+s3], $0x14000, $0x38;
	[tilespmem:$0x17C00] =	vst v63  }
0x17: {  	_ =	swait.ge [sflag:s11], $0x14000  }
0x18: {  	[sflag:s11] =	ssyncset.done $0x0  }
0x19: {  	[sflag:s11] =	ssyncadd.s32 $0xFFFEC000  }
0x1a: {  	s15 =	simm.s32 $0x0;
	[bflag:$0x0] =	sbarrier.arrive $0xFFFF  }
0x1b: {  	[spmem:s2] =	stream.indirect.scatter.add.f32 [tilespmem:s14], [sflag:$0x1], $0x10, s15, s12, $0xb8;
	[tilespmem:$0x17C00] =	vst v63  }
0x1c: {  	_ =	swait.ge [sflag:s11], $0x800  }
0x1d: {  	s15 =	simm.s32 $0x200;
	[sflag:s11] =	ssyncset.done $0x0  }
.LBB2_2:
0x1e: {  	s16 =	sshra.s32 s15, $0x2  }
0x1f: {  	[sflag:s11] =	ssyncadd.s32 $0xFFFFF800;
	s14 =	sadd.s32 $0x800, s14;
	p0 =	sne.s32 s15, $0x4E00  }
0x20: {  	[spmem:s2] =	stream.indirect.scatter.add.f32 [tilespmem:s14], [sflag:$0x1], $0x10, s16, s12, $0xb8;
	[tilespmem:$0x17C00] =	vst v63  }
.Ltmp0:
0x21: {  	_ = 	snop;
	(pc) =	sbr.rel @p0 .LBB2_2-.Ltmp0, $4  }
0x22: {  	_ = 	snop  }
0x23: {  	s15 =	sadd.s32 $0x200, s15  }
0x24: {  	_ =	swait.ge [sflag:s11], $0x800  }
0x25: {  	[sflag:s11] =	ssyncset.done $0x0  }
0x26: {  	s13 =	sadd.s32 $0x1, s13  }
0x27: {  	[sflag:s11] =	ssyncadd.s32 $0xFFFFF800;
	p0 =	sne.s32 s13, s9  }
.Ltmp1:
0x28: {  	[bflag:$0x0] =	sbarrier.arrive $0xFFFF;
	(pc) =	sbr.rel @p0 .LBB2_1-.Ltmp1, $4  }
0x29: {  	[hbm:s8], [sflag:s5] =	dma.local [spmem:s10], $0x500  }
0x2a: {  	_ =	swait.ge [sflag:s11], $0x500  }
0x2b: {  	[sflag:s11] =	ssyncset.done $0x0  }
0x2c: {  	[sflag:s11] =	ssyncadd.s32 $0xFFFFFB00  }
0x2d: {  	_ =	sfence.sel $0x180000  }
0x2e: {  	[bflag:$0x0] =	sbarrier.arrive $0xFFFF  }
0x2f: {  	p0 =	sne.s32 s0, $0x0;
	_ =	strace $0x90000059  }
0x30: {  	s0 =	sadd.s32 @!p0 $0x100000, s1;
	[bflag:$0x2] =	sbarrier.arrive $0xFFFF  }
0x31: {  	[sflag:s0] =	ssyncadd.tile.s32 @!p0 $0x1;
	_ =	shalt  }
.Lfunc_end2:
_tile_overlayer_lowered:
.L_overlay_start_2:
0x32: {  	(tag) =	ssettag $0x2  }
0x33: {  	s0 =	rddreg [dreg:$0x0];
	s2 =	stileid.u32  }
0x34: {  	s1 =	rddreg [dreg:$0x1];
	p0 =	sne.s32 s2, $0x0  }
0x35: {  	s3 =	rddreg [dreg:$0x2];
	[bflag:$0x3] =	sbarrier.arrive $0xFFFF;
	s2 =	simm.s32 @!p0 $0x1C01  }
0x36: {  	[timem:s3], [sflag:s2] =	dma.local @!p0 [hbm:s0], s1  }
0x37: {  	s0 =	simm.s32 @!p0 $0x1  }
0x38: {  	_ =	swait.ge @!p0 [sflag:s0], s1  }
0x39: {  	s1 =	ssub.s32 @!p0 $0x0, s1;
	[sflag:s0] =	ssyncset.done @!p0 $0x0  }
0x3a: {  	[sflag:s0] =	ssyncadd.s32 @!p0 s1  }
0x3b: {  	[bflag:$0x3] =	sbarrier.arrive $0xFFFF  }
0x3c: {  	_ =	shalt  }

</sc_bundles>
